<compile_context>
chip_gen: v7x
topology: tpu7x:2x2x1
jax: 0.10.2.dev20260603
libtpu: 0.0.44.dev20260713+nightly
codegen_flags: <defaults>
</compile_context>

<pallas_src>
import functools

import jax
import jax.numpy as jnp
from jax import lax
from jax.experimental import pallas as pl
from jax.experimental.pallas import tpu as pltpu
from jax.experimental.pallas import tpu_sc as plsc

H = 2048
INTER = 1408
E = 8
R = 256
SH = 2816
S = 2048
T1 = 128
TG = 128
NT = 40
NTP = 48
NPAD = NT * TG
NW = 32
RPW = NPAD // NW
TPW = S // NW
CC = 16


def _mm(a, b):
    return jax.lax.dot_general(a, b, (((1,), (1,)), ((), ())),
                               preferred_element_type=jnp.float32)


def _mmb(a, b):
    return jax.lax.dot_general(a.astype(jnp.bfloat16), b,
                               (((1,), (1,)), ((), ())),
                               preferred_element_type=jnp.float32)


def _silu(x):
    return x * jax.nn.sigmoid(x)


def _b(w):
    return w.astype(jnp.bfloat16)


def _k1a_body(x_ref, gate_w_ref, rg_w_ref, ru_w_ref, wet_ref, rgru_ref):
    i = pl.program_id(0)
    x = x_ref[...]
    logits = _mm(x, gate_w_ref[...])
    m = jnp.max(logits, axis=-1, keepdims=True)
    ex = jnp.exp(logits - m)
    sc = ex / jnp.sum(ex, axis=-1, keepdims=True)
    eidx = jax.lax.broadcasted_iota(jnp.int32, sc.shape, 1)
    m1 = jnp.max(sc, axis=-1, keepdims=True)
    i1 = jnp.min(jnp.where(sc >= m1, eidx, E), axis=-1, keepdims=True)
    sc2 = jnp.where(eidx == i1, -jnp.inf, sc)
    m2 = jnp.max(sc2, axis=-1, keepdims=True)
    i2 = jnp.min(jnp.where(sc2 >= m2, eidx, E), axis=-1, keepdims=True)
    den = m1 + m2 + 1e-20
    w1 = m1 / den
    w2 = m2 / den
    we = jnp.where(eidx == i1, w1, jnp.where(eidx == i2, w2, 0.0))
    wet_ref[:, pl.ds(i * T1, T1)] = we.T
    xb = x.astype(jnp.bfloat16)
    rgru_ref[:, :R] = _mmb(xb, rg_w_ref[...])
    rgru_ref[:, R:] = _mmb(xb, ru_w_ref[...])


def _k1a(x, p):
    full = lambda shape: pl.BlockSpec(shape, lambda i: (0,) * len(shape))
    return pl.pallas_call(
        _k1a_body,
        grid=(S // T1,),
        in_specs=[
            pl.BlockSpec((T1, H), lambda i: (i, 0)),
            full((E, H)), full((R, H)), full((R, H)),
        ],
        out_specs=[
            pl.BlockSpec((E, S), lambda i: (0, 0)),
            pl.BlockSpec((T1, 2 * R), lambda i: (i, 0)),
        ],
        out_shape=[
            jax.ShapeDtypeStruct((E, S), jnp.float32),
            jax.ShapeDtypeStruct((S, 2 * R), jnp.float32),
        ],
    )(x, p['gate_w'], _b(p['Rg']), _b(p['Ru']))


def _k1b_body(x_ref, srg_ref, sgu_ref, sgc_ref, sru_ref, suu_ref, suc_ref,
              srd_ref, sdu_ref, sdc_ref, ysh_ref):
    xb = x_ref[...].astype(jnp.bfloat16)
    sg = _silu(_mmb(_mmb(_mmb(xb, srg_ref[...]), sgu_ref[...]), sgc_ref[...]))
    su = _mmb(_mmb(_mmb(xb, sru_ref[...]), suu_ref[...]), suc_ref[...])
    si = sg * su
    ysh_ref[...] = _mmb(_mmb(_mmb(si, srd_ref[...]), sdu_ref[...]), sdc_ref[...])


def _k1b(x, p):
    full = lambda shape: pl.BlockSpec(shape, lambda i: (0,) * len(shape))
    return pl.pallas_call(
        _k1b_body,
        grid=(S // T1,),
        in_specs=[
            pl.BlockSpec((T1, H), lambda i: (i, 0)),
            full((R, H)), full((R, R)), full((SH, R)),
            full((R, H)), full((R, R)), full((SH, R)),
            full((R, SH)), full((R, R)), full((H, R)),
        ],
        out_specs=pl.BlockSpec((T1, H), lambda i: (i, 0)),
        out_shape=jax.ShapeDtypeStruct((S, H), jnp.float32),
    )(x, _b(p['s_Rg']), _b(p['s_gU']), _b(p['s_gC']), _b(p['s_Ru']),
      _b(p['s_uU']), _b(p['s_uC']), _b(p['s_Rd']), _b(p['s_dU']),
      _b(p['s_dC']))


def _d1_body(wet_ref, gidx_ref, roww_ref, teid_ref, invlo_ref, invhi_ref,
             wet_v, tok_v, w_v, invlo_v, invhi_v, te_v):
    cid = lax.axis_index("c")
    sid = lax.axis_index("s")

    @pl.when(jnp.logical_and(cid == 0, sid <= 9))
    def _work():
        pltpu.sync_copy(wet_ref, wet_v)

        def _count(e):
            def step(j, c):
                v = wet_v[e, pl.ds(j * 16, 16)]
                return c + jnp.sum((v > 0.0).astype(jnp.int32))
            return lax.fori_loop(0, S // 16, step, jnp.int32(0))

        cnts = [_count(e) for e in range(E)]
        ntiles = [(c + (TG - 1)) // TG for c in cnts]
        toff = [jnp.int32(0)]
        for e in range(E):
            toff.append(toff[e] + ntiles[e])
        base = [t * TG for t in toff]

        for e in range(E):
            @pl.when(sid == e)
            def _compact(e=e):
                def zstep(j, _):
                    tok_v[pl.ds(j * 16, 16)] = jnp.zeros((16,), jnp.int32)
                    w_v[pl.ds(j * 16, 16)] = jnp.zeros((16,), jnp.float32)
                    return 0
                lax.fori_loop(0, (S + 16) // 16, zstep, 0)

                def step(j, cnt):
                    v = wet_v[e, pl.ds(j * 16, 16)]
                    mk = v > 0.0
                    toks = j * 16 + lax.iota(jnp.int32, 16)
                    plsc.store_compressed(tok_v.at[pl.ds(cnt, 16)], toks,
                                          mask=mk)
                    plsc.store_compressed(w_v.at[pl.ds(cnt, 16)], v, mask=mk)
                    return cnt + jnp.sum(mk.astype(jnp.int32))
                lax.fori_loop(0, S // 16, step, jnp.int32(0))

                def wstep(k, _):
                    pltpu.sync_copy(
                        tok_v.at[pl.ds(k * TG, TG)],
                        gidx_ref.at[pl.ds(base[e] + k * TG, TG)])
                    pltpu.sync_copy(
                        w_v.at[pl.ds(k * TG, TG)],
                        roww_ref.at[pl.ds(base[e] + k * TG, TG)])
                    return 0
                lax.fori_loop(0, ntiles[e], wstep, 0)

        @pl.when(sid == 8)
        def _inv():
            def step(j, carry):
                acc_s = jnp.zeros((16,), jnp.int32)
                acc_m = jnp.zeros((16,), jnp.int32)
                new = []
                for e in range(E):
                    v = wet_v[e, pl.ds(j * 16, 16)]
                    mk = v > 0.0
                    mi = mk.astype(jnp.int32)
                    pos1 = (base[e] + carry[e]) + plsc.cumsum(mi)
                    p = jnp.where(mk, pos1, 0)
                    acc_s = acc_s + p
                    acc_m = jnp.maximum(acc_m, p)
                    new.append(carry[e] + jnp.sum(mi))
                invlo_v[pl.ds(j * 16, 16)] = acc_s - acc_m
                invhi_v[pl.ds(j * 16, 16)] = acc_m
                return tuple(new)
            lax.fori_loop(0, S // 16, step, (jnp.int32(0),) * E)
            pltpu.sync_copy(invlo_v, invlo_ref)
            pltpu.sync_copy(invhi_v, invhi_ref)

        @pl.when(sid == 9)
        def _teid():
            for j in range(NTP // 16):
                iv = j * 16 + lax.iota(jnp.int32, 16)
                acc = jnp.zeros((16,), jnp.int32)
                for e in range(E):
                    acc = acc + (iv >= toff[e + 1]).astype(jnp.int32)
                te_v[pl.ds(j * 16, 16)] = jnp.minimum(acc, E - 1)
            pltpu.sync_copy(te_v, teid_ref)


def _d1(wet):
    mesh = plsc.VectorSubcoreMesh(core_axis_name="c", subcore_axis_name="s")
    f = pl.kernel(
        _d1_body,
        compiler_params=pltpu.CompilerParams(needs_layout_passes=False),
        out_type=[
            jax.ShapeDtypeStruct((NPAD,), jnp.int32),
            jax.ShapeDtypeStruct((NPAD,), jnp.float32),
            jax.ShapeDtypeStruct((NTP,), jnp.int32),
            jax.ShapeDtypeStruct((S,), jnp.int32),
            jax.ShapeDtypeStruct((S,), jnp.int32),
        ],
        mesh=mesh,
        scratch_types=[
            pltpu.VMEM((E, S), jnp.float32),
            pltpu.VMEM((S + 16,), jnp.int32),
            pltpu.VMEM((S + 16,), jnp.float32),
            pltpu.VMEM((S,), jnp.int32),
            pltpu.VMEM((S,), jnp.int32),
            pltpu.VMEM((NTP,), jnp.int32),
        ],
    )
    return f(wet)


def _d2_body(rgru_ref, gidx_ref, out_ref, idx_v, rows_v, sem0, sem1):
    cid = lax.axis_index("c")
    sid = lax.axis_index("s")
    wid = sid * 2 + cid
    rbase = wid * RPW

    pltpu.sync_copy(gidx_ref.at[pl.ds(rbase, RPW)], idx_v)
    for k in range(RPW // 16):
        idx_v[pl.ds(k * 16, 16)] = jnp.bitwise_and(
            idx_v[pl.ds(k * 16, 16)], S - 1)

    c0 = pltpu.async_copy(rgru_ref.at[idx_v.at[pl.ds(0, 128)]],
                          rows_v.at[pl.ds(0, 128)], sem0)
    c1 = pltpu.async_copy(rgru_ref.at[idx_v.at[pl.ds(128, RPW - 128)]],
                          rows_v.at[pl.ds(128, RPW - 128)], sem1)
    c0.wait()
    c1.wait()
    pltpu.sync_copy(rows_v, out_ref.at[pl.ds(rbase, RPW)])


def _d2(rgru, gidx):
    mesh = plsc.VectorSubcoreMesh(core_axis_name="c", subcore_axis_name="s")
    f = pl.kernel(
        _d2_body,
        out_type=[
            jax.ShapeDtypeStruct((NPAD, 2 * R), jnp.float32),
        ],
        mesh=mesh,
        scratch_types=[
            pltpu.VMEM((RPW,), jnp.int32),
            pltpu.VMEM((RPW, 2 * R), jnp.float32),
            pltpu.SemaphoreType.DMA,
            pltpu.SemaphoreType.DMA,
        ],
    )
    return f(rgru, gidx)[0]


def _k2_body(eid_ref, rgru_ref, roww_ref, gu_ref, gc_ref, uu_ref,
             uc_ref, rd_ref, du_ref, dc_ref, out_ref):
    w = jnp.reshape(roww_ref[0, 0, :], (TG, 1))
    gate = _silu(_mmb(_mmb(rgru_ref[:, :R], gu_ref[0]), gc_ref[0]))
    up = _mmb(_mmb(rgru_ref[:, R:] * w, uu_ref[0]), uc_ref[0])
    inter = gate * up
    out_ref[...] = _mmb(_mmb(_mmb(inter, rd_ref[...]), du_ref[0]), dc_ref[0])


def _k2(rgru_s, roww3, tile_eid, p):
    grid_spec = pltpu.PrefetchScalarGridSpec(
        num_scalar_prefetch=1,
        grid=(NT,),
        in_specs=[
            pl.BlockSpec((TG, 2 * R), lambda i, eid: (i, 0)),
            pl.BlockSpec((1, 1, TG), lambda i, eid: (i, 0, 0)),
            pl.BlockSpec((1, R, R), lambda i, eid: (eid[i], 0, 0)),
            pl.BlockSpec((1, INTER, R), lambda i, eid: (eid[i], 0, 0)),
            pl.BlockSpec((1, R, R), lambda i, eid: (eid[i], 0, 0)),
            pl.BlockSpec((1, INTER, R), lambda i, eid: (eid[i], 0, 0)),
            pl.BlockSpec((R, INTER), lambda i, eid: (0, 0)),
            pl.BlockSpec((1, R, R), lambda i, eid: (eid[i], 0, 0)),
            pl.BlockSpec((1, H, R), lambda i, eid: (eid[i], 0, 0)),
        ],
        out_specs=pl.BlockSpec((TG, H), lambda i, eid: (i, 0)),
    )
    return pl.pallas_call(
        _k2_body,
        grid_spec=grid_spec,
        out_shape=jax.ShapeDtypeStruct((NPAD, H), jnp.float32),
    )(tile_eid, rgru_s, roww3, _b(p['gU']), _b(p['gC']), _b(p['uU']),
      _b(p['uC']), _b(p['Rd']), _b(p['dU']), _b(p['dC']))


def _c_body(outs_ref, invlo_ref, invhi_ref, lo_ref, hi_ref,
            il_v, ih_v, lo_v, hi_v, sem0, sem1):
    cid = lax.axis_index("c")
    sid = lax.axis_index("s")
    wid = sid * 2 + cid
    tbase = wid * TPW

    pltpu.sync_copy(invlo_ref.at[pl.ds(tbase, TPW)], il_v)
    pltpu.sync_copy(invhi_ref.at[pl.ds(tbase, TPW)], ih_v)
    for k in range(TPW // 16):
        sl = pl.ds(k * 16, 16)
        il_v[sl] = jnp.clip(il_v[sl] - 1, 0, NPAD - 1)
        ih_v[sl] = jnp.clip(ih_v[sl] - 1, 0, NPAD - 1)

    for bi in range(TPW // CC):
        c0 = pltpu.async_copy(outs_ref.at[il_v.at[pl.ds(bi * CC, CC)]],
                              lo_v, sem0)
        c1 = pltpu.async_copy(outs_ref.at[ih_v.at[pl.ds(bi * CC, CC)]],
                              hi_v, sem1)
        c0.wait()
        c1.wait()
        pltpu.sync_copy(lo_v, lo_ref.at[pl.ds(tbase + bi * CC, CC)])
        pltpu.sync_copy(hi_v, hi_ref.at[pl.ds(tbase + bi * CC, CC)])


def _c(out_s, invlo, invhi):
    mesh = plsc.VectorSubcoreMesh(core_axis_name="c", subcore_axis_name="s")
    f = pl.kernel(
        _c_body,
        out_type=[
            jax.ShapeDtypeStruct((S, H), jnp.float32),
            jax.ShapeDtypeStruct((S, H), jnp.float32),
        ],
        mesh=mesh,
        scratch_types=[
            pltpu.VMEM((TPW,), jnp.int32),
            pltpu.VMEM((TPW,), jnp.int32),
            pltpu.VMEM((CC, H), jnp.float32),
            pltpu.VMEM((CC, H), jnp.float32),
            pltpu.SemaphoreType.DMA,
            pltpu.SemaphoreType.DMA,
        ],
    )
    return f(out_s, invlo, invhi)


def _k3_body(ysh_ref, lo_ref, hi_ref, y_ref):
    y_ref[...] = ysh_ref[...] + lo_ref[...] + hi_ref[...]


def _k3(ysh, lo, hi):
    return pl.pallas_call(
        _k3_body,
        grid=(S // T1,),
        in_specs=[
            pl.BlockSpec((T1, H), lambda i: (i, 0)),
            pl.BlockSpec((T1, H), lambda i: (i, 0)),
            pl.BlockSpec((T1, H), lambda i: (i, 0)),
        ],
        out_specs=pl.BlockSpec((T1, H), lambda i: (i, 0)),
        out_shape=jax.ShapeDtypeStruct((S, H), jnp.float32),
    )(ysh, lo, hi)


def kernel(hidden_states, params):
    x = hidden_states.reshape(-1, H)
    wet, rgru = _k1a(x, params)
    ysh = _k1b(x, params)
    gidx, roww, teid, invlo, invhi = _d1(wet)
    rgru_s = _d2(rgru, gidx)
    out_s = _k2(rgru_s, roww.reshape(NT, 1, TG), teid, params)
    lo, hi = _c(out_s, invlo, invhi)
    y = _k3(ysh, lo, hi)
    return y.reshape(hidden_states.shape)

# --- scband reference (transcript-rebuilt; emitter-appended) ---
"""Pipeline reference for scband-curdeepseek-mo-e-34643206210100 (READ-ONLY COPY).

The authoritative reference and input builder live on the scoring server;
editing this copy changes nothing except your own understanding.
"""

import jax, jax.numpy as jnp
import numpy as np

H = 2048
INTER = 1408
E = 8
K = 2
RG = 256
RU = 256
RD = 256
NS = 2
SH_INTER = INTER * NS
B = 1
S = 2048


def setup_inputs(seed: int = 0) -> dict:
    key = jax.random.key(seed)
    ks = list(jax.random.split(key, 32))

    def nrm(k, shape, scale=0.02):
        return jax.random.normal(k, shape, dtype=jnp.float32) * scale

    params = {
        'gate_w': nrm(ks[0], (E, H)),
        'Rg': nrm(ks[1], (RG, H)),
        'Ru': nrm(ks[2], (RU, H)),
        'Rd': nrm(ks[3], (RD, INTER)),
        'gU': nrm(ks[4], (E, RG, RG)),
        'gC': nrm(ks[5], (E, INTER, RG)),
        'uU': nrm(ks[6], (E, RU, RU)),
        'uC': nrm(ks[7], (E, INTER, RU)),
        'dU': nrm(ks[8], (E, RD, RD)),
        'dC': nrm(ks[9], (E, H, RD)),
        's_Rg': nrm(ks[10], (RG, H)),
        's_gU': nrm(ks[11], (RG, RG)),
        's_gC': nrm(ks[12], (SH_INTER, RG)),
        's_Ru': nrm(ks[13], (RU, H)),
        's_uU': nrm(ks[14], (RU, RU)),
        's_uC': nrm(ks[15], (SH_INTER, RU)),
        's_Rd': nrm(ks[16], (RD, SH_INTER)),
        's_dU': nrm(ks[17], (RD, RD)),
        's_dC': nrm(ks[18], (H, RD)),
    }
    x = jax.random.normal(ks[19], (B, S, H), dtype=jnp.float32)
    return {'hidden_states': x, 'params': params}


def _forward(hidden_states, params):
    x = hidden_states
    bsz, seq, h = x.shape
    xf = x.reshape(-1, h)
    # DeepseekMoEGate
    logits = xf @ params['gate_w'].T
    scores = jax.nn.softmax(logits, axis=-1)
    topk_w, topk_idx = jax.lax.top_k(scores, K)
    topk_w = topk_w / (jnp.sum(topk_w, axis=-1, keepdims=True) + 1e-20)
    # shared R projections (applied once, reused by all routed experts)
    rg = xf @ params['Rg'].T
    ru = xf @ params['Ru'].T
    y = jnp.zeros_like(xf)
    for e in range(E):
        # combine weight per token for this expert (top-k indices are distinct,
        # so this equals the scatter-add over (token, slot) pairs in the torch code)
        we = jnp.sum(jnp.where(topk_idx == e, topk_w, 0.0), axis=-1)
        gate = jax.nn.silu((rg @ params['gU'][e].T) @ params['gC'][e].T)
        up = (ru @ params['uU'][e].T) @ params['uC'][e].T
        inter = gate * up
        out = ((inter @ params['Rd'].T) @ params['dU'][e].T) @ params['dC'][e].T
        y = y + we[:, None] * out
    y = y.reshape(bsz, seq, h)
    # shared experts (full CURDeepseekMLP with intermediate = INTER * NS)
    sg = jax.nn.silu(((xf @ params['s_Rg'].T) @ params['s_gU'].T) @ params['s_gC'].T)
    su = ((xf @ params['s_Ru'].T) @ params['s_uU'].T) @ params['s_uC'].T
    si = sg * su
    so = ((si @ params['s_Rd'].T) @ params['s_dU'].T) @ params['s_dC'].T
    return y + so.reshape(bsz, seq, h)


def reference(hidden_states, params):
    return _forward(hidden_states, params)

if __name__ == "__main__":
    import jax
    _d = setup_inputs()
    print(jax.jit(kernel)(*tuple(_d.values())))

</pallas_src>

<mosaic_0001>
#map = affine_map<(d0, d1) -> (0, 0)>
#map1 = affine_map<(d0, d1) -> (0)>
module attributes {stable_mosaic.version = 14 : i64} {
  func.func @_d2_body(%arg0: i32, %arg1: i32, %arg2: memref<2048x512xf32, #tpu.memory_space<hbm>>, %arg3: memref<5120xi32, #tpu.memory_space<hbm>>, %arg4: memref<5120x512xf32, #tpu.memory_space<hbm>>, %arg5: memref<160xi32, #tpu.memory_space<vmem>>, %arg6: memref<160x512xf32, #tpu.memory_space<vmem>>, %arg7: memref<!tpu.dma_semaphore, #tpu.memory_space<semaphore_mem>>, %arg8: memref<!tpu.dma_semaphore, #tpu.memory_space<semaphore_mem>>) attributes {dimension_semantics = [#tpu.dimension_semantics<core_parallel>, #tpu.dimension_semantics<subcore_parallel>], iteration_bounds = array<i64: 2, 16>, scalar_prefetch = 0 : i64, scratch_operands = 4 : i64, tpu.core_type = #tpu.core_type<sc_vector_subcore>, window_params = [{transform_indices = #map}, {transform_indices = #map1}, {transform_indices = #map}]} {
    %mul3A = arith.constant 2 : i32
    %mul3A_0 = arith.muli %arg1, %mul3A : i32
    %add3A = arith.addi %mul3A_0, %arg0 : i32
    %mul3A_1 = arith.constant 160 : i32
    %mul3A_2 = arith.muli %add3A, %mul3A_1 : i32
    "tpu.region"() ({
      %run_scoped3A = tpu.sem_alloc : memref<!tpu.dma_semaphore, #tpu.memory_space<semaphore_mem>>
      %dma_start3A_130 = tpu.memref_slice %arg3[%mul3A_2] : memref<5120xi32, #tpu.memory_space<hbm>> -> memref<160xi32, #tpu.memory_space<hbm>>
      %dma_start3A_131 = tpu.memref_slice %arg3[%mul3A_2] : memref<5120xi32, #tpu.memory_space<hbm>> -> memref<160xi32, #tpu.memory_space<hbm>>
      tpu.enqueue_dma source(%dma_start3A_131 : memref<160xi32, #tpu.memory_space<hbm>>) target(%arg5 : memref<160xi32, #tpu.memory_space<vmem>>) target_semaphore(%run_scoped3A : memref<!tpu.dma_semaphore, #tpu.memory_space<semaphore_mem>>)
      %dma_wait3A_132 = tpu.memref_slice %arg3[%mul3A_2] : memref<5120xi32, #tpu.memory_space<hbm>> -> memref<160xi32, #tpu.memory_space<hbm>>
      %dma_wait3A_133 = tpu.memref_slice %arg3[%mul3A_2] : memref<5120xi32, #tpu.memory_space<hbm>> -> memref<160xi32, #tpu.memory_space<hbm>>
      tpu.wait_dma2 semaphore(%run_scoped3A : memref<!tpu.dma_semaphore, #tpu.memory_space<semaphore_mem>>) src(%dma_wait3A_133 : memref<160xi32, #tpu.memory_space<hbm>>) dst(%arg5 : memref<160xi32, #tpu.memory_space<vmem>>)
      tpu.yield
    }) : () -> ()
    %get3A = arith.constant 0 : index
    %get3A_3 = tpu.vector_load %arg5[%get3A] {strides = array<i32>} : memref<160xi32, #tpu.memory_space<vmem>>, vector<16xi32>,
    %get3A_4 = vector.shape_cast %get3A_3 : vector<16xi32> to vector<16xi32>
    %and3A = arith.constant 2047 : i32
    %and3A_5 = vector.broadcast %and3A : i32 to vector<16xi32>
    %and3A_6 = arith.andi %get3A_4, %and3A_5 : vector<16xi32>
    %swap3A = arith.constant 0 : index
    %swap3A_7 = tpu.vector_load %arg5[%swap3A] {strides = array<i32>} : memref<160xi32, #tpu.memory_space<vmem>>, vector<16xi32>,
    %swap3A_8 = vector.shape_cast %swap3A_7 : vector<16xi32> to vector<16xi32>
    %swap3A_9 = vector.shape_cast %and3A_6 : vector<16xi32> to vector<16xi32>
    tpu.vector_store %arg5[%swap3A], %swap3A_9 {strides = array<i32>} : memref<160xi32, #tpu.memory_space<vmem>>, vector<16xi32>,
    %get3A_10 = arith.constant 16 : index
    %get3A_11 = tpu.vector_load %arg5[%get3A_10] {strides = array<i32>} : memref<160xi32, #tpu.memory_space<vmem>>, vector<16xi32>,
    %get3A_12 = vector.shape_cast %get3A_11 : vector<16xi32> to vector<16xi32>
    %and3A_13 = arith.constant 2047 : i32
    %and3A_14 = vector.broadcast %and3A_13 : i32 to vector<16xi32>
    %and3A_15 = arith.andi %get3A_12, %and3A_14 : vector<16xi32>
    %swap3A_16 = arith.constant 16 : index
    %swap3A_17 = tpu.vector_load %arg5[%swap3A_16] {strides = array<i32>} : memref<160xi32, #tpu.memory_space<vmem>>, vector<16xi32>,
    %swap3A_18 = vector.shape_cast %swap3A_17 : vector<16xi32> to vector<16xi32>
    %swap3A_19 = vector.shape_cast %and3A_15 : vector<16xi32> to vector<16xi32>
    tpu.vector_store %arg5[%swap3A_16], %swap3A_19 {strides = array<i32>} : memref<160xi32, #tpu.memory_space<vmem>>, vector<16xi32>,
    %get3A_20 = arith.constant 32 : index
    %get3A_21 = tpu.vector_load %arg5[%get3A_20] {strides = array<i32>} : memref<160xi32, #tpu.memory_space<vmem>>, vector<16xi32>,
    %get3A_22 = vector.shape_cast %get3A_21 : vector<16xi32> to vector<16xi32>
    %and3A_23 = arith.constant 2047 : i32
    %and3A_24 = vector.broadcast %and3A_23 : i32 to vector<16xi32>
    %and3A_25 = arith.andi %get3A_22, %and3A_24 : vector<16xi32>
    %swap3A_26 = arith.constant 32 : index
    %swap3A_27 = tpu.vector_load %arg5[%swap3A_26] {strides = array<i32>} : memref<160xi32, #tpu.memory_space<vmem>>, vector<16xi32>,
    %swap3A_28 = vector.shape_cast %swap3A_27 : vector<16xi32> to vector<16xi32>
    %swap3A_29 = vector.shape_cast %and3A_25 : vector<16xi32> to vector<16xi32>
    tpu.vector_store %arg5[%swap3A_26], %swap3A_29 {strides = array<i32>} : memref<160xi32, #tpu.memory_space<vmem>>, vector<16xi32>,
    %get3A_30 = arith.constant 48 : index
    %get3A_31 = tpu.vector_load %arg5[%get3A_30] {strides = array<i32>} : memref<160xi32, #tpu.memory_space<vmem>>, vector<16xi32>,
    %get3A_32 = vector.shape_cast %get3A_31 : vector<16xi32> to vector<16xi32>
    %and3A_33 = arith.constant 2047 : i32
    %and3A_34 = vector.broadcast %and3A_33 : i32 to vector<16xi32>
    %and3A_35 = arith.andi %get3A_32, %and3A_34 : vector<16xi32>
    %swap3A_36 = arith.constant 48 : index
    %swap3A_37 = tpu.vector_load %arg5[%swap3A_36] {strides = array<i32>} : memref<160xi32, #tpu.memory_space<vmem>>, vector<16xi32>,
    %swap3A_38 = vector.shape_cast %swap3A_37 : vector<16xi32> to vector<16xi32>
    %swap3A_39 = vector.shape_cast %and3A_35 : vector<16xi32> to vector<16xi32>
    tpu.vector_store %arg5[%swap3A_36], %swap3A_39 {strides = array<i32>} : memref<160xi32, #tpu.memory_space<vmem>>, vector<16xi32>,
    %get3A_40 = arith.constant 64 : index
    %get3A_41 = tpu.vector_load %arg5[%get3A_40] {strides = array<i32>} : memref<160xi32, #tpu.memory_space<vmem>>, vector<16xi32>,
    %get3A_42 = vector.shape_cast %get3A_41 : vector<16xi32> to vector<16xi32>
    %and3A_43 = arith.constant 2047 : i32
    %and3A_44 = vector.broadcast %and3A_43 : i32 to vector<16xi32>
    %and3A_45 = arith.andi %get3A_42, %and3A_44 : vector<16xi32>
    %swap3A_46 = arith.constant 64 : index
    %swap3A_47 = tpu.vector_load %arg5[%swap3A_46] {strides = array<i32>} : memref<160xi32, #tpu.memory_space<vmem>>, vector<16xi32>,
    %swap3A_48 = vector.shape_cast %swap3A_47 : vector<16xi32> to vector<16xi32>
    %swap3A_49 = vector.shape_cast %and3A_45 : vector<16xi32> to vector<16xi32>
    tpu.vector_store %arg5[%swap3A_46], %swap3A_49 {strides = array<i32>} : memref<160xi32, #tpu.memory_space<vmem>>, vector<16xi32>,
    %get3A_50 = arith.constant 80 : index
    %get3A_51 = tpu.vector_load %arg5[%get3A_50] {strides = array<i32>} : memref<160xi32, #tpu.memory_space<vmem>>, vector<16xi32>,
    %get3A_52 = vector.shape_cast %get3A_51 : vector<16xi32> to vector<16xi32>
    %and3A_53 = arith.constant 2047 : i32
    %and3A_54 = vector.broadcast %and3A_53 : i32 to vector<16xi32>
    %and3A_55 = arith.andi %get3A_52, %and3A_54 : vector<16xi32>
    %swap3A_56 = arith.constant 80 : index
    %swap3A_57 = tpu.vector_load %arg5[%swap3A_56] {strides = array<i32>} : memref<160xi32, #tpu.memory_space<vmem>>, vector<16xi32>,
    %swap3A_58 = vector.shape_cast %swap3A_57 : vector<16xi32> to vector<16xi32>
    %swap3A_59 = vector.shape_cast %and3A_55 : vector<16xi32> to vector<16xi32>
    tpu.vector_store %arg5[%swap3A_56], %swap3A_59 {strides = array<i32>} : memref<160xi32, #tpu.memory_space<vmem>>, vector<16xi32>,
    %get3A_60 = arith.constant 96 : index
    %get3A_61 = tpu.vector_load %arg5[%get3A_60] {strides = array<i32>} : memref<160xi32, #tpu.memory_space<vmem>>, vector<16xi32>,
    %get3A_62 = vector.shape_cast %get3A_61 : vector<16xi32> to vector<16xi32>
    %and3A_63 = arith.constant 2047 : i32
    %and3A_64 = vector.broadcast %and3A_63 : i32 to vector<16xi32>
    %and3A_65 = arith.andi %get3A_62, %and3A_64 : vector<16xi32>
    %swap3A_66 = arith.constant 96 : index
    %swap3A_67 = tpu.vector_load %arg5[%swap3A_66] {strides = array<i32>} : memref<160xi32, #tpu.memory_space<vmem>>, vector<16xi32>,
    %swap3A_68 = vector.shape_cast %swap3A_67 : vector<16xi32> to vector<16xi32>
    %swap3A_69 = vector.shape_cast %and3A_65 : vector<16xi32> to vector<16xi32>
    tpu.vector_store %arg5[%swap3A_66], %swap3A_69 {strides = array<i32>} : memref<160xi32, #tpu.memory_space<vmem>>, vector<16xi32>,
    %get3A_70 = arith.constant 112 : index
    %get3A_71 = tpu.vector_load %arg5[%get3A_70] {strides = array<i32>} : memref<160xi32, #tpu.memory_space<vmem>>, vector<16xi32>,
    %get3A_72 = vector.shape_cast %get3A_71 : vector<16xi32> to vector<16xi32>
    %and3A_73 = arith.constant 2047 : i32
    %and3A_74 = vector.broadcast %and3A_73 : i32 to vector<16xi32>
    %and3A_75 = arith.andi %get3A_72, %and3A_74 : vector<16xi32>
    %swap3A_76 = arith.constant 112 : index
    %swap3A_77 = tpu.vector_load %arg5[%swap3A_76] {strides = array<i32>} : memref<160xi32, #tpu.memory_space<vmem>>, vector<16xi32>,
    %swap3A_78 = vector.shape_cast %swap3A_77 : vector<16xi32> to vector<16xi32>
    %swap3A_79 = vector.shape_cast %and3A_75 : vector<16xi32> to vector<16xi32>
    tpu.vector_store %arg5[%swap3A_76], %swap3A_79 {strides = array<i32>} : memref<160xi32, #tpu.memory_space<vmem>>, vector<16xi32>,
    %get3A_80 = arith.constant 128 : index
    %get3A_81 = tpu.vector_load %arg5[%get3A_80] {strides = array<i32>} : memref<160xi32, #tpu.memory_space<vmem>>, vector<16xi32>,
    %get3A_82 = vector.shape_cast %get3A_81 : vector<16xi32> to vector<16xi32>
    %and3A_83 = arith.constant 2047 : i32
    %and3A_84 = vector.broadcast %and3A_83 : i32 to vector<16xi32>
    %and3A_85 = arith.andi %get3A_82, %and3A_84 : vector<16xi32>
    %swap3A_86 = arith.constant 128 : index
    %swap3A_87 = tpu.vector_load %arg5[%swap3A_86] {strides = array<i32>} : memref<160xi32, #tpu.memory_space<vmem>>, vector<16xi32>,
    %swap3A_88 = vector.shape_cast %swap3A_87 : vector<16xi32> to vector<16xi32>
    %swap3A_89 = vector.shape_cast %and3A_85 : vector<16xi32> to vector<16xi32>
    tpu.vector_store %arg5[%swap3A_86], %swap3A_89 {strides = array<i32>} : memref<160xi32, #tpu.memory_space<vmem>>, vector<16xi32>,
    %get3A_90 = arith.constant 144 : index
    %get3A_91 = tpu.vector_load %arg5[%get3A_90] {strides = array<i32>} : memref<160xi32, #tpu.memory_space<vmem>>, vector<16xi32>,
    %get3A_92 = vector.shape_cast %get3A_91 : vector<16xi32> to vector<16xi32>
    %and3A_93 = arith.constant 2047 : i32
    %and3A_94 = vector.broadcast %and3A_93 : i32 to vector<16xi32>
    %and3A_95 = arith.andi %get3A_92, %and3A_94 : vector<16xi32>
    %swap3A_96 = arith.constant 144 : index
    %swap3A_97 = tpu.vector_load %arg5[%swap3A_96] {strides = array<i32>} : memref<160xi32, #tpu.memory_space<vmem>>, vector<16xi32>,
    %swap3A_98 = vector.shape_cast %swap3A_97 : vector<16xi32> to vector<16xi32>
    %swap3A_99 = vector.shape_cast %and3A_95 : vector<16xi32> to vector<16xi32>
    tpu.vector_store %arg5[%swap3A_96], %swap3A_99 {strides = array<i32>} : memref<160xi32, #tpu.memory_space<vmem>>, vector<16xi32>,
    %dma_start3A = arith.constant 0 : i32
    %dma_start3A_100 = arith.constant 0 : i32
    %dma_start3A_101 = tpu.memref_slice %arg6[%dma_start3A, %dma_start3A_100] : memref<160x512xf32, #tpu.memory_space<vmem>> -> memref<128x512xf32, #tpu.memory_space<vmem>>
    %dma_start3A_102 = arith.constant 0 : i32
    %dma_start3A_103 = tpu.memref_slice %arg5[%dma_start3A_102] : memref<160xi32, #tpu.memory_space<vmem>> -> memref<128xi32, #tpu.memory_space<vmem>>
    %dma_start3A_104 = arith.constant 0 : i32
    %dma_start3A_105 = arith.constant 0 : i32
    %dma_start3A_106 = tpu.memref_slice %arg2[%dma_start3A_104, %dma_start3A_105] : memref<2048x512xf32, #tpu.memory_space<hbm>> -> memref<2048x512xf32, #tpu.memory_space<hbm>>
    tpu.enqueue_indirect_dma source(%dma_start3A_106 : memref<2048x512xf32, #tpu.memory_space<hbm>>) target(%dma_start3A_101 : memref<128x512xf32, #tpu.memory_space<vmem>>) offsets(%dma_start3A_103 : memref<128xi32, #tpu.memory_space<vmem>>) semaphore(%arg7 : memref<!tpu.dma_semaphore, #tpu.memory_space<semaphore_mem>>)
    %dma_start3A_107 = arith.constant 128 : i32
    %dma_start3A_108 = arith.constant 0 : i32
    %dma_start3A_109 = tpu.memref_slice %arg6[%dma_start3A_107, %dma_start3A_108] : memref<160x512xf32, #tpu.memory_space<vmem>> -> memref<32x512xf32, #tpu.memory_space<vmem>>
    %dma_start3A_110 = arith.constant 128 : i32
    %dma_start3A_111 = tpu.memref_slice %arg5[%dma_start3A_110] : memref<160xi32, #tpu.memory_space<vmem>> -> memref<32xi32, #tpu.memory_space<vmem>>
    %dma_start3A_112 = arith.constant 0 : i32
    %dma_start3A_113 = arith.constant 0 : i32
    %dma_start3A_114 = tpu.memref_slice %arg2[%dma_start3A_112, %dma_start3A_113] : memref<2048x512xf32, #tpu.memory_space<hbm>> -> memref<2048x512xf32, #tpu.memory_space<hbm>>
    tpu.enqueue_indirect_dma source(%dma_start3A_114 : memref<2048x512xf32, #tpu.memory_space<hbm>>) target(%dma_start3A_109 : memref<32x512xf32, #tpu.memory_space<vmem>>) offsets(%dma_start3A_111 : memref<32xi32, #tpu.memory_space<vmem>>) semaphore(%arg8 : memref<!tpu.dma_semaphore, #tpu.memory_space<semaphore_mem>>)
    %dma_wait3A = arith.constant 0 : i32
    %dma_wait3A_115 = arith.constant 0 : i32
    %dma_wait3A_116 = tpu.memref_slice %arg6[%dma_wait3A, %dma_wait3A_115] : memref<160x512xf32, #tpu.memory_space<vmem>> -> memref<128x512xf32, #tpu.memory_space<vmem>>
    %dma_wait3A_117 = arith.constant 0 : i32
    %dma_wait3A_118 = tpu.memref_slice %arg5[%dma_wait3A_117] : memref<160xi32, #tpu.memory_space<vmem>> -> memref<128xi32, #tpu.memory_space<vmem>>
    %dma_wait3A_119 = arith.constant 0 : i32
    %dma_wait3A_120 = arith.constant 0 : i32
    %dma_wait3A_121 = tpu.memref_slice %arg2[%dma_wait3A_119, %dma_wait3A_120] : memref<2048x512xf32, #tpu.memory_space<hbm>> -> memref<2048x512xf32, #tpu.memory_space<hbm>>
    tpu.wait_indirect_dma semaphore(%arg7 : memref<!tpu.dma_semaphore, #tpu.memory_space<semaphore_mem>>) src(%dma_wait3A_121 : memref<2048x512xf32, #tpu.memory_space<hbm>>) dst(%dma_wait3A_116 : memref<128x512xf32, #tpu.memory_space<vmem>>)
    %dma_wait3A_122 = arith.constant 128 : i32
    %dma_wait3A_123 = arith.constant 0 : i32
    %dma_wait3A_124 = tpu.memref_slice %arg6[%dma_wait3A_122, %dma_wait3A_123] : memref<160x512xf32, #tpu.memory_space<vmem>> -> memref<32x512xf32, #tpu.memory_space<vmem>>
    %dma_wait3A_125 = arith.constant 128 : i32
    %dma_wait3A_126 = tpu.memref_slice %arg5[%dma_wait3A_125] : memref<160xi32, #tpu.memory_space<vmem>> -> memref<32xi32, #tpu.memory_space<vmem>>
    %dma_wait3A_127 = arith.constant 0 : i32
    %dma_wait3A_128 = arith.constant 0 : i32
    %dma_wait3A_129 = tpu.memref_slice %arg2[%dma_wait3A_127, %dma_wait3A_128] : memref<2048x512xf32, #tpu.memory_space<hbm>> -> memref<2048x512xf32, #tpu.memory_space<hbm>>
    tpu.wait_indirect_dma semaphore(%arg8 : memref<!tpu.dma_semaphore, #tpu.memory_space<semaphore_mem>>) src(%dma_wait3A_129 : memref<2048x512xf32, #tpu.memory_space<hbm>>) dst(%dma_wait3A_124 : memref<32x512xf32, #tpu.memory_space<vmem>>)
    "tpu.region"() ({
      %run_scoped3A = tpu.sem_alloc : memref<!tpu.dma_semaphore, #tpu.memory_space<semaphore_mem>>
      %dma_start3A_130 = arith.constant 0 : i32
      %dma_start3A_131 = tpu.memref_slice %arg4[%mul3A_2, %dma_start3A_130] : memref<5120x512xf32, #tpu.memory_space<hbm>> -> memref<160x512xf32, #tpu.memory_space<hbm>>
      %dma_start3A_132 = arith.constant 0 : i32
      %dma_start3A_133 = tpu.memref_slice %arg4[%mul3A_2, %dma_start3A_132] : memref<5120x512xf32, #tpu.memory_space<hbm>> -> memref<160x512xf32, #tpu.memory_space<hbm>>
      tpu.enqueue_dma source(%arg6 : memref<160x512xf32, #tpu.memory_space<vmem>>) target(%dma_start3A_133 : memref<160x512xf32, #tpu.memory_space<hbm>>) target_semaphore(%run_scoped3A : memref<!tpu.dma_semaphore, #tpu.memory_space<semaphore_mem>>)
      %dma_wait3A_134 = arith.constant 0 : i32
      %dma_wait3A_135 = tpu.memref_slice %arg4[%mul3A_2, %dma_wait3A_134] : memref<5120x512xf32, #tpu.memory_space<hbm>> -> memref<160x512xf32, #tpu.memory_space<hbm>>
      %dma_wait3A_136 = arith.constant 0 : i32
      %dma_wait3A_137 = tpu.memref_slice %arg4[%mul3A_2, %dma_wait3A_136] : memref<5120x512xf32, #tpu.memory_space<hbm>> -> memref<160x512xf32, #tpu.memory_space<hbm>>
      tpu.wait_dma2 semaphore(%run_scoped3A : memref<!tpu.dma_semaphore, #tpu.memory_space<semaphore_mem>>) src(%arg6 : memref<160x512xf32, #tpu.memory_space<vmem>>) dst(%dma_wait3A_137 : memref<160x512xf32, #tpu.memory_space<hbm>>)
      tpu.yield
    }) : () -> ()
    return
  }
}

#map = affine_map<(d0, d1) -> (0, 0)>
#map1 = affine_map<(d0, d1) -> (0)>
module attributes {stable_mosaic.version = 14 : i64} {
  func.func @_d1_body(%arg0: i32, %arg1: i32, %arg2: memref<8x2048xf32, #tpu.memory_space<hbm>>, %arg3: memref<5120xi32, #tpu.memory_space<hbm>>, %arg4: memref<5120xf32, #tpu.memory_space<hbm>>, %arg5: memref<48xi32, #tpu.memory_space<hbm>>, %arg6: memref<2048xi32, #tpu.memory_space<hbm>>, %arg7: memref<2048xi32, #tpu.memory_space<hbm>>, %arg8: memref<8x2048xf32, #tpu.memory_space<vmem>>, %arg9: memref<2064xi32, #tpu.memory_space<vmem>>, %arg10: memref<2064xf32, #tpu.memory_space<vmem>>, %arg11: memref<2048xi32, #tpu.memory_space<vmem>>, %arg12: memref<2048xi32, #tpu.memory_space<vmem>>, %arg13: memref<48xi32, #tpu.memory_space<vmem>>) attributes {dimension_semantics = [#tpu.dimension_semantics<core_parallel>, #tpu.dimension_semantics<subcore_parallel>], iteration_bounds = array<i64: 2, 16>, scalar_prefetch = 0 : i64, scratch_operands = 6 : i64, tpu.core_type = #tpu.core_type<sc_vector_subcore>, window_params = [{transform_indices = #map}, {transform_indices = #map1}, {transform_indices = #map1}, {transform_indices = #map1}, {transform_indices = #map1}, {transform_indices = #map1}]} {
    %eq3A = arith.constant 0 : i32
    %eq3A_0 = arith.cmpi eq, %arg0, %eq3A : i32
    %le3A = arith.constant 9 : i32
    %le3A_1 = arith.cmpi sle, %arg1, %le3A : i32
    %and3A = arith.andi %eq3A_0, %le3A_1 : i1
    %convert_element_type3A = arith.extui %and3A : i1 to i32
    %cond3A = arith.constant 0 : i32
    %cond3A_2 = arith.cmpi ne, %convert_element_type3A, %cond3A : i32
    scf.if %cond3A_2 {
      "tpu.region"() ({
        %run_scoped3A = tpu.sem_alloc : memref<!tpu.dma_semaphore, #tpu.memory_space<semaphore_mem>>
        tpu.enqueue_dma source(%arg2 : memref<8x2048xf32, #tpu.memory_space<hbm>>) target(%arg8 : memref<8x2048xf32, #tpu.memory_space<vmem>>) target_semaphore(%run_scoped3A : memref<!tpu.dma_semaphore, #tpu.memory_space<semaphore_mem>>)
        tpu.wait_dma2 semaphore(%run_scoped3A : memref<!tpu.dma_semaphore, #tpu.memory_space<semaphore_mem>>) src(%arg2 : memref<8x2048xf32, #tpu.memory_space<hbm>>) dst(%arg8 : memref<8x2048xf32, #tpu.memory_space<vmem>>)
        tpu.yield
      }) : () -> ()
      %scan3A = arith.constant 0 : i32
      %scan3A_3 = arith.constant 0 : i32
      %scan3A_4 = arith.constant 128 : i32
      %scan3A_5 = arith.addi %scan3A_3, %scan3A_4 : i32
      %scan3A_6 = arith.constant 1 : i32
      %scan3A_7 = scf.for %scan3A_335 = %scan3A_3 to %scan3A_5 step %scan3A_6 iter_args(%scan3A_336 = %scan3A) -> (i32)  : i32 {
        %mul3A_337 = arith.constant 16 : i32
        %mul3A_338 = arith.muli %scan3A_335, %mul3A_337 : i32
        %get3A = arith.constant 0 : i32
        %get3A_339 = arith.index_cast %get3A : i32 to index
        %get3A_340 = arith.index_cast %mul3A_338 : i32 to index
        %get3A_341 = tpu.vector_load %arg8[%get3A_339, %get3A_340] {strides = array<i32>} : memref<8x2048xf32, #tpu.memory_space<vmem>>, vector<16xf32>,
        %gt3A = arith.constant 0.000000e+00 : f32
        %gt3A_342 = vector.broadcast %gt3A : f32 to vector<16xf32>
        %gt3A_343 = arith.cmpf ogt, %get3A_341, %gt3A_342 : vector<16xf32>
        %convert_element_type3A_344 = arith.extui %gt3A_343 : vector<16xi1> to vector<16xi32>
        %reduce_sum3A = arith.constant true
        %reduce_sum3A_345 = vector.broadcast %reduce_sum3A : i1 to vector<16xi1>
        %reduce_sum3A_346 = tpu.scan <sum>, %convert_element_type3A_344 masked %reduce_sum3A_345 : vector<16xi32>, vector<16xi1> -> vector<16xi32>
        %reduce_sum3A_347 = vector.extract %reduce_sum3A_346[15] : i32 from vector<16xi32>
        %add3A_348 = arith.addi %scan3A_336, %reduce_sum3A_347 : i32
        scf.yield %add3A_348 : i32
      }
      %scan3A_8 = arith.constant 128 : i32
      %scan3A_9 = arith.constant 0 : i32
      %scan3A_10 = arith.constant 0 : i32
      %scan3A_11 = arith.constant 128 : i32
      %scan3A_12 = arith.addi %scan3A_10, %scan3A_11 : i32
      %scan3A_13 = arith.constant 1 : i32
      %scan3A_14 = scf.for %scan3A_335 = %scan3A_10 to %scan3A_12 step %scan3A_13 iter_args(%scan3A_336 = %scan3A_9) -> (i32)  : i32 {
        %mul3A_337 = arith.constant 16 : i32
        %mul3A_338 = arith.muli %scan3A_335, %mul3A_337 : i32
        %get3A = arith.constant 1 : i32
        %get3A_339 = arith.index_cast %get3A : i32 to index
        %get3A_340 = arith.index_cast %mul3A_338 : i32 to index
        %get3A_341 = tpu.vector_load %arg8[%get3A_339, %get3A_340] {strides = array<i32>} : memref<8x2048xf32, #tpu.memory_space<vmem>>, vector<16xf32>,
        %gt3A = arith.constant 0.000000e+00 : f32
        %gt3A_342 = vector.broadcast %gt3A : f32 to vector<16xf32>
        %gt3A_343 = arith.cmpf ogt, %get3A_341, %gt3A_342 : vector<16xf32>
        %convert_element_type3A_344 = arith.extui %gt3A_343 : vector<16xi1> to vector<16xi32>
        %reduce_sum3A = arith.constant true
        %reduce_sum3A_345 = vector.broadcast %reduce_sum3A : i1 to vector<16xi1>
        %reduce_sum3A_346 = tpu.scan <sum>, %convert_element_type3A_344 masked %reduce_sum3A_345 : vector<16xi32>, vector<16xi1> -> vector<16xi32>
        %reduce_sum3A_347 = vector.extract %reduce_sum3A_346[15] : i32 from vector<16xi32>
        %add3A_348 = arith.addi %scan3A_336, %reduce_sum3A_347 : i32
        scf.yield %add3A_348 : i32
      }
      %scan3A_15 = arith.constant 128 : i32
      %scan3A_16 = arith.constant 0 : i32
      %scan3A_17 = arith.constant 0 : i32
      %scan3A_18 = arith.constant 128 : i32
      %scan3A_19 = arith.addi %scan3A_17, %scan3A_18 : i32
      %scan3A_20 = arith.constant 1 : i32
      %scan3A_21 = scf.for %scan3A_335 = %scan3A_17 to %scan3A_19 step %scan3A_20 iter_args(%scan3A_336 = %scan3A_16) -> (i32)  : i32 {
        %mul3A_337 = arith.constant 16 : i32
        %mul3A_338 = arith.muli %scan3A_335, %mul3A_337 : i32
        %get3A = arith.constant 2 : i32
        %get3A_339 = arith.index_cast %get3A : i32 to index
        %get3A_340 = arith.index_cast %mul3A_338 : i32 to index
        %get3A_341 = tpu.vector_load %arg8[%get3A_339, %get3A_340] {strides = array<i32>} : memref<8x2048xf32, #tpu.memory_space<vmem>>, vector<16xf32>,
        %gt3A = arith.constant 0.000000e+00 : f32
        %gt3A_342 = vector.broadcast %gt3A : f32 to vector<16xf32>
        %gt3A_343 = arith.cmpf ogt, %get3A_341, %gt3A_342 : vector<16xf32>
        %convert_element_type3A_344 = arith.extui %gt3A_343 : vector<16xi1> to vector<16xi32>
        %reduce_sum3A = arith.constant true
        %reduce_sum3A_345 = vector.broadcast %reduce_sum3A : i1 to vector<16xi1>
        %reduce_sum3A_346 = tpu.scan <sum>, %convert_element_type3A_344 masked %reduce_sum3A_345 : vector<16xi32>, vector<16xi1> -> vector<16xi32>
        %reduce_sum3A_347 = vector.extract %reduce_sum3A_346[15] : i32 from vector<16xi32>
        %add3A_348 = arith.addi %scan3A_336, %reduce_sum3A_347 : i32
        scf.yield %add3A_348 : i32
      }
      %scan3A_22 = arith.constant 128 : i32
      %scan3A_23 = arith.constant 0 : i32
      %scan3A_24 = arith.constant 0 : i32
      %scan3A_25 = arith.constant 128 : i32
      %scan3A_26 = arith.addi %scan3A_24, %scan3A_25 : i32
      %scan3A_27 = arith.constant 1 : i32
      %scan3A_28 = scf.for %scan3A_335 = %scan3A_24 to %scan3A_26 step %scan3A_27 iter_args(%scan3A_336 = %scan3A_23) -> (i32)  : i32 {
        %mul3A_337 = arith.constant 16 : i32
        %mul3A_338 = arith.muli %scan3A_335, %mul3A_337 : i32
        %get3A = arith.constant 3 : i32
        %get3A_339 = arith.index_cast %get3A : i32 to index
        %get3A_340 = arith.index_cast %mul3A_338 : i32 to index
        %get3A_341 = tpu.vector_load %arg8[%get3A_339, %get3A_340] {strides = array<i32>} : memref<8x2048xf32, #tpu.memory_space<vmem>>, vector<16xf32>,
        %gt3A = arith.constant 0.000000e+00 : f32
        %gt3A_342 = vector.broadcast %gt3A : f32 to vector<16xf32>
        %gt3A_343 = arith.cmpf ogt, %get3A_341, %gt3A_342 : vector<16xf32>
        %convert_element_type3A_344 = arith.extui %gt3A_343 : vector<16xi1> to vector<16xi32>
        %reduce_sum3A = arith.constant true
        %reduce_sum3A_345 = vector.broadcast %reduce_sum3A : i1 to vector<16xi1>
        %reduce_sum3A_346 = tpu.scan <sum>, %convert_element_type3A_344 masked %reduce_sum3A_345 : vector<16xi32>, vector<16xi1> -> vector<16xi32>
        %reduce_sum3A_347 = vector.extract %reduce_sum3A_346[15] : i32 from vector<16xi32>
        %add3A_348 = arith.addi %scan3A_336, %reduce_sum3A_347 : i32
        scf.yield %add3A_348 : i32
      }
      %scan3A_29 = arith.constant 128 : i32
      %scan3A_30 = arith.constant 0 : i32
      %scan3A_31 = arith.constant 0 : i32
      %scan3A_32 = arith.constant 128 : i32
      %scan3A_33 = arith.addi %scan3A_31, %scan3A_32 : i32
      %scan3A_34 = arith.constant 1 : i32
      %scan3A_35 = scf.for %scan3A_335 = %scan3A_31 to %scan3A_33 step %scan3A_34 iter_args(%scan3A_336 = %scan3A_30) -> (i32)  : i32 {
        %mul3A_337 = arith.constant 16 : i32
        %mul3A_338 = arith.muli %scan3A_335, %mul3A_337 : i32
        %get3A = arith.constant 4 : i32
        %get3A_339 = arith.index_cast %get3A : i32 to index
        %get3A_340 = arith.index_cast %mul3A_338 : i32 to index
        %get3A_341 = tpu.vector_load %arg8[%get3A_339, %get3A_340] {strides = array<i32>} : memref<8x2048xf32, #tpu.memory_space<vmem>>, vector<16xf32>,
        %gt3A = arith.constant 0.000000e+00 : f32
        %gt3A_342 = vector.broadcast %gt3A : f32 to vector<16xf32>
        %gt3A_343 = arith.cmpf ogt, %get3A_341, %gt3A_342 : vector<16xf32>
        %convert_element_type3A_344 = arith.extui %gt3A_343 : vector<16xi1> to vector<16xi32>
        %reduce_sum3A = arith.constant true
        %reduce_sum3A_345 = vector.broadcast %reduce_sum3A : i1 to vector<16xi1>
        %reduce_sum3A_346 = tpu.scan <sum>, %convert_element_type3A_344 masked %reduce_sum3A_345 : vector<16xi32>, vector<16xi1> -> vector<16xi32>
        %reduce_sum3A_347 = vector.extract %reduce_sum3A_346[15] : i32 from vector<16xi32>
        %add3A_348 = arith.addi %scan3A_336, %reduce_sum3A_347 : i32
        scf.yield %add3A_348 : i32
      }
      %scan3A_36 = arith.constant 128 : i32
      %scan3A_37 = arith.constant 0 : i32
      %scan3A_38 = arith.constant 0 : i32
      %scan3A_39 = arith.constant 128 : i32
      %scan3A_40 = arith.addi %scan3A_38, %scan3A_39 : i32
      %scan3A_41 = arith.constant 1 : i32
      %scan3A_42 = scf.for %scan3A_335 = %scan3A_38 to %scan3A_40 step %scan3A_41 iter_args(%scan3A_336 = %scan3A_37) -> (i32)  : i32 {
        %mul3A_337 = arith.constant 16 : i32
        %mul3A_338 = arith.muli %scan3A_335, %mul3A_337 : i32
        %get3A = arith.constant 5 : i32
        %get3A_339 = arith.index_cast %get3A : i32 to index
        %get3A_340 = arith.index_cast %mul3A_338 : i32 to index
        %get3A_341 = tpu.vector_load %arg8[%get3A_339, %get3A_340] {strides = array<i32>} : memref<8x2048xf32, #tpu.memory_space<vmem>>, vector<16xf32>,
        %gt3A = arith.constant 0.000000e+00 : f32
        %gt3A_342 = vector.broadcast %gt3A : f32 to vector<16xf32>
        %gt3A_343 = arith.cmpf ogt, %get3A_341, %gt3A_342 : vector<16xf32>
        %convert_element_type3A_344 = arith.extui %gt3A_343 : vector<16xi1> to vector<16xi32>
        %reduce_sum3A = arith.constant true
        %reduce_sum3A_345 = vector.broadcast %reduce_sum3A : i1 to vector<16xi1>
        %reduce_sum3A_346 = tpu.scan <sum>, %convert_element_type3A_344 masked %reduce_sum3A_345 : vector<16xi32>, vector<16xi1> -> vector<16xi32>
        %reduce_sum3A_347 = vector.extract %reduce_sum3A_346[15] : i32 from vector<16xi32>
        %add3A_348 = arith.addi %scan3A_336, %reduce_sum3A_347 : i32
        scf.yield %add3A_348 : i32
      }
      %scan3A_43 = arith.constant 128 : i32
      %scan3A_44 = arith.constant 0 : i32
      %scan3A_45 = arith.constant 0 : i32
      %scan3A_46 = arith.constant 128 : i32
      %scan3A_47 = arith.addi %scan3A_45, %scan3A_46 : i32
      %scan3A_48 = arith.constant 1 : i32
      %scan3A_49 = scf.for %scan3A_335 = %scan3A_45 to %scan3A_47 step %scan3A_48 iter_args(%scan3A_336 = %scan3A_44) -> (i32)  : i32 {
        %mul3A_337 = arith.constant 16 : i32
        %mul3A_338 = arith.muli %scan3A_335, %mul3A_337 : i32
        %get3A = arith.constant 6 : i32
        %get3A_339 = arith.index_cast %get3A : i32 to index
        %get3A_340 = arith.index_cast %mul3A_338 : i32 to index
        %get3A_341 = tpu.vector_load %arg8[%get3A_339, %get3A_340] {strides = array<i32>} : memref<8x2048xf32, #tpu.memory_space<vmem>>, vector<16xf32>,
        %gt3A = arith.constant 0.000000e+00 : f32
        %gt3A_342 = vector.broadcast %gt3A : f32 to vector<16xf32>
        %gt3A_343 = arith.cmpf ogt, %get3A_341, %gt3A_342 : vector<16xf32>
        %convert_element_type3A_344 = arith.extui %gt3A_343 : vector<16xi1> to vector<16xi32>
        %reduce_sum3A = arith.constant true
        %reduce_sum3A_345 = vector.broadcast %reduce_sum3A : i1 to vector<16xi1>
        %reduce_sum3A_346 = tpu.scan <sum>, %convert_element_type3A_344 masked %reduce_sum3A_345 : vector<16xi32>, vector<16xi1> -> vector<16xi32>
        %reduce_sum3A_347 = vector.extract %reduce_sum3A_346[15] : i32 from vector<16xi32>
        %add3A_348 = arith.addi %scan3A_336, %reduce_sum3A_347 : i32
        scf.yield %add3A_348 : i32
      }
      %scan3A_50 = arith.constant 128 : i32
      %scan3A_51 = arith.constant 0 : i32
      %scan3A_52 = arith.constant 0 : i32
      %scan3A_53 = arith.constant 128 : i32
      %scan3A_54 = arith.addi %scan3A_52, %scan3A_53 : i32
      %scan3A_55 = arith.constant 1 : i32
      %scan3A_56 = scf.for %scan3A_335 = %scan3A_52 to %scan3A_54 step %scan3A_55 iter_args(%scan3A_336 = %scan3A_51) -> (i32)  : i32 {
        %mul3A_337 = arith.constant 16 : i32
        %mul3A_338 = arith.muli %scan3A_335, %mul3A_337 : i32
        %get3A = arith.constant 7 : i32
        %get3A_339 = arith.index_cast %get3A : i32 to index
        %get3A_340 = arith.index_cast %mul3A_338 : i32 to index
        %get3A_341 = tpu.vector_load %arg8[%get3A_339, %get3A_340] {strides = array<i32>} : memref<8x2048xf32, #tpu.memory_space<vmem>>, vector<16xf32>,
        %gt3A = arith.constant 0.000000e+00 : f32
        %gt3A_342 = vector.broadcast %gt3A : f32 to vector<16xf32>
        %gt3A_343 = arith.cmpf ogt, %get3A_341, %gt3A_342 : vector<16xf32>
        %convert_element_type3A_344 = arith.extui %gt3A_343 : vector<16xi1> to vector<16xi32>
        %reduce_sum3A = arith.constant true
        %reduce_sum3A_345 = vector.broadcast %reduce_sum3A : i1 to vector<16xi1>
        %reduce_sum3A_346 = tpu.scan <sum>, %convert_element_type3A_344 masked %reduce_sum3A_345 : vector<16xi32>, vector<16xi1> -> vector<16xi32>
        %reduce_sum3A_347 = vector.extract %reduce_sum3A_346[15] : i32 from vector<16xi32>
        %add3A_348 = arith.addi %scan3A_336, %reduce_sum3A_347 : i32
        scf.yield %add3A_348 : i32
      }
      %scan3A_57 = arith.constant 128 : i32
      %add3A = arith.constant 127 : i32
      %add3A_58 = arith.addi %scan3A_7, %add3A : i32
      %jit3A = arith.constant 128 : i32
      %div3A = arith.divsi %add3A_58, %jit3A : i32
      %sign3A = arith.constant 0 : i32
      %sign3A_59 = arith.cmpi sgt, %add3A_58, %sign3A : i32
      %sign3A_60 = arith.extui %sign3A_59 : i1 to i32
      %sign3A_61 = arith.constant 0 : i32
      %sign3A_62 = arith.cmpi slt, %add3A_58, %sign3A_61 : i32
      %sign3A_63 = arith.extui %sign3A_62 : i1 to i32
      %sign3A_64 = arith.subi %sign3A_60, %sign3A_63 : i32
      %sign3A_65 = arith.constant 0 : i32
      %sign3A_66 = arith.cmpi sgt, %jit3A, %sign3A_65 : i32
      %sign3A_67 = arith.extui %sign3A_66 : i1 to i32
      %sign3A_68 = arith.constant 0 : i32
      %sign3A_69 = arith.cmpi slt, %jit3A, %sign3A_68 : i32
      %sign3A_70 = arith.extui %sign3A_69 : i1 to i32
      %sign3A_71 = arith.subi %sign3A_67, %sign3A_70 : i32
      %ne3A = arith.cmpi ne, %sign3A_64, %sign3A_71 : i32
      %rem3A = arith.remsi %add3A_58, %jit3A : i32
      %ne3A_72 = arith.constant 0 : i32
      %ne3A_73 = arith.cmpi ne, %rem3A, %ne3A_72 : i32
      %and3A_74 = arith.andi %ne3A, %ne3A_73 : i1
      %sub3A = arith.constant 1 : i32
      %sub3A_75 = arith.subi %div3A, %sub3A : i32
      %select_n3A = arith.select %and3A_74, %sub3A_75, %div3A : i32
      %add3A_76 = arith.constant 127 : i32
      %add3A_77 = arith.addi %scan3A_14, %add3A_76 : i32
      %jit3A_78 = arith.constant 128 : i32
      %div3A_79 = arith.divsi %add3A_77, %jit3A_78 : i32
      %sign3A_80 = arith.constant 0 : i32
      %sign3A_81 = arith.cmpi sgt, %add3A_77, %sign3A_80 : i32
      %sign3A_82 = arith.extui %sign3A_81 : i1 to i32
      %sign3A_83 = arith.constant 0 : i32
      %sign3A_84 = arith.cmpi slt, %add3A_77, %sign3A_83 : i32
      %sign3A_85 = arith.extui %sign3A_84 : i1 to i32
      %sign3A_86 = arith.subi %sign3A_82, %sign3A_85 : i32
      %sign3A_87 = arith.constant 0 : i32
      %sign3A_88 = arith.cmpi sgt, %jit3A_78, %sign3A_87 : i32
      %sign3A_89 = arith.extui %sign3A_88 : i1 to i32
      %sign3A_90 = arith.constant 0 : i32
      %sign3A_91 = arith.cmpi slt, %jit3A_78, %sign3A_90 : i32
      %sign3A_92 = arith.extui %sign3A_91 : i1 to i32
      %sign3A_93 = arith.subi %sign3A_89, %sign3A_92 : i32
      %ne3A_94 = arith.cmpi ne, %sign3A_86, %sign3A_93 : i32
      %rem3A_95 = arith.remsi %add3A_77, %jit3A_78 : i32
      %ne3A_96 = arith.constant 0 : i32
      %ne3A_97 = arith.cmpi ne, %rem3A_95, %ne3A_96 : i32
      %and3A_98 = arith.andi %ne3A_94, %ne3A_97 : i1
      %sub3A_99 = arith.constant 1 : i32
      %sub3A_100 = arith.subi %div3A_79, %sub3A_99 : i32
      %select_n3A_101 = arith.select %and3A_98, %sub3A_100, %div3A_79 : i32
      %add3A_102 = arith.constant 127 : i32
      %add3A_103 = arith.addi %scan3A_21, %add3A_102 : i32
      %jit3A_104 = arith.constant 128 : i32
      %div3A_105 = arith.divsi %add3A_103, %jit3A_104 : i32
      %sign3A_106 = arith.constant 0 : i32
      %sign3A_107 = arith.cmpi sgt, %add3A_103, %sign3A_106 : i32
      %sign3A_108 = arith.extui %sign3A_107 : i1 to i32
      %sign3A_109 = arith.constant 0 : i32
      %sign3A_110 = arith.cmpi slt, %add3A_103, %sign3A_109 : i32
      %sign3A_111 = arith.extui %sign3A_110 : i1 to i32
      %sign3A_112 = arith.subi %sign3A_108, %sign3A_111 : i32
      %sign3A_113 = arith.constant 0 : i32
      %sign3A_114 = arith.cmpi sgt, %jit3A_104, %sign3A_113 : i32
      %sign3A_115 = arith.extui %sign3A_114 : i1 to i32
      %sign3A_116 = arith.constant 0 : i32
      %sign3A_117 = arith.cmpi slt, %jit3A_104, %sign3A_116 : i32
      %sign3A_118 = arith.extui %sign3A_117 : i1 to i32
      %sign3A_119 = arith.subi %sign3A_115, %sign3A_118 : i32
      %ne3A_120 = arith.cmpi ne, %sign3A_112, %sign3A_119 : i32
      %rem3A_121 = arith.remsi %add3A_103, %jit3A_104 : i32
      %ne3A_122 = arith.constant 0 : i32
      %ne3A_123 = arith.cmpi ne, %rem3A_121, %ne3A_122 : i32
      %and3A_124 = arith.andi %ne3A_120, %ne3A_123 : i1
      %sub3A_125 = arith.constant 1 : i32
      %sub3A_126 = arith.subi %div3A_105, %sub3A_125 : i32
      %select_n3A_127 = arith.select %and3A_124, %sub3A_126, %div3A_105 : i32
      %add3A_128 = arith.constant 127 : i32
      %add3A_129 = arith.addi %scan3A_28, %add3A_128 : i32
      %jit3A_130 = arith.constant 128 : i32
      %div3A_131 = arith.divsi %add3A_129, %jit3A_130 : i32
      %sign3A_132 = arith.constant 0 : i32
      %sign3A_133 = arith.cmpi sgt, %add3A_129, %sign3A_132 : i32
      %sign3A_134 = arith.extui %sign3A_133 : i1 to i32
      %sign3A_135 = arith.constant 0 : i32
      %sign3A_136 = arith.cmpi slt, %add3A_129, %sign3A_135 : i32
      %sign3A_137 = arith.extui %sign3A_136 : i1 to i32
      %sign3A_138 = arith.subi %sign3A_134, %sign3A_137 : i32
      %sign3A_139 = arith.constant 0 : i32
      %sign3A_140 = arith.cmpi sgt, %jit3A_130, %sign3A_139 : i32
      %sign3A_141 = arith.extui %sign3A_140 : i1 to i32
      %sign3A_142 = arith.constant 0 : i32
      %sign3A_143 = arith.cmpi slt, %jit3A_130, %sign3A_142 : i32
      %sign3A_144 = arith.extui %sign3A_143 : i1 to i32
      %sign3A_145 = arith.subi %sign3A_141, %sign3A_144 : i32
      %ne3A_146 = arith.cmpi ne, %sign3A_138, %sign3A_145 : i32
      %rem3A_147 = arith.remsi %add3A_129, %jit3A_130 : i32
      %ne3A_148 = arith.constant 0 : i32
      %ne3A_149 = arith.cmpi ne, %rem3A_147, %ne3A_148 : i32
      %and3A_150 = arith.andi %ne3A_146, %ne3A_149 : i1
      %sub3A_151 = arith.constant 1 : i32
      %sub3A_152 = arith.subi %div3A_131, %sub3A_151 : i32
      %select_n3A_153 = arith.select %and3A_150, %sub3A_152, %div3A_131 : i32
      %add3A_154 = arith.constant 127 : i32
      %add3A_155 = arith.addi %scan3A_35, %add3A_154 : i32
      %jit3A_156 = arith.constant 128 : i32
      %div3A_157 = arith.divsi %add3A_155, %jit3A_156 : i32
      %sign3A_158 = arith.constant 0 : i32
      %sign3A_159 = arith.cmpi sgt, %add3A_155, %sign3A_158 : i32
      %sign3A_160 = arith.extui %sign3A_159 : i1 to i32
      %sign3A_161 = arith.constant 0 : i32
      %sign3A_162 = arith.cmpi slt, %add3A_155, %sign3A_161 : i32
      %sign3A_163 = arith.extui %sign3A_162 : i1 to i32
      %sign3A_164 = arith.subi %sign3A_160, %sign3A_163 : i32
      %sign3A_165 = arith.constant 0 : i32
      %sign3A_166 = arith.cmpi sgt, %jit3A_156, %sign3A_165 : i32
      %sign3A_167 = arith.extui %sign3A_166 : i1 to i32
      %sign3A_168 = arith.constant 0 : i32
      %sign3A_169 = arith.cmpi slt, %jit3A_156, %sign3A_168 : i32
      %sign3A_170 = arith.extui %sign3A_169 : i1 to i32
      %sign3A_171 = arith.subi %sign3A_167, %sign3A_170 : i32
      %ne3A_172 = arith.cmpi ne, %sign3A_164, %sign3A_171 : i32
      %rem3A_173 = arith.remsi %add3A_155, %jit3A_156 : i32
      %ne3A_174 = arith.constant 0 : i32
      %ne3A_175 = arith.cmpi ne, %rem3A_173, %ne3A_174 : i32
      %and3A_176 = arith.andi %ne3A_172, %ne3A_175 : i1
      %sub3A_177 = arith.constant 1 : i32
      %sub3A_178 = arith.subi %div3A_157, %sub3A_177 : i32
      %select_n3A_179 = arith.select %and3A_176, %sub3A_178, %div3A_157 : i32
      %add3A_180 = arith.constant 127 : i32
      %add3A_181 = arith.addi %scan3A_42, %add3A_180 : i32
      %jit3A_182 = arith.constant 128 : i32
      %div3A_183 = arith.divsi %add3A_181, %jit3A_182 : i32
      %sign3A_184 = arith.constant 0 : i32
      %sign3A_185 = arith.cmpi sgt, %add3A_181, %sign3A_184 : i32
      %sign3A_186 = arith.extui %sign3A_185 : i1 to i32
      %sign3A_187 = arith.constant 0 : i32
      %sign3A_188 = arith.cmpi slt, %add3A_181, %sign3A_187 : i32
      %sign3A_189 = arith.extui %sign3A_188 : i1 to i32
      %sign3A_190 = arith.subi %sign3A_186, %sign3A_189 : i32
      %sign3A_191 = arith.constant 0 : i32
      %sign3A_192 = arith.cmpi sgt, %jit3A_182, %sign3A_191 : i32
      %sign3A_193 = arith.extui %sign3A_192 : i1 to i32
      %sign3A_194 = arith.constant 0 : i32
      %sign3A_195 = arith.cmpi slt, %jit3A_182, %sign3A_194 : i32
      %sign3A_196 = arith.extui %sign3A_195 : i1 to i32
      %sign3A_197 = arith.subi %sign3A_193, %sign3A_196 : i32
      %ne3A_198 = arith.cmpi ne, %sign3A_190, %sign3A_197 : i32
      %rem3A_199 = arith.remsi %add3A_181, %jit3A_182 : i32
      %ne3A_200 = arith.constant 0 : i32
      %ne3A_201 = arith.cmpi ne, %rem3A_199, %ne3A_200 : i32
      %and3A_202 = arith.andi %ne3A_198, %ne3A_201 : i1
      %sub3A_203 = arith.constant 1 : i32
      %sub3A_204 = arith.subi %div3A_183, %sub3A_203 : i32
      %select_n3A_205 = arith.select %and3A_202, %sub3A_204, %div3A_183 : i32
      %add3A_206 = arith.constant 127 : i32
      %add3A_207 = arith.addi %scan3A_49, %add3A_206 : i32
      %jit3A_208 = arith.constant 128 : i32
      %div3A_209 = arith.divsi %add3A_207, %jit3A_208 : i32
      %sign3A_210 = arith.constant 0 : i32
      %sign3A_211 = arith.cmpi sgt, %add3A_207, %sign3A_210 : i32
      %sign3A_212 = arith.extui %sign3A_211 : i1 to i32
      %sign3A_213 = arith.constant 0 : i32
      %sign3A_214 = arith.cmpi slt, %add3A_207, %sign3A_213 : i32
      %sign3A_215 = arith.extui %sign3A_214 : i1 to i32
      %sign3A_216 = arith.subi %sign3A_212, %sign3A_215 : i32
      %sign3A_217 = arith.constant 0 : i32
      %sign3A_218 = arith.cmpi sgt, %jit3A_208, %sign3A_217 : i32
      %sign3A_219 = arith.extui %sign3A_218 : i1 to i32
      %sign3A_220 = arith.constant 0 : i32
      %sign3A_221 = arith.cmpi slt, %jit3A_208, %sign3A_220 : i32
      %sign3A_222 = arith.extui %sign3A_221 : i1 to i32
      %sign3A_223 = arith.subi %sign3A_219, %sign3A_222 : i32
      %ne3A_224 = arith.cmpi ne, %sign3A_216, %sign3A_223 : i32
      %rem3A_225 = arith.remsi %add3A_207, %jit3A_208 : i32
      %ne3A_226 = arith.constant 0 : i32
      %ne3A_227 = arith.cmpi ne, %rem3A_225, %ne3A_226 : i32
      %and3A_228 = arith.andi %ne3A_224, %ne3A_227 : i1
      %sub3A_229 = arith.constant 1 : i32
      %sub3A_230 = arith.subi %div3A_209, %sub3A_229 : i32
      %select_n3A_231 = arith.select %and3A_228, %sub3A_230, %div3A_209 : i32
      %add3A_232 = arith.constant 127 : i32
      %add3A_233 = arith.addi %scan3A_56, %add3A_232 : i32
      %jit3A_234 = arith.constant 128 : i32
      %div3A_235 = arith.divsi %add3A_233, %jit3A_234 : i32
      %sign3A_236 = arith.constant 0 : i32
      %sign3A_237 = arith.cmpi sgt, %add3A_233, %sign3A_236 : i32
      %sign3A_238 = arith.extui %sign3A_237 : i1 to i32
      %sign3A_239 = arith.constant 0 : i32
      %sign3A_240 = arith.cmpi slt, %add3A_233, %sign3A_239 : i32
      %sign3A_241 = arith.extui %sign3A_240 : i1 to i32
      %sign3A_242 = arith.subi %sign3A_238, %sign3A_241 : i32
      %sign3A_243 = arith.constant 0 : i32
      %sign3A_244 = arith.cmpi sgt, %jit3A_234, %sign3A_243 : i32
      %sign3A_245 = arith.extui %sign3A_244 : i1 to i32
      %sign3A_246 = arith.constant 0 : i32
      %sign3A_247 = arith.cmpi slt, %jit3A_234, %sign3A_246 : i32
      %sign3A_248 = arith.extui %sign3A_247 : i1 to i32
      %sign3A_249 = arith.subi %sign3A_245, %sign3A_248 : i32
      %ne3A_250 = arith.cmpi ne, %sign3A_242, %sign3A_249 : i32
      %rem3A_251 = arith.remsi %add3A_233, %jit3A_234 : i32
      %ne3A_252 = arith.constant 0 : i32
      %ne3A_253 = arith.cmpi ne, %rem3A_251, %ne3A_252 : i32
      %and3A_254 = arith.andi %ne3A_250, %ne3A_253 : i1
      %sub3A_255 = arith.constant 1 : i32
      %sub3A_256 = arith.subi %div3A_235, %sub3A_255 : i32
      %select_n3A_257 = arith.select %and3A_254, %sub3A_256, %div3A_235 : i32
      %add3A_258 = arith.constant 0 : i32
      %add3A_259 = arith.addi %add3A_258, %select_n3A : i32
      %add3A_260 = arith.addi %add3A_259, %select_n3A_101 : i32
      %add3A_261 = arith.addi %add3A_260, %select_n3A_127 : i32
      %add3A_262 = arith.addi %add3A_261, %select_n3A_153 : i32
      %add3A_263 = arith.addi %add3A_262, %select_n3A_179 : i32
      %add3A_264 = arith.addi %add3A_263, %select_n3A_205 : i32
      %add3A_265 = arith.addi %add3A_264, %select_n3A_231 : i32
      %add3A_266 = arith.addi %add3A_265, %select_n3A_257 : i32
      %mul3A = arith.constant 0 : i32
      %mul3A_267 = arith.constant 128 : i32
      %mul3A_268 = arith.muli %mul3A, %mul3A_267 : i32
      %mul3A_269 = arith.constant 128 : i32
      %mul3A_270 = arith.muli %add3A_259, %mul3A_269 : i32
      %mul3A_271 = arith.constant 128 : i32
      %mul3A_272 = arith.muli %add3A_260, %mul3A_271 : i32
      %mul3A_273 = arith.constant 128 : i32
      %mul3A_274 = arith.muli %add3A_261, %mul3A_273 : i32
      %mul3A_275 = arith.constant 128 : i32
      %mul3A_276 = arith.muli %add3A_262, %mul3A_275 : i32
      %mul3A_277 = arith.constant 128 : i32
      %mul3A_278 = arith.muli %add3A_263, %mul3A_277 : i32
      %mul3A_279 = arith.constant 128 : i32
      %mul3A_280 = arith.muli %add3A_264, %mul3A_279 : i32
      %mul3A_281 = arith.constant 128 : i32
      %mul3A_282 = arith.muli %add3A_265, %mul3A_281 : i32
      %mul3A_283 = arith.constant 128 : i32
      %mul3A_284 = arith.muli %add3A_266, %mul3A_283 : i32
      %eq3A_285 = arith.constant 0 : i32
      %eq3A_286 = arith.cmpi eq, %arg1, %eq3A_285 : i32
      %convert_element_type3A_287 = arith.extui %eq3A_286 : i1 to i32
      %cond3A_288 = arith.constant 0 : i32
      %cond3A_289 = arith.cmpi ne, %convert_element_type3A_287, %cond3A_288 : i32
      scf.if %cond3A_289 {
        %scan3A_335 = arith.constant 0 : i32
        %scan3A_336 = arith.constant 0 : i32
        %scan3A_337 = arith.constant 129 : i32
        %scan3A_338 = arith.addi %scan3A_336, %scan3A_337 : i32
        %scan3A_339 = arith.constant 1 : i32
        %scan3A_340 = scf.for %scan3A_360 = %scan3A_336 to %scan3A_338 step %scan3A_339 iter_args(%scan3A_361 = %scan3A_335) -> (i32)  : i32 {
          %broadcast_in_dim3A = arith.constant 0 : i32
          %broadcast_in_dim3A_362 = vector.broadcast %broadcast_in_dim3A : i32 to vector<16xi32>
          %mul3A_363 = arith.constant 16 : i32
          %mul3A_364 = arith.muli %scan3A_360, %mul3A_363 : i32
          %swap3A = arith.index_cast %mul3A_364 : i32 to index
          %swap3A_365 = tpu.vector_load %arg9[%swap3A] {strides = array<i32>} : memref<2064xi32, #tpu.memory_space<vmem>>, vector<16xi32>,
          tpu.vector_store %arg9[%swap3A], %broadcast_in_dim3A_362 {strides = array<i32>} : memref<2064xi32, #tpu.memory_space<vmem>>, vector<16xi32>,
          %broadcast_in_dim3A_366 = arith.constant 0.000000e+00 : f32
          %broadcast_in_dim3A_367 = vector.broadcast %broadcast_in_dim3A_366 : f32 to vector<16xf32>
          %mul3A_368 = arith.constant 16 : i32
          %mul3A_369 = arith.muli %scan3A_360, %mul3A_368 : i32
          %swap3A_370 = arith.index_cast %mul3A_369 : i32 to index
          %swap3A_371 = tpu.vector_load %arg10[%swap3A_370] {strides = array<i32>} : memref<2064xf32, #tpu.memory_space<vmem>>, vector<16xf32>,
          tpu.vector_store %arg10[%swap3A_370], %broadcast_in_dim3A_367 {strides = array<i32>} : memref<2064xf32, #tpu.memory_space<vmem>>, vector<16xf32>,
          %scan3A_372 = arith.constant 0 : i32
          scf.yield %scan3A_372 : i32
        }
        %scan3A_341 = arith.constant 129 : i32
        %scan3A_342 = arith.constant 0 : i32
        %scan3A_343 = arith.constant 0 : i32
        %scan3A_344 = arith.constant 128 : i32
        %scan3A_345 = arith.addi %scan3A_343, %scan3A_344 : i32
        %scan3A_346 = arith.constant 1 : i32
        %scan3A_347 = scf.for %scan3A_360 = %scan3A_343 to %scan3A_345 step %scan3A_346 iter_args(%scan3A_361 = %scan3A_342) -> (i32)  : i32 {
          %mul3A_362 = arith.constant 16 : i32
          %mul3A_363 = arith.muli %scan3A_360, %mul3A_362 : i32
          %get3A = arith.constant 0 : i32
          %get3A_364 = arith.index_cast %get3A : i32 to index
          %get3A_365 = arith.index_cast %mul3A_363 : i32 to index
          %get3A_366 = tpu.vector_load %arg8[%get3A_364, %get3A_365] {strides = array<i32>} : memref<8x2048xf32, #tpu.memory_space<vmem>>, vector<16xf32>,
          %gt3A = arith.constant 0.000000e+00 : f32
          %gt3A_367 = vector.broadcast %gt3A : f32 to vector<16xf32>
          %gt3A_368 = arith.cmpf ogt, %get3A_366, %gt3A_367 : vector<16xf32>
          %mul3A_369 = arith.constant 16 : i32
          %mul3A_370 = arith.muli %scan3A_360, %mul3A_369 : i32
          %iota3A = tpu.iota {dimensions = array<i32: 0>} : vector<16xi32>
          %add3A_371 = vector.broadcast %mul3A_370 : i32 to vector<16xi32>
          %add3A_372 = arith.addi %add3A_371, %iota3A : vector<16xi32>
          %swap3A = arith.index_cast %scan3A_361 : i32 to index
          %swap3A_373 = tpu.vector_load %arg9[%swap3A] masked %gt3A_368 {strides = array<i32>} : memref<2064xi32, #tpu.memory_space<vmem>>, vector<16xi32>, vector<16xi1>
          tpu.vector_store %arg9[%swap3A], %add3A_372 masked %gt3A_368 {strides = array<i32>} : memref<2064xi32, #tpu.memory_space<vmem>>, vector<16xi32>, vector<16xi1>
          %swap3A_374 = arith.index_cast %scan3A_361 : i32 to index
          %swap3A_375 = tpu.vector_load %arg10[%swap3A_374] masked %gt3A_368 {strides = array<i32>} : memref<2064xf32, #tpu.memory_space<vmem>>, vector<16xf32>, vector<16xi1>
          tpu.vector_store %arg10[%swap3A_374], %get3A_366 masked %gt3A_368 {strides = array<i32>} : memref<2064xf32, #tpu.memory_space<vmem>>, vector<16xf32>, vector<16xi1>
          %convert_element_type3A_376 = arith.extui %gt3A_368 : vector<16xi1> to vector<16xi32>
          %reduce_sum3A = arith.constant true
          %reduce_sum3A_377 = vector.broadcast %reduce_sum3A : i1 to vector<16xi1>
          %reduce_sum3A_378 = tpu.scan <sum>, %convert_element_type3A_376 masked %reduce_sum3A_377 : vector<16xi32>, vector<16xi1> -> vector<16xi32>
          %reduce_sum3A_379 = vector.extract %reduce_sum3A_378[15] : i32 from vector<16xi32>
          %add3A_380 = arith.addi %scan3A_361, %reduce_sum3A_379 : i32
          scf.yield %add3A_380 : i32
        }
        %scan3A_348 = arith.constant 128 : i32
        %while3A = arith.constant 0 : i32
        %while3A_349 = arith.constant 0 : i32
        %while3A_350 = arith.subi %select_n3A, %while3A : i32
        %while3A_351 = arith.addi %while3A, %while3A_350 : i32
        %while3A_352 = arith.constant 1 : i32
        %while3A_353 = arith.divsi %while3A_350, %while3A_352 : i32
        %while3A_354 = arith.muli %while3A_353, %while3A_352 : i32
        %while3A_355 = arith.addi %while3A, %while3A_354 : i32
        %while3A_356 = arith.constant 1 : i32
        %while3A_357 = scf.for %while3A_360 = %while3A to %while3A_355 step %while3A_356 iter_args(%while3A_361 = %while3A_349) -> (i32)  : i32 {
          %mul3A_362 = arith.constant 128 : i32
          %mul3A_363 = arith.muli %while3A_360, %mul3A_362 : i32
          %mul3A_364 = arith.constant 128 : i32
          %mul3A_365 = arith.muli %while3A_360, %mul3A_364 : i32
          %add3A_366 = arith.addi %mul3A_268, %mul3A_365 : i32
          "tpu.region"() ({
            %run_scoped3A = tpu.sem_alloc : memref<!tpu.dma_semaphore, #tpu.memory_space<semaphore_mem>>
            %dma_start3A = tpu.memref_slice %arg9[%mul3A_363] : memref<2064xi32, #tpu.memory_space<vmem>> -> memref<128xi32, #tpu.memory_space<vmem>>
            %dma_start3A_373 = tpu.memref_slice %arg3[%add3A_366] : memref<5120xi32, #tpu.memory_space<hbm>> -> memref<128xi32, #tpu.memory_space<hbm>>
            %dma_start3A_374 = tpu.memref_slice %arg3[%add3A_366] : memref<5120xi32, #tpu.memory_space<hbm>> -> memref<128xi32, #tpu.memory_space<hbm>>
            %dma_start3A_375 = tpu.memref_slice %arg9[%mul3A_363] : memref<2064xi32, #tpu.memory_space<vmem>> -> memref<128xi32, #tpu.memory_space<vmem>>
            tpu.enqueue_dma source(%dma_start3A_375 : memref<128xi32, #tpu.memory_space<vmem>>) target(%dma_start3A_374 : memref<128xi32, #tpu.memory_space<hbm>>) target_semaphore(%run_scoped3A : memref<!tpu.dma_semaphore, #tpu.memory_space<semaphore_mem>>)
            %dma_wait3A = tpu.memref_slice %arg9[%mul3A_363] : memref<2064xi32, #tpu.memory_space<vmem>> -> memref<128xi32, #tpu.memory_space<vmem>>
            %dma_wait3A_376 = tpu.memref_slice %arg3[%add3A_366] : memref<5120xi32, #tpu.memory_space<hbm>> -> memref<128xi32, #tpu.memory_space<hbm>>
            %dma_wait3A_377 = tpu.memref_slice %arg3[%add3A_366] : memref<5120xi32, #tpu.memory_space<hbm>> -> memref<128xi32, #tpu.memory_space<hbm>>
            %dma_wait3A_378 = tpu.memref_slice %arg9[%mul3A_363] : memref<2064xi32, #tpu.memory_space<vmem>> -> memref<128xi32, #tpu.memory_space<vmem>>
            tpu.wait_dma2 semaphore(%run_scoped3A : memref<!tpu.dma_semaphore, #tpu.memory_space<semaphore_mem>>) src(%dma_wait3A_378 : memref<128xi32, #tpu.memory_space<vmem>>) dst(%dma_wait3A_377 : memref<128xi32, #tpu.memory_space<hbm>>)
            tpu.yield
          }) : () -> ()
          %mul3A_367 = arith.constant 128 : i32
          %mul3A_368 = arith.muli %while3A_360, %mul3A_367 : i32
          %mul3A_369 = arith.constant 128 : i32
          %mul3A_370 = arith.muli %while3A_360, %mul3A_369 : i32
          %add3A_371 = arith.addi %mul3A_268, %mul3A_370 : i32
          "tpu.region"() ({
            %run_scoped3A = tpu.sem_alloc : memref<!tpu.dma_semaphore, #tpu.memory_space<semaphore_mem>>
            %dma_start3A = tpu.memref_slice %arg10[%mul3A_368] : memref<2064xf32, #tpu.memory_space<vmem>> -> memref<128xf32, #tpu.memory_space<vmem>>
            %dma_start3A_373 = tpu.memref_slice %arg4[%add3A_371] : memref<5120xf32, #tpu.memory_space<hbm>> -> memref<128xf32, #tpu.memory_space<hbm>>
            %dma_start3A_374 = tpu.memref_slice %arg4[%add3A_371] : memref<5120xf32, #tpu.memory_space<hbm>> -> memref<128xf32, #tpu.memory_space<hbm>>
            %dma_start3A_375 = tpu.memref_slice %arg10[%mul3A_368] : memref<2064xf32, #tpu.memory_space<vmem>> -> memref<128xf32, #tpu.memory_space<vmem>>
            tpu.enqueue_dma source(%dma_start3A_375 : memref<128xf32, #tpu.memory_space<vmem>>) target(%dma_start3A_374 : memref<128xf32, #tpu.memory_space<hbm>>) target_semaphore(%run_scoped3A : memref<!tpu.dma_semaphore, #tpu.memory_space<semaphore_mem>>)
            %dma_wait3A = tpu.memref_slice %arg10[%mul3A_368] : memref<2064xf32, #tpu.memory_space<vmem>> -> memref<128xf32, #tpu.memory_space<vmem>>
            %dma_wait3A_376 = tpu.memref_slice %arg4[%add3A_371] : memref<5120xf32, #tpu.memory_space<hbm>> -> memref<128xf32, #tpu.memory_space<hbm>>
            %dma_wait3A_377 = tpu.memref_slice %arg4[%add3A_371] : memref<5120xf32, #tpu.memory_space<hbm>> -> memref<128xf32, #tpu.memory_space<hbm>>
            %dma_wait3A_378 = tpu.memref_slice %arg10[%mul3A_368] : memref<2064xf32, #tpu.memory_space<vmem>> -> memref<128xf32, #tpu.memory_space<vmem>>
            tpu.wait_dma2 semaphore(%run_scoped3A : memref<!tpu.dma_semaphore, #tpu.memory_space<semaphore_mem>>) src(%dma_wait3A_378 : memref<128xf32, #tpu.memory_space<vmem>>) dst(%dma_wait3A_377 : memref<128xf32, #tpu.memory_space<hbm>>)
            tpu.yield
          }) : () -> ()
          %while3A_372 = arith.constant 0 : i32
          scf.yield %while3A_372 : i32
        }
        %while3A_358 = arith.constant 1 : i32
        %while3A_359 = scf.for %while3A_360 = %while3A_355 to %while3A_351 step %while3A_358 iter_args(%while3A_361 = %while3A_357) -> (i32)  : i32 {
          %mul3A_362 = arith.constant 128 : i32
          %mul3A_363 = arith.muli %while3A_360, %mul3A_362 : i32
          %mul3A_364 = arith.constant 128 : i32
          %mul3A_365 = arith.muli %while3A_360, %mul3A_364 : i32
          %add3A_366 = arith.addi %mul3A_268, %mul3A_365 : i32
          "tpu.region"() ({
            %run_scoped3A = tpu.sem_alloc : memref<!tpu.dma_semaphore, #tpu.memory_space<semaphore_mem>>
            %dma_start3A = tpu.memref_slice %arg9[%mul3A_363] : memref<2064xi32, #tpu.memory_space<vmem>> -> memref<128xi32, #tpu.memory_space<vmem>>
            %dma_start3A_373 = tpu.memref_slice %arg3[%add3A_366] : memref<5120xi32, #tpu.memory_space<hbm>> -> memref<128xi32, #tpu.memory_space<hbm>>
            %dma_start3A_374 = tpu.memref_slice %arg3[%add3A_366] : memref<5120xi32, #tpu.memory_space<hbm>> -> memref<128xi32, #tpu.memory_space<hbm>>
            %dma_start3A_375 = tpu.memref_slice %arg9[%mul3A_363] : memref<2064xi32, #tpu.memory_space<vmem>> -> memref<128xi32, #tpu.memory_space<vmem>>
            tpu.enqueue_dma source(%dma_start3A_375 : memref<128xi32, #tpu.memory_space<vmem>>) target(%dma_start3A_374 : memref<128xi32, #tpu.memory_space<hbm>>) target_semaphore(%run_scoped3A : memref<!tpu.dma_semaphore, #tpu.memory_space<semaphore_mem>>)
            %dma_wait3A = tpu.memref_slice %arg9[%mul3A_363] : memref<2064xi32, #tpu.memory_space<vmem>> -> memref<128xi32, #tpu.memory_space<vmem>>
            %dma_wait3A_376 = tpu.memref_slice %arg3[%add3A_366] : memref<5120xi32, #tpu.memory_space<hbm>> -> memref<128xi32, #tpu.memory_space<hbm>>
            %dma_wait3A_377 = tpu.memref_slice %arg3[%add3A_366] : memref<5120xi32, #tpu.memory_space<hbm>> -> memref<128xi32, #tpu.memory_space<hbm>>
            %dma_wait3A_378 = tpu.memref_slice %arg9[%mul3A_363] : memref<2064xi32, #tpu.memory_space<vmem>> -> memref<128xi32, #tpu.memory_space<vmem>>
            tpu.wait_dma2 semaphore(%run_scoped3A : memref<!tpu.dma_semaphore, #tpu.memory_space<semaphore_mem>>) src(%dma_wait3A_378 : memref<128xi32, #tpu.memory_space<vmem>>) dst(%dma_wait3A_377 : memref<128xi32, #tpu.memory_space<hbm>>)
            tpu.yield
          }) : () -> ()
          %mul3A_367 = arith.constant 128 : i32
          %mul3A_368 = arith.muli %while3A_360, %mul3A_367 : i32
          %mul3A_369 = arith.constant 128 : i32
          %mul3A_370 = arith.muli %while3A_360, %mul3A_369 : i32
          %add3A_371 = arith.addi %mul3A_268, %mul3A_370 : i32
          "tpu.region"() ({
            %run_scoped3A = tpu.sem_alloc : memref<!tpu.dma_semaphore, #tpu.memory_space<semaphore_mem>>
            %dma_start3A = tpu.memref_slice %arg10[%mul3A_368] : memref<2064xf32, #tpu.memory_space<vmem>> -> memref<128xf32, #tpu.memory_space<vmem>>
            %dma_start3A_373 = tpu.memref_slice %arg4[%add3A_371] : memref<5120xf32, #tpu.memory_space<hbm>> -> memref<128xf32, #tpu.memory_space<hbm>>
            %dma_start3A_374 = tpu.memref_slice %arg4[%add3A_371] : memref<5120xf32, #tpu.memory_space<hbm>> -> memref<128xf32, #tpu.memory_space<hbm>>
            %dma_start3A_375 = tpu.memref_slice %arg10[%mul3A_368] : memref<2064xf32, #tpu.memory_space<vmem>> -> memref<128xf32, #tpu.memory_space<vmem>>
            tpu.enqueue_dma source(%dma_start3A_375 : memref<128xf32, #tpu.memory_space<vmem>>) target(%dma_start3A_374 : memref<128xf32, #tpu.memory_space<hbm>>) target_semaphore(%run_scoped3A : memref<!tpu.dma_semaphore, #tpu.memory_space<semaphore_mem>>)
            %dma_wait3A = tpu.memref_slice %arg10[%mul3A_368] : memref<2064xf32, #tpu.memory_space<vmem>> -> memref<128xf32, #tpu.memory_space<vmem>>
            %dma_wait3A_376 = tpu.memref_slice %arg4[%add3A_371] : memref<5120xf32, #tpu.memory_space<hbm>> -> memref<128xf32, #tpu.memory_space<hbm>>
            %dma_wait3A_377 = tpu.memref_slice %arg4[%add3A_371] : memref<5120xf32, #tpu.memory_space<hbm>> -> memref<128xf32, #tpu.memory_space<hbm>>
            %dma_wait3A_378 = tpu.memref_slice %arg10[%mul3A_368] : memref<2064xf32, #tpu.memory_space<vmem>> -> memref<128xf32, #tpu.memory_space<vmem>>
            tpu.wait_dma2 semaphore(%run_scoped3A : memref<!tpu.dma_semaphore, #tpu.memory_space<semaphore_mem>>) src(%dma_wait3A_378 : memref<128xf32, #tpu.memory_space<vmem>>) dst(%dma_wait3A_377 : memref<128xf32, #tpu.memory_space<hbm>>)
            tpu.yield
          }) : () -> ()
          %while3A_372 = arith.constant 0 : i32
          scf.yield %while3A_372 : i32
        }
      } else {
      }
      %eq3A_290 = arith.constant 1 : i32
      %eq3A_291 = arith.cmpi eq, %arg1, %eq3A_290 : i32
      %convert_element_type3A_292 = arith.extui %eq3A_291 : i1 to i32
      %cond3A_293 = arith.constant 0 : i32
      %cond3A_294 = arith.cmpi ne, %convert_element_type3A_292, %cond3A_293 : i32
      scf.if %cond3A_294 {
        %scan3A_335 = arith.constant 0 : i32
        %scan3A_336 = arith.constant 0 : i32
        %scan3A_337 = arith.constant 129 : i32
        %scan3A_338 = arith.addi %scan3A_336, %scan3A_337 : i32
        %scan3A_339 = arith.constant 1 : i32
        %scan3A_340 = scf.for %scan3A_360 = %scan3A_336 to %scan3A_338 step %scan3A_339 iter_args(%scan3A_361 = %scan3A_335) -> (i32)  : i32 {
          %broadcast_in_dim3A = arith.constant 0 : i32
          %broadcast_in_dim3A_362 = vector.broadcast %broadcast_in_dim3A : i32 to vector<16xi32>
          %mul3A_363 = arith.constant 16 : i32
          %mul3A_364 = arith.muli %scan3A_360, %mul3A_363 : i32
          %swap3A = arith.index_cast %mul3A_364 : i32 to index
          %swap3A_365 = tpu.vector_load %arg9[%swap3A] {strides = array<i32>} : memref<2064xi32, #tpu.memory_space<vmem>>, vector<16xi32>,
          tpu.vector_store %arg9[%swap3A], %broadcast_in_dim3A_362 {strides = array<i32>} : memref<2064xi32, #tpu.memory_space<vmem>>, vector<16xi32>,
          %broadcast_in_dim3A_366 = arith.constant 0.000000e+00 : f32
          %broadcast_in_dim3A_367 = vector.broadcast %broadcast_in_dim3A_366 : f32 to vector<16xf32>
          %mul3A_368 = arith.constant 16 : i32
          %mul3A_369 = arith.muli %scan3A_360, %mul3A_368 : i32
          %swap3A_370 = arith.index_cast %mul3A_369 : i32 to index
          %swap3A_371 = tpu.vector_load %arg10[%swap3A_370] {strides = array<i32>} : memref<2064xf32, #tpu.memory_space<vmem>>, vector<16xf32>,
          tpu.vector_store %arg10[%swap3A_370], %broadcast_in_dim3A_367 {strides = array<i32>} : memref<2064xf32, #tpu.memory_space<vmem>>, vector<16xf32>,
          %scan3A_372 = arith.constant 0 : i32
          scf.yield %scan3A_372 : i32
        }
        %scan3A_341 = arith.constant 129 : i32
        %scan3A_342 = arith.constant 0 : i32
        %scan3A_343 = arith.constant 0 : i32
        %scan3A_344 = arith.constant 128 : i32
        %scan3A_345 = arith.addi %scan3A_343, %scan3A_344 : i32
        %scan3A_346 = arith.constant 1 : i32
        %scan3A_347 = scf.for %scan3A_360 = %scan3A_343 to %scan3A_345 step %scan3A_346 iter_args(%scan3A_361 = %scan3A_342) -> (i32)  : i32 {
          %mul3A_362 = arith.constant 16 : i32
          %mul3A_363 = arith.muli %scan3A_360, %mul3A_362 : i32
          %get3A = arith.constant 1 : i32
          %get3A_364 = arith.index_cast %get3A : i32 to index
          %get3A_365 = arith.index_cast %mul3A_363 : i32 to index
          %get3A_366 = tpu.vector_load %arg8[%get3A_364, %get3A_365] {strides = array<i32>} : memref<8x2048xf32, #tpu.memory_space<vmem>>, vector<16xf32>,
          %gt3A = arith.constant 0.000000e+00 : f32
          %gt3A_367 = vector.broadcast %gt3A : f32 to vector<16xf32>
          %gt3A_368 = arith.cmpf ogt, %get3A_366, %gt3A_367 : vector<16xf32>
          %mul3A_369 = arith.constant 16 : i32
          %mul3A_370 = arith.muli %scan3A_360, %mul3A_369 : i32
          %iota3A = tpu.iota {dimensions = array<i32: 0>} : vector<16xi32>
          %add3A_371 = vector.broadcast %mul3A_370 : i32 to vector<16xi32>
          %add3A_372 = arith.addi %add3A_371, %iota3A : vector<16xi32>
          %swap3A = arith.index_cast %scan3A_361 : i32 to index
          %swap3A_373 = tpu.vector_load %arg9[%swap3A] masked %gt3A_368 {strides = array<i32>} : memref<2064xi32, #tpu.memory_space<vmem>>, vector<16xi32>, vector<16xi1>
          tpu.vector_store %arg9[%swap3A], %add3A_372 masked %gt3A_368 {strides = array<i32>} : memref<2064xi32, #tpu.memory_space<vmem>>, vector<16xi32>, vector<16xi1>
          %swap3A_374 = arith.index_cast %scan3A_361 : i32 to index
          %swap3A_375 = tpu.vector_load %arg10[%swap3A_374] masked %gt3A_368 {strides = array<i32>} : memref<2064xf32, #tpu.memory_space<vmem>>, vector<16xf32>, vector<16xi1>
          tpu.vector_store %arg10[%swap3A_374], %get3A_366 masked %gt3A_368 {strides = array<i32>} : memref<2064xf32, #tpu.memory_space<vmem>>, vector<16xf32>, vector<16xi1>
          %convert_element_type3A_376 = arith.extui %gt3A_368 : vector<16xi1> to vector<16xi32>
          %reduce_sum3A = arith.constant true
          %reduce_sum3A_377 = vector.broadcast %reduce_sum3A : i1 to vector<16xi1>
          %reduce_sum3A_378 = tpu.scan <sum>, %convert_element_type3A_376 masked %reduce_sum3A_377 : vector<16xi32>, vector<16xi1> -> vector<16xi32>
          %reduce_sum3A_379 = vector.extract %reduce_sum3A_378[15] : i32 from vector<16xi32>
          %add3A_380 = arith.addi %scan3A_361, %reduce_sum3A_379 : i32
          scf.yield %add3A_380 : i32
        }
        %scan3A_348 = arith.constant 128 : i32
        %while3A = arith.constant 0 : i32
        %while3A_349 = arith.constant 0 : i32
        %while3A_350 = arith.subi %select_n3A_101, %while3A : i32
        %while3A_351 = arith.addi %while3A, %while3A_350 : i32
        %while3A_352 = arith.constant 1 : i32
        %while3A_353 = arith.divsi %while3A_350, %while3A_352 : i32
        %while3A_354 = arith.muli %while3A_353, %while3A_352 : i32
        %while3A_355 = arith.addi %while3A, %while3A_354 : i32
        %while3A_356 = arith.constant 1 : i32
        %while3A_357 = scf.for %while3A_360 = %while3A to %while3A_355 step %while3A_356 iter_args(%while3A_361 = %while3A_349) -> (i32)  : i32 {
          %mul3A_362 = arith.constant 128 : i32
          %mul3A_363 = arith.muli %while3A_360, %mul3A_362 : i32
          %mul3A_364 = arith.constant 128 : i32
          %mul3A_365 = arith.muli %while3A_360, %mul3A_364 : i32
          %add3A_366 = arith.addi %mul3A_270, %mul3A_365 : i32
          "tpu.region"() ({
            %run_scoped3A = tpu.sem_alloc : memref<!tpu.dma_semaphore, #tpu.memory_space<semaphore_mem>>
            %dma_start3A = tpu.memref_slice %arg9[%mul3A_363] : memref<2064xi32, #tpu.memory_space<vmem>> -> memref<128xi32, #tpu.memory_space<vmem>>
            %dma_start3A_373 = tpu.memref_slice %arg3[%add3A_366] : memref<5120xi32, #tpu.memory_space<hbm>> -> memref<128xi32, #tpu.memory_space<hbm>>
            %dma_start3A_374 = tpu.memref_slice %arg3[%add3A_366] : memref<5120xi32, #tpu.memory_space<hbm>> -> memref<128xi32, #tpu.memory_space<hbm>>
            %dma_start3A_375 = tpu.memref_slice %arg9[%mul3A_363] : memref<2064xi32, #tpu.memory_space<vmem>> -> memref<128xi32, #tpu.memory_space<vmem>>
            tpu.enqueue_dma source(%dma_start3A_375 : memref<128xi32, #tpu.memory_space<vmem>>) target(%dma_start3A_374 : memref<128xi32, #tpu.memory_space<hbm>>) target_semaphore(%run_scoped3A : memref<!tpu.dma_semaphore, #tpu.memory_space<semaphore_mem>>)
            %dma_wait3A = tpu.memref_slice %arg9[%mul3A_363] : memref<2064xi32, #tpu.memory_space<vmem>> -> memref<128xi32, #tpu.memory_space<vmem>>
            %dma_wait3A_376 = tpu.memref_slice %arg3[%add3A_366] : memref<5120xi32, #tpu.memory_space<hbm>> -> memref<128xi32, #tpu.memory_space<hbm>>
            %dma_wait3A_377 = tpu.memref_slice %arg3[%add3A_366] : memref<5120xi32, #tpu.memory_space<hbm>> -> memref<128xi32, #tpu.memory_space<hbm>>
            %dma_wait3A_378 = tpu.memref_slice %arg9[%mul3A_363] : memref<2064xi32, #tpu.memory_space<vmem>> -> memref<128xi32, #tpu.memory_space<vmem>>
            tpu.wait_dma2 semaphore(%run_scoped3A : memref<!tpu.dma_semaphore, #tpu.memory_space<semaphore_mem>>) src(%dma_wait3A_378 : memref<128xi32, #tpu.memory_space<vmem>>) dst(%dma_wait3A_377 : memref<128xi32, #tpu.memory_space<hbm>>)
            tpu.yield
          }) : () -> ()
          %mul3A_367 = arith.constant 128 : i32
          %mul3A_368 = arith.muli %while3A_360, %mul3A_367 : i32
          %mul3A_369 = arith.constant 128 : i32
          %mul3A_370 = arith.muli %while3A_360, %mul3A_369 : i32
          %add3A_371 = arith.addi %mul3A_270, %mul3A_370 : i32
          "tpu.region"() ({
            %run_scoped3A = tpu.sem_alloc : memref<!tpu.dma_semaphore, #tpu.memory_space<semaphore_mem>>
            %dma_start3A = tpu.memref_slice %arg10[%mul3A_368] : memref<2064xf32, #tpu.memory_space<vmem>> -> memref<128xf32, #tpu.memory_space<vmem>>
            %dma_start3A_373 = tpu.memref_slice %arg4[%add3A_371] : memref<5120xf32, #tpu.memory_space<hbm>> -> memref<128xf32, #tpu.memory_space<hbm>>
            %dma_start3A_374 = tpu.memref_slice %arg4[%add3A_371] : memref<5120xf32, #tpu.memory_space<hbm>> -> memref<128xf32, #tpu.memory_space<hbm>>
            %dma_start3A_375 = tpu.memref_slice %arg10[%mul3A_368] : memref<2064xf32, #tpu.memory_space<vmem>> -> memref<128xf32, #tpu.memory_space<vmem>>
            tpu.enqueue_dma source(%dma_start3A_375 : memref<128xf32, #tpu.memory_space<vmem>>) target(%dma_start3A_374 : memref<128xf32, #tpu.memory_space<hbm>>) target_semaphore(%run_scoped3A : memref<!tpu.dma_semaphore, #tpu.memory_space<semaphore_mem>>)
            %dma_wait3A = tpu.memref_slice %arg10[%mul3A_368] : memref<2064xf32, #tpu.memory_space<vmem>> -> memref<128xf32, #tpu.memory_space<vmem>>
            %dma_wait3A_376 = tpu.memref_slice %arg4[%add3A_371] : memref<5120xf32, #tpu.memory_space<hbm>> -> memref<128xf32, #tpu.memory_space<hbm>>
            %dma_wait3A_377 = tpu.memref_slice %arg4[%add3A_371] : memref<5120xf32, #tpu.memory_space<hbm>> -> memref<128xf32, #tpu.memory_space<hbm>>
            %dma_wait3A_378 = tpu.memref_slice %arg10[%mul3A_368] : memref<2064xf32, #tpu.memory_space<vmem>> -> memref<128xf32, #tpu.memory_space<vmem>>
            tpu.wait_dma2 semaphore(%run_scoped3A : memref<!tpu.dma_semaphore, #tpu.memory_space<semaphore_mem>>) src(%dma_wait3A_378 : memref<128xf32, #tpu.memory_space<vmem>>) dst(%dma_wait3A_377 : memref<128xf32, #tpu.memory_space<hbm>>)
            tpu.yield
          }) : () -> ()
          %while3A_372 = arith.constant 0 : i32
          scf.yield %while3A_372 : i32
        }
        %while3A_358 = arith.constant 1 : i32
        %while3A_359 = scf.for %while3A_360 = %while3A_355 to %while3A_351 step %while3A_358 iter_args(%while3A_361 = %while3A_357) -> (i32)  : i32 {
          %mul3A_362 = arith.constant 128 : i32
          %mul3A_363 = arith.muli %while3A_360, %mul3A_362 : i32
          %mul3A_364 = arith.constant 128 : i32
          %mul3A_365 = arith.muli %while3A_360, %mul3A_364 : i32
          %add3A_366 = arith.addi %mul3A_270, %mul3A_365 : i32
          "tpu.region"() ({
            %run_scoped3A = tpu.sem_alloc : memref<!tpu.dma_semaphore, #tpu.memory_space<semaphore_mem>>
            %dma_start3A = tpu.memref_slice %arg9[%mul3A_363] : memref<2064xi32, #tpu.memory_space<vmem>> -> memref<128xi32, #tpu.memory_space<vmem>>
            %dma_start3A_373 = tpu.memref_slice %arg3[%add3A_366] : memref<5120xi32, #tpu.memory_space<hbm>> -> memref<128xi32, #tpu.memory_space<hbm>>
            %dma_start3A_374 = tpu.memref_slice %arg3[%add3A_366] : memref<5120xi32, #tpu.memory_space<hbm>> -> memref<128xi32, #tpu.memory_space<hbm>>
            %dma_start3A_375 = tpu.memref_slice %arg9[%mul3A_363] : memref<2064xi32, #tpu.memory_space<vmem>> -> memref<128xi32, #tpu.memory_space<vmem>>
            tpu.enqueue_dma source(%dma_start3A_375 : memref<128xi32, #tpu.memory_space<vmem>>) target(%dma_start3A_374 : memref<128xi32, #tpu.memory_space<hbm>>) target_semaphore(%run_scoped3A : memref<!tpu.dma_semaphore, #tpu.memory_space<semaphore_mem>>)
            %dma_wait3A = tpu.memref_slice %arg9[%mul3A_363] : memref<2064xi32, #tpu.memory_space<vmem>> -> memref<128xi32, #tpu.memory_space<vmem>>
            %dma_wait3A_376 = tpu.memref_slice %arg3[%add3A_366] : memref<5120xi32, #tpu.memory_space<hbm>> -> memref<128xi32, #tpu.memory_space<hbm>>
            %dma_wait3A_377 = tpu.memref_slice %arg3[%add3A_366] : memref<5120xi32, #tpu.memory_space<hbm>> -> memref<128xi32, #tpu.memory_space<hbm>>
            %dma_wait3A_378 = tpu.memref_slice %arg9[%mul3A_363] : memref<2064xi32, #tpu.memory_space<vmem>> -> memref<128xi32, #tpu.memory_space<vmem>>
            tpu.wait_dma2 semaphore(%run_scoped3A : memref<!tpu.dma_semaphore, #tpu.memory_space<semaphore_mem>>) src(%dma_wait3A_378 : memref<128xi32, #tpu.memory_space<vmem>>) dst(%dma_wait3A_377 : memref<128xi32, #tpu.memory_space<hbm>>)
            tpu.yield
          }) : () -> ()
          %mul3A_367 = arith.constant 128 : i32
          %mul3A_368 = arith.muli %while3A_360, %mul3A_367 : i32
          %mul3A_369 = arith.constant 128 : i32
          %mul3A_370 = arith.muli %while3A_360, %mul3A_369 : i32
          %add3A_371 = arith.addi %mul3A_270, %mul3A_370 : i32
          "tpu.region"() ({
            %run_scoped3A = tpu.sem_alloc : memref<!tpu.dma_semaphore, #tpu.memory_space<semaphore_mem>>
            %dma_start3A = tpu.memref_slice %arg10[%mul3A_368] : memref<2064xf32, #tpu.memory_space<vmem>> -> memref<128xf32, #tpu.memory_space<vmem>>
            %dma_start3A_373 = tpu.memref_slice %arg4[%add3A_371] : memref<5120xf32, #tpu.memory_space<hbm>> -> memref<128xf32, #tpu.memory_space<hbm>>
            %dma_start3A_374 = tpu.memref_slice %arg4[%add3A_371] : memref<5120xf32, #tpu.memory_space<hbm>> -> memref<128xf32, #tpu.memory_space<hbm>>
            %dma_start3A_375 = tpu.memref_slice %arg10[%mul3A_368] : memref<2064xf32, #tpu.memory_space<vmem>> -> memref<128xf32, #tpu.memory_space<vmem>>
            tpu.enqueue_dma source(%dma_start3A_375 : memref<128xf32, #tpu.memory_space<vmem>>) target(%dma_start3A_374 : memref<128xf32, #tpu.memory_space<hbm>>) target_semaphore(%run_scoped3A : memref<!tpu.dma_semaphore, #tpu.memory_space<semaphore_mem>>)
            %dma_wait3A = tpu.memref_slice %arg10[%mul3A_368] : memref<2064xf32, #tpu.memory_space<vmem>> -> memref<128xf32, #tpu.memory_space<vmem>>
            %dma_wait3A_376 = tpu.memref_slice %arg4[%add3A_371] : memref<5120xf32, #tpu.memory_space<hbm>> -> memref<128xf32, #tpu.memory_space<hbm>>
            %dma_wait3A_377 = tpu.memref_slice %arg4[%add3A_371] : memref<5120xf32, #tpu.memory_space<hbm>> -> memref<128xf32, #tpu.memory_space<hbm>>
            %dma_wait3A_378 = tpu.memref_slice %arg10[%mul3A_368] : memref<2064xf32, #tpu.memory_space<vmem>> -> memref<128xf32, #tpu.memory_space<vmem>>
            tpu.wait_dma2 semaphore(%run_scoped3A : memref<!tpu.dma_semaphore, #tpu.memory_space<semaphore_mem>>) src(%dma_wait3A_378 : memref<128xf32, #tpu.memory_space<vmem>>) dst(%dma_wait3A_377 : memref<128xf32, #tpu.memory_space<hbm>>)
            tpu.yield
          }) : () -> ()
          %while3A_372 = arith.constant 0 : i32
          scf.yield %while3A_372 : i32
        }
      } else {
      }
      %eq3A_295 = arith.constant 2 : i32
      %eq3A_296 = arith.cmpi eq, %arg1, %eq3A_295 : i32
      %convert_element_type3A_297 = arith.extui %eq3A_296 : i1 to i32
      %cond3A_298 = arith.constant 0 : i32
      %cond3A_299 = arith.cmpi ne, %convert_element_type3A_297, %cond3A_298 : i32
      scf.if %cond3A_299 {
        %scan3A_335 = arith.constant 0 : i32
        %scan3A_336 = arith.constant 0 : i32
        %scan3A_337 = arith.constant 129 : i32
        %scan3A_338 = arith.addi %scan3A_336, %scan3A_337 : i32
        %scan3A_339 = arith.constant 1 : i32
        %scan3A_340 = scf.for %scan3A_360 = %scan3A_336 to %scan3A_338 step %scan3A_339 iter_args(%scan3A_361 = %scan3A_335) -> (i32)  : i32 {
          %broadcast_in_dim3A = arith.constant 0 : i32
          %broadcast_in_dim3A_362 = vector.broadcast %broadcast_in_dim3A : i32 to vector<16xi32>
          %mul3A_363 = arith.constant 16 : i32
          %mul3A_364 = arith.muli %scan3A_360, %mul3A_363 : i32
          %swap3A = arith.index_cast %mul3A_364 : i32 to index
          %swap3A_365 = tpu.vector_load %arg9[%swap3A] {strides = array<i32>} : memref<2064xi32, #tpu.memory_space<vmem>>, vector<16xi32>,
          tpu.vector_store %arg9[%swap3A], %broadcast_in_dim3A_362 {strides = array<i32>} : memref<2064xi32, #tpu.memory_space<vmem>>, vector<16xi32>,
          %broadcast_in_dim3A_366 = arith.constant 0.000000e+00 : f32
          %broadcast_in_dim3A_367 = vector.broadcast %broadcast_in_dim3A_366 : f32 to vector<16xf32>
          %mul3A_368 = arith.constant 16 : i32
          %mul3A_369 = arith.muli %scan3A_360, %mul3A_368 : i32
          %swap3A_370 = arith.index_cast %mul3A_369 : i32 to index
          %swap3A_371 = tpu.vector_load %arg10[%swap3A_370] {strides = array<i32>} : memref<2064xf32, #tpu.memory_space<vmem>>, vector<16xf32>,
          tpu.vector_store %arg10[%swap3A_370], %broadcast_in_dim3A_367 {strides = array<i32>} : memref<2064xf32, #tpu.memory_space<vmem>>, vector<16xf32>,
          %scan3A_372 = arith.constant 0 : i32
          scf.yield %scan3A_372 : i32
        }
        %scan3A_341 = arith.constant 129 : i32
        %scan3A_342 = arith.constant 0 : i32
        %scan3A_343 = arith.constant 0 : i32
        %scan3A_344 = arith.constant 128 : i32
        %scan3A_345 = arith.addi %scan3A_343, %scan3A_344 : i32
        %scan3A_346 = arith.constant 1 : i32
        %scan3A_347 = scf.for %scan3A_360 = %scan3A_343 to %scan3A_345 step %scan3A_346 iter_args(%scan3A_361 = %scan3A_342) -> (i32)  : i32 {
          %mul3A_362 = arith.constant 16 : i32
          %mul3A_363 = arith.muli %scan3A_360, %mul3A_362 : i32
          %get3A = arith.constant 2 : i32
          %get3A_364 = arith.index_cast %get3A : i32 to index
          %get3A_365 = arith.index_cast %mul3A_363 : i32 to index
          %get3A_366 = tpu.vector_load %arg8[%get3A_364, %get3A_365] {strides = array<i32>} : memref<8x2048xf32, #tpu.memory_space<vmem>>, vector<16xf32>,
          %gt3A = arith.constant 0.000000e+00 : f32
          %gt3A_367 = vector.broadcast %gt3A : f32 to vector<16xf32>
          %gt3A_368 = arith.cmpf ogt, %get3A_366, %gt3A_367 : vector<16xf32>
          %mul3A_369 = arith.constant 16 : i32
          %mul3A_370 = arith.muli %scan3A_360, %mul3A_369 : i32
          %iota3A = tpu.iota {dimensions = array<i32: 0>} : vector<16xi32>
          %add3A_371 = vector.broadcast %mul3A_370 : i32 to vector<16xi32>
          %add3A_372 = arith.addi %add3A_371, %iota3A : vector<16xi32>
          %swap3A = arith.index_cast %scan3A_361 : i32 to index
          %swap3A_373 = tpu.vector_load %arg9[%swap3A] masked %gt3A_368 {strides = array<i32>} : memref<2064xi32, #tpu.memory_space<vmem>>, vector<16xi32>, vector<16xi1>
          tpu.vector_store %arg9[%swap3A], %add3A_372 masked %gt3A_368 {strides = array<i32>} : memref<2064xi32, #tpu.memory_space<vmem>>, vector<16xi32>, vector<16xi1>
          %swap3A_374 = arith.index_cast %scan3A_361 : i32 to index
          %swap3A_375 = tpu.vector_load %arg10[%swap3A_374] masked %gt3A_368 {strides = array<i32>} : memref<2064xf32, #tpu.memory_space<vmem>>, vector<16xf32>, vector<16xi1>
          tpu.vector_store %arg10[%swap3A_374], %get3A_366 masked %gt3A_368 {strides = array<i32>} : memref<2064xf32, #tpu.memory_space<vmem>>, vector<16xf32>, vector<16xi1>
          %convert_element_type3A_376 = arith.extui %gt3A_368 : vector<16xi1> to vector<16xi32>
          %reduce_sum3A = arith.constant true
          %reduce_sum3A_377 = vector.broadcast %reduce_sum3A : i1 to vector<16xi1>
          %reduce_sum3A_378 = tpu.scan <sum>, %convert_element_type3A_376 masked %reduce_sum3A_377 : vector<16xi32>, vector<16xi1> -> vector<16xi32>
          %reduce_sum3A_379 = vector.extract %reduce_sum3A_378[15] : i32 from vector<16xi32>
          %add3A_380 = arith.addi %scan3A_361, %reduce_sum3A_379 : i32
          scf.yield %add3A_380 : i32
        }
        %scan3A_348 = arith.constant 128 : i32
        %while3A = arith.constant 0 : i32
        %while3A_349 = arith.constant 0 : i32
        %while3A_350 = arith.subi %select_n3A_127, %while3A : i32
        %while3A_351 = arith.addi %while3A, %while3A_350 : i32
        %while3A_352 = arith.constant 1 : i32
        %while3A_353 = arith.divsi %while3A_350, %while3A_352 : i32
        %while3A_354 = arith.muli %while3A_353, %while3A_352 : i32
        %while3A_355 = arith.addi %while3A, %while3A_354 : i32
        %while3A_356 = arith.constant 1 : i32
        %while3A_357 = scf.for %while3A_360 = %while3A to %while3A_355 step %while3A_356 iter_args(%while3A_361 = %while3A_349) -> (i32)  : i32 {
          %mul3A_362 = arith.constant 128 : i32
          %mul3A_363 = arith.muli %while3A_360, %mul3A_362 : i32
          %mul3A_364 = arith.constant 128 : i32
          %mul3A_365 = arith.muli %while3A_360, %mul3A_364 : i32
          %add3A_366 = arith.addi %mul3A_272, %mul3A_365 : i32
          "tpu.region"() ({
            %run_scoped3A = tpu.sem_alloc : memref<!tpu.dma_semaphore, #tpu.memory_space<semaphore_mem>>
            %dma_start3A = tpu.memref_slice %arg9[%mul3A_363] : memref<2064xi32, #tpu.memory_space<vmem>> -> memref<128xi32, #tpu.memory_space<vmem>>
            %dma_start3A_373 = tpu.memref_slice %arg3[%add3A_366] : memref<5120xi32, #tpu.memory_space<hbm>> -> memref<128xi32, #tpu.memory_space<hbm>>
            %dma_start3A_374 = tpu.memref_slice %arg3[%add3A_366] : memref<5120xi32, #tpu.memory_space<hbm>> -> memref<128xi32, #tpu.memory_space<hbm>>
            %dma_start3A_375 = tpu.memref_slice %arg9[%mul3A_363] : memref<2064xi32, #tpu.memory_space<vmem>> -> memref<128xi32, #tpu.memory_space<vmem>>
            tpu.enqueue_dma source(%dma_start3A_375 : memref<128xi32, #tpu.memory_space<vmem>>) target(%dma_start3A_374 : memref<128xi32, #tpu.memory_space<hbm>>) target_semaphore(%run_scoped3A : memref<!tpu.dma_semaphore, #tpu.memory_space<semaphore_mem>>)
            %dma_wait3A = tpu.memref_slice %arg9[%mul3A_363] : memref<2064xi32, #tpu.memory_space<vmem>> -> memref<128xi32, #tpu.memory_space<vmem>>
            %dma_wait3A_376 = tpu.memref_slice %arg3[%add3A_366] : memref<5120xi32, #tpu.memory_space<hbm>> -> memref<128xi32, #tpu.memory_space<hbm>>
            %dma_wait3A_377 = tpu.memref_slice %arg3[%add3A_366] : memref<5120xi32, #tpu.memory_space<hbm>> -> memref<128xi32, #tpu.memory_space<hbm>>
            %dma_wait3A_378 = tpu.memref_slice %arg9[%mul3A_363] : memref<2064xi32, #tpu.memory_space<vmem>> -> memref<128xi32, #tpu.memory_space<vmem>>
            tpu.wait_dma2 semaphore(%run_scoped3A : memref<!tpu.dma_semaphore, #tpu.memory_space<semaphore_mem>>) src(%dma_wait3A_378 : memref<128xi32, #tpu.memory_space<vmem>>) dst(%dma_wait3A_377 : memref<128xi32, #tpu.memory_space<hbm>>)
            tpu.yield
          }) : () -> ()
          %mul3A_367 = arith.constant 128 : i32
          %mul3A_368 = arith.muli %while3A_360, %mul3A_367 : i32
          %mul3A_369 = arith.constant 128 : i32
          %mul3A_370 = arith.muli %while3A_360, %mul3A_369 : i32
          %add3A_371 = arith.addi %mul3A_272, %mul3A_370 : i32
          "tpu.region"() ({
            %run_scoped3A = tpu.sem_alloc : memref<!tpu.dma_semaphore, #tpu.memory_space<semaphore_mem>>
            %dma_start3A = tpu.memref_slice %arg10[%mul3A_368] : memref<2064xf32, #tpu.memory_space<vmem>> -> memref<128xf32, #tpu.memory_space<vmem>>
            %dma_start3A_373 = tpu.memref_slice %arg4[%add3A_371] : memref<5120xf32, #tpu.memory_space<hbm>> -> memref<128xf32, #tpu.memory_space<hbm>>
            %dma_start3A_374 = tpu.memref_slice %arg4[%add3A_371] : memref<5120xf32, #tpu.memory_space<hbm>> -> memref<128xf32, #tpu.memory_space<hbm>>
            %dma_start3A_375 = tpu.memref_slice %arg10[%mul3A_368] : memref<2064xf32, #tpu.memory_space<vmem>> -> memref<128xf32, #tpu.memory_space<vmem>>
            tpu.enqueue_dma source(%dma_start3A_375 : memref<128xf32, #tpu.memory_space<vmem>>) target(%dma_start3A_374 : memref<128xf32, #tpu.memory_space<hbm>>) target_semaphore(%run_scoped3A : memref<!tpu.dma_semaphore, #tpu.memory_space<semaphore_mem>>)
            %dma_wait3A = tpu.memref_slice %arg10[%mul3A_368] : memref<2064xf32, #tpu.memory_space<vmem>> -> memref<128xf32, #tpu.memory_space<vmem>>
            %dma_wait3A_376 = tpu.memref_slice %arg4[%add3A_371] : memref<5120xf32, #tpu.memory_space<hbm>> -> memref<128xf32, #tpu.memory_space<hbm>>
            %dma_wait3A_377 = tpu.memref_slice %arg4[%add3A_371] : memref<5120xf32, #tpu.memory_space<hbm>> -> memref<128xf32, #tpu.memory_space<hbm>>
            %dma_wait3A_378 = tpu.memref_slice %arg10[%mul3A_368] : memref<2064xf32, #tpu.memory_space<vmem>> -> memref<128xf32, #tpu.memory_space<vmem>>
            tpu.wait_dma2 semaphore(%run_scoped3A : memref<!tpu.dma_semaphore, #tpu.memory_space<semaphore_mem>>) src(%dma_wait3A_378 : memref<128xf32, #tpu.memory_space<vmem>>) dst(%dma_wait3A_377 : memref<128xf32, #tpu.memory_space<hbm>>)
            tpu.yield
          }) : () -> ()
          %while3A_372 = arith.constant 0 : i32
          scf.yield %while3A_372 : i32
        }
        %while3A_358 = arith.constant 1 : i32
        %while3A_359 = scf.for %while3A_360 = %while3A_355 to %while3A_351 step %while3A_358 iter_args(%while3A_361 = %while3A_357) -> (i32)  : i32 {
          %mul3A_362 = arith.constant 128 : i32
          %mul3A_363 = arith.muli %while3A_360, %mul3A_362 : i32
          %mul3A_364 = arith.constant 128 : i32
          %mul3A_365 = arith.muli %while3A_360, %mul3A_364 : i32
          %add3A_366 = arith.addi %mul3A_272, %mul3A_365 : i32
          "tpu.region"() ({
            %run_scoped3A = tpu.sem_alloc : memref<!tpu.dma_semaphore, #tpu.memory_space<semaphore_mem>>
            %dma_start3A = tpu.memref_slice %arg9[%mul3A_363] : memref<2064xi32, #tpu.memory_space<vmem>> -> memref<128xi32, #tpu.memory_space<vmem>>
            %dma_start3A_373 = tpu.memref_slice %arg3[%add3A_366] : memref<5120xi32, #tpu.memory_space<hbm>> -> memref<128xi32, #tpu.memory_space<hbm>>
            %dma_start3A_374 = tpu.memref_slice %arg3[%add3A_366] : memref<5120xi32, #tpu.memory_space<hbm>> -> memref<128xi32, #tpu.memory_space<hbm>>
            %dma_start3A_375 = tpu.memref_slice %arg9[%mul3A_363] : memref<2064xi32, #tpu.memory_space<vmem>> -> memref<128xi32, #tpu.memory_space<vmem>>
            tpu.enqueue_dma source(%dma_start3A_375 : memref<128xi32, #tpu.memory_space<vmem>>) target(%dma_start3A_374 : memref<128xi32, #tpu.memory_space<hbm>>) target_semaphore(%run_scoped3A : memref<!tpu.dma_semaphore, #tpu.memory_space<semaphore_mem>>)
            %dma_wait3A = tpu.memref_slice %arg9[%mul3A_363] : memref<2064xi32, #tpu.memory_space<vmem>> -> memref<128xi32, #tpu.memory_space<vmem>>
            %dma_wait3A_376 = tpu.memref_slice %arg3[%add3A_366] : memref<5120xi32, #tpu.memory_space<hbm>> -> memref<128xi32, #tpu.memory_space<hbm>>
            %dma_wait3A_377 = tpu.memref_slice %arg3[%add3A_366] : memref<5120xi32, #tpu.memory_space<hbm>> -> memref<128xi32, #tpu.memory_space<hbm>>
            %dma_wait3A_378 = tpu.memref_slice %arg9[%mul3A_363] : memref<2064xi32, #tpu.memory_space<vmem>> -> memref<128xi32, #tpu.memory_space<vmem>>
            tpu.wait_dma2 semaphore(%run_scoped3A : memref<!tpu.dma_semaphore, #tpu.memory_space<semaphore_mem>>) src(%dma_wait3A_378 : memref<128xi32, #tpu.memory_space<vmem>>) dst(%dma_wait3A_377 : memref<128xi32, #tpu.memory_space<hbm>>)
            tpu.yield
          }) : () -> ()
          %mul3A_367 = arith.constant 128 : i32
          %mul3A_368 = arith.muli %while3A_360, %mul3A_367 : i32
          %mul3A_369 = arith.constant 128 : i32
          %mul3A_370 = arith.muli %while3A_360, %mul3A_369 : i32
          %add3A_371 = arith.addi %mul3A_272, %mul3A_370 : i32
          "tpu.region"() ({
            %run_scoped3A = tpu.sem_alloc : memref<!tpu.dma_semaphore, #tpu.memory_space<semaphore_mem>>
            %dma_start3A = tpu.memref_slice %arg10[%mul3A_368] : memref<2064xf32, #tpu.memory_space<vmem>> -> memref<128xf32, #tpu.memory_space<vmem>>
            %dma_start3A_373 = tpu.memref_slice %arg4[%add3A_371] : memref<5120xf32, #tpu.memory_space<hbm>> -> memref<128xf32, #tpu.memory_space<hbm>>
            %dma_start3A_374 = tpu.memref_slice %arg4[%add3A_371] : memref<5120xf32, #tpu.memory_space<hbm>> -> memref<128xf32, #tpu.memory_space<hbm>>
            %dma_start3A_375 = tpu.memref_slice %arg10[%mul3A_368] : memref<2064xf32, #tpu.memory_space<vmem>> -> memref<128xf32, #tpu.memory_space<vmem>>
            tpu.enqueue_dma source(%dma_start3A_375 : memref<128xf32, #tpu.memory_space<vmem>>) target(%dma_start3A_374 : memref<128xf32, #tpu.memory_space<hbm>>) target_semaphore(%run_scoped3A : memref<!tpu.dma_semaphore, #tpu.memory_space<semaphore_mem>>)
            %dma_wait3A = tpu.memref_slice %arg10[%mul3A_368] : memref<2064xf32, #tpu.memory_space<vmem>> -> memref<128xf32, #tpu.memory_space<vmem>>
            %dma_wait3A_376 = tpu.memref_slice %arg4[%add3A_371] : memref<5120xf32, #tpu.memory_space<hbm>> -> memref<128xf32, #tpu.memory_space<hbm>>
            %dma_wait3A_377 = tpu.memref_slice %arg4[%add3A_371] : memref<5120xf32, #tpu.memory_space<hbm>> -> memref<128xf32, #tpu.memory_space<hbm>>
            %dma_wait3A_378 = tpu.memref_slice %arg10[%mul3A_368] : memref<2064xf32, #tpu.memory_space<vmem>> -> memref<128xf32, #tpu.memory_space<vmem>>
            tpu.wait_dma2 semaphore(%run_scoped3A : memref<!tpu.dma_semaphore, #tpu.memory_space<semaphore_mem>>) src(%dma_wait3A_378 : memref<128xf32, #tpu.memory_space<vmem>>) dst(%dma_wait3A_377 : memref<128xf32, #tpu.memory_space<hbm>>)
            tpu.yield
          }) : () -> ()
          %while3A_372 = arith.constant 0 : i32
          scf.yield %while3A_372 : i32
        }
      } else {
      }
      %eq3A_300 = arith.constant 3 : i32
      %eq3A_301 = arith.cmpi eq, %arg1, %eq3A_300 : i32
      %convert_element_type3A_302 = arith.extui %eq3A_301 : i1 to i32
      %cond3A_303 = arith.constant 0 : i32
      %cond3A_304 = arith.cmpi ne, %convert_element_type3A_302, %cond3A_303 : i32
      scf.if %cond3A_304 {
        %scan3A_335 = arith.constant 0 : i32
        %scan3A_336 = arith.constant 0 : i32
        %scan3A_337 = arith.constant 129 : i32
        %scan3A_338 = arith.addi %scan3A_336, %scan3A_337 : i32
        %scan3A_339 = arith.constant 1 : i32
        %scan3A_340 = scf.for %scan3A_360 = %scan3A_336 to %scan3A_338 step %scan3A_339 iter_args(%scan3A_361 = %scan3A_335) -> (i32)  : i32 {
          %broadcast_in_dim3A = arith.constant 0 : i32
          %broadcast_in_dim3A_362 = vector.broadcast %broadcast_in_dim3A : i32 to vector<16xi32>
          %mul3A_363 = arith.constant 16 : i32
          %mul3A_364 = arith.muli %scan3A_360, %mul3A_363 : i32
          %swap3A = arith.index_cast %mul3A_364 : i32 to index
          %swap3A_365 = tpu.vector_load %arg9[%swap3A] {strides = array<i32>} : memref<2064xi32, #tpu.memory_space<vmem>>, vector<16xi32>,
          tpu.vector_store %arg9[%swap3A], %broadcast_in_dim3A_362 {strides = array<i32>} : memref<2064xi32, #tpu.memory_space<vmem>>, vector<16xi32>,
          %broadcast_in_dim3A_366 = arith.constant 0.000000e+00 : f32
          %broadcast_in_dim3A_367 = vector.broadcast %broadcast_in_dim3A_366 : f32 to vector<16xf32>
          %mul3A_368 = arith.constant 16 : i32
          %mul3A_369 = arith.muli %scan3A_360, %mul3A_368 : i32
          %swap3A_370 = arith.index_cast %mul3A_369 : i32 to index
          %swap3A_371 = tpu.vector_load %arg10[%swap3A_370] {strides = array<i32>} : memref<2064xf32, #tpu.memory_space<vmem>>, vector<16xf32>,
          tpu.vector_store %arg10[%swap3A_370], %broadcast_in_dim3A_367 {strides = array<i32>} : memref<2064xf32, #tpu.memory_space<vmem>>, vector<16xf32>,
          %scan3A_372 = arith.constant 0 : i32
          scf.yield %scan3A_372 : i32
        }
        %scan3A_341 = arith.constant 129 : i32
        %scan3A_342 = arith.constant 0 : i32
        %scan3A_343 = arith.constant 0 : i32
        %scan3A_344 = arith.constant 128 : i32
        %scan3A_345 = arith.addi %scan3A_343, %scan3A_344 : i32
        %scan3A_346 = arith.constant 1 : i32
        %scan3A_347 = scf.for %scan3A_360 = %scan3A_343 to %scan3A_345 step %scan3A_346 iter_args(%scan3A_361 = %scan3A_342) -> (i32)  : i32 {
          %mul3A_362 = arith.constant 16 : i32
          %mul3A_363 = arith.muli %scan3A_360, %mul3A_362 : i32
          %get3A = arith.constant 3 : i32
          %get3A_364 = arith.index_cast %get3A : i32 to index
          %get3A_365 = arith.index_cast %mul3A_363 : i32 to index
          %get3A_366 = tpu.vector_load %arg8[%get3A_364, %get3A_365] {strides = array<i32>} : memref<8x2048xf32, #tpu.memory_space<vmem>>, vector<16xf32>,
          %gt3A = arith.constant 0.000000e+00 : f32
          %gt3A_367 = vector.broadcast %gt3A : f32 to vector<16xf32>
          %gt3A_368 = arith.cmpf ogt, %get3A_366, %gt3A_367 : vector<16xf32>
          %mul3A_369 = arith.constant 16 : i32
          %mul3A_370 = arith.muli %scan3A_360, %mul3A_369 : i32
          %iota3A = tpu.iota {dimensions = array<i32: 0>} : vector<16xi32>
          %add3A_371 = vector.broadcast %mul3A_370 : i32 to vector<16xi32>
          %add3A_372 = arith.addi %add3A_371, %iota3A : vector<16xi32>
          %swap3A = arith.index_cast %scan3A_361 : i32 to index
          %swap3A_373 = tpu.vector_load %arg9[%swap3A] masked %gt3A_368 {strides = array<i32>} : memref<2064xi32, #tpu.memory_space<vmem>>, vector<16xi32>, vector<16xi1>
          tpu.vector_store %arg9[%swap3A], %add3A_372 masked %gt3A_368 {strides = array<i32>} : memref<2064xi32, #tpu.memory_space<vmem>>, vector<16xi32>, vector<16xi1>
          %swap3A_374 = arith.index_cast %scan3A_361 : i32 to index
          %swap3A_375 = tpu.vector_load %arg10[%swap3A_374] masked %gt3A_368 {strides = array<i32>} : memref<2064xf32, #tpu.memory_space<vmem>>, vector<16xf32>, vector<16xi1>
          tpu.vector_store %arg10[%swap3A_374], %get3A_366 masked %gt3A_368 {strides = array<i32>} : memref<2064xf32, #tpu.memory_space<vmem>>, vector<16xf32>, vector<16xi1>
          %convert_element_type3A_376 = arith.extui %gt3A_368 : vector<16xi1> to vector<16xi32>
          %reduce_sum3A = arith.constant true
          %reduce_sum3A_377 = vector.broadcast %reduce_sum3A : i1 to vector<16xi1>
          %reduce_sum3A_378 = tpu.scan <sum>, %convert_element_type3A_376 masked %reduce_sum3A_377 : vector<16xi32>, vector<16xi1> -> vector<16xi32>
          %reduce_sum3A_379 = vector.extract %reduce_sum3A_378[15] : i32 from vector<16xi32>
          %add3A_380 = arith.addi %scan3A_361, %reduce_sum3A_379 : i32
          scf.yield %add3A_380 : i32
        }
        %scan3A_348 = arith.constant 128 : i32
        %while3A = arith.constant 0 : i32
        %while3A_349 = arith.constant 0 : i32
        %while3A_350 = arith.subi %select_n3A_153, %while3A : i32
        %while3A_351 = arith.addi %while3A, %while3A_350 : i32
        %while3A_352 = arith.constant 1 : i32
        %while3A_353 = arith.divsi %while3A_350, %while3A_352 : i32
        %while3A_354 = arith.muli %while3A_353, %while3A_352 : i32
        %while3A_355 = arith.addi %while3A, %while3A_354 : i32
        %while3A_356 = arith.constant 1 : i32
        %while3A_357 = scf.for %while3A_360 = %while3A to %while3A_355 step %while3A_356 iter_args(%while3A_361 = %while3A_349) -> (i32)  : i32 {
          %mul3A_362 = arith.constant 128 : i32
          %mul3A_363 = arith.muli %while3A_360, %mul3A_362 : i32
          %mul3A_364 = arith.constant 128 : i32
          %mul3A_365 = arith.muli %while3A_360, %mul3A_364 : i32
          %add3A_366 = arith.addi %mul3A_274, %mul3A_365 : i32
          "tpu.region"() ({
            %run_scoped3A = tpu.sem_alloc : memref<!tpu.dma_semaphore, #tpu.memory_space<semaphore_mem>>
            %dma_start3A = tpu.memref_slice %arg9[%mul3A_363] : memref<2064xi32, #tpu.memory_space<vmem>> -> memref<128xi32, #tpu.memory_space<vmem>>
            %dma_start3A_373 = tpu.memref_slice %arg3[%add3A_366] : memref<5120xi32, #tpu.memory_space<hbm>> -> memref<128xi32, #tpu.memory_space<hbm>>
            %dma_start3A_374 = tpu.memref_slice %arg3[%add3A_366] : memref<5120xi32, #tpu.memory_space<hbm>> -> memref<128xi32, #tpu.memory_space<hbm>>
            %dma_start3A_375 = tpu.memref_slice %arg9[%mul3A_363] : memref<2064xi32, #tpu.memory_space<vmem>> -> memref<128xi32, #tpu.memory_space<vmem>>
            tpu.enqueue_dma source(%dma_start3A_375 : memref<128xi32, #tpu.memory_space<vmem>>) target(%dma_start3A_374 : memref<128xi32, #tpu.memory_space<hbm>>) target_semaphore(%run_scoped3A : memref<!tpu.dma_semaphore, #tpu.memory_space<semaphore_mem>>)
            %dma_wait3A = tpu.memref_slice %arg9[%mul3A_363] : memref<2064xi32, #tpu.memory_space<vmem>> -> memref<128xi32, #tpu.memory_space<vmem>>
            %dma_wait3A_376 = tpu.memref_slice %arg3[%add3A_366] : memref<5120xi32, #tpu.memory_space<hbm>> -> memref<128xi32, #tpu.memory_space<hbm>>
            %dma_wait3A_377 = tpu.memref_slice %arg3[%add3A_366] : memref<5120xi32, #tpu.memory_space<hbm>> -> memref<128xi32, #tpu.memory_space<hbm>>
            %dma_wait3A_378 = tpu.memref_slice %arg9[%mul3A_363] : memref<2064xi32, #tpu.memory_space<vmem>> -> memref<128xi32, #tpu.memory_space<vmem>>
            tpu.wait_dma2 semaphore(%run_scoped3A : memref<!tpu.dma_semaphore, #tpu.memory_space<semaphore_mem>>) src(%dma_wait3A_378 : memref<128xi32, #tpu.memory_space<vmem>>) dst(%dma_wait3A_377 : memref<128xi32, #tpu.memory_space<hbm>>)
            tpu.yield
          }) : () -> ()
          %mul3A_367 = arith.constant 128 : i32
          %mul3A_368 = arith.muli %while3A_360, %mul3A_367 : i32
          %mul3A_369 = arith.constant 128 : i32
          %mul3A_370 = arith.muli %while3A_360, %mul3A_369 : i32
          %add3A_371 = arith.addi %mul3A_274, %mul3A_370 : i32
          "tpu.region"() ({
            %run_scoped3A = tpu.sem_alloc : memref<!tpu.dma_semaphore, #tpu.memory_space<semaphore_mem>>
            %dma_start3A = tpu.memref_slice %arg10[%mul3A_368] : memref<2064xf32, #tpu.memory_space<vmem>> -> memref<128xf32, #tpu.memory_space<vmem>>
            %dma_start3A_373 = tpu.memref_slice %arg4[%add3A_371] : memref<5120xf32, #tpu.memory_space<hbm>> -> memref<128xf32, #tpu.memory_space<hbm>>
            %dma_start3A_374 = tpu.memref_slice %arg4[%add3A_371] : memref<5120xf32, #tpu.memory_space<hbm>> -> memref<128xf32, #tpu.memory_space<hbm>>
            %dma_start3A_375 = tpu.memref_slice %arg10[%mul3A_368] : memref<2064xf32, #tpu.memory_space<vmem>> -> memref<128xf32, #tpu.memory_space<vmem>>
            tpu.enqueue_dma source(%dma_start3A_375 : memref<128xf32, #tpu.memory_space<vmem>>) target(%dma_start3A_374 : memref<128xf32, #tpu.memory_space<hbm>>) target_semaphore(%run_scoped3A : memref<!tpu.dma_semaphore, #tpu.memory_space<semaphore_mem>>)
            %dma_wait3A = tpu.memref_slice %arg10[%mul3A_368] : memref<2064xf32, #tpu.memory_space<vmem>> -> memref<128xf32, #tpu.memory_space<vmem>>
            %dma_wait3A_376 = tpu.memref_slice %arg4[%add3A_371] : memref<5120xf32, #tpu.memory_space<hbm>> -> memref<128xf32, #tpu.memory_space<hbm>>
            %dma_wait3A_377 = tpu.memref_slice %arg4[%add3A_371] : memref<5120xf32, #tpu.memory_space<hbm>> -> memref<128xf32, #tpu.memory_space<hbm>>
            %dma_wait3A_378 = tpu.memref_slice %arg10[%mul3A_368] : memref<2064xf32, #tpu.memory_space<vmem>> -> memref<128xf32, #tpu.memory_space<vmem>>
            tpu.wait_dma2 semaphore(%run_scoped3A : memref<!tpu.dma_semaphore, #tpu.memory_space<semaphore_mem>>) src(%dma_wait3A_378 : memref<128xf32, #tpu.memory_space<vmem>>) dst(%dma_wait3A_377 : memref<128xf32, #tpu.memory_space<hbm>>)
            tpu.yield
          }) : () -> ()
          %while3A_372 = arith.constant 0 : i32
          scf.yield %while3A_372 : i32
        }
        %while3A_358 = arith.constant 1 : i32
        %while3A_359 = scf.for %while3A_360 = %while3A_355 to %while3A_351 step %while3A_358 iter_args(%while3A_361 = %while3A_357) -> (i32)  : i32 {
          %mul3A_362 = arith.constant 128 : i32
          %mul3A_363 = arith.muli %while3A_360, %mul3A_362 : i32
          %mul3A_364 = arith.constant 128 : i32
          %mul3A_365 = arith.muli %while3A_360, %mul3A_364 : i32
          %add3A_366 = arith.addi %mul3A_274, %mul3A_365 : i32
          "tpu.region"() ({
            %run_scoped3A = tpu.sem_alloc : memref<!tpu.dma_semaphore, #tpu.memory_space<semaphore_mem>>
            %dma_start3A = tpu.memref_slice %arg9[%mul3A_363] : memref<2064xi32, #tpu.memory_space<vmem>> -> memref<128xi32, #tpu.memory_space<vmem>>
            %dma_start3A_373 = tpu.memref_slice %arg3[%add3A_366] : memref<5120xi32, #tpu.memory_space<hbm>> -> memref<128xi32, #tpu.memory_space<hbm>>
            %dma_start3A_374 = tpu.memref_slice %arg3[%add3A_366] : memref<5120xi32, #tpu.memory_space<hbm>> -> memref<128xi32, #tpu.memory_space<hbm>>
            %dma_start3A_375 = tpu.memref_slice %arg9[%mul3A_363] : memref<2064xi32, #tpu.memory_space<vmem>> -> memref<128xi32, #tpu.memory_space<vmem>>
            tpu.enqueue_dma source(%dma_start3A_375 : memref<128xi32, #tpu.memory_space<vmem>>) target(%dma_start3A_374 : memref<128xi32, #tpu.memory_space<hbm>>) target_semaphore(%run_scoped3A : memref<!tpu.dma_semaphore, #tpu.memory_space<semaphore_mem>>)
            %dma_wait3A = tpu.memref_slice %arg9[%mul3A_363] : memref<2064xi32, #tpu.memory_space<vmem>> -> memref<128xi32, #tpu.memory_space<vmem>>
            %dma_wait3A_376 = tpu.memref_slice %arg3[%add3A_366] : memref<5120xi32, #tpu.memory_space<hbm>> -> memref<128xi32, #tpu.memory_space<hbm>>
            %dma_wait3A_377 = tpu.memref_slice %arg3[%add3A_366] : memref<5120xi32, #tpu.memory_space<hbm>> -> memref<128xi32, #tpu.memory_space<hbm>>
            %dma_wait3A_378 = tpu.memref_slice %arg9[%mul3A_363] : memref<2064xi32, #tpu.memory_space<vmem>> -> memref<128xi32, #tpu.memory_space<vmem>>
            tpu.wait_dma2 semaphore(%run_scoped3A : memref<!tpu.dma_semaphore, #tpu.memory_space<semaphore_mem>>) src(%dma_wait3A_378 : memref<128xi32, #tpu.memory_space<vmem>>) dst(%dma_wait3A_377 : memref<128xi32, #tpu.memory_space<hbm>>)
            tpu.yield
          }) : () -> ()
          %mul3A_367 = arith.constant 128 : i32
          %mul3A_368 = arith.muli %while3A_360, %mul3A_367 : i32
          %mul3A_369 = arith.constant 128 : i32
          %mul3A_370 = arith.muli %while3A_360, %mul3A_369 : i32
          %add3A_371 = arith.addi %mul3A_274, %mul3A_370 : i32
          "tpu.region"() ({
            %run_scoped3A = tpu.sem_alloc : memref<!tpu.dma_semaphore, #tpu.memory_space<semaphore_mem>>
            %dma_start3A = tpu.memref_slice %arg10[%mul3A_368] : memref<2064xf32, #tpu.memory_space<vmem>> -> memref<128xf32, #tpu.memory_space<vmem>>
            %dma_start3A_373 = tpu.memref_slice %arg4[%add3A_371] : memref<5120xf32, #tpu.memory_space<hbm>> -> memref<128xf32, #tpu.memory_space<hbm>>
            %dma_start3A_374 = tpu.memref_slice %arg4[%add3A_371] : memref<5120xf32, #tpu.memory_space<hbm>> -> memref<128xf32, #tpu.memory_space<hbm>>
            %dma_start3A_375 = tpu.memref_slice %arg10[%mul3A_368] : memref<2064xf32, #tpu.memory_space<vmem>> -> memref<128xf32, #tpu.memory_space<vmem>>
            tpu.enqueue_dma source(%dma_start3A_375 : memref<128xf32, #tpu.memory_space<vmem>>) target(%dma_start3A_374 : memref<128xf32, #tpu.memory_space<hbm>>) target_semaphore(%run_scoped3A : memref<!tpu.dma_semaphore, #tpu.memory_space<semaphore_mem>>)
            %dma_wait3A = tpu.memref_slice %arg10[%mul3A_368] : memref<2064xf32, #tpu.memory_space<vmem>> -> memref<128xf32, #tpu.memory_space<vmem>>
            %dma_wait3A_376 = tpu.memref_slice %arg4[%add3A_371] : memref<5120xf32, #tpu.memory_space<hbm>> -> memref<128xf32, #tpu.memory_space<hbm>>
            %dma_wait3A_377 = tpu.memref_slice %arg4[%add3A_371] : memref<5120xf32, #tpu.memory_space<hbm>> -> memref<128xf32, #tpu.memory_space<hbm>>
            %dma_wait3A_378 = tpu.memref_slice %arg10[%mul3A_368] : memref<2064xf32, #tpu.memory_space<vmem>> -> memref<128xf32, #tpu.memory_space<vmem>>
            tpu.wait_dma2 semaphore(%run_scoped3A : memref<!tpu.dma_semaphore, #tpu.memory_space<semaphore_mem>>) src(%dma_wait3A_378 : memref<128xf32, #tpu.memory_space<vmem>>) dst(%dma_wait3A_377 : memref<128xf32, #tpu.memory_space<hbm>>)
            tpu.yield
          }) : () -> ()
          %while3A_372 = arith.constant 0 : i32
          scf.yield %while3A_372 : i32
        }
      } else {
      }
      %eq3A_305 = arith.constant 4 : i32
      %eq3A_306 = arith.cmpi eq, %arg1, %eq3A_305 : i32
      %convert_element_type3A_307 = arith.extui %eq3A_306 : i1 to i32
      %cond3A_308 = arith.constant 0 : i32
      %cond3A_309 = arith.cmpi ne, %convert_element_type3A_307, %cond3A_308 : i32
      scf.if %cond3A_309 {
        %scan3A_335 = arith.constant 0 : i32
        %scan3A_336 = arith.constant 0 : i32
        %scan3A_337 = arith.constant 129 : i32
        %scan3A_338 = arith.addi %scan3A_336, %scan3A_337 : i32
        %scan3A_339 = arith.constant 1 : i32
        %scan3A_340 = scf.for %scan3A_360 = %scan3A_336 to %scan3A_338 step %scan3A_339 iter_args(%scan3A_361 = %scan3A_335) -> (i32)  : i32 {
          %broadcast_in_dim3A = arith.constant 0 : i32
          %broadcast_in_dim3A_362 = vector.broadcast %broadcast_in_dim3A : i32 to vector<16xi32>
          %mul3A_363 = arith.constant 16 : i32
          %mul3A_364 = arith.muli %scan3A_360, %mul3A_363 : i32
          %swap3A = arith.index_cast %mul3A_364 : i32 to index
          %swap3A_365 = tpu.vector_load %arg9[%swap3A] {strides = array<i32>} : memref<2064xi32, #tpu.memory_space<vmem>>, vector<16xi32>,
          tpu.vector_store %arg9[%swap3A], %broadcast_in_dim3A_362 {strides = array<i32>} : memref<2064xi32, #tpu.memory_space<vmem>>, vector<16xi32>,
          %broadcast_in_dim3A_366 = arith.constant 0.000000e+00 : f32
          %broadcast_in_dim3A_367 = vector.broadcast %broadcast_in_dim3A_366 : f32 to vector<16xf32>
          %mul3A_368 = arith.constant 16 : i32
          %mul3A_369 = arith.muli %scan3A_360, %mul3A_368 : i32
          %swap3A_370 = arith.index_cast %mul3A_369 : i32 to index
          %swap3A_371 = tpu.vector_load %arg10[%swap3A_370] {strides = array<i32>} : memref<2064xf32, #tpu.memory_space<vmem>>, vector<16xf32>,
          tpu.vector_store %arg10[%swap3A_370], %broadcast_in_dim3A_367 {strides = array<i32>} : memref<2064xf32, #tpu.memory_space<vmem>>, vector<16xf32>,
          %scan3A_372 = arith.constant 0 : i32
          scf.yield %scan3A_372 : i32
        }
        %scan3A_341 = arith.constant 129 : i32
        %scan3A_342 = arith.constant 0 : i32
        %scan3A_343 = arith.constant 0 : i32
        %scan3A_344 = arith.constant 128 : i32
        %scan3A_345 = arith.addi %scan3A_343, %scan3A_344 : i32
        %scan3A_346 = arith.constant 1 : i32
        %scan3A_347 = scf.for %scan3A_360 = %scan3A_343 to %scan3A_345 step %scan3A_346 iter_args(%scan3A_361 = %scan3A_342) -> (i32)  : i32 {
          %mul3A_362 = arith.constant 16 : i32
          %mul3A_363 = arith.muli %scan3A_360, %mul3A_362 : i32
          %get3A = arith.constant 4 : i32
          %get3A_364 = arith.index_cast %get3A : i32 to index
          %get3A_365 = arith.index_cast %mul3A_363 : i32 to index
          %get3A_366 = tpu.vector_load %arg8[%get3A_364, %get3A_365] {strides = array<i32>} : memref<8x2048xf32, #tpu.memory_space<vmem>>, vector<16xf32>,
          %gt3A = arith.constant 0.000000e+00 : f32
          %gt3A_367 = vector.broadcast %gt3A : f32 to vector<16xf32>
          %gt3A_368 = arith.cmpf ogt, %get3A_366, %gt3A_367 : vector<16xf32>
          %mul3A_369 = arith.constant 16 : i32
          %mul3A_370 = arith.muli %scan3A_360, %mul3A_369 : i32
          %iota3A = tpu.iota {dimensions = array<i32: 0>} : vector<16xi32>
          %add3A_371 = vector.broadcast %mul3A_370 : i32 to vector<16xi32>
          %add3A_372 = arith.addi %add3A_371, %iota3A : vector<16xi32>
          %swap3A = arith.index_cast %scan3A_361 : i32 to index
          %swap3A_373 = tpu.vector_load %arg9[%swap3A] masked %gt3A_368 {strides = array<i32>} : memref<2064xi32, #tpu.memory_space<vmem>>, vector<16xi32>, vector<16xi1>
          tpu.vector_store %arg9[%swap3A], %add3A_372 masked %gt3A_368 {strides = array<i32>} : memref<2064xi32, #tpu.memory_space<vmem>>, vector<16xi32>, vector<16xi1>
          %swap3A_374 = arith.index_cast %scan3A_361 : i32 to index
          %swap3A_375 = tpu.vector_load %arg10[%swap3A_374] masked %gt3A_368 {strides = array<i32>} : memref<2064xf32, #tpu.memory_space<vmem>>, vector<16xf32>, vector<16xi1>
          tpu.vector_store %arg10[%swap3A_374], %get3A_366 masked %gt3A_368 {strides = array<i32>} : memref<2064xf32, #tpu.memory_space<vmem>>, vector<16xf32>, vector<16xi1>
          %convert_element_type3A_376 = arith.extui %gt3A_368 : vector<16xi1> to vector<16xi32>
          %reduce_sum3A = arith.constant true
          %reduce_sum3A_377 = vector.broadcast %reduce_sum3A : i1 to vector<16xi1>
          %reduce_sum3A_378 = tpu.scan <sum>, %convert_element_type3A_376 masked %reduce_sum3A_377 : vector<16xi32>, vector<16xi1> -> vector<16xi32>
          %reduce_sum3A_379 = vector.extract %reduce_sum3A_378[15] : i32 from vector<16xi32>
          %add3A_380 = arith.addi %scan3A_361, %reduce_sum3A_379 : i32
          scf.yield %add3A_380 : i32
        }
        %scan3A_348 = arith.constant 128 : i32
        %while3A = arith.constant 0 : i32
        %while3A_349 = arith.constant 0 : i32
        %while3A_350 = arith.subi %select_n3A_179, %while3A : i32
        %while3A_351 = arith.addi %while3A, %while3A_350 : i32
        %while3A_352 = arith.constant 1 : i32
        %while3A_353 = arith.divsi %while3A_350, %while3A_352 : i32
        %while3A_354 = arith.muli %while3A_353, %while3A_352 : i32
        %while3A_355 = arith.addi %while3A, %while3A_354 : i32
        %while3A_356 = arith.constant 1 : i32
        %while3A_357 = scf.for %while3A_360 = %while3A to %while3A_355 step %while3A_356 iter_args(%while3A_361 = %while3A_349) -> (i32)  : i32 {
          %mul3A_362 = arith.constant 128 : i32
          %mul3A_363 = arith.muli %while3A_360, %mul3A_362 : i32
          %mul3A_364 = arith.constant 128 : i32
          %mul3A_365 = arith.muli %while3A_360, %mul3A_364 : i32
          %add3A_366 = arith.addi %mul3A_276, %mul3A_365 : i32
          "tpu.region"() ({
            %run_scoped3A = tpu.sem_alloc : memref<!tpu.dma_semaphore, #tpu.memory_space<semaphore_mem>>
            %dma_start3A = tpu.memref_slice %arg9[%mul3A_363] : memref<2064xi32, #tpu.memory_space<vmem>> -> memref<128xi32, #tpu.memory_space<vmem>>
            %dma_start3A_373 = tpu.memref_slice %arg3[%add3A_366] : memref<5120xi32, #tpu.memory_space<hbm>> -> memref<128xi32, #tpu.memory_space<hbm>>
            %dma_start3A_374 = tpu.memref_slice %arg3[%add3A_366] : memref<5120xi32, #tpu.memory_space<hbm>> -> memref<128xi32, #tpu.memory_space<hbm>>
            %dma_start3A_375 = tpu.memref_slice %arg9[%mul3A_363] : memref<2064xi32, #tpu.memory_space<vmem>> -> memref<128xi32, #tpu.memory_space<vmem>>
            tpu.enqueue_dma source(%dma_start3A_375 : memref<128xi32, #tpu.memory_space<vmem>>) target(%dma_start3A_374 : memref<128xi32, #tpu.memory_space<hbm>>) target_semaphore(%run_scoped3A : memref<!tpu.dma_semaphore, #tpu.memory_space<semaphore_mem>>)
            %dma_wait3A = tpu.memref_slice %arg9[%mul3A_363] : memref<2064xi32, #tpu.memory_space<vmem>> -> memref<128xi32, #tpu.memory_space<vmem>>
            %dma_wait3A_376 = tpu.memref_slice %arg3[%add3A_366] : memref<5120xi32, #tpu.memory_space<hbm>> -> memref<128xi32, #tpu.memory_space<hbm>>
            %dma_wait3A_377 = tpu.memref_slice %arg3[%add3A_366] : memref<5120xi32, #tpu.memory_space<hbm>> -> memref<128xi32, #tpu.memory_space<hbm>>
            %dma_wait3A_378 = tpu.memref_slice %arg9[%mul3A_363] : memref<2064xi32, #tpu.memory_space<vmem>> -> memref<128xi32, #tpu.memory_space<vmem>>
            tpu.wait_dma2 semaphore(%run_scoped3A : memref<!tpu.dma_semaphore, #tpu.memory_space<semaphore_mem>>) src(%dma_wait3A_378 : memref<128xi32, #tpu.memory_space<vmem>>) dst(%dma_wait3A_377 : memref<128xi32, #tpu.memory_space<hbm>>)
            tpu.yield
          }) : () -> ()
          %mul3A_367 = arith.constant 128 : i32
          %mul3A_368 = arith.muli %while3A_360, %mul3A_367 : i32
          %mul3A_369 = arith.constant 128 : i32
          %mul3A_370 = arith.muli %while3A_360, %mul3A_369 : i32
          %add3A_371 = arith.addi %mul3A_276, %mul3A_370 : i32
          "tpu.region"() ({
            %run_scoped3A = tpu.sem_alloc : memref<!tpu.dma_semaphore, #tpu.memory_space<semaphore_mem>>
            %dma_start3A = tpu.memref_slice %arg10[%mul3A_368] : memref<2064xf32, #tpu.memory_space<vmem>> -> memref<128xf32, #tpu.memory_space<vmem>>
            %dma_start3A_373 = tpu.memref_slice %arg4[%add3A_371] : memref<5120xf32, #tpu.memory_space<hbm>> -> memref<128xf32, #tpu.memory_space<hbm>>
            %dma_start3A_374 = tpu.memref_slice %arg4[%add3A_371] : memref<5120xf32, #tpu.memory_space<hbm>> -> memref<128xf32, #tpu.memory_space<hbm>>
            %dma_start3A_375 = tpu.memref_slice %arg10[%mul3A_368] : memref<2064xf32, #tpu.memory_space<vmem>> -> memref<128xf32, #tpu.memory_space<vmem>>
            tpu.enqueue_dma source(%dma_start3A_375 : memref<128xf32, #tpu.memory_space<vmem>>) target(%dma_start3A_374 : memref<128xf32, #tpu.memory_space<hbm>>) target_semaphore(%run_scoped3A : memref<!tpu.dma_semaphore, #tpu.memory_space<semaphore_mem>>)
            %dma_wait3A = tpu.memref_slice %arg10[%mul3A_368] : memref<2064xf32, #tpu.memory_space<vmem>> -> memref<128xf32, #tpu.memory_space<vmem>>
            %dma_wait3A_376 = tpu.memref_slice %arg4[%add3A_371] : memref<5120xf32, #tpu.memory_space<hbm>> -> memref<128xf32, #tpu.memory_space<hbm>>
            %dma_wait3A_377 = tpu.memref_slice %arg4[%add3A_371] : memref<5120xf32, #tpu.memory_space<hbm>> -> memref<128xf32, #tpu.memory_space<hbm>>
            %dma_wait3A_378 = tpu.memref_slice %arg10[%mul3A_368] : memref<2064xf32, #tpu.memory_space<vmem>> -> memref<128xf32, #tpu.memory_space<vmem>>
            tpu.wait_dma2 semaphore(%run_scoped3A : memref<!tpu.dma_semaphore, #tpu.memory_space<semaphore_mem>>) src(%dma_wait3A_378 : memref<128xf32, #tpu.memory_space<vmem>>) dst(%dma_wait3A_377 : memref<128xf32, #tpu.memory_space<hbm>>)
            tpu.yield
          }) : () -> ()
          %while3A_372 = arith.constant 0 : i32
          scf.yield %while3A_372 : i32
        }
        %while3A_358 = arith.constant 1 : i32
        %while3A_359 = scf.for %while3A_360 = %while3A_355 to %while3A_351 step %while3A_358 iter_args(%while3A_361 = %while3A_357) -> (i32)  : i32 {
          %mul3A_362 = arith.constant 128 : i32
          %mul3A_363 = arith.muli %while3A_360, %mul3A_362 : i32
          %mul3A_364 = arith.constant 128 : i32
          %mul3A_365 = arith.muli %while3A_360, %mul3A_364 : i32
          %add3A_366 = arith.addi %mul3A_276, %mul3A_365 : i32
          "tpu.region"() ({
            %run_scoped3A = tpu.sem_alloc : memref<!tpu.dma_semaphore, #tpu.memory_space<semaphore_mem>>
            %dma_start3A = tpu.memref_slice %arg9[%mul3A_363] : memref<2064xi32, #tpu.memory_space<vmem>> -> memref<128xi32, #tpu.memory_space<vmem>>
            %dma_start3A_373 = tpu.memref_slice %arg3[%add3A_366] : memref<5120xi32, #tpu.memory_space<hbm>> -> memref<128xi32, #tpu.memory_space<hbm>>
            %dma_start3A_374 = tpu.memref_slice %arg3[%add3A_366] : memref<5120xi32, #tpu.memory_space<hbm>> -> memref<128xi32, #tpu.memory_space<hbm>>
            %dma_start3A_375 = tpu.memref_slice %arg9[%mul3A_363] : memref<2064xi32, #tpu.memory_space<vmem>> -> memref<128xi32, #tpu.memory_space<vmem>>
            tpu.enqueue_dma source(%dma_start3A_375 : memref<128xi32, #tpu.memory_space<vmem>>) target(%dma_start3A_374 : memref<128xi32, #tpu.memory_space<hbm>>) target_semaphore(%run_scoped3A : memref<!tpu.dma_semaphore, #tpu.memory_space<semaphore_mem>>)
            %dma_wait3A = tpu.memref_slice %arg9[%mul3A_363] : memref<2064xi32, #tpu.memory_space<vmem>> -> memref<128xi32, #tpu.memory_space<vmem>>
            %dma_wait3A_376 = tpu.memref_slice %arg3[%add3A_366] : memref<5120xi32, #tpu.memory_space<hbm>> -> memref<128xi32, #tpu.memory_space<hbm>>
            %dma_wait3A_377 = tpu.memref_slice %arg3[%add3A_366] : memref<5120xi32, #tpu.memory_space<hbm>> -> memref<128xi32, #tpu.memory_space<hbm>>
            %dma_wait3A_378 = tpu.memref_slice %arg9[%mul3A_363] : memref<2064xi32, #tpu.memory_space<vmem>> -> memref<128xi32, #tpu.memory_space<vmem>>
            tpu.wait_dma2 semaphore(%run_scoped3A : memref<!tpu.dma_semaphore, #tpu.memory_space<semaphore_mem>>) src(%dma_wait3A_378 : memref<128xi32, #tpu.memory_space<vmem>>) dst(%dma_wait3A_377 : memref<128xi32, #tpu.memory_space<hbm>>)
            tpu.yield
          }) : () -> ()
          %mul3A_367 = arith.constant 128 : i32
          %mul3A_368 = arith.muli %while3A_360, %mul3A_367 : i32
          %mul3A_369 = arith.constant 128 : i32
          %mul3A_370 = arith.muli %while3A_360, %mul3A_369 : i32
          %add3A_371 = arith.addi %mul3A_276, %mul3A_370 : i32
          "tpu.region"() ({
            %run_scoped3A = tpu.sem_alloc : memref<!tpu.dma_semaphore, #tpu.memory_space<semaphore_mem>>
            %dma_start3A = tpu.memref_slice %arg10[%mul3A_368] : memref<2064xf32, #tpu.memory_space<vmem>> -> memref<128xf32, #tpu.memory_space<vmem>>
            %dma_start3A_373 = tpu.memref_slice %arg4[%add3A_371] : memref<5120xf32, #tpu.memory_space<hbm>> -> memref<128xf32, #tpu.memory_space<hbm>>
            %dma_start3A_374 = tpu.memref_slice %arg4[%add3A_371] : memref<5120xf32, #tpu.memory_space<hbm>> -> memref<128xf32, #tpu.memory_space<hbm>>
            %dma_start3A_375 = tpu.memref_slice %arg10[%mul3A_368] : memref<2064xf32, #tpu.memory_space<vmem>> -> memref<128xf32, #tpu.memory_space<vmem>>
            tpu.enqueue_dma source(%dma_start3A_375 : memref<128xf32, #tpu.memory_space<vmem>>) target(%dma_start3A_374 : memref<128xf32, #tpu.memory_space<hbm>>) target_semaphore(%run_scoped3A : memref<!tpu.dma_semaphore, #tpu.memory_space<semaphore_mem>>)
            %dma_wait3A = tpu.memref_slice %arg10[%mul3A_368] : memref<2064xf32, #tpu.memory_space<vmem>> -> memref<128xf32, #tpu.memory_space<vmem>>
            %dma_wait3A_376 = tpu.memref_slice %arg4[%add3A_371] : memref<5120xf32, #tpu.memory_space<hbm>> -> memref<128xf32, #tpu.memory_space<hbm>>
            %dma_wait3A_377 = tpu.memref_slice %arg4[%add3A_371] : memref<5120xf32, #tpu.memory_space<hbm>> -> memref<128xf32, #tpu.memory_space<hbm>>
            %dma_wait3A_378 = tpu.memref_slice %arg10[%mul3A_368] : memref<2064xf32, #tpu.memory_space<vmem>> -> memref<128xf32, #tpu.memory_space<vmem>>
            tpu.wait_dma2 semaphore(%run_scoped3A : memref<!tpu.dma_semaphore, #tpu.memory_space<semaphore_mem>>) src(%dma_wait3A_378 : memref<128xf32, #tpu.memory_space<vmem>>) dst(%dma_wait3A_377 : memref<128xf32, #tpu.memory_space<hbm>>)
            tpu.yield
          }) : () -> ()
          %while3A_372 = arith.constant 0 : i32
          scf.yield %while3A_372 : i32
        }
      } else {
      }
      %eq3A_310 = arith.constant 5 : i32
      %eq3A_311 = arith.cmpi eq, %arg1, %eq3A_310 : i32
      %convert_element_type3A_312 = arith.extui %eq3A_311 : i1 to i32
      %cond3A_313 = arith.constant 0 : i32
      %cond3A_314 = arith.cmpi ne, %convert_element_type3A_312, %cond3A_313 : i32
      scf.if %cond3A_314 {
        %scan3A_335 = arith.constant 0 : i32
        %scan3A_336 = arith.constant 0 : i32
        %scan3A_337 = arith.constant 129 : i32
        %scan3A_338 = arith.addi %scan3A_336, %scan3A_337 : i32
        %scan3A_339 = arith.constant 1 : i32
        %scan3A_340 = scf.for %scan3A_360 = %scan3A_336 to %scan3A_338 step %scan3A_339 iter_args(%scan3A_361 = %scan3A_335) -> (i32)  : i32 {
          %broadcast_in_dim3A = arith.constant 0 : i32
          %broadcast_in_dim3A_362 = vector.broadcast %broadcast_in_dim3A : i32 to vector<16xi32>
          %mul3A_363 = arith.constant 16 : i32
          %mul3A_364 = arith.muli %scan3A_360, %mul3A_363 : i32
          %swap3A = arith.index_cast %mul3A_364 : i32 to index
          %swap3A_365 = tpu.vector_load %arg9[%swap3A] {strides = array<i32>} : memref<2064xi32, #tpu.memory_space<vmem>>, vector<16xi32>,
          tpu.vector_store %arg9[%swap3A], %broadcast_in_dim3A_362 {strides = array<i32>} : memref<2064xi32, #tpu.memory_space<vmem>>, vector<16xi32>,
          %broadcast_in_dim3A_366 = arith.constant 0.000000e+00 : f32
          %broadcast_in_dim3A_367 = vector.broadcast %broadcast_in_dim3A_366 : f32 to vector<16xf32>
          %mul3A_368 = arith.constant 16 : i32
          %mul3A_369 = arith.muli %scan3A_360, %mul3A_368 : i32
          %swap3A_370 = arith.index_cast %mul3A_369 : i32 to index
          %swap3A_371 = tpu.vector_load %arg10[%swap3A_370] {strides = array<i32>} : memref<2064xf32, #tpu.memory_space<vmem>>, vector<16xf32>,
          tpu.vector_store %arg10[%swap3A_370], %broadcast_in_dim3A_367 {strides = array<i32>} : memref<2064xf32, #tpu.memory_space<vmem>>, vector<16xf32>,
          %scan3A_372 = arith.constant 0 : i32
          scf.yield %scan3A_372 : i32
        }
        %scan3A_341 = arith.constant 129 : i32
        %scan3A_342 = arith.constant 0 : i32
        %scan3A_343 = arith.constant 0 : i32
        %scan3A_344 = arith.constant 128 : i32
        %scan3A_345 = arith.addi %scan3A_343, %scan3A_344 : i32
        %scan3A_346 = arith.constant 1 : i32
        %scan3A_347 = scf.for %scan3A_360 = %scan3A_343 to %scan3A_345 step %scan3A_346 iter_args(%scan3A_361 = %scan3A_342) -> (i32)  : i32 {
          %mul3A_362 = arith.constant 16 : i32
          %mul3A_363 = arith.muli %scan3A_360, %mul3A_362 : i32
          %get3A = arith.constant 5 : i32
          %get3A_364 = arith.index_cast %get3A : i32 to index
          %get3A_365 = arith.index_cast %mul3A_363 : i32 to index
          %get3A_366 = tpu.vector_load %arg8[%get3A_364, %get3A_365] {strides = array<i32>} : memref<8x2048xf32, #tpu.memory_space<vmem>>, vector<16xf32>,
          %gt3A = arith.constant 0.000000e+00 : f32
          %gt3A_367 = vector.broadcast %gt3A : f32 to vector<16xf32>
          %gt3A_368 = arith.cmpf ogt, %get3A_366, %gt3A_367 : vector<16xf32>
          %mul3A_369 = arith.constant 16 : i32
          %mul3A_370 = arith.muli %scan3A_360, %mul3A_369 : i32
          %iota3A = tpu.iota {dimensions = array<i32: 0>} : vector<16xi32>
          %add3A_371 = vector.broadcast %mul3A_370 : i32 to vector<16xi32>
          %add3A_372 = arith.addi %add3A_371, %iota3A : vector<16xi32>
          %swap3A = arith.index_cast %scan3A_361 : i32 to index
          %swap3A_373 = tpu.vector_load %arg9[%swap3A] masked %gt3A_368 {strides = array<i32>} : memref<2064xi32, #tpu.memory_space<vmem>>, vector<16xi32>, vector<16xi1>
          tpu.vector_store %arg9[%swap3A], %add3A_372 masked %gt3A_368 {strides = array<i32>} : memref<2064xi32, #tpu.memory_space<vmem>>, vector<16xi32>, vector<16xi1>
          %swap3A_374 = arith.index_cast %scan3A_361 : i32 to index
          %swap3A_375 = tpu.vector_load %arg10[%swap3A_374] masked %gt3A_368 {strides = array<i32>} : memref<2064xf32, #tpu.memory_space<vmem>>, vector<16xf32>, vector<16xi1>
          tpu.vector_store %arg10[%swap3A_374], %get3A_366 masked %gt3A_368 {strides = array<i32>} : memref<2064xf32, #tpu.memory_space<vmem>>, vector<16xf32>, vector<16xi1>
          %convert_element_type3A_376 = arith.extui %gt3A_368 : vector<16xi1> to vector<16xi32>
          %reduce_sum3A = arith.constant true
          %reduce_sum3A_377 = vector.broadcast %reduce_sum3A : i1 to vector<16xi1>
          %reduce_sum3A_378 = tpu.scan <sum>, %convert_element_type3A_376 masked %reduce_sum3A_377 : vector<16xi32>, vector<16xi1> -> vector<16xi32>
          %reduce_sum3A_379 = vector.extract %reduce_sum3A_378[15] : i32 from vector<16xi32>
          %add3A_380 = arith.addi %scan3A_361, %reduce_sum3A_379 : i32
          scf.yield %add3A_380 : i32
        }
        %scan3A_348 = arith.constant 128 : i32
        %while3A = arith.constant 0 : i32
        %while3A_349 = arith.constant 0 : i32
        %while3A_350 = arith.subi %select_n3A_205, %while3A : i32
        %while3A_351 = arith.addi %while3A, %while3A_350 : i32
        %while3A_352 = arith.constant 1 : i32
        %while3A_353 = arith.divsi %while3A_350, %while3A_352 : i32
        %while3A_354 = arith.muli %while3A_353, %while3A_352 : i32
        %while3A_355 = arith.addi %while3A, %while3A_354 : i32
        %while3A_356 = arith.constant 1 : i32
        %while3A_357 = scf.for %while3A_360 = %while3A to %while3A_355 step %while3A_356 iter_args(%while3A_361 = %while3A_349) -> (i32)  : i32 {
          %mul3A_362 = arith.constant 128 : i32
          %mul3A_363 = arith.muli %while3A_360, %mul3A_362 : i32
          %mul3A_364 = arith.constant 128 : i32
          %mul3A_365 = arith.muli %while3A_360, %mul3A_364 : i32
          %add3A_366 = arith.addi %mul3A_278, %mul3A_365 : i32
          "tpu.region"() ({
            %run_scoped3A = tpu.sem_alloc : memref<!tpu.dma_semaphore, #tpu.memory_space<semaphore_mem>>
            %dma_start3A = tpu.memref_slice %arg9[%mul3A_363] : memref<2064xi32, #tpu.memory_space<vmem>> -> memref<128xi32, #tpu.memory_space<vmem>>
            %dma_start3A_373 = tpu.memref_slice %arg3[%add3A_366] : memref<5120xi32, #tpu.memory_space<hbm>> -> memref<128xi32, #tpu.memory_space<hbm>>
            %dma_start3A_374 = tpu.memref_slice %arg3[%add3A_366] : memref<5120xi32, #tpu.memory_space<hbm>> -> memref<128xi32, #tpu.memory_space<hbm>>
            %dma_start3A_375 = tpu.memref_slice %arg9[%mul3A_363] : memref<2064xi32, #tpu.memory_space<vmem>> -> memref<128xi32, #tpu.memory_space<vmem>>
            tpu.enqueue_dma source(%dma_start3A_375 : memref<128xi32, #tpu.memory_space<vmem>>) target(%dma_start3A_374 : memref<128xi32, #tpu.memory_space<hbm>>) target_semaphore(%run_scoped3A : memref<!tpu.dma_semaphore, #tpu.memory_space<semaphore_mem>>)
            %dma_wait3A = tpu.memref_slice %arg9[%mul3A_363] : memref<2064xi32, #tpu.memory_space<vmem>> -> memref<128xi32, #tpu.memory_space<vmem>>
            %dma_wait3A_376 = tpu.memref_slice %arg3[%add3A_366] : memref<5120xi32, #tpu.memory_space<hbm>> -> memref<128xi32, #tpu.memory_space<hbm>>
            %dma_wait3A_377 = tpu.memref_slice %arg3[%add3A_366] : memref<5120xi32, #tpu.memory_space<hbm>> -> memref<128xi32, #tpu.memory_space<hbm>>
            %dma_wait3A_378 = tpu.memref_slice %arg9[%mul3A_363] : memref<2064xi32, #tpu.memory_space<vmem>> -> memref<128xi32, #tpu.memory_space<vmem>>
            tpu.wait_dma2 semaphore(%run_scoped3A : memref<!tpu.dma_semaphore, #tpu.memory_space<semaphore_mem>>) src(%dma_wait3A_378 : memref<128xi32, #tpu.memory_space<vmem>>) dst(%dma_wait3A_377 : memref<128xi32, #tpu.memory_space<hbm>>)
            tpu.yield
          }) : () -> ()
          %mul3A_367 = arith.constant 128 : i32
          %mul3A_368 = arith.muli %while3A_360, %mul3A_367 : i32
          %mul3A_369 = arith.constant 128 : i32
          %mul3A_370 = arith.muli %while3A_360, %mul3A_369 : i32
          %add3A_371 = arith.addi %mul3A_278, %mul3A_370 : i32
          "tpu.region"() ({
            %run_scoped3A = tpu.sem_alloc : memref<!tpu.dma_semaphore, #tpu.memory_space<semaphore_mem>>
            %dma_start3A = tpu.memref_slice %arg10[%mul3A_368] : memref<2064xf32, #tpu.memory_space<vmem>> -> memref<128xf32, #tpu.memory_space<vmem>>
            %dma_start3A_373 = tpu.memref_slice %arg4[%add3A_371] : memref<5120xf32, #tpu.memory_space<hbm>> -> memref<128xf32, #tpu.memory_space<hbm>>
            %dma_start3A_374 = tpu.memref_slice %arg4[%add3A_371] : memref<5120xf32, #tpu.memory_space<hbm>> -> memref<128xf32, #tpu.memory_space<hbm>>
            %dma_start3A_375 = tpu.memref_slice %arg10[%mul3A_368] : memref<2064xf32, #tpu.memory_space<vmem>> -> memref<128xf32, #tpu.memory_space<vmem>>
            tpu.enqueue_dma source(%dma_start3A_375 : memref<128xf32, #tpu.memory_space<vmem>>) target(%dma_start3A_374 : memref<128xf32, #tpu.memory_space<hbm>>) target_semaphore(%run_scoped3A : memref<!tpu.dma_semaphore, #tpu.memory_space<semaphore_mem>>)
            %dma_wait3A = tpu.memref_slice %arg10[%mul3A_368] : memref<2064xf32, #tpu.memory_space<vmem>> -> memref<128xf32, #tpu.memory_space<vmem>>
            %dma_wait3A_376 = tpu.memref_slice %arg4[%add3A_371] : memref<5120xf32, #tpu.memory_space<hbm>> -> memref<128xf32, #tpu.memory_space<hbm>>
            %dma_wait3A_377 = tpu.memref_slice %arg4[%add3A_371] : memref<5120xf32, #tpu.memory_space<hbm>> -> memref<128xf32, #tpu.memory_space<hbm>>
            %dma_wait3A_378 = tpu.memref_slice %arg10[%mul3A_368] : memref<2064xf32, #tpu.memory_space<vmem>> -> memref<128xf32, #tpu.memory_space<vmem>>
            tpu.wait_dma2 semaphore(%run_scoped3A : memref<!tpu.dma_semaphore, #tpu.memory_space<semaphore_mem>>) src(%dma_wait3A_378 : memref<128xf32, #tpu.memory_space<vmem>>) dst(%dma_wait3A_377 : memref<128xf32, #tpu.memory_space<hbm>>)
            tpu.yield
          }) : () -> ()
          %while3A_372 = arith.constant 0 : i32
          scf.yield %while3A_372 : i32
        }
        %while3A_358 = arith.constant 1 : i32
        %while3A_359 = scf.for %while3A_360 = %while3A_355 to %while3A_351 step %while3A_358 iter_args(%while3A_361 = %while3A_357) -> (i32)  : i32 {
          %mul3A_362 = arith.constant 128 : i32
          %mul3A_363 = arith.muli %while3A_360, %mul3A_362 : i32
          %mul3A_364 = arith.constant 128 : i32
          %mul3A_365 = arith.muli %while3A_360, %mul3A_364 : i32
          %add3A_366 = arith.addi %mul3A_278, %mul3A_365 : i32
          "tpu.region"() ({
            %run_scoped3A = tpu.sem_alloc : memref<!tpu.dma_semaphore, #tpu.memory_space<semaphore_mem>>
            %dma_start3A = tpu.memref_slice %arg9[%mul3A_363] : memref<2064xi32, #tpu.memory_space<vmem>> -> memref<128xi32, #tpu.memory_space<vmem>>
            %dma_start3A_373 = tpu.memref_slice %arg3[%add3A_366] : memref<5120xi32, #tpu.memory_space<hbm>> -> memref<128xi32, #tpu.memory_space<hbm>>
            %dma_start3A_374 = tpu.memref_slice %arg3[%add3A_366] : memref<5120xi32, #tpu.memory_space<hbm>> -> memref<128xi32, #tpu.memory_space<hbm>>
            %dma_start3A_375 = tpu.memref_slice %arg9[%mul3A_363] : memref<2064xi32, #tpu.memory_space<vmem>> -> memref<128xi32, #tpu.memory_space<vmem>>
            tpu.enqueue_dma source(%dma_start3A_375 : memref<128xi32, #tpu.memory_space<vmem>>) target(%dma_start3A_374 : memref<128xi32, #tpu.memory_space<hbm>>) target_semaphore(%run_scoped3A : memref<!tpu.dma_semaphore, #tpu.memory_space<semaphore_mem>>)
            %dma_wait3A = tpu.memref_slice %arg9[%mul3A_363] : memref<2064xi32, #tpu.memory_space<vmem>> -> memref<128xi32, #tpu.memory_space<vmem>>
            %dma_wait3A_376 = tpu.memref_slice %arg3[%add3A_366] : memref<5120xi32, #tpu.memory_space<hbm>> -> memref<128xi32, #tpu.memory_space<hbm>>
            %dma_wait3A_377 = tpu.memref_slice %arg3[%add3A_366] : memref<5120xi32, #tpu.memory_space<hbm>> -> memref<128xi32, #tpu.memory_space<hbm>>
            %dma_wait3A_378 = tpu.memref_slice %arg9[%mul3A_363] : memref<2064xi32, #tpu.memory_space<vmem>> -> memref<128xi32, #tpu.memory_space<vmem>>
            tpu.wait_dma2 semaphore(%run_scoped3A : memref<!tpu.dma_semaphore, #tpu.memory_space<semaphore_mem>>) src(%dma_wait3A_378 : memref<128xi32, #tpu.memory_space<vmem>>) dst(%dma_wait3A_377 : memref<128xi32, #tpu.memory_space<hbm>>)
            tpu.yield
          }) : () -> ()
          %mul3A_367 = arith.constant 128 : i32
          %mul3A_368 = arith.muli %while3A_360, %mul3A_367 : i32
          %mul3A_369 = arith.constant 128 : i32
          %mul3A_370 = arith.muli %while3A_360, %mul3A_369 : i32
          %add3A_371 = arith.addi %mul3A_278, %mul3A_370 : i32
          "tpu.region"() ({
            %run_scoped3A = tpu.sem_alloc : memref<!tpu.dma_semaphore, #tpu.memory_space<semaphore_mem>>
            %dma_start3A = tpu.memref_slice %arg10[%mul3A_368] : memref<2064xf32, #tpu.memory_space<vmem>> -> memref<128xf32, #tpu.memory_space<vmem>>
            %dma_start3A_373 = tpu.memref_slice %arg4[%add3A_371] : memref<5120xf32, #tpu.memory_space<hbm>> -> memref<128xf32, #tpu.memory_space<hbm>>
            %dma_start3A_374 = tpu.memref_slice %arg4[%add3A_371] : memref<5120xf32, #tpu.memory_space<hbm>> -> memref<128xf32, #tpu.memory_space<hbm>>
            %dma_start3A_375 = tpu.memref_slice %arg10[%mul3A_368] : memref<2064xf32, #tpu.memory_space<vmem>> -> memref<128xf32, #tpu.memory_space<vmem>>
            tpu.enqueue_dma source(%dma_start3A_375 : memref<128xf32, #tpu.memory_space<vmem>>) target(%dma_start3A_374 : memref<128xf32, #tpu.memory_space<hbm>>) target_semaphore(%run_scoped3A : memref<!tpu.dma_semaphore, #tpu.memory_space<semaphore_mem>>)
            %dma_wait3A = tpu.memref_slice %arg10[%mul3A_368] : memref<2064xf32, #tpu.memory_space<vmem>> -> memref<128xf32, #tpu.memory_space<vmem>>
            %dma_wait3A_376 = tpu.memref_slice %arg4[%add3A_371] : memref<5120xf32, #tpu.memory_space<hbm>> -> memref<128xf32, #tpu.memory_space<hbm>>
            %dma_wait3A_377 = tpu.memref_slice %arg4[%add3A_371] : memref<5120xf32, #tpu.memory_space<hbm>> -> memref<128xf32, #tpu.memory_space<hbm>>
            %dma_wait3A_378 = tpu.memref_slice %arg10[%mul3A_368] : memref<2064xf32, #tpu.memory_space<vmem>> -> memref<128xf32, #tpu.memory_space<vmem>>
            tpu.wait_dma2 semaphore(%run_scoped3A : memref<!tpu.dma_semaphore, #tpu.memory_space<semaphore_mem>>) src(%dma_wait3A_378 : memref<128xf32, #tpu.memory_space<vmem>>) dst(%dma_wait3A_377 : memref<128xf32, #tpu.memory_space<hbm>>)
            tpu.yield
          }) : () -> ()
          %while3A_372 = arith.constant 0 : i32
          scf.yield %while3A_372 : i32
        }
      } else {
      }
      %eq3A_315 = arith.constant 6 : i32
      %eq3A_316 = arith.cmpi eq, %arg1, %eq3A_315 : i32
      %convert_element_type3A_317 = arith.extui %eq3A_316 : i1 to i32
      %cond3A_318 = arith.constant 0 : i32
      %cond3A_319 = arith.cmpi ne, %convert_element_type3A_317, %cond3A_318 : i32
      scf.if %cond3A_319 {
        %scan3A_335 = arith.constant 0 : i32
        %scan3A_336 = arith.constant 0 : i32
        %scan3A_337 = arith.constant 129 : i32
        %scan3A_338 = arith.addi %scan3A_336, %scan3A_337 : i32
        %scan3A_339 = arith.constant 1 : i32
        %scan3A_340 = scf.for %scan3A_360 = %scan3A_336 to %scan3A_338 step %scan3A_339 iter_args(%scan3A_361 = %scan3A_335) -> (i32)  : i32 {
          %broadcast_in_dim3A = arith.constant 0 : i32
          %broadcast_in_dim3A_362 = vector.broadcast %broadcast_in_dim3A : i32 to vector<16xi32>
          %mul3A_363 = arith.constant 16 : i32
          %mul3A_364 = arith.muli %scan3A_360, %mul3A_363 : i32
          %swap3A = arith.index_cast %mul3A_364 : i32 to index
          %swap3A_365 = tpu.vector_load %arg9[%swap3A] {strides = array<i32>} : memref<2064xi32, #tpu.memory_space<vmem>>, vector<16xi32>,
          tpu.vector_store %arg9[%swap3A], %broadcast_in_dim3A_362 {strides = array<i32>} : memref<2064xi32, #tpu.memory_space<vmem>>, vector<16xi32>,
          %broadcast_in_dim3A_366 = arith.constant 0.000000e+00 : f32
          %broadcast_in_dim3A_367 = vector.broadcast %broadcast_in_dim3A_366 : f32 to vector<16xf32>
          %mul3A_368 = arith.constant 16 : i32
          %mul3A_369 = arith.muli %scan3A_360, %mul3A_368 : i32
          %swap3A_370 = arith.index_cast %mul3A_369 : i32 to index
          %swap3A_371 = tpu.vector_load %arg10[%swap3A_370] {strides = array<i32>} : memref<2064xf32, #tpu.memory_space<vmem>>, vector<16xf32>,
          tpu.vector_store %arg10[%swap3A_370], %broadcast_in_dim3A_367 {strides = array<i32>} : memref<2064xf32, #tpu.memory_space<vmem>>, vector<16xf32>,
          %scan3A_372 = arith.constant 0 : i32
          scf.yield %scan3A_372 : i32
        }
        %scan3A_341 = arith.constant 129 : i32
        %scan3A_342 = arith.constant 0 : i32
        %scan3A_343 = arith.constant 0 : i32
        %scan3A_344 = arith.constant 128 : i32
        %scan3A_345 = arith.addi %scan3A_343, %scan3A_344 : i32
        %scan3A_346 = arith.constant 1 : i32
        %scan3A_347 = scf.for %scan3A_360 = %scan3A_343 to %scan3A_345 step %scan3A_346 iter_args(%scan3A_361 = %scan3A_342) -> (i32)  : i32 {
          %mul3A_362 = arith.constant 16 : i32
          %mul3A_363 = arith.muli %scan3A_360, %mul3A_362 : i32
          %get3A = arith.constant 6 : i32
          %get3A_364 = arith.index_cast %get3A : i32 to index
          %get3A_365 = arith.index_cast %mul3A_363 : i32 to index
          %get3A_366 = tpu.vector_load %arg8[%get3A_364, %get3A_365] {strides = array<i32>} : memref<8x2048xf32, #tpu.memory_space<vmem>>, vector<16xf32>,
          %gt3A = arith.constant 0.000000e+00 : f32
          %gt3A_367 = vector.broadcast %gt3A : f32 to vector<16xf32>
          %gt3A_368 = arith.cmpf ogt, %get3A_366, %gt3A_367 : vector<16xf32>
          %mul3A_369 = arith.constant 16 : i32
          %mul3A_370 = arith.muli %scan3A_360, %mul3A_369 : i32
          %iota3A = tpu.iota {dimensions = array<i32: 0>} : vector<16xi32>
          %add3A_371 = vector.broadcast %mul3A_370 : i32 to vector<16xi32>
          %add3A_372 = arith.addi %add3A_371, %iota3A : vector<16xi32>
          %swap3A = arith.index_cast %scan3A_361 : i32 to index
          %swap3A_373 = tpu.vector_load %arg9[%swap3A] masked %gt3A_368 {strides = array<i32>} : memref<2064xi32, #tpu.memory_space<vmem>>, vector<16xi32>, vector<16xi1>
          tpu.vector_store %arg9[%swap3A], %add3A_372 masked %gt3A_368 {strides = array<i32>} : memref<2064xi32, #tpu.memory_space<vmem>>, vector<16xi32>, vector<16xi1>
          %swap3A_374 = arith.index_cast %scan3A_361 : i32 to index
          %swap3A_375 = tpu.vector_load %arg10[%swap3A_374] masked %gt3A_368 {strides = array<i32>} : memref<2064xf32, #tpu.memory_space<vmem>>, vector<16xf32>, vector<16xi1>
          tpu.vector_store %arg10[%swap3A_374], %get3A_366 masked %gt3A_368 {strides = array<i32>} : memref<2064xf32, #tpu.memory_space<vmem>>, vector<16xf32>, vector<16xi1>
          %convert_element_type3A_376 = arith.extui %gt3A_368 : vector<16xi1> to vector<16xi32>
          %reduce_sum3A = arith.constant true
          %reduce_sum3A_377 = vector.broadcast %reduce_sum3A : i1 to vector<16xi1>
          %reduce_sum3A_378 = tpu.scan <sum>, %convert_element_type3A_376 masked %reduce_sum3A_377 : vector<16xi32>, vector<16xi1> -> vector<16xi32>
          %reduce_sum3A_379 = vector.extract %reduce_sum3A_378[15] : i32 from vector<16xi32>
          %add3A_380 = arith.addi %scan3A_361, %reduce_sum3A_379 : i32
          scf.yield %add3A_380 : i32
        }
        %scan3A_348 = arith.constant 128 : i32
        %while3A = arith.constant 0 : i32
        %while3A_349 = arith.constant 0 : i32
        %while3A_350 = arith.subi %select_n3A_231, %while3A : i32
        %while3A_351 = arith.addi %while3A, %while3A_350 : i32
        %while3A_352 = arith.constant 1 : i32
        %while3A_353 = arith.divsi %while3A_350, %while3A_352 : i32
        %while3A_354 = arith.muli %while3A_353, %while3A_352 : i32
        %while3A_355 = arith.addi %while3A, %while3A_354 : i32
        %while3A_356 = arith.constant 1 : i32
        %while3A_357 = scf.for %while3A_360 = %while3A to %while3A_355 step %while3A_356 iter_args(%while3A_361 = %while3A_349) -> (i32)  : i32 {
          %mul3A_362 = arith.constant 128 : i32
          %mul3A_363 = arith.muli %while3A_360, %mul3A_362 : i32
          %mul3A_364 = arith.constant 128 : i32
          %mul3A_365 = arith.muli %while3A_360, %mul3A_364 : i32
          %add3A_366 = arith.addi %mul3A_280, %mul3A_365 : i32
          "tpu.region"() ({
            %run_scoped3A = tpu.sem_alloc : memref<!tpu.dma_semaphore, #tpu.memory_space<semaphore_mem>>
            %dma_start3A = tpu.memref_slice %arg9[%mul3A_363] : memref<2064xi32, #tpu.memory_space<vmem>> -> memref<128xi32, #tpu.memory_space<vmem>>
            %dma_start3A_373 = tpu.memref_slice %arg3[%add3A_366] : memref<5120xi32, #tpu.memory_space<hbm>> -> memref<128xi32, #tpu.memory_space<hbm>>
            %dma_start3A_374 = tpu.memref_slice %arg3[%add3A_366] : memref<5120xi32, #tpu.memory_space<hbm>> -> memref<128xi32, #tpu.memory_space<hbm>>
            %dma_start3A_375 = tpu.memref_slice %arg9[%mul3A_363] : memref<2064xi32, #tpu.memory_space<vmem>> -> memref<128xi32, #tpu.memory_space<vmem>>
            tpu.enqueue_dma source(%dma_start3A_375 : memref<128xi32, #tpu.memory_space<vmem>>) target(%dma_start3A_374 : memref<128xi32, #tpu.memory_space<hbm>>) target_semaphore(%run_scoped3A : memref<!tpu.dma_semaphore, #tpu.memory_space<semaphore_mem>>)
            %dma_wait3A = tpu.memref_slice %arg9[%mul3A_363] : memref<2064xi32, #tpu.memory_space<vmem>> -> memref<128xi32, #tpu.memory_space<vmem>>
            %dma_wait3A_376 = tpu.memref_slice %arg3[%add3A_366] : memref<5120xi32, #tpu.memory_space<hbm>> -> memref<128xi32, #tpu.memory_space<hbm>>
            %dma_wait3A_377 = tpu.memref_slice %arg3[%add3A_366] : memref<5120xi32, #tpu.memory_space<hbm>> -> memref<128xi32, #tpu.memory_space<hbm>>
            %dma_wait3A_378 = tpu.memref_slice %arg9[%mul3A_363] : memref<2064xi32, #tpu.memory_space<vmem>> -> memref<128xi32, #tpu.memory_space<vmem>>
            tpu.wait_dma2 semaphore(%run_scoped3A : memref<!tpu.dma_semaphore, #tpu.memory_space<semaphore_mem>>) src(%dma_wait3A_378 : memref<128xi32, #tpu.memory_space<vmem>>) dst(%dma_wait3A_377 : memref<128xi32, #tpu.memory_space<hbm>>)
            tpu.yield
          }) : () -> ()
          %mul3A_367 = arith.constant 128 : i32
          %mul3A_368 = arith.muli %while3A_360, %mul3A_367 : i32
          %mul3A_369 = arith.constant 128 : i32
          %mul3A_370 = arith.muli %while3A_360, %mul3A_369 : i32
          %add3A_371 = arith.addi %mul3A_280, %mul3A_370 : i32
          "tpu.region"() ({
            %run_scoped3A = tpu.sem_alloc : memref<!tpu.dma_semaphore, #tpu.memory_space<semaphore_mem>>
            %dma_start3A = tpu.memref_slice %arg10[%mul3A_368] : memref<2064xf32, #tpu.memory_space<vmem>> -> memref<128xf32, #tpu.memory_space<vmem>>
            %dma_start3A_373 = tpu.memref_slice %arg4[%add3A_371] : memref<5120xf32, #tpu.memory_space<hbm>> -> memref<128xf32, #tpu.memory_space<hbm>>
            %dma_start3A_374 = tpu.memref_slice %arg4[%add3A_371] : memref<5120xf32, #tpu.memory_space<hbm>> -> memref<128xf32, #tpu.memory_space<hbm>>
            %dma_start3A_375 = tpu.memref_slice %arg10[%mul3A_368] : memref<2064xf32, #tpu.memory_space<vmem>> -> memref<128xf32, #tpu.memory_space<vmem>>
            tpu.enqueue_dma source(%dma_start3A_375 : memref<128xf32, #tpu.memory_space<vmem>>) target(%dma_start3A_374 : memref<128xf32, #tpu.memory_space<hbm>>) target_semaphore(%run_scoped3A : memref<!tpu.dma_semaphore, #tpu.memory_space<semaphore_mem>>)
            %dma_wait3A = tpu.memref_slice %arg10[%mul3A_368] : memref<2064xf32, #tpu.memory_space<vmem>> -> memref<128xf32, #tpu.memory_space<vmem>>
            %dma_wait3A_376 = tpu.memref_slice %arg4[%add3A_371] : memref<5120xf32, #tpu.memory_space<hbm>> -> memref<128xf32, #tpu.memory_space<hbm>>
            %dma_wait3A_377 = tpu.memref_slice %arg4[%add3A_371] : memref<5120xf32, #tpu.memory_space<hbm>> -> memref<128xf32, #tpu.memory_space<hbm>>
            %dma_wait3A_378 = tpu.memref_slice %arg10[%mul3A_368] : memref<2064xf32, #tpu.memory_space<vmem>> -> memref<128xf32, #tpu.memory_space<vmem>>
            tpu.wait_dma2 semaphore(%run_scoped3A : memref<!tpu.dma_semaphore, #tpu.memory_space<semaphore_mem>>) src(%dma_wait3A_378 : memref<128xf32, #tpu.memory_space<vmem>>) dst(%dma_wait3A_377 : memref<128xf32, #tpu.memory_space<hbm>>)
            tpu.yield
          }) : () -> ()
          %while3A_372 = arith.constant 0 : i32
          scf.yield %while3A_372 : i32
        }
        %while3A_358 = arith.constant 1 : i32
        %while3A_359 = scf.for %while3A_360 = %while3A_355 to %while3A_351 step %while3A_358 iter_args(%while3A_361 = %while3A_357) -> (i32)  : i32 {
          %mul3A_362 = arith.constant 128 : i32
          %mul3A_363 = arith.muli %while3A_360, %mul3A_362 : i32
          %mul3A_364 = arith.constant 128 : i32
          %mul3A_365 = arith.muli %while3A_360, %mul3A_364 : i32
          %add3A_366 = arith.addi %mul3A_280, %mul3A_365 : i32
          "tpu.region"() ({
            %run_scoped3A = tpu.sem_alloc : memref<!tpu.dma_semaphore, #tpu.memory_space<semaphore_mem>>
            %dma_start3A = tpu.memref_slice %arg9[%mul3A_363] : memref<2064xi32, #tpu.memory_space<vmem>> -> memref<128xi32, #tpu.memory_space<vmem>>
            %dma_start3A_373 = tpu.memref_slice %arg3[%add3A_366] : memref<5120xi32, #tpu.memory_space<hbm>> -> memref<128xi32, #tpu.memory_space<hbm>>
            %dma_start3A_374 = tpu.memref_slice %arg3[%add3A_366] : memref<5120xi32, #tpu.memory_space<hbm>> -> memref<128xi32, #tpu.memory_space<hbm>>
            %dma_start3A_375 = tpu.memref_slice %arg9[%mul3A_363] : memref<2064xi32, #tpu.memory_space<vmem>> -> memref<128xi32, #tpu.memory_space<vmem>>
            tpu.enqueue_dma source(%dma_start3A_375 : memref<128xi32, #tpu.memory_space<vmem>>) target(%dma_start3A_374 : memref<128xi32, #tpu.memory_space<hbm>>) target_semaphore(%run_scoped3A : memref<!tpu.dma_semaphore, #tpu.memory_space<semaphore_mem>>)
            %dma_wait3A = tpu.memref_slice %arg9[%mul3A_363] : memref<2064xi32, #tpu.memory_space<vmem>> -> memref<128xi32, #tpu.memory_space<vmem>>
            %dma_wait3A_376 = tpu.memref_slice %arg3[%add3A_366] : memref<5120xi32, #tpu.memory_space<hbm>> -> memref<128xi32, #tpu.memory_space<hbm>>
            %dma_wait3A_377 = tpu.memref_slice %arg3[%add3A_366] : memref<5120xi32, #tpu.memory_space<hbm>> -> memref<128xi32, #tpu.memory_space<hbm>>
            %dma_wait3A_378 = tpu.memref_slice %arg9[%mul3A_363] : memref<2064xi32, #tpu.memory_space<vmem>> -> memref<128xi32, #tpu.memory_space<vmem>>
            tpu.wait_dma2 semaphore(%run_scoped3A : memref<!tpu.dma_semaphore, #tpu.memory_space<semaphore_mem>>) src(%dma_wait3A_378 : memref<128xi32, #tpu.memory_space<vmem>>) dst(%dma_wait3A_377 : memref<128xi32, #tpu.memory_space<hbm>>)
            tpu.yield
          }) : () -> ()
          %mul3A_367 = arith.constant 128 : i32
          %mul3A_368 = arith.muli %while3A_360, %mul3A_367 : i32
          %mul3A_369 = arith.constant 128 : i32
          %mul3A_370 = arith.muli %while3A_360, %mul3A_369 : i32
          %add3A_371 = arith.addi %mul3A_280, %mul3A_370 : i32
          "tpu.region"() ({
            %run_scoped3A = tpu.sem_alloc : memref<!tpu.dma_semaphore, #tpu.memory_space<semaphore_mem>>
            %dma_start3A = tpu.memref_slice %arg10[%mul3A_368] : memref<2064xf32, #tpu.memory_space<vmem>> -> memref<128xf32, #tpu.memory_space<vmem>>
            %dma_start3A_373 = tpu.memref_slice %arg4[%add3A_371] : memref<5120xf32, #tpu.memory_space<hbm>> -> memref<128xf32, #tpu.memory_space<hbm>>
            %dma_start3A_374 = tpu.memref_slice %arg4[%add3A_371] : memref<5120xf32, #tpu.memory_space<hbm>> -> memref<128xf32, #tpu.memory_space<hbm>>
            %dma_start3A_375 = tpu.memref_slice %arg10[%mul3A_368] : memref<2064xf32, #tpu.memory_space<vmem>> -> memref<128xf32, #tpu.memory_space<vmem>>
            tpu.enqueue_dma source(%dma_start3A_375 : memref<128xf32, #tpu.memory_space<vmem>>) target(%dma_start3A_374 : memref<128xf32, #tpu.memory_space<hbm>>) target_semaphore(%run_scoped3A : memref<!tpu.dma_semaphore, #tpu.memory_space<semaphore_mem>>)
            %dma_wait3A = tpu.memref_slice %arg10[%mul3A_368] : memref<2064xf32, #tpu.memory_space<vmem>> -> memref<128xf32, #tpu.memory_space<vmem>>
            %dma_wait3A_376 = tpu.memref_slice %arg4[%add3A_371] : memref<5120xf32, #tpu.memory_space<hbm>> -> memref<128xf32, #tpu.memory_space<hbm>>
            %dma_wait3A_377 = tpu.memref_slice %arg4[%add3A_371] : memref<5120xf32, #tpu.memory_space<hbm>> -> memref<128xf32, #tpu.memory_space<hbm>>
            %dma_wait3A_378 = tpu.memref_slice %arg10[%mul3A_368] : memref<2064xf32, #tpu.memory_space<vmem>> -> memref<128xf32, #tpu.memory_space<vmem>>
            tpu.wait_dma2 semaphore(%run_scoped3A : memref<!tpu.dma_semaphore, #tpu.memory_space<semaphore_mem>>) src(%dma_wait3A_378 : memref<128xf32, #tpu.memory_space<vmem>>) dst(%dma_wait3A_377 : memref<128xf32, #tpu.memory_space<hbm>>)
            tpu.yield
          }) : () -> ()
          %while3A_372 = arith.constant 0 : i32
          scf.yield %while3A_372 : i32
        }
      } else {
      }
      %eq3A_320 = arith.constant 7 : i32
      %eq3A_321 = arith.cmpi eq, %arg1, %eq3A_320 : i32
      %convert_element_type3A_322 = arith.extui %eq3A_321 : i1 to i32
      %cond3A_323 = arith.constant 0 : i32
      %cond3A_324 = arith.cmpi ne, %convert_element_type3A_322, %cond3A_323 : i32
      scf.if %cond3A_324 {
        %scan3A_335 = arith.constant 0 : i32
        %scan3A_336 = arith.constant 0 : i32
        %scan3A_337 = arith.constant 129 : i32
        %scan3A_338 = arith.addi %scan3A_336, %scan3A_337 : i32
        %scan3A_339 = arith.constant 1 : i32
        %scan3A_340 = scf.for %scan3A_360 = %scan3A_336 to %scan3A_338 step %scan3A_339 iter_args(%scan3A_361 = %scan3A_335) -> (i32)  : i32 {
          %broadcast_in_dim3A = arith.constant 0 : i32
          %broadcast_in_dim3A_362 = vector.broadcast %broadcast_in_dim3A : i32 to vector<16xi32>
          %mul3A_363 = arith.constant 16 : i32
          %mul3A_364 = arith.muli %scan3A_360, %mul3A_363 : i32
          %swap3A = arith.index_cast %mul3A_364 : i32 to index
          %swap3A_365 = tpu.vector_load %arg9[%swap3A] {strides = array<i32>} : memref<2064xi32, #tpu.memory_space<vmem>>, vector<16xi32>,
          tpu.vector_store %arg9[%swap3A], %broadcast_in_dim3A_362 {strides = array<i32>} : memref<2064xi32, #tpu.memory_space<vmem>>, vector<16xi32>,
          %broadcast_in_dim3A_366 = arith.constant 0.000000e+00 : f32
          %broadcast_in_dim3A_367 = vector.broadcast %broadcast_in_dim3A_366 : f32 to vector<16xf32>
          %mul3A_368 = arith.constant 16 : i32
          %mul3A_369 = arith.muli %scan3A_360, %mul3A_368 : i32
          %swap3A_370 = arith.index_cast %mul3A_369 : i32 to index
          %swap3A_371 = tpu.vector_load %arg10[%swap3A_370] {strides = array<i32>} : memref<2064xf32, #tpu.memory_space<vmem>>, vector<16xf32>,
          tpu.vector_store %arg10[%swap3A_370], %broadcast_in_dim3A_367 {strides = array<i32>} : memref<2064xf32, #tpu.memory_space<vmem>>, vector<16xf32>,
          %scan3A_372 = arith.constant 0 : i32
          scf.yield %scan3A_372 : i32
        }
        %scan3A_341 = arith.constant 129 : i32
        %scan3A_342 = arith.constant 0 : i32
        %scan3A_343 = arith.constant 0 : i32
        %scan3A_344 = arith.constant 128 : i32
        %scan3A_345 = arith.addi %scan3A_343, %scan3A_344 : i32
        %scan3A_346 = arith.constant 1 : i32
        %scan3A_347 = scf.for %scan3A_360 = %scan3A_343 to %scan3A_345 step %scan3A_346 iter_args(%scan3A_361 = %scan3A_342) -> (i32)  : i32 {
          %mul3A_362 = arith.constant 16 : i32
          %mul3A_363 = arith.muli %scan3A_360, %mul3A_362 : i32
          %get3A = arith.constant 7 : i32
          %get3A_364 = arith.index_cast %get3A : i32 to index
          %get3A_365 = arith.index_cast %mul3A_363 : i32 to index
          %get3A_366 = tpu.vector_load %arg8[%get3A_364, %get3A_365] {strides = array<i32>} : memref<8x2048xf32, #tpu.memory_space<vmem>>, vector<16xf32>,
          %gt3A = arith.constant 0.000000e+00 : f32
          %gt3A_367 = vector.broadcast %gt3A : f32 to vector<16xf32>
          %gt3A_368 = arith.cmpf ogt, %get3A_366, %gt3A_367 : vector<16xf32>
          %mul3A_369 = arith.constant 16 : i32
          %mul3A_370 = arith.muli %scan3A_360, %mul3A_369 : i32
          %iota3A = tpu.iota {dimensions = array<i32: 0>} : vector<16xi32>
          %add3A_371 = vector.broadcast %mul3A_370 : i32 to vector<16xi32>
          %add3A_372 = arith.addi %add3A_371, %iota3A : vector<16xi32>
          %swap3A = arith.index_cast %scan3A_361 : i32 to index
          %swap3A_373 = tpu.vector_load %arg9[%swap3A] masked %gt3A_368 {strides = array<i32>} : memref<2064xi32, #tpu.memory_space<vmem>>, vector<16xi32>, vector<16xi1>
          tpu.vector_store %arg9[%swap3A], %add3A_372 masked %gt3A_368 {strides = array<i32>} : memref<2064xi32, #tpu.memory_space<vmem>>, vector<16xi32>, vector<16xi1>
          %swap3A_374 = arith.index_cast %scan3A_361 : i32 to index
          %swap3A_375 = tpu.vector_load %arg10[%swap3A_374] masked %gt3A_368 {strides = array<i32>} : memref<2064xf32, #tpu.memory_space<vmem>>, vector<16xf32>, vector<16xi1>
          tpu.vector_store %arg10[%swap3A_374], %get3A_366 masked %gt3A_368 {strides = array<i32>} : memref<2064xf32, #tpu.memory_space<vmem>>, vector<16xf32>, vector<16xi1>
          %convert_element_type3A_376 = arith.extui %gt3A_368 : vector<16xi1> to vector<16xi32>
          %reduce_sum3A = arith.constant true
          %reduce_sum3A_377 = vector.broadcast %reduce_sum3A : i1 to vector<16xi1>
          %reduce_sum3A_378 = tpu.scan <sum>, %convert_element_type3A_376 masked %reduce_sum3A_377 : vector<16xi32>, vector<16xi1> -> vector<16xi32>
          %reduce_sum3A_379 = vector.extract %reduce_sum3A_378[15] : i32 from vector<16xi32>
          %add3A_380 = arith.addi %scan3A_361, %reduce_sum3A_379 : i32
          scf.yield %add3A_380 : i32
        }
        %scan3A_348 = arith.constant 128 : i32
        %while3A = arith.constant 0 : i32
        %while3A_349 = arith.constant 0 : i32
        %while3A_350 = arith.subi %select_n3A_257, %while3A : i32
        %while3A_351 = arith.addi %while3A, %while3A_350 : i32
        %while3A_352 = arith.constant 1 : i32
        %while3A_353 = arith.divsi %while3A_350, %while3A_352 : i32
        %while3A_354 = arith.muli %while3A_353, %while3A_352 : i32
        %while3A_355 = arith.addi %while3A, %while3A_354 : i32
        %while3A_356 = arith.constant 1 : i32
        %while3A_357 = scf.for %while3A_360 = %while3A to %while3A_355 step %while3A_356 iter_args(%while3A_361 = %while3A_349) -> (i32)  : i32 {
          %mul3A_362 = arith.constant 128 : i32
          %mul3A_363 = arith.muli %while3A_360, %mul3A_362 : i32
          %mul3A_364 = arith.constant 128 : i32
          %mul3A_365 = arith.muli %while3A_360, %mul3A_364 : i32
          %add3A_366 = arith.addi %mul3A_282, %mul3A_365 : i32
          "tpu.region"() ({
            %run_scoped3A = tpu.sem_alloc : memref<!tpu.dma_semaphore, #tpu.memory_space<semaphore_mem>>
            %dma_start3A = tpu.memref_slice %arg9[%mul3A_363] : memref<2064xi32, #tpu.memory_space<vmem>> -> memref<128xi32, #tpu.memory_space<vmem>>
            %dma_start3A_373 = tpu.memref_slice %arg3[%add3A_366] : memref<5120xi32, #tpu.memory_space<hbm>> -> memref<128xi32, #tpu.memory_space<hbm>>
            %dma_start3A_374 = tpu.memref_slice %arg3[%add3A_366] : memref<5120xi32, #tpu.memory_space<hbm>> -> memref<128xi32, #tpu.memory_space<hbm>>
            %dma_start3A_375 = tpu.memref_slice %arg9[%mul3A_363] : memref<2064xi32, #tpu.memory_space<vmem>> -> memref<128xi32, #tpu.memory_space<vmem>>
            tpu.enqueue_dma source(%dma_start3A_375 : memref<128xi32, #tpu.memory_space<vmem>>) target(%dma_start3A_374 : memref<128xi32, #tpu.memory_space<hbm>>) target_semaphore(%run_scoped3A : memref<!tpu.dma_semaphore, #tpu.memory_space<semaphore_mem>>)
            %dma_wait3A = tpu.memref_slice %arg9[%mul3A_363] : memref<2064xi32, #tpu.memory_space<vmem>> -> memref<128xi32, #tpu.memory_space<vmem>>
            %dma_wait3A_376 = tpu.memref_slice %arg3[%add3A_366] : memref<5120xi32, #tpu.memory_space<hbm>> -> memref<128xi32, #tpu.memory_space<hbm>>
            %dma_wait3A_377 = tpu.memref_slice %arg3[%add3A_366] : memref<5120xi32, #tpu.memory_space<hbm>> -> memref<128xi32, #tpu.memory_space<hbm>>
            %dma_wait3A_378 = tpu.memref_slice %arg9[%mul3A_363] : memref<2064xi32, #tpu.memory_space<vmem>> -> memref<128xi32, #tpu.memory_space<vmem>>
            tpu.wait_dma2 semaphore(%run_scoped3A : memref<!tpu.dma_semaphore, #tpu.memory_space<semaphore_mem>>) src(%dma_wait3A_378 : memref<128xi32, #tpu.memory_space<vmem>>) dst(%dma_wait3A_377 : memref<128xi32, #tpu.memory_space<hbm>>)
            tpu.yield
          }) : () -> ()
          %mul3A_367 = arith.constant 128 : i32
          %mul3A_368 = arith.muli %while3A_360, %mul3A_367 : i32
          %mul3A_369 = arith.constant 128 : i32
          %mul3A_370 = arith.muli %while3A_360, %mul3A_369 : i32
          %add3A_371 = arith.addi %mul3A_282, %mul3A_370 : i32
          "tpu.region"() ({
            %run_scoped3A = tpu.sem_alloc : memref<!tpu.dma_semaphore, #tpu.memory_space<semaphore_mem>>
            %dma_start3A = tpu.memref_slice %arg10[%mul3A_368] : memref<2064xf32, #tpu.memory_space<vmem>> -> memref<128xf32, #tpu.memory_space<vmem>>
            %dma_start3A_373 = tpu.memref_slice %arg4[%add3A_371] : memref<5120xf32, #tpu.memory_space<hbm>> -> memref<128xf32, #tpu.memory_space<hbm>>
            %dma_start3A_374 = tpu.memref_slice %arg4[%add3A_371] : memref<5120xf32, #tpu.memory_space<hbm>> -> memref<128xf32, #tpu.memory_space<hbm>>
            %dma_start3A_375 = tpu.memref_slice %arg10[%mul3A_368] : memref<2064xf32, #tpu.memory_space<vmem>> -> memref<128xf32, #tpu.memory_space<vmem>>
            tpu.enqueue_dma source(%dma_start3A_375 : memref<128xf32, #tpu.memory_space<vmem>>) target(%dma_start3A_374 : memref<128xf32, #tpu.memory_space<hbm>>) target_semaphore(%run_scoped3A : memref<!tpu.dma_semaphore, #tpu.memory_space<semaphore_mem>>)
            %dma_wait3A = tpu.memref_slice %arg10[%mul3A_368] : memref<2064xf32, #tpu.memory_space<vmem>> -> memref<128xf32, #tpu.memory_space<vmem>>
            %dma_wait3A_376 = tpu.memref_slice %arg4[%add3A_371] : memref<5120xf32, #tpu.memory_space<hbm>> -> memref<128xf32, #tpu.memory_space<hbm>>
            %dma_wait3A_377 = tpu.memref_slice %arg4[%add3A_371] : memref<5120xf32, #tpu.memory_space<hbm>> -> memref<128xf32, #tpu.memory_space<hbm>>
            %dma_wait3A_378 = tpu.memref_slice %arg10[%mul3A_368] : memref<2064xf32, #tpu.memory_space<vmem>> -> memref<128xf32, #tpu.memory_space<vmem>>
            tpu.wait_dma2 semaphore(%run_scoped3A : memref<!tpu.dma_semaphore, #tpu.memory_space<semaphore_mem>>) src(%dma_wait3A_378 : memref<128xf32, #tpu.memory_space<vmem>>) dst(%dma_wait3A_377 : memref<128xf32, #tpu.memory_space<hbm>>)
            tpu.yield
          }) : () -> ()
          %while3A_372 = arith.constant 0 : i32
          scf.yield %while3A_372 : i32
        }
        %while3A_358 = arith.constant 1 : i32
        %while3A_359 = scf.for %while3A_360 = %while3A_355 to %while3A_351 step %while3A_358 iter_args(%while3A_361 = %while3A_357) -> (i32)  : i32 {
          %mul3A_362 = arith.constant 128 : i32
          %mul3A_363 = arith.muli %while3A_360, %mul3A_362 : i32
          %mul3A_364 = arith.constant 128 : i32
          %mul3A_365 = arith.muli %while3A_360, %mul3A_364 : i32
          %add3A_366 = arith.addi %mul3A_282, %mul3A_365 : i32
          "tpu.region"() ({
            %run_scoped3A = tpu.sem_alloc : memref<!tpu.dma_semaphore, #tpu.memory_space<semaphore_mem>>
            %dma_start3A = tpu.memref_slice %arg9[%mul3A_363] : memref<2064xi32, #tpu.memory_space<vmem>> -> memref<128xi32, #tpu.memory_space<vmem>>
            %dma_start3A_373 = tpu.memref_slice %arg3[%add3A_366] : memref<5120xi32, #tpu.memory_space<hbm>> -> memref<128xi32, #tpu.memory_space<hbm>>
            %dma_start3A_374 = tpu.memref_slice %arg3[%add3A_366] : memref<5120xi32, #tpu.memory_space<hbm>> -> memref<128xi32, #tpu.memory_space<hbm>>
            %dma_start3A_375 = tpu.memref_slice %arg9[%mul3A_363] : memref<2064xi32, #tpu.memory_space<vmem>> -> memref<128xi32, #tpu.memory_space<vmem>>
            tpu.enqueue_dma source(%dma_start3A_375 : memref<128xi32, #tpu.memory_space<vmem>>) target(%dma_start3A_374 : memref<128xi32, #tpu.memory_space<hbm>>) target_semaphore(%run_scoped3A : memref<!tpu.dma_semaphore, #tpu.memory_space<semaphore_mem>>)
            %dma_wait3A = tpu.memref_slice %arg9[%mul3A_363] : memref<2064xi32, #tpu.memory_space<vmem>> -> memref<128xi32, #tpu.memory_space<vmem>>
            %dma_wait3A_376 = tpu.memref_slice %arg3[%add3A_366] : memref<5120xi32, #tpu.memory_space<hbm>> -> memref<128xi32, #tpu.memory_space<hbm>>
            %dma_wait3A_377 = tpu.memref_slice %arg3[%add3A_366] : memref<5120xi32, #tpu.memory_space<hbm>> -> memref<128xi32, #tpu.memory_space<hbm>>
            %dma_wait3A_378 = tpu.memref_slice %arg9[%mul3A_363] : memref<2064xi32, #tpu.memory_space<vmem>> -> memref<128xi32, #tpu.memory_space<vmem>>
            tpu.wait_dma2 semaphore(%run_scoped3A : memref<!tpu.dma_semaphore, #tpu.memory_space<semaphore_mem>>) src(%dma_wait3A_378 : memref<128xi32, #tpu.memory_space<vmem>>) dst(%dma_wait3A_377 : memref<128xi32, #tpu.memory_space<hbm>>)
            tpu.yield
          }) : () -> ()
          %mul3A_367 = arith.constant 128 : i32
          %mul3A_368 = arith.muli %while3A_360, %mul3A_367 : i32
          %mul3A_369 = arith.constant 128 : i32
          %mul3A_370 = arith.muli %while3A_360, %mul3A_369 : i32
          %add3A_371 = arith.addi %mul3A_282, %mul3A_370 : i32
          "tpu.region"() ({
            %run_scoped3A = tpu.sem_alloc : memref<!tpu.dma_semaphore, #tpu.memory_space<semaphore_mem>>
            %dma_start3A = tpu.memref_slice %arg10[%mul3A_368] : memref<2064xf32, #tpu.memory_space<vmem>> -> memref<128xf32, #tpu.memory_space<vmem>>
            %dma_start3A_373 = tpu.memref_slice %arg4[%add3A_371] : memref<5120xf32, #tpu.memory_space<hbm>> -> memref<128xf32, #tpu.memory_space<hbm>>
            %dma_start3A_374 = tpu.memref_slice %arg4[%add3A_371] : memref<5120xf32, #tpu.memory_space<hbm>> -> memref<128xf32, #tpu.memory_space<hbm>>
            %dma_start3A_375 = tpu.memref_slice %arg10[%mul3A_368] : memref<2064xf32, #tpu.memory_space<vmem>> -> memref<128xf32, #tpu.memory_space<vmem>>
            tpu.enqueue_dma source(%dma_start3A_375 : memref<128xf32, #tpu.memory_space<vmem>>) target(%dma_start3A_374 : memref<128xf32, #tpu.memory_space<hbm>>) target_semaphore(%run_scoped3A : memref<!tpu.dma_semaphore, #tpu.memory_space<semaphore_mem>>)
            %dma_wait3A = tpu.memref_slice %arg10[%mul3A_368] : memref<2064xf32, #tpu.memory_space<vmem>> -> memref<128xf32, #tpu.memory_space<vmem>>
            %dma_wait3A_376 = tpu.memref_slice %arg4[%add3A_371] : memref<5120xf32, #tpu.memory_space<hbm>> -> memref<128xf32, #tpu.memory_space<hbm>>
            %dma_wait3A_377 = tpu.memref_slice %arg4[%add3A_371] : memref<5120xf32, #tpu.memory_space<hbm>> -> memref<128xf32, #tpu.memory_space<hbm>>
            %dma_wait3A_378 = tpu.memref_slice %arg10[%mul3A_368] : memref<2064xf32, #tpu.memory_space<vmem>> -> memref<128xf32, #tpu.memory_space<vmem>>
            tpu.wait_dma2 semaphore(%run_scoped3A : memref<!tpu.dma_semaphore, #tpu.memory_space<semaphore_mem>>) src(%dma_wait3A_378 : memref<128xf32, #tpu.memory_space<vmem>>) dst(%dma_wait3A_377 : memref<128xf32, #tpu.memory_space<hbm>>)
            tpu.yield
          }) : () -> ()
          %while3A_372 = arith.constant 0 : i32
          scf.yield %while3A_372 : i32
        }
      } else {
      }
      %eq3A_325 = arith.constant 8 : i32
      %eq3A_326 = arith.cmpi eq, %arg1, %eq3A_325 : i32
      %convert_element_type3A_327 = arith.extui %eq3A_326 : i1 to i32
      %cond3A_328 = arith.constant 0 : i32
      %cond3A_329 = arith.cmpi ne, %convert_element_type3A_327, %cond3A_328 : i32
      scf.if %cond3A_329 {
        %scan3A_335 = arith.constant 0 : i32
        %scan3A_336 = arith.constant 0 : i32
        %scan3A_337 = arith.constant 0 : i32
        %scan3A_338 = arith.constant 0 : i32
        %scan3A_339 = arith.constant 0 : i32
        %scan3A_340 = arith.constant 0 : i32
        %scan3A_341 = arith.constant 0 : i32
        %scan3A_342 = arith.constant 0 : i32
        %scan3A_343 = arith.constant 0 : i32
        %scan3A_344 = arith.constant 128 : i32
        %scan3A_345 = arith.addi %scan3A_343, %scan3A_344 : i32
        %scan3A_346 = arith.constant 1 : i32
        %scan3A_347:8 = scf.for %scan3A_349 = %scan3A_343 to %scan3A_345 step %scan3A_346 iter_args(%scan3A_350 = %scan3A_335, %scan3A_351 = %scan3A_336, %scan3A_352 = %scan3A_337, %scan3A_353 = %scan3A_338, %scan3A_354 = %scan3A_339, %scan3A_355 = %scan3A_340, %scan3A_356 = %scan3A_341, %scan3A_357 = %scan3A_342) -> (i32, i32, i32, i32, i32, i32, i32, i32)  : i32 {
          %broadcast_in_dim3A = arith.constant 0 : i32
          %broadcast_in_dim3A_358 = vector.broadcast %broadcast_in_dim3A : i32 to vector<16xi32>
          %broadcast_in_dim3A_359 = arith.constant 0 : i32
          %broadcast_in_dim3A_360 = vector.broadcast %broadcast_in_dim3A_359 : i32 to vector<16xi32>
          %mul3A_361 = arith.constant 16 : i32
          %mul3A_362 = arith.muli %scan3A_349, %mul3A_361 : i32
          %get3A = arith.constant 0 : i32
          %get3A_363 = arith.index_cast %get3A : i32 to index
          %get3A_364 = arith.index_cast %mul3A_362 : i32 to index
          %get3A_365 = tpu.vector_load %arg8[%get3A_363, %get3A_364] {strides = array<i32>} : memref<8x2048xf32, #tpu.memory_space<vmem>>, vector<16xf32>,
          %gt3A = arith.constant 0.000000e+00 : f32
          %gt3A_366 = vector.broadcast %gt3A : f32 to vector<16xf32>
          %gt3A_367 = arith.cmpf ogt, %get3A_365, %gt3A_366 : vector<16xf32>
          %convert_element_type3A_368 = arith.extui %gt3A_367 : vector<16xi1> to vector<16xi32>
          %add3A_369 = arith.addi %mul3A_268, %scan3A_350 : i32
          %broadcast_in_dim3A_370 = arith.constant true
          %broadcast_in_dim3A_371 = vector.broadcast %broadcast_in_dim3A_370 : i1 to vector<16xi1>
          %masked_cumsum3A = tpu.scan <sum>, %convert_element_type3A_368 masked %broadcast_in_dim3A_371 : vector<16xi32>, vector<16xi1> -> vector<16xi32>
          %add3A_372 = vector.broadcast %add3A_369 : i32 to vector<16xi32>
          %add3A_373 = arith.addi %add3A_372, %masked_cumsum3A : vector<16xi32>
          %jit3A_374 = arith.constant 0 : i32
          %broadcast_in_dim3A_375 = vector.broadcast %jit3A_374 : i32 to vector<16xi32>
          %select_n3A_376 = arith.select %gt3A_367, %add3A_373, %broadcast_in_dim3A_375 : vector<16xi1>, vector<16xi32>
          %add3A_377 = arith.addi %broadcast_in_dim3A_358, %select_n3A_376 : vector<16xi32>
          %max3A = arith.maxsi %broadcast_in_dim3A_360, %select_n3A_376 : vector<16xi32>
          %reduce_sum3A = arith.constant true
          %reduce_sum3A_378 = vector.broadcast %reduce_sum3A : i1 to vector<16xi1>
          %reduce_sum3A_379 = tpu.scan <sum>, %convert_element_type3A_368 masked %reduce_sum3A_378 : vector<16xi32>, vector<16xi1> -> vector<16xi32>
          %reduce_sum3A_380 = vector.extract %reduce_sum3A_379[15] : i32 from vector<16xi32>
          %add3A_381 = arith.addi %scan3A_350, %reduce_sum3A_380 : i32
          %mul3A_382 = arith.constant 16 : i32
          %mul3A_383 = arith.muli %scan3A_349, %mul3A_382 : i32
          %get3A_384 = arith.constant 1 : i32
          %get3A_385 = arith.index_cast %get3A_384 : i32 to index
          %get3A_386 = arith.index_cast %mul3A_383 : i32 to index
          %get3A_387 = tpu.vector_load %arg8[%get3A_385, %get3A_386] {strides = array<i32>} : memref<8x2048xf32, #tpu.memory_space<vmem>>, vector<16xf32>,
          %gt3A_388 = arith.constant 0.000000e+00 : f32
          %gt3A_389 = vector.broadcast %gt3A_388 : f32 to vector<16xf32>
          %gt3A_390 = arith.cmpf ogt, %get3A_387, %gt3A_389 : vector<16xf32>
          %convert_element_type3A_391 = arith.extui %gt3A_390 : vector<16xi1> to vector<16xi32>
          %add3A_392 = arith.addi %mul3A_270, %scan3A_351 : i32
          %broadcast_in_dim3A_393 = arith.constant true
          %broadcast_in_dim3A_394 = vector.broadcast %broadcast_in_dim3A_393 : i1 to vector<16xi1>
          %masked_cumsum3A_395 = tpu.scan <sum>, %convert_element_type3A_391 masked %broadcast_in_dim3A_394 : vector<16xi32>, vector<16xi1> -> vector<16xi32>
          %add3A_396 = vector.broadcast %add3A_392 : i32 to vector<16xi32>
          %add3A_397 = arith.addi %add3A_396, %masked_cumsum3A_395 : vector<16xi32>
          %jit3A_398 = arith.constant 0 : i32
          %broadcast_in_dim3A_399 = vector.broadcast %jit3A_398 : i32 to vector<16xi32>
          %select_n3A_400 = arith.select %gt3A_390, %add3A_397, %broadcast_in_dim3A_399 : vector<16xi1>, vector<16xi32>
          %add3A_401 = arith.addi %add3A_377, %select_n3A_400 : vector<16xi32>
          %max3A_402 = arith.maxsi %max3A, %select_n3A_400 : vector<16xi32>
          %reduce_sum3A_403 = arith.constant true
          %reduce_sum3A_404 = vector.broadcast %reduce_sum3A_403 : i1 to vector<16xi1>
          %reduce_sum3A_405 = tpu.scan <sum>, %convert_element_type3A_391 masked %reduce_sum3A_404 : vector<16xi32>, vector<16xi1> -> vector<16xi32>
          %reduce_sum3A_406 = vector.extract %reduce_sum3A_405[15] : i32 from vector<16xi32>
          %add3A_407 = arith.addi %scan3A_351, %reduce_sum3A_406 : i32
          %mul3A_408 = arith.constant 16 : i32
          %mul3A_409 = arith.muli %scan3A_349, %mul3A_408 : i32
          %get3A_410 = arith.constant 2 : i32
          %get3A_411 = arith.index_cast %get3A_410 : i32 to index
          %get3A_412 = arith.index_cast %mul3A_409 : i32 to index
          %get3A_413 = tpu.vector_load %arg8[%get3A_411, %get3A_412] {strides = array<i32>} : memref<8x2048xf32, #tpu.memory_space<vmem>>, vector<16xf32>,
          %gt3A_414 = arith.constant 0.000000e+00 : f32
          %gt3A_415 = vector.broadcast %gt3A_414 : f32 to vector<16xf32>
          %gt3A_416 = arith.cmpf ogt, %get3A_413, %gt3A_415 : vector<16xf32>
          %convert_element_type3A_417 = arith.extui %gt3A_416 : vector<16xi1> to vector<16xi32>
          %add3A_418 = arith.addi %mul3A_272, %scan3A_352 : i32
          %broadcast_in_dim3A_419 = arith.constant true
          %broadcast_in_dim3A_420 = vector.broadcast %broadcast_in_dim3A_419 : i1 to vector<16xi1>
          %masked_cumsum3A_421 = tpu.scan <sum>, %convert_element_type3A_417 masked %broadcast_in_dim3A_420 : vector<16xi32>, vector<16xi1> -> vector<16xi32>
          %add3A_422 = vector.broadcast %add3A_418 : i32 to vector<16xi32>
          %add3A_423 = arith.addi %add3A_422, %masked_cumsum3A_421 : vector<16xi32>
          %jit3A_424 = arith.constant 0 : i32
          %broadcast_in_dim3A_425 = vector.broadcast %jit3A_424 : i32 to vector<16xi32>
          %select_n3A_426 = arith.select %gt3A_416, %add3A_423, %broadcast_in_dim3A_425 : vector<16xi1>, vector<16xi32>
          %add3A_427 = arith.addi %add3A_401, %select_n3A_426 : vector<16xi32>
          %max3A_428 = arith.maxsi %max3A_402, %select_n3A_426 : vector<16xi32>
          %reduce_sum3A_429 = arith.constant true
          %reduce_sum3A_430 = vector.broadcast %reduce_sum3A_429 : i1 to vector<16xi1>
          %reduce_sum3A_431 = tpu.scan <sum>, %convert_element_type3A_417 masked %reduce_sum3A_430 : vector<16xi32>, vector<16xi1> -> vector<16xi32>
          %reduce_sum3A_432 = vector.extract %reduce_sum3A_431[15] : i32 from vector<16xi32>
          %add3A_433 = arith.addi %scan3A_352, %reduce_sum3A_432 : i32
          %mul3A_434 = arith.constant 16 : i32
          %mul3A_435 = arith.muli %scan3A_349, %mul3A_434 : i32
          %get3A_436 = arith.constant 3 : i32
          %get3A_437 = arith.index_cast %get3A_436 : i32 to index
          %get3A_438 = arith.index_cast %mul3A_435 : i32 to index
          %get3A_439 = tpu.vector_load %arg8[%get3A_437, %get3A_438] {strides = array<i32>} : memref<8x2048xf32, #tpu.memory_space<vmem>>, vector<16xf32>,
          %gt3A_440 = arith.constant 0.000000e+00 : f32
          %gt3A_441 = vector.broadcast %gt3A_440 : f32 to vector<16xf32>
          %gt3A_442 = arith.cmpf ogt, %get3A_439, %gt3A_441 : vector<16xf32>
          %convert_element_type3A_443 = arith.extui %gt3A_442 : vector<16xi1> to vector<16xi32>
          %add3A_444 = arith.addi %mul3A_274, %scan3A_353 : i32
          %broadcast_in_dim3A_445 = arith.constant true
          %broadcast_in_dim3A_446 = vector.broadcast %broadcast_in_dim3A_445 : i1 to vector<16xi1>
          %masked_cumsum3A_447 = tpu.scan <sum>, %convert_element_type3A_443 masked %broadcast_in_dim3A_446 : vector<16xi32>, vector<16xi1> -> vector<16xi32>
          %add3A_448 = vector.broadcast %add3A_444 : i32 to vector<16xi32>
          %add3A_449 = arith.addi %add3A_448, %masked_cumsum3A_447 : vector<16xi32>
          %jit3A_450 = arith.constant 0 : i32
          %broadcast_in_dim3A_451 = vector.broadcast %jit3A_450 : i32 to vector<16xi32>
          %select_n3A_452 = arith.select %gt3A_442, %add3A_449, %broadcast_in_dim3A_451 : vector<16xi1>, vector<16xi32>
          %add3A_453 = arith.addi %add3A_427, %select_n3A_452 : vector<16xi32>
          %max3A_454 = arith.maxsi %max3A_428, %select_n3A_452 : vector<16xi32>
          %reduce_sum3A_455 = arith.constant true
          %reduce_sum3A_456 = vector.broadcast %reduce_sum3A_455 : i1 to vector<16xi1>
          %reduce_sum3A_457 = tpu.scan <sum>, %convert_element_type3A_443 masked %reduce_sum3A_456 : vector<16xi32>, vector<16xi1> -> vector<16xi32>
          %reduce_sum3A_458 = vector.extract %reduce_sum3A_457[15] : i32 from vector<16xi32>
          %add3A_459 = arith.addi %scan3A_353, %reduce_sum3A_458 : i32
          %mul3A_460 = arith.constant 16 : i32
          %mul3A_461 = arith.muli %scan3A_349, %mul3A_460 : i32
          %get3A_462 = arith.constant 4 : i32
          %get3A_463 = arith.index_cast %get3A_462 : i32 to index
          %get3A_464 = arith.index_cast %mul3A_461 : i32 to index
          %get3A_465 = tpu.vector_load %arg8[%get3A_463, %get3A_464] {strides = array<i32>} : memref<8x2048xf32, #tpu.memory_space<vmem>>, vector<16xf32>,
          %gt3A_466 = arith.constant 0.000000e+00 : f32
          %gt3A_467 = vector.broadcast %gt3A_466 : f32 to vector<16xf32>
          %gt3A_468 = arith.cmpf ogt, %get3A_465, %gt3A_467 : vector<16xf32>
          %convert_element_type3A_469 = arith.extui %gt3A_468 : vector<16xi1> to vector<16xi32>
          %add3A_470 = arith.addi %mul3A_276, %scan3A_354 : i32
          %broadcast_in_dim3A_471 = arith.constant true
          %broadcast_in_dim3A_472 = vector.broadcast %broadcast_in_dim3A_471 : i1 to vector<16xi1>
          %masked_cumsum3A_473 = tpu.scan <sum>, %convert_element_type3A_469 masked %broadcast_in_dim3A_472 : vector<16xi32>, vector<16xi1> -> vector<16xi32>
          %add3A_474 = vector.broadcast %add3A_470 : i32 to vector<16xi32>
          %add3A_475 = arith.addi %add3A_474, %masked_cumsum3A_473 : vector<16xi32>
          %jit3A_476 = arith.constant 0 : i32
          %broadcast_in_dim3A_477 = vector.broadcast %jit3A_476 : i32 to vector<16xi32>
          %select_n3A_478 = arith.select %gt3A_468, %add3A_475, %broadcast_in_dim3A_477 : vector<16xi1>, vector<16xi32>
          %add3A_479 = arith.addi %add3A_453, %select_n3A_478 : vector<16xi32>
          %max3A_480 = arith.maxsi %max3A_454, %select_n3A_478 : vector<16xi32>
          %reduce_sum3A_481 = arith.constant true
          %reduce_sum3A_482 = vector.broadcast %reduce_sum3A_481 : i1 to vector<16xi1>
          %reduce_sum3A_483 = tpu.scan <sum>, %convert_element_type3A_469 masked %reduce_sum3A_482 : vector<16xi32>, vector<16xi1> -> vector<16xi32>
          %reduce_sum3A_484 = vector.extract %reduce_sum3A_483[15] : i32 from vector<16xi32>
          %add3A_485 = arith.addi %scan3A_354, %reduce_sum3A_484 : i32
          %mul3A_486 = arith.constant 16 : i32
          %mul3A_487 = arith.muli %scan3A_349, %mul3A_486 : i32
          %get3A_488 = arith.constant 5 : i32
          %get3A_489 = arith.index_cast %get3A_488 : i32 to index
          %get3A_490 = arith.index_cast %mul3A_487 : i32 to index
          %get3A_491 = tpu.vector_load %arg8[%get3A_489, %get3A_490] {strides = array<i32>} : memref<8x2048xf32, #tpu.memory_space<vmem>>, vector<16xf32>,
          %gt3A_492 = arith.constant 0.000000e+00 : f32
          %gt3A_493 = vector.broadcast %gt3A_492 : f32 to vector<16xf32>
          %gt3A_494 = arith.cmpf ogt, %get3A_491, %gt3A_493 : vector<16xf32>
          %convert_element_type3A_495 = arith.extui %gt3A_494 : vector<16xi1> to vector<16xi32>
          %add3A_496 = arith.addi %mul3A_278, %scan3A_355 : i32
          %broadcast_in_dim3A_497 = arith.constant true
          %broadcast_in_dim3A_498 = vector.broadcast %broadcast_in_dim3A_497 : i1 to vector<16xi1>
          %masked_cumsum3A_499 = tpu.scan <sum>, %convert_element_type3A_495 masked %broadcast_in_dim3A_498 : vector<16xi32>, vector<16xi1> -> vector<16xi32>
          %add3A_500 = vector.broadcast %add3A_496 : i32 to vector<16xi32>
          %add3A_501 = arith.addi %add3A_500, %masked_cumsum3A_499 : vector<16xi32>
          %jit3A_502 = arith.constant 0 : i32
          %broadcast_in_dim3A_503 = vector.broadcast %jit3A_502 : i32 to vector<16xi32>
          %select_n3A_504 = arith.select %gt3A_494, %add3A_501, %broadcast_in_dim3A_503 : vector<16xi1>, vector<16xi32>
          %add3A_505 = arith.addi %add3A_479, %select_n3A_504 : vector<16xi32>
          %max3A_506 = arith.maxsi %max3A_480, %select_n3A_504 : vector<16xi32>
          %reduce_sum3A_507 = arith.constant true
          %reduce_sum3A_508 = vector.broadcast %reduce_sum3A_507 : i1 to vector<16xi1>
          %reduce_sum3A_509 = tpu.scan <sum>, %convert_element_type3A_495 masked %reduce_sum3A_508 : vector<16xi32>, vector<16xi1> -> vector<16xi32>
          %reduce_sum3A_510 = vector.extract %reduce_sum3A_509[15] : i32 from vector<16xi32>
          %add3A_511 = arith.addi %scan3A_355, %reduce_sum3A_510 : i32
          %mul3A_512 = arith.constant 16 : i32
          %mul3A_513 = arith.muli %scan3A_349, %mul3A_512 : i32
          %get3A_514 = arith.constant 6 : i32
          %get3A_515 = arith.index_cast %get3A_514 : i32 to index
          %get3A_516 = arith.index_cast %mul3A_513 : i32 to index
          %get3A_517 = tpu.vector_load %arg8[%get3A_515, %get3A_516] {strides = array<i32>} : memref<8x2048xf32, #tpu.memory_space<vmem>>, vector<16xf32>,
          %gt3A_518 = arith.constant 0.000000e+00 : f32
          %gt3A_519 = vector.broadcast %gt3A_518 : f32 to vector<16xf32>
          %gt3A_520 = arith.cmpf ogt, %get3A_517, %gt3A_519 : vector<16xf32>
          %convert_element_type3A_521 = arith.extui %gt3A_520 : vector<16xi1> to vector<16xi32>
          %add3A_522 = arith.addi %mul3A_280, %scan3A_356 : i32
          %broadcast_in_dim3A_523 = arith.constant true
          %broadcast_in_dim3A_524 = vector.broadcast %broadcast_in_dim3A_523 : i1 to vector<16xi1>
          %masked_cumsum3A_525 = tpu.scan <sum>, %convert_element_type3A_521 masked %broadcast_in_dim3A_524 : vector<16xi32>, vector<16xi1> -> vector<16xi32>
          %add3A_526 = vector.broadcast %add3A_522 : i32 to vector<16xi32>
          %add3A_527 = arith.addi %add3A_526, %masked_cumsum3A_525 : vector<16xi32>
          %jit3A_528 = arith.constant 0 : i32
          %broadcast_in_dim3A_529 = vector.broadcast %jit3A_528 : i32 to vector<16xi32>
          %select_n3A_530 = arith.select %gt3A_520, %add3A_527, %broadcast_in_dim3A_529 : vector<16xi1>, vector<16xi32>
          %add3A_531 = arith.addi %add3A_505, %select_n3A_530 : vector<16xi32>
          %max3A_532 = arith.maxsi %max3A_506, %select_n3A_530 : vector<16xi32>
          %reduce_sum3A_533 = arith.constant true
          %reduce_sum3A_534 = vector.broadcast %reduce_sum3A_533 : i1 to vector<16xi1>
          %reduce_sum3A_535 = tpu.scan <sum>, %convert_element_type3A_521 masked %reduce_sum3A_534 : vector<16xi32>, vector<16xi1> -> vector<16xi32>
          %reduce_sum3A_536 = vector.extract %reduce_sum3A_535[15] : i32 from vector<16xi32>
          %add3A_537 = arith.addi %scan3A_356, %reduce_sum3A_536 : i32
          %mul3A_538 = arith.constant 16 : i32
          %mul3A_539 = arith.muli %scan3A_349, %mul3A_538 : i32
          %get3A_540 = arith.constant 7 : i32
          %get3A_541 = arith.index_cast %get3A_540 : i32 to index
          %get3A_542 = arith.index_cast %mul3A_539 : i32 to index
          %get3A_543 = tpu.vector_load %arg8[%get3A_541, %get3A_542] {strides = array<i32>} : memref<8x2048xf32, #tpu.memory_space<vmem>>, vector<16xf32>,
          %gt3A_544 = arith.constant 0.000000e+00 : f32
          %gt3A_545 = vector.broadcast %gt3A_544 : f32 to vector<16xf32>
          %gt3A_546 = arith.cmpf ogt, %get3A_543, %gt3A_545 : vector<16xf32>
          %convert_element_type3A_547 = arith.extui %gt3A_546 : vector<16xi1> to vector<16xi32>
          %add3A_548 = arith.addi %mul3A_282, %scan3A_357 : i32
          %broadcast_in_dim3A_549 = arith.constant true
          %broadcast_in_dim3A_550 = vector.broadcast %broadcast_in_dim3A_549 : i1 to vector<16xi1>
          %masked_cumsum3A_551 = tpu.scan <sum>, %convert_element_type3A_547 masked %broadcast_in_dim3A_550 : vector<16xi32>, vector<16xi1> -> vector<16xi32>
          %add3A_552 = vector.broadcast %add3A_548 : i32 to vector<16xi32>
          %add3A_553 = arith.addi %add3A_552, %masked_cumsum3A_551 : vector<16xi32>
          %jit3A_554 = arith.constant 0 : i32
          %broadcast_in_dim3A_555 = vector.broadcast %jit3A_554 : i32 to vector<16xi32>
          %select_n3A_556 = arith.select %gt3A_546, %add3A_553, %broadcast_in_dim3A_555 : vector<16xi1>, vector<16xi32>
          %add3A_557 = arith.addi %add3A_531, %select_n3A_556 : vector<16xi32>
          %max3A_558 = arith.maxsi %max3A_532, %select_n3A_556 : vector<16xi32>
          %reduce_sum3A_559 = arith.constant true
          %reduce_sum3A_560 = vector.broadcast %reduce_sum3A_559 : i1 to vector<16xi1>
          %reduce_sum3A_561 = tpu.scan <sum>, %convert_element_type3A_547 masked %reduce_sum3A_560 : vector<16xi32>, vector<16xi1> -> vector<16xi32>
          %reduce_sum3A_562 = vector.extract %reduce_sum3A_561[15] : i32 from vector<16xi32>
          %add3A_563 = arith.addi %scan3A_357, %reduce_sum3A_562 : i32
          %sub3A_564 = arith.subi %add3A_557, %max3A_558 : vector<16xi32>
          %mul3A_565 = arith.constant 16 : i32
          %mul3A_566 = arith.muli %scan3A_349, %mul3A_565 : i32
          %swap3A = arith.index_cast %mul3A_566 : i32 to index
          %swap3A_567 = tpu.vector_load %arg11[%swap3A] {strides = array<i32>} : memref<2048xi32, #tpu.memory_space<vmem>>, vector<16xi32>,
          tpu.vector_store %arg11[%swap3A], %sub3A_564 {strides = array<i32>} : memref<2048xi32, #tpu.memory_space<vmem>>, vector<16xi32>,
          %mul3A_568 = arith.constant 16 : i32
          %mul3A_569 = arith.muli %scan3A_349, %mul3A_568 : i32
          %swap3A_570 = arith.index_cast %mul3A_569 : i32 to index
          %swap3A_571 = tpu.vector_load %arg12[%swap3A_570] {strides = array<i32>} : memref<2048xi32, #tpu.memory_space<vmem>>, vector<16xi32>,
          tpu.vector_store %arg12[%swap3A_570], %max3A_558 {strides = array<i32>} : memref<2048xi32, #tpu.memory_space<vmem>>, vector<16xi32>,
          scf.yield %add3A_381, %add3A_407, %add3A_433, %add3A_459, %add3A_485, %add3A_511, %add3A_537, %add3A_563 : i32, i32, i32, i32, i32, i32, i32, i32
        }
        %scan3A_348 = arith.constant 128 : i32
        "tpu.region"() ({
          %run_scoped3A = tpu.sem_alloc : memref<!tpu.dma_semaphore, #tpu.memory_space<semaphore_mem>>
          tpu.enqueue_dma source(%arg11 : memref<2048xi32, #tpu.memory_space<vmem>>) target(%arg6 : memref<2048xi32, #tpu.memory_space<hbm>>) target_semaphore(%run_scoped3A : memref<!tpu.dma_semaphore, #tpu.memory_space<semaphore_mem>>)
          tpu.wait_dma2 semaphore(%run_scoped3A : memref<!tpu.dma_semaphore, #tpu.memory_space<semaphore_mem>>) src(%arg11 : memref<2048xi32, #tpu.memory_space<vmem>>) dst(%arg6 : memref<2048xi32, #tpu.memory_space<hbm>>)
          tpu.yield
        }) : () -> ()
        "tpu.region"() ({
          %run_scoped3A = tpu.sem_alloc : memref<!tpu.dma_semaphore, #tpu.memory_space<semaphore_mem>>
          tpu.enqueue_dma source(%arg12 : memref<2048xi32, #tpu.memory_space<vmem>>) target(%arg7 : memref<2048xi32, #tpu.memory_space<hbm>>) target_semaphore(%run_scoped3A : memref<!tpu.dma_semaphore, #tpu.memory_space<semaphore_mem>>)
          tpu.wait_dma2 semaphore(%run_scoped3A : memref<!tpu.dma_semaphore, #tpu.memory_space<semaphore_mem>>) src(%arg12 : memref<2048xi32, #tpu.memory_space<vmem>>) dst(%arg7 : memref<2048xi32, #tpu.memory_space<hbm>>)
          tpu.yield
        }) : () -> ()
      } else {
      }
      %eq3A_330 = arith.constant 9 : i32
      %eq3A_331 = arith.cmpi eq, %arg1, %eq3A_330 : i32
      %convert_element_type3A_332 = arith.extui %eq3A_331 : i1 to i32
      %cond3A_333 = arith.constant 0 : i32
      %cond3A_334 = arith.cmpi ne, %convert_element_type3A_332, %cond3A_333 : i32
      scf.if %cond3A_334 {
        %iota3A = tpu.iota {dimensions = array<i32: 0>} : vector<16xi32>
        %add3A_335 = arith.constant 0 : i32
        %add3A_336 = vector.broadcast %add3A_335 : i32 to vector<16xi32>
        %add3A_337 = arith.addi %add3A_336, %iota3A : vector<16xi32>
        %broadcast_in_dim3A = arith.constant 0 : i32
        %broadcast_in_dim3A_338 = vector.broadcast %broadcast_in_dim3A : i32 to vector<16xi32>
        %ge3A = vector.broadcast %add3A_259 : i32 to vector<16xi32>
        %ge3A_339 = arith.cmpi sge, %add3A_337, %ge3A : vector<16xi32>
        %convert_element_type3A_340 = arith.extui %ge3A_339 : vector<16xi1> to vector<16xi32>
        %add3A_341 = arith.addi %broadcast_in_dim3A_338, %convert_element_type3A_340 : vector<16xi32>
        %ge3A_342 = vector.broadcast %add3A_260 : i32 to vector<16xi32>
        %ge3A_343 = arith.cmpi sge, %add3A_337, %ge3A_342 : vector<16xi32>
        %convert_element_type3A_344 = arith.extui %ge3A_343 : vector<16xi1> to vector<16xi32>
        %add3A_345 = arith.addi %add3A_341, %convert_element_type3A_344 : vector<16xi32>
        %ge3A_346 = vector.broadcast %add3A_261 : i32 to vector<16xi32>
        %ge3A_347 = arith.cmpi sge, %add3A_337, %ge3A_346 : vector<16xi32>
        %convert_element_type3A_348 = arith.extui %ge3A_347 : vector<16xi1> to vector<16xi32>
        %add3A_349 = arith.addi %add3A_345, %convert_element_type3A_348 : vector<16xi32>
        %ge3A_350 = vector.broadcast %add3A_262 : i32 to vector<16xi32>
        %ge3A_351 = arith.cmpi sge, %add3A_337, %ge3A_350 : vector<16xi32>
        %convert_element_type3A_352 = arith.extui %ge3A_351 : vector<16xi1> to vector<16xi32>
        %add3A_353 = arith.addi %add3A_349, %convert_element_type3A_352 : vector<16xi32>
        %ge3A_354 = vector.broadcast %add3A_263 : i32 to vector<16xi32>
        %ge3A_355 = arith.cmpi sge, %add3A_337, %ge3A_354 : vector<16xi32>
        %convert_element_type3A_356 = arith.extui %ge3A_355 : vector<16xi1> to vector<16xi32>
        %add3A_357 = arith.addi %add3A_353, %convert_element_type3A_356 : vector<16xi32>
        %ge3A_358 = vector.broadcast %add3A_264 : i32 to vector<16xi32>
        %ge3A_359 = arith.cmpi sge, %add3A_337, %ge3A_358 : vector<16xi32>
        %convert_element_type3A_360 = arith.extui %ge3A_359 : vector<16xi1> to vector<16xi32>
        %add3A_361 = arith.addi %add3A_357, %convert_element_type3A_360 : vector<16xi32>
        %ge3A_362 = vector.broadcast %add3A_265 : i32 to vector<16xi32>
        %ge3A_363 = arith.cmpi sge, %add3A_337, %ge3A_362 : vector<16xi32>
        %convert_element_type3A_364 = arith.extui %ge3A_363 : vector<16xi1> to vector<16xi32>
        %add3A_365 = arith.addi %add3A_361, %convert_element_type3A_364 : vector<16xi32>
        %ge3A_366 = vector.broadcast %add3A_266 : i32 to vector<16xi32>
        %ge3A_367 = arith.cmpi sge, %add3A_337, %ge3A_366 : vector<16xi32>
        %convert_element_type3A_368 = arith.extui %ge3A_367 : vector<16xi1> to vector<16xi32>
        %add3A_369 = arith.addi %add3A_365, %convert_element_type3A_368 : vector<16xi32>
        %min3A = arith.constant 7 : i32
        %min3A_370 = vector.broadcast %min3A : i32 to vector<16xi32>
        %min3A_371 = arith.minsi %add3A_369, %min3A_370 : vector<16xi32>
        %swap3A = arith.constant 0 : index
        %swap3A_372 = tpu.vector_load %arg13[%swap3A] {strides = array<i32>} : memref<48xi32, #tpu.memory_space<vmem>>, vector<16xi32>,
        tpu.vector_store %arg13[%swap3A], %min3A_371 {strides = array<i32>} : memref<48xi32, #tpu.memory_space<vmem>>, vector<16xi32>,
        %iota3A_373 = tpu.iota {dimensions = array<i32: 0>} : vector<16xi32>
        %add3A_374 = arith.constant 16 : i32
        %add3A_375 = vector.broadcast %add3A_374 : i32 to vector<16xi32>
        %add3A_376 = arith.addi %add3A_375, %iota3A_373 : vector<16xi32>
        %broadcast_in_dim3A_377 = arith.constant 0 : i32
        %broadcast_in_dim3A_378 = vector.broadcast %broadcast_in_dim3A_377 : i32 to vector<16xi32>
        %ge3A_379 = vector.broadcast %add3A_259 : i32 to vector<16xi32>
        %ge3A_380 = arith.cmpi sge, %add3A_376, %ge3A_379 : vector<16xi32>
        %convert_element_type3A_381 = arith.extui %ge3A_380 : vector<16xi1> to vector<16xi32>
        %add3A_382 = arith.addi %broadcast_in_dim3A_378, %convert_element_type3A_381 : vector<16xi32>
        %ge3A_383 = vector.broadcast %add3A_260 : i32 to vector<16xi32>
        %ge3A_384 = arith.cmpi sge, %add3A_376, %ge3A_383 : vector<16xi32>
        %convert_element_type3A_385 = arith.extui %ge3A_384 : vector<16xi1> to vector<16xi32>
        %add3A_386 = arith.addi %add3A_382, %convert_element_type3A_385 : vector<16xi32>
        %ge3A_387 = vector.broadcast %add3A_261 : i32 to vector<16xi32>
        %ge3A_388 = arith.cmpi sge, %add3A_376, %ge3A_387 : vector<16xi32>
        %convert_element_type3A_389 = arith.extui %ge3A_388 : vector<16xi1> to vector<16xi32>
        %add3A_390 = arith.addi %add3A_386, %convert_element_type3A_389 : vector<16xi32>
        %ge3A_391 = vector.broadcast %add3A_262 : i32 to vector<16xi32>
        %ge3A_392 = arith.cmpi sge, %add3A_376, %ge3A_391 : vector<16xi32>
        %convert_element_type3A_393 = arith.extui %ge3A_392 : vector<16xi1> to vector<16xi32>
        %add3A_394 = arith.addi %add3A_390, %convert_element_type3A_393 : vector<16xi32>
        %ge3A_395 = vector.broadcast %add3A_263 : i32 to vector<16xi32>
        %ge3A_396 = arith.cmpi sge, %add3A_376, %ge3A_395 : vector<16xi32>
        %convert_element_type3A_397 = arith.extui %ge3A_396 : vector<16xi1> to vector<16xi32>
        %add3A_398 = arith.addi %add3A_394, %convert_element_type3A_397 : vector<16xi32>
        %ge3A_399 = vector.broadcast %add3A_264 : i32 to vector<16xi32>
        %ge3A_400 = arith.cmpi sge, %add3A_376, %ge3A_399 : vector<16xi32>
        %convert_element_type3A_401 = arith.extui %ge3A_400 : vector<16xi1> to vector<16xi32>
        %add3A_402 = arith.addi %add3A_398, %convert_element_type3A_401 : vector<16xi32>
        %ge3A_403 = vector.broadcast %add3A_265 : i32 to vector<16xi32>
        %ge3A_404 = arith.cmpi sge, %add3A_376, %ge3A_403 : vector<16xi32>
        %convert_element_type3A_405 = arith.extui %ge3A_404 : vector<16xi1> to vector<16xi32>
        %add3A_406 = arith.addi %add3A_402, %convert_element_type3A_405 : vector<16xi32>
        %ge3A_407 = vector.broadcast %add3A_266 : i32 to vector<16xi32>
        %ge3A_408 = arith.cmpi sge, %add3A_376, %ge3A_407 : vector<16xi32>
        %convert_element_type3A_409 = arith.extui %ge3A_408 : vector<16xi1> to vector<16xi32>
        %add3A_410 = arith.addi %add3A_406, %convert_element_type3A_409 : vector<16xi32>
        %min3A_411 = arith.constant 7 : i32
        %min3A_412 = vector.broadcast %min3A_411 : i32 to vector<16xi32>
        %min3A_413 = arith.minsi %add3A_410, %min3A_412 : vector<16xi32>
        %swap3A_414 = arith.constant 16 : index
        %swap3A_415 = tpu.vector_load %arg13[%swap3A_414] {strides = array<i32>} : memref<48xi32, #tpu.memory_space<vmem>>, vector<16xi32>,
        tpu.vector_store %arg13[%swap3A_414], %min3A_413 {strides = array<i32>} : memref<48xi32, #tpu.memory_space<vmem>>, vector<16xi32>,
        %iota3A_416 = tpu.iota {dimensions = array<i32: 0>} : vector<16xi32>
        %add3A_417 = arith.constant 32 : i32
        %add3A_418 = vector.broadcast %add3A_417 : i32 to vector<16xi32>
        %add3A_419 = arith.addi %add3A_418, %iota3A_416 : vector<16xi32>
        %broadcast_in_dim3A_420 = arith.constant 0 : i32
        %broadcast_in_dim3A_421 = vector.broadcast %broadcast_in_dim3A_420 : i32 to vector<16xi32>
        %ge3A_422 = vector.broadcast %add3A_259 : i32 to vector<16xi32>
        %ge3A_423 = arith.cmpi sge, %add3A_419, %ge3A_422 : vector<16xi32>
        %convert_element_type3A_424 = arith.extui %ge3A_423 : vector<16xi1> to vector<16xi32>
        %add3A_425 = arith.addi %broadcast_in_dim3A_421, %convert_element_type3A_424 : vector<16xi32>
        %ge3A_426 = vector.broadcast %add3A_260 : i32 to vector<16xi32>
        %ge3A_427 = arith.cmpi sge, %add3A_419, %ge3A_426 : vector<16xi32>
        %convert_element_type3A_428 = arith.extui %ge3A_427 : vector<16xi1> to vector<16xi32>
        %add3A_429 = arith.addi %add3A_425, %convert_element_type3A_428 : vector<16xi32>
        %ge3A_430 = vector.broadcast %add3A_261 : i32 to vector<16xi32>
        %ge3A_431 = arith.cmpi sge, %add3A_419, %ge3A_430 : vector<16xi32>
        %convert_element_type3A_432 = arith.extui %ge3A_431 : vector<16xi1> to vector<16xi32>
        %add3A_433 = arith.addi %add3A_429, %convert_element_type3A_432 : vector<16xi32>
        %ge3A_434 = vector.broadcast %add3A_262 : i32 to vector<16xi32>
        %ge3A_435 = arith.cmpi sge, %add3A_419, %ge3A_434 : vector<16xi32>
        %convert_element_type3A_436 = arith.extui %ge3A_435 : vector<16xi1> to vector<16xi32>
        %add3A_437 = arith.addi %add3A_433, %convert_element_type3A_436 : vector<16xi32>
        %ge3A_438 = vector.broadcast %add3A_263 : i32 to vector<16xi32>
        %ge3A_439 = arith.cmpi sge, %add3A_419, %ge3A_438 : vector<16xi32>
        %convert_element_type3A_440 = arith.extui %ge3A_439 : vector<16xi1> to vector<16xi32>
        %add3A_441 = arith.addi %add3A_437, %convert_element_type3A_440 : vector<16xi32>
        %ge3A_442 = vector.broadcast %add3A_264 : i32 to vector<16xi32>
        %ge3A_443 = arith.cmpi sge, %add3A_419, %ge3A_442 : vector<16xi32>
        %convert_element_type3A_444 = arith.extui %ge3A_443 : vector<16xi1> to vector<16xi32>
        %add3A_445 = arith.addi %add3A_441, %convert_element_type3A_444 : vector<16xi32>
        %ge3A_446 = vector.broadcast %add3A_265 : i32 to vector<16xi32>
        %ge3A_447 = arith.cmpi sge, %add3A_419, %ge3A_446 : vector<16xi32>
        %convert_element_type3A_448 = arith.extui %ge3A_447 : vector<16xi1> to vector<16xi32>
        %add3A_449 = arith.addi %add3A_445, %convert_element_type3A_448 : vector<16xi32>
        %ge3A_450 = vector.broadcast %add3A_266 : i32 to vector<16xi32>
        %ge3A_451 = arith.cmpi sge, %add3A_419, %ge3A_450 : vector<16xi32>
        %convert_element_type3A_452 = arith.extui %ge3A_451 : vector<16xi1> to vector<16xi32>
        %add3A_453 = arith.addi %add3A_449, %convert_element_type3A_452 : vector<16xi32>
        %min3A_454 = arith.constant 7 : i32
        %min3A_455 = vector.broadcast %min3A_454 : i32 to vector<16xi32>
        %min3A_456 = arith.minsi %add3A_453, %min3A_455 : vector<16xi32>
        %swap3A_457 = arith.constant 32 : index
        %swap3A_458 = tpu.vector_load %arg13[%swap3A_457] {strides = array<i32>} : memref<48xi32, #tpu.memory_space<vmem>>, vector<16xi32>,
        tpu.vector_store %arg13[%swap3A_457], %min3A_456 {strides = array<i32>} : memref<48xi32, #tpu.memory_space<vmem>>, vector<16xi32>,
        "tpu.region"() ({
          %run_scoped3A = tpu.sem_alloc : memref<!tpu.dma_semaphore, #tpu.memory_space<semaphore_mem>>
          tpu.enqueue_dma source(%arg13 : memref<48xi32, #tpu.memory_space<vmem>>) target(%arg5 : memref<48xi32, #tpu.memory_space<hbm>>) target_semaphore(%run_scoped3A : memref<!tpu.dma_semaphore, #tpu.memory_space<semaphore_mem>>)
          tpu.wait_dma2 semaphore(%run_scoped3A : memref<!tpu.dma_semaphore, #tpu.memory_space<semaphore_mem>>) src(%arg13 : memref<48xi32, #tpu.memory_space<vmem>>) dst(%arg5 : memref<48xi32, #tpu.memory_space<hbm>>)
          tpu.yield
        }) : () -> ()
      } else {
      }
    } else {
    }
    return
  }
}

#map = affine_map<(d0, d1) -> (0, 0)>
#map1 = affine_map<(d0, d1) -> (0)>
module attributes {stable_mosaic.version = 14 : i64} {
  func.func @_c_body(%arg0: i32, %arg1: i32, %arg2: memref<5120x2048xf32, #tpu.memory_space<hbm>>, %arg3: memref<2048xi32, #tpu.memory_space<hbm>>, %arg4: memref<2048xi32, #tpu.memory_space<hbm>>, %arg5: memref<2048x2048xf32, #tpu.memory_space<hbm>>, %arg6: memref<2048x2048xf32, #tpu.memory_space<hbm>>, %arg7: memref<64xi32, #tpu.memory_space<vmem>>, %arg8: memref<64xi32, #tpu.memory_space<vmem>>, %arg9: memref<16x2048xf32, #tpu.memory_space<vmem>>, %arg10: memref<16x2048xf32, #tpu.memory_space<vmem>>, %arg11: memref<!tpu.dma_semaphore, #tpu.memory_space<semaphore_mem>>, %arg12: memref<!tpu.dma_semaphore, #tpu.memory_space<semaphore_mem>>) attributes {dimension_semantics = [#tpu.dimension_semantics<core_parallel>, #tpu.dimension_semantics<subcore_parallel>], iteration_bounds = array<i64: 2, 16>, scalar_prefetch = 0 : i64, scratch_operands = 6 : i64, tpu.core_type = #tpu.core_type<sc_vector_subcore>, window_params = [{transform_indices = #map}, {transform_indices = #map1}, {transform_indices = #map1}, {transform_indices = #map}, {transform_indices = #map}]} {
    %mul3A = arith.constant 2 : i32
    %mul3A_0 = arith.muli %arg1, %mul3A : i32
    %add3A = arith.addi %mul3A_0, %arg0 : i32
    %mul3A_1 = arith.constant 64 : i32
    %mul3A_2 = arith.muli %add3A, %mul3A_1 : i32
    "tpu.region"() ({
      %run_scoped3A = tpu.sem_alloc : memref<!tpu.dma_semaphore, #tpu.memory_space<semaphore_mem>>
      %dma_start3A_219 = tpu.memref_slice %arg3[%mul3A_2] : memref<2048xi32, #tpu.memory_space<hbm>> -> memref<64xi32, #tpu.memory_space<hbm>>
      %dma_start3A_220 = tpu.memref_slice %arg3[%mul3A_2] : memref<2048xi32, #tpu.memory_space<hbm>> -> memref<64xi32, #tpu.memory_space<hbm>>
      tpu.enqueue_dma source(%dma_start3A_220 : memref<64xi32, #tpu.memory_space<hbm>>) target(%arg7 : memref<64xi32, #tpu.memory_space<vmem>>) target_semaphore(%run_scoped3A : memref<!tpu.dma_semaphore, #tpu.memory_space<semaphore_mem>>)
      %dma_wait3A_221 = tpu.memref_slice %arg3[%mul3A_2] : memref<2048xi32, #tpu.memory_space<hbm>> -> memref<64xi32, #tpu.memory_space<hbm>>
      %dma_wait3A_222 = tpu.memref_slice %arg3[%mul3A_2] : memref<2048xi32, #tpu.memory_space<hbm>> -> memref<64xi32, #tpu.memory_space<hbm>>
      tpu.wait_dma2 semaphore(%run_scoped3A : memref<!tpu.dma_semaphore, #tpu.memory_space<semaphore_mem>>) src(%dma_wait3A_222 : memref<64xi32, #tpu.memory_space<hbm>>) dst(%arg7 : memref<64xi32, #tpu.memory_space<vmem>>)
      tpu.yield
    }) : () -> ()
    "tpu.region"() ({
      %run_scoped3A = tpu.sem_alloc : memref<!tpu.dma_semaphore, #tpu.memory_space<semaphore_mem>>
      %dma_start3A_219 = tpu.memref_slice %arg4[%mul3A_2] : memref<2048xi32, #tpu.memory_space<hbm>> -> memref<64xi32, #tpu.memory_space<hbm>>
      %dma_start3A_220 = tpu.memref_slice %arg4[%mul3A_2] : memref<2048xi32, #tpu.memory_space<hbm>> -> memref<64xi32, #tpu.memory_space<hbm>>
      tpu.enqueue_dma source(%dma_start3A_220 : memref<64xi32, #tpu.memory_space<hbm>>) target(%arg8 : memref<64xi32, #tpu.memory_space<vmem>>) target_semaphore(%run_scoped3A : memref<!tpu.dma_semaphore, #tpu.memory_space<semaphore_mem>>)
      %dma_wait3A_221 = tpu.memref_slice %arg4[%mul3A_2] : memref<2048xi32, #tpu.memory_space<hbm>> -> memref<64xi32, #tpu.memory_space<hbm>>
      %dma_wait3A_222 = tpu.memref_slice %arg4[%mul3A_2] : memref<2048xi32, #tpu.memory_space<hbm>> -> memref<64xi32, #tpu.memory_space<hbm>>
      tpu.wait_dma2 semaphore(%run_scoped3A : memref<!tpu.dma_semaphore, #tpu.memory_space<semaphore_mem>>) src(%dma_wait3A_222 : memref<64xi32, #tpu.memory_space<hbm>>) dst(%arg8 : memref<64xi32, #tpu.memory_space<vmem>>)
      tpu.yield
    }) : () -> ()
    %get3A = arith.constant 0 : index
    %get3A_3 = tpu.vector_load %arg7[%get3A] {strides = array<i32>} : memref<64xi32, #tpu.memory_space<vmem>>, vector<16xi32>,
    %get3A_4 = vector.shape_cast %get3A_3 : vector<16xi32> to vector<16xi32>
    %sub3A = arith.constant 1 : i32
    %sub3A_5 = vector.broadcast %sub3A : i32 to vector<16xi32>
    %sub3A_6 = arith.subi %get3A_4, %sub3A_5 : vector<16xi32>
    %jit3A = arith.constant 0 : i32
    %jit3A_7 = arith.constant 5119 : i32
    %max3A = vector.broadcast %jit3A : i32 to vector<16xi32>
    %max3A_8 = arith.maxsi %max3A, %sub3A_6 : vector<16xi32>
    %min3A = vector.broadcast %jit3A_7 : i32 to vector<16xi32>
    %min3A_9 = arith.minsi %min3A, %max3A_8 : vector<16xi32>
    %swap3A = arith.constant 0 : index
    %swap3A_10 = tpu.vector_load %arg7[%swap3A] {strides = array<i32>} : memref<64xi32, #tpu.memory_space<vmem>>, vector<16xi32>,
    %swap3A_11 = vector.shape_cast %swap3A_10 : vector<16xi32> to vector<16xi32>
    %swap3A_12 = vector.shape_cast %min3A_9 : vector<16xi32> to vector<16xi32>
    tpu.vector_store %arg7[%swap3A], %swap3A_12 {strides = array<i32>} : memref<64xi32, #tpu.memory_space<vmem>>, vector<16xi32>,
    %get3A_13 = arith.constant 0 : index
    %get3A_14 = tpu.vector_load %arg8[%get3A_13] {strides = array<i32>} : memref<64xi32, #tpu.memory_space<vmem>>, vector<16xi32>,
    %get3A_15 = vector.shape_cast %get3A_14 : vector<16xi32> to vector<16xi32>
    %sub3A_16 = arith.constant 1 : i32
    %sub3A_17 = vector.broadcast %sub3A_16 : i32 to vector<16xi32>
    %sub3A_18 = arith.subi %get3A_15, %sub3A_17 : vector<16xi32>
    %jit3A_19 = arith.constant 0 : i32
    %jit3A_20 = arith.constant 5119 : i32
    %max3A_21 = vector.broadcast %jit3A_19 : i32 to vector<16xi32>
    %max3A_22 = arith.maxsi %max3A_21, %sub3A_18 : vector<16xi32>
    %min3A_23 = vector.broadcast %jit3A_20 : i32 to vector<16xi32>
    %min3A_24 = arith.minsi %min3A_23, %max3A_22 : vector<16xi32>
    %swap3A_25 = arith.constant 0 : index
    %swap3A_26 = tpu.vector_load %arg8[%swap3A_25] {strides = array<i32>} : memref<64xi32, #tpu.memory_space<vmem>>, vector<16xi32>,
    %swap3A_27 = vector.shape_cast %swap3A_26 : vector<16xi32> to vector<16xi32>
    %swap3A_28 = vector.shape_cast %min3A_24 : vector<16xi32> to vector<16xi32>
    tpu.vector_store %arg8[%swap3A_25], %swap3A_28 {strides = array<i32>} : memref<64xi32, #tpu.memory_space<vmem>>, vector<16xi32>,
    %get3A_29 = arith.constant 16 : index
    %get3A_30 = tpu.vector_load %arg7[%get3A_29] {strides = array<i32>} : memref<64xi32, #tpu.memory_space<vmem>>, vector<16xi32>,
    %get3A_31 = vector.shape_cast %get3A_30 : vector<16xi32> to vector<16xi32>
    %sub3A_32 = arith.constant 1 : i32
    %sub3A_33 = vector.broadcast %sub3A_32 : i32 to vector<16xi32>
    %sub3A_34 = arith.subi %get3A_31, %sub3A_33 : vector<16xi32>
    %jit3A_35 = arith.constant 0 : i32
    %jit3A_36 = arith.constant 5119 : i32
    %max3A_37 = vector.broadcast %jit3A_35 : i32 to vector<16xi32>
    %max3A_38 = arith.maxsi %max3A_37, %sub3A_34 : vector<16xi32>
    %min3A_39 = vector.broadcast %jit3A_36 : i32 to vector<16xi32>
    %min3A_40 = arith.minsi %min3A_39, %max3A_38 : vector<16xi32>
    %swap3A_41 = arith.constant 16 : index
    %swap3A_42 = tpu.vector_load %arg7[%swap3A_41] {strides = array<i32>} : memref<64xi32, #tpu.memory_space<vmem>>, vector<16xi32>,
    %swap3A_43 = vector.shape_cast %swap3A_42 : vector<16xi32> to vector<16xi32>
    %swap3A_44 = vector.shape_cast %min3A_40 : vector<16xi32> to vector<16xi32>
    tpu.vector_store %arg7[%swap3A_41], %swap3A_44 {strides = array<i32>} : memref<64xi32, #tpu.memory_space<vmem>>, vector<16xi32>,
    %get3A_45 = arith.constant 16 : index
    %get3A_46 = tpu.vector_load %arg8[%get3A_45] {strides = array<i32>} : memref<64xi32, #tpu.memory_space<vmem>>, vector<16xi32>,
    %get3A_47 = vector.shape_cast %get3A_46 : vector<16xi32> to vector<16xi32>
    %sub3A_48 = arith.constant 1 : i32
    %sub3A_49 = vector.broadcast %sub3A_48 : i32 to vector<16xi32>
    %sub3A_50 = arith.subi %get3A_47, %sub3A_49 : vector<16xi32>
    %jit3A_51 = arith.constant 0 : i32
    %jit3A_52 = arith.constant 5119 : i32
    %max3A_53 = vector.broadcast %jit3A_51 : i32 to vector<16xi32>
    %max3A_54 = arith.maxsi %max3A_53, %sub3A_50 : vector<16xi32>
    %min3A_55 = vector.broadcast %jit3A_52 : i32 to vector<16xi32>
    %min3A_56 = arith.minsi %min3A_55, %max3A_54 : vector<16xi32>
    %swap3A_57 = arith.constant 16 : index
    %swap3A_58 = tpu.vector_load %arg8[%swap3A_57] {strides = array<i32>} : memref<64xi32, #tpu.memory_space<vmem>>, vector<16xi32>,
    %swap3A_59 = vector.shape_cast %swap3A_58 : vector<16xi32> to vector<16xi32>
    %swap3A_60 = vector.shape_cast %min3A_56 : vector<16xi32> to vector<16xi32>
    tpu.vector_store %arg8[%swap3A_57], %swap3A_60 {strides = array<i32>} : memref<64xi32, #tpu.memory_space<vmem>>, vector<16xi32>,
    %get3A_61 = arith.constant 32 : index
    %get3A_62 = tpu.vector_load %arg7[%get3A_61] {strides = array<i32>} : memref<64xi32, #tpu.memory_space<vmem>>, vector<16xi32>,
    %get3A_63 = vector.shape_cast %get3A_62 : vector<16xi32> to vector<16xi32>
    %sub3A_64 = arith.constant 1 : i32
    %sub3A_65 = vector.broadcast %sub3A_64 : i32 to vector<16xi32>
    %sub3A_66 = arith.subi %get3A_63, %sub3A_65 : vector<16xi32>
    %jit3A_67 = arith.constant 0 : i32
    %jit3A_68 = arith.constant 5119 : i32
    %max3A_69 = vector.broadcast %jit3A_67 : i32 to vector<16xi32>
    %max3A_70 = arith.maxsi %max3A_69, %sub3A_66 : vector<16xi32>
    %min3A_71 = vector.broadcast %jit3A_68 : i32 to vector<16xi32>
    %min3A_72 = arith.minsi %min3A_71, %max3A_70 : vector<16xi32>
    %swap3A_73 = arith.constant 32 : index
    %swap3A_74 = tpu.vector_load %arg7[%swap3A_73] {strides = array<i32>} : memref<64xi32, #tpu.memory_space<vmem>>, vector<16xi32>,
    %swap3A_75 = vector.shape_cast %swap3A_74 : vector<16xi32> to vector<16xi32>
    %swap3A_76 = vector.shape_cast %min3A_72 : vector<16xi32> to vector<16xi32>
    tpu.vector_store %arg7[%swap3A_73], %swap3A_76 {strides = array<i32>} : memref<64xi32, #tpu.memory_space<vmem>>, vector<16xi32>,
    %get3A_77 = arith.constant 32 : index
    %get3A_78 = tpu.vector_load %arg8[%get3A_77] {strides = array<i32>} : memref<64xi32, #tpu.memory_space<vmem>>, vector<16xi32>,
    %get3A_79 = vector.shape_cast %get3A_78 : vector<16xi32> to vector<16xi32>
    %sub3A_80 = arith.constant 1 : i32
    %sub3A_81 = vector.broadcast %sub3A_80 : i32 to vector<16xi32>
    %sub3A_82 = arith.subi %get3A_79, %sub3A_81 : vector<16xi32>
    %jit3A_83 = arith.constant 0 : i32
    %jit3A_84 = arith.constant 5119 : i32
    %max3A_85 = vector.broadcast %jit3A_83 : i32 to vector<16xi32>
    %max3A_86 = arith.maxsi %max3A_85, %sub3A_82 : vector<16xi32>
    %min3A_87 = vector.broadcast %jit3A_84 : i32 to vector<16xi32>
    %min3A_88 = arith.minsi %min3A_87, %max3A_86 : vector<16xi32>
    %swap3A_89 = arith.constant 32 : index
    %swap3A_90 = tpu.vector_load %arg8[%swap3A_89] {strides = array<i32>} : memref<64xi32, #tpu.memory_space<vmem>>, vector<16xi32>,
    %swap3A_91 = vector.shape_cast %swap3A_90 : vector<16xi32> to vector<16xi32>
    %swap3A_92 = vector.shape_cast %min3A_88 : vector<16xi32> to vector<16xi32>
    tpu.vector_store %arg8[%swap3A_89], %swap3A_92 {strides = array<i32>} : memref<64xi32, #tpu.memory_space<vmem>>, vector<16xi32>,
    %get3A_93 = arith.constant 48 : index
    %get3A_94 = tpu.vector_load %arg7[%get3A_93] {strides = array<i32>} : memref<64xi32, #tpu.memory_space<vmem>>, vector<16xi32>,
    %get3A_95 = vector.shape_cast %get3A_94 : vector<16xi32> to vector<16xi32>
    %sub3A_96 = arith.constant 1 : i32
    %sub3A_97 = vector.broadcast %sub3A_96 : i32 to vector<16xi32>
    %sub3A_98 = arith.subi %get3A_95, %sub3A_97 : vector<16xi32>
    %jit3A_99 = arith.constant 0 : i32
    %jit3A_100 = arith.constant 5119 : i32
    %max3A_101 = vector.broadcast %jit3A_99 : i32 to vector<16xi32>
    %max3A_102 = arith.maxsi %max3A_101, %sub3A_98 : vector<16xi32>
    %min3A_103 = vector.broadcast %jit3A_100 : i32 to vector<16xi32>
    %min3A_104 = arith.minsi %min3A_103, %max3A_102 : vector<16xi32>
    %swap3A_105 = arith.constant 48 : index
    %swap3A_106 = tpu.vector_load %arg7[%swap3A_105] {strides = array<i32>} : memref<64xi32, #tpu.memory_space<vmem>>, vector<16xi32>,
    %swap3A_107 = vector.shape_cast %swap3A_106 : vector<16xi32> to vector<16xi32>
    %swap3A_108 = vector.shape_cast %min3A_104 : vector<16xi32> to vector<16xi32>
    tpu.vector_store %arg7[%swap3A_105], %swap3A_108 {strides = array<i32>} : memref<64xi32, #tpu.memory_space<vmem>>, vector<16xi32>,
    %get3A_109 = arith.constant 48 : index
    %get3A_110 = tpu.vector_load %arg8[%get3A_109] {strides = array<i32>} : memref<64xi32, #tpu.memory_space<vmem>>, vector<16xi32>,
    %get3A_111 = vector.shape_cast %get3A_110 : vector<16xi32> to vector<16xi32>
    %sub3A_112 = arith.constant 1 : i32
    %sub3A_113 = vector.broadcast %sub3A_112 : i32 to vector<16xi32>
    %sub3A_114 = arith.subi %get3A_111, %sub3A_113 : vector<16xi32>
    %jit3A_115 = arith.constant 0 : i32
    %jit3A_116 = arith.constant 5119 : i32
    %max3A_117 = vector.broadcast %jit3A_115 : i32 to vector<16xi32>
    %max3A_118 = arith.maxsi %max3A_117, %sub3A_114 : vector<16xi32>
    %min3A_119 = vector.broadcast %jit3A_116 : i32 to vector<16xi32>
    %min3A_120 = arith.minsi %min3A_119, %max3A_118 : vector<16xi32>
    %swap3A_121 = arith.constant 48 : index
    %swap3A_122 = tpu.vector_load %arg8[%swap3A_121] {strides = array<i32>} : memref<64xi32, #tpu.memory_space<vmem>>, vector<16xi32>,
    %swap3A_123 = vector.shape_cast %swap3A_122 : vector<16xi32> to vector<16xi32>
    %swap3A_124 = vector.shape_cast %min3A_120 : vector<16xi32> to vector<16xi32>
    tpu.vector_store %arg8[%swap3A_121], %swap3A_124 {strides = array<i32>} : memref<64xi32, #tpu.memory_space<vmem>>, vector<16xi32>,
    %dma_start3A = arith.constant 0 : i32
    %dma_start3A_125 = tpu.memref_slice %arg7[%dma_start3A] : memref<64xi32, #tpu.memory_space<vmem>> -> memref<16xi32, #tpu.memory_space<vmem>>
    %dma_start3A_126 = arith.constant 0 : i32
    %dma_start3A_127 = arith.constant 0 : i32
    %dma_start3A_128 = tpu.memref_slice %arg2[%dma_start3A_126, %dma_start3A_127] : memref<5120x2048xf32, #tpu.memory_space<hbm>> -> memref<5120x2048xf32, #tpu.memory_space<hbm>>
    tpu.enqueue_indirect_dma source(%dma_start3A_128 : memref<5120x2048xf32, #tpu.memory_space<hbm>>) target(%arg9 : memref<16x2048xf32, #tpu.memory_space<vmem>>) offsets(%dma_start3A_125 : memref<16xi32, #tpu.memory_space<vmem>>) semaphore(%arg11 : memref<!tpu.dma_semaphore, #tpu.memory_space<semaphore_mem>>)
    %dma_start3A_129 = arith.constant 0 : i32
    %dma_start3A_130 = tpu.memref_slice %arg8[%dma_start3A_129] : memref<64xi32, #tpu.memory_space<vmem>> -> memref<16xi32, #tpu.memory_space<vmem>>
    %dma_start3A_131 = arith.constant 0 : i32
    %dma_start3A_132 = arith.constant 0 : i32
    %dma_start3A_133 = tpu.memref_slice %arg2[%dma_start3A_131, %dma_start3A_132] : memref<5120x2048xf32, #tpu.memory_space<hbm>> -> memref<5120x2048xf32, #tpu.memory_space<hbm>>
    tpu.enqueue_indirect_dma source(%dma_start3A_133 : memref<5120x2048xf32, #tpu.memory_space<hbm>>) target(%arg10 : memref<16x2048xf32, #tpu.memory_space<vmem>>) offsets(%dma_start3A_130 : memref<16xi32, #tpu.memory_space<vmem>>) semaphore(%arg12 : memref<!tpu.dma_semaphore, #tpu.memory_space<semaphore_mem>>)
    %dma_wait3A = arith.constant 0 : i32
    %dma_wait3A_134 = tpu.memref_slice %arg7[%dma_wait3A] : memref<64xi32, #tpu.memory_space<vmem>> -> memref<16xi32, #tpu.memory_space<vmem>>
    %dma_wait3A_135 = arith.constant 0 : i32
    %dma_wait3A_136 = arith.constant 0 : i32
    %dma_wait3A_137 = tpu.memref_slice %arg2[%dma_wait3A_135, %dma_wait3A_136] : memref<5120x2048xf32, #tpu.memory_space<hbm>> -> memref<5120x2048xf32, #tpu.memory_space<hbm>>
    tpu.wait_indirect_dma semaphore(%arg11 : memref<!tpu.dma_semaphore, #tpu.memory_space<semaphore_mem>>) src(%dma_wait3A_137 : memref<5120x2048xf32, #tpu.memory_space<hbm>>) dst(%arg9 : memref<16x2048xf32, #tpu.memory_space<vmem>>)
    %dma_wait3A_138 = arith.constant 0 : i32
    %dma_wait3A_139 = tpu.memref_slice %arg8[%dma_wait3A_138] : memref<64xi32, #tpu.memory_space<vmem>> -> memref<16xi32, #tpu.memory_space<vmem>>
    %dma_wait3A_140 = arith.constant 0 : i32
    %dma_wait3A_141 = arith.constant 0 : i32
    %dma_wait3A_142 = tpu.memref_slice %arg2[%dma_wait3A_140, %dma_wait3A_141] : memref<5120x2048xf32, #tpu.memory_space<hbm>> -> memref<5120x2048xf32, #tpu.memory_space<hbm>>
    tpu.wait_indirect_dma semaphore(%arg12 : memref<!tpu.dma_semaphore, #tpu.memory_space<semaphore_mem>>) src(%dma_wait3A_142 : memref<5120x2048xf32, #tpu.memory_space<hbm>>) dst(%arg10 : memref<16x2048xf32, #tpu.memory_space<vmem>>)
    %add3A_143 = arith.constant 0 : i32
    %add3A_144 = arith.addi %mul3A_2, %add3A_143 : i32
    "tpu.region"() ({
      %run_scoped3A = tpu.sem_alloc : memref<!tpu.dma_semaphore, #tpu.memory_space<semaphore_mem>>
      %dma_start3A_219 = arith.constant 0 : i32
      %dma_start3A_220 = tpu.memref_slice %arg5[%add3A_144, %dma_start3A_219] : memref<2048x2048xf32, #tpu.memory_space<hbm>> -> memref<16x2048xf32, #tpu.memory_space<hbm>>
      %dma_start3A_221 = arith.constant 0 : i32
      %dma_start3A_222 = tpu.memref_slice %arg5[%add3A_144, %dma_start3A_221] : memref<2048x2048xf32, #tpu.memory_space<hbm>> -> memref<16x2048xf32, #tpu.memory_space<hbm>>
      tpu.enqueue_dma source(%arg9 : memref<16x2048xf32, #tpu.memory_space<vmem>>) target(%dma_start3A_222 : memref<16x2048xf32, #tpu.memory_space<hbm>>) target_semaphore(%run_scoped3A : memref<!tpu.dma_semaphore, #tpu.memory_space<semaphore_mem>>)
      %dma_wait3A_223 = arith.constant 0 : i32
      %dma_wait3A_224 = tpu.memref_slice %arg5[%add3A_144, %dma_wait3A_223] : memref<2048x2048xf32, #tpu.memory_space<hbm>> -> memref<16x2048xf32, #tpu.memory_space<hbm>>
      %dma_wait3A_225 = arith.constant 0 : i32
      %dma_wait3A_226 = tpu.memref_slice %arg5[%add3A_144, %dma_wait3A_225] : memref<2048x2048xf32, #tpu.memory_space<hbm>> -> memref<16x2048xf32, #tpu.memory_space<hbm>>
      tpu.wait_dma2 semaphore(%run_scoped3A : memref<!tpu.dma_semaphore, #tpu.memory_space<semaphore_mem>>) src(%arg9 : memref<16x2048xf32, #tpu.memory_space<vmem>>) dst(%dma_wait3A_226 : memref<16x2048xf32, #tpu.memory_space<hbm>>)
      tpu.yield
    }) : () -> ()
    %add3A_145 = arith.constant 0 : i32
    %add3A_146 = arith.addi %mul3A_2, %add3A_145 : i32
    "tpu.region"() ({
      %run_scoped3A = tpu.sem_alloc : memref<!tpu.dma_semaphore, #tpu.memory_space<semaphore_mem>>
      %dma_start3A_219 = arith.constant 0 : i32
      %dma_start3A_220 = tpu.memref_slice %arg6[%add3A_146, %dma_start3A_219] : memref<2048x2048xf32, #tpu.memory_space<hbm>> -> memref<16x2048xf32, #tpu.memory_space<hbm>>
      %dma_start3A_221 = arith.constant 0 : i32
      %dma_start3A_222 = tpu.memref_slice %arg6[%add3A_146, %dma_start3A_221] : memref<2048x2048xf32, #tpu.memory_space<hbm>> -> memref<16x2048xf32, #tpu.memory_space<hbm>>
      tpu.enqueue_dma source(%arg10 : memref<16x2048xf32, #tpu.memory_space<vmem>>) target(%dma_start3A_222 : memref<16x2048xf32, #tpu.memory_space<hbm>>) target_semaphore(%run_scoped3A : memref<!tpu.dma_semaphore, #tpu.memory_space<semaphore_mem>>)
      %dma_wait3A_223 = arith.constant 0 : i32
      %dma_wait3A_224 = tpu.memref_slice %arg6[%add3A_146, %dma_wait3A_223] : memref<2048x2048xf32, #tpu.memory_space<hbm>> -> memref<16x2048xf32, #tpu.memory_space<hbm>>
      %dma_wait3A_225 = arith.constant 0 : i32
      %dma_wait3A_226 = tpu.memref_slice %arg6[%add3A_146, %dma_wait3A_225] : memref<2048x2048xf32, #tpu.memory_space<hbm>> -> memref<16x2048xf32, #tpu.memory_space<hbm>>
      tpu.wait_dma2 semaphore(%run_scoped3A : memref<!tpu.dma_semaphore, #tpu.memory_space<semaphore_mem>>) src(%arg10 : memref<16x2048xf32, #tpu.memory_space<vmem>>) dst(%dma_wait3A_226 : memref<16x2048xf32, #tpu.memory_space<hbm>>)
      tpu.yield
    }) : () -> ()
    %dma_start3A_147 = arith.constant 16 : i32
    %dma_start3A_148 = tpu.memref_slice %arg7[%dma_start3A_147] : memref<64xi32, #tpu.memory_space<vmem>> -> memref<16xi32, #tpu.memory_space<vmem>>
    %dma_start3A_149 = arith.constant 0 : i32
    %dma_start3A_150 = arith.constant 0 : i32
    %dma_start3A_151 = tpu.memref_slice %arg2[%dma_start3A_149, %dma_start3A_150] : memref<5120x2048xf32, #tpu.memory_space<hbm>> -> memref<5120x2048xf32, #tpu.memory_space<hbm>>
    tpu.enqueue_indirect_dma source(%dma_start3A_151 : memref<5120x2048xf32, #tpu.memory_space<hbm>>) target(%arg9 : memref<16x2048xf32, #tpu.memory_space<vmem>>) offsets(%dma_start3A_148 : memref<16xi32, #tpu.memory_space<vmem>>) semaphore(%arg11 : memref<!tpu.dma_semaphore, #tpu.memory_space<semaphore_mem>>)
    %dma_start3A_152 = arith.constant 16 : i32
    %dma_start3A_153 = tpu.memref_slice %arg8[%dma_start3A_152] : memref<64xi32, #tpu.memory_space<vmem>> -> memref<16xi32, #tpu.memory_space<vmem>>
    %dma_start3A_154 = arith.constant 0 : i32
    %dma_start3A_155 = arith.constant 0 : i32
    %dma_start3A_156 = tpu.memref_slice %arg2[%dma_start3A_154, %dma_start3A_155] : memref<5120x2048xf32, #tpu.memory_space<hbm>> -> memref<5120x2048xf32, #tpu.memory_space<hbm>>
    tpu.enqueue_indirect_dma source(%dma_start3A_156 : memref<5120x2048xf32, #tpu.memory_space<hbm>>) target(%arg10 : memref<16x2048xf32, #tpu.memory_space<vmem>>) offsets(%dma_start3A_153 : memref<16xi32, #tpu.memory_space<vmem>>) semaphore(%arg12 : memref<!tpu.dma_semaphore, #tpu.memory_space<semaphore_mem>>)
    %dma_wait3A_157 = arith.constant 16 : i32
    %dma_wait3A_158 = tpu.memref_slice %arg7[%dma_wait3A_157] : memref<64xi32, #tpu.memory_space<vmem>> -> memref<16xi32, #tpu.memory_space<vmem>>
    %dma_wait3A_159 = arith.constant 0 : i32
    %dma_wait3A_160 = arith.constant 0 : i32
    %dma_wait3A_161 = tpu.memref_slice %arg2[%dma_wait3A_159, %dma_wait3A_160] : memref<5120x2048xf32, #tpu.memory_space<hbm>> -> memref<5120x2048xf32, #tpu.memory_space<hbm>>
    tpu.wait_indirect_dma semaphore(%arg11 : memref<!tpu.dma_semaphore, #tpu.memory_space<semaphore_mem>>) src(%dma_wait3A_161 : memref<5120x2048xf32, #tpu.memory_space<hbm>>) dst(%arg9 : memref<16x2048xf32, #tpu.memory_space<vmem>>)
    %dma_wait3A_162 = arith.constant 16 : i32
    %dma_wait3A_163 = tpu.memref_slice %arg8[%dma_wait3A_162] : memref<64xi32, #tpu.memory_space<vmem>> -> memref<16xi32, #tpu.memory_space<vmem>>
    %dma_wait3A_164 = arith.constant 0 : i32
    %dma_wait3A_165 = arith.constant 0 : i32
    %dma_wait3A_166 = tpu.memref_slice %arg2[%dma_wait3A_164, %dma_wait3A_165] : memref<5120x2048xf32, #tpu.memory_space<hbm>> -> memref<5120x2048xf32, #tpu.memory_space<hbm>>
    tpu.wait_indirect_dma semaphore(%arg12 : memref<!tpu.dma_semaphore, #tpu.memory_space<semaphore_mem>>) src(%dma_wait3A_166 : memref<5120x2048xf32, #tpu.memory_space<hbm>>) dst(%arg10 : memref<16x2048xf32, #tpu.memory_space<vmem>>)
    %add3A_167 = arith.constant 16 : i32
    %add3A_168 = arith.addi %mul3A_2, %add3A_167 : i32
    "tpu.region"() ({
      %run_scoped3A = tpu.sem_alloc : memref<!tpu.dma_semaphore, #tpu.memory_space<semaphore_mem>>
      %dma_start3A_219 = arith.constant 0 : i32
      %dma_start3A_220 = tpu.memref_slice %arg5[%add3A_168, %dma_start3A_219] : memref<2048x2048xf32, #tpu.memory_space<hbm>> -> memref<16x2048xf32, #tpu.memory_space<hbm>>
      %dma_start3A_221 = arith.constant 0 : i32
      %dma_start3A_222 = tpu.memref_slice %arg5[%add3A_168, %dma_start3A_221] : memref<2048x2048xf32, #tpu.memory_space<hbm>> -> memref<16x2048xf32, #tpu.memory_space<hbm>>
      tpu.enqueue_dma source(%arg9 : memref<16x2048xf32, #tpu.memory_space<vmem>>) target(%dma_start3A_222 : memref<16x2048xf32, #tpu.memory_space<hbm>>) target_semaphore(%run_scoped3A : memref<!tpu.dma_semaphore, #tpu.memory_space<semaphore_mem>>)
      %dma_wait3A_223 = arith.constant 0 : i32
      %dma_wait3A_224 = tpu.memref_slice %arg5[%add3A_168, %dma_wait3A_223] : memref<2048x2048xf32, #tpu.memory_space<hbm>> -> memref<16x2048xf32, #tpu.memory_space<hbm>>
      %dma_wait3A_225 = arith.constant 0 : i32
      %dma_wait3A_226 = tpu.memref_slice %arg5[%add3A_168, %dma_wait3A_225] : memref<2048x2048xf32, #tpu.memory_space<hbm>> -> memref<16x2048xf32, #tpu.memory_space<hbm>>
      tpu.wait_dma2 semaphore(%run_scoped3A : memref<!tpu.dma_semaphore, #tpu.memory_space<semaphore_mem>>) src(%arg9 : memref<16x2048xf32, #tpu.memory_space<vmem>>) dst(%dma_wait3A_226 : memref<16x2048xf32, #tpu.memory_space<hbm>>)
      tpu.yield
    }) : () -> ()
    %add3A_169 = arith.constant 16 : i32
    %add3A_170 = arith.addi %mul3A_2, %add3A_169 : i32
    "tpu.region"() ({
      %run_scoped3A = tpu.sem_alloc : memref<!tpu.dma_semaphore, #tpu.memory_space<semaphore_mem>>
      %dma_start3A_219 = arith.constant 0 : i32
      %dma_start3A_220 = tpu.memref_slice %arg6[%add3A_170, %dma_start3A_219] : memref<2048x2048xf32, #tpu.memory_space<hbm>> -> memref<16x2048xf32, #tpu.memory_space<hbm>>
      %dma_start3A_221 = arith.constant 0 : i32
      %dma_start3A_222 = tpu.memref_slice %arg6[%add3A_170, %dma_start3A_221] : memref<2048x2048xf32, #tpu.memory_space<hbm>> -> memref<16x2048xf32, #tpu.memory_space<hbm>>
      tpu.enqueue_dma source(%arg10 : memref<16x2048xf32, #tpu.memory_space<vmem>>) target(%dma_start3A_222 : memref<16x2048xf32, #tpu.memory_space<hbm>>) target_semaphore(%run_scoped3A : memref<!tpu.dma_semaphore, #tpu.memory_space<semaphore_mem>>)
      %dma_wait3A_223 = arith.constant 0 : i32
      %dma_wait3A_224 = tpu.memref_slice %arg6[%add3A_170, %dma_wait3A_223] : memref<2048x2048xf32, #tpu.memory_space<hbm>> -> memref<16x2048xf32, #tpu.memory_space<hbm>>
      %dma_wait3A_225 = arith.constant 0 : i32
      %dma_wait3A_226 = tpu.memref_slice %arg6[%add3A_170, %dma_wait3A_225] : memref<2048x2048xf32, #tpu.memory_space<hbm>> -> memref<16x2048xf32, #tpu.memory_space<hbm>>
      tpu.wait_dma2 semaphore(%run_scoped3A : memref<!tpu.dma_semaphore, #tpu.memory_space<semaphore_mem>>) src(%arg10 : memref<16x2048xf32, #tpu.memory_space<vmem>>) dst(%dma_wait3A_226 : memref<16x2048xf32, #tpu.memory_space<hbm>>)
      tpu.yield
    }) : () -> ()
    %dma_start3A_171 = arith.constant 32 : i32
    %dma_start3A_172 = tpu.memref_slice %arg7[%dma_start3A_171] : memref<64xi32, #tpu.memory_space<vmem>> -> memref<16xi32, #tpu.memory_space<vmem>>
    %dma_start3A_173 = arith.constant 0 : i32
    %dma_start3A_174 = arith.constant 0 : i32
    %dma_start3A_175 = tpu.memref_slice %arg2[%dma_start3A_173, %dma_start3A_174] : memref<5120x2048xf32, #tpu.memory_space<hbm>> -> memref<5120x2048xf32, #tpu.memory_space<hbm>>
    tpu.enqueue_indirect_dma source(%dma_start3A_175 : memref<5120x2048xf32, #tpu.memory_space<hbm>>) target(%arg9 : memref<16x2048xf32, #tpu.memory_space<vmem>>) offsets(%dma_start3A_172 : memref<16xi32, #tpu.memory_space<vmem>>) semaphore(%arg11 : memref<!tpu.dma_semaphore, #tpu.memory_space<semaphore_mem>>)
    %dma_start3A_176 = arith.constant 32 : i32
    %dma_start3A_177 = tpu.memref_slice %arg8[%dma_start3A_176] : memref<64xi32, #tpu.memory_space<vmem>> -> memref<16xi32, #tpu.memory_space<vmem>>
    %dma_start3A_178 = arith.constant 0 : i32
    %dma_start3A_179 = arith.constant 0 : i32
    %dma_start3A_180 = tpu.memref_slice %arg2[%dma_start3A_178, %dma_start3A_179] : memref<5120x2048xf32, #tpu.memory_space<hbm>> -> memref<5120x2048xf32, #tpu.memory_space<hbm>>
    tpu.enqueue_indirect_dma source(%dma_start3A_180 : memref<5120x2048xf32, #tpu.memory_space<hbm>>) target(%arg10 : memref<16x2048xf32, #tpu.memory_space<vmem>>) offsets(%dma_start3A_177 : memref<16xi32, #tpu.memory_space<vmem>>) semaphore(%arg12 : memref<!tpu.dma_semaphore, #tpu.memory_space<semaphore_mem>>)
    %dma_wait3A_181 = arith.constant 32 : i32
    %dma_wait3A_182 = tpu.memref_slice %arg7[%dma_wait3A_181] : memref<64xi32, #tpu.memory_space<vmem>> -> memref<16xi32, #tpu.memory_space<vmem>>
    %dma_wait3A_183 = arith.constant 0 : i32
    %dma_wait3A_184 = arith.constant 0 : i32
    %dma_wait3A_185 = tpu.memref_slice %arg2[%dma_wait3A_183, %dma_wait3A_184] : memref<5120x2048xf32, #tpu.memory_space<hbm>> -> memref<5120x2048xf32, #tpu.memory_space<hbm>>
    tpu.wait_indirect_dma semaphore(%arg11 : memref<!tpu.dma_semaphore, #tpu.memory_space<semaphore_mem>>) src(%dma_wait3A_185 : memref<5120x2048xf32, #tpu.memory_space<hbm>>) dst(%arg9 : memref<16x2048xf32, #tpu.memory_space<vmem>>)
    %dma_wait3A_186 = arith.constant 32 : i32
    %dma_wait3A_187 = tpu.memref_slice %arg8[%dma_wait3A_186] : memref<64xi32, #tpu.memory_space<vmem>> -> memref<16xi32, #tpu.memory_space<vmem>>
    %dma_wait3A_188 = arith.constant 0 : i32
    %dma_wait3A_189 = arith.constant 0 : i32
    %dma_wait3A_190 = tpu.memref_slice %arg2[%dma_wait3A_188, %dma_wait3A_189] : memref<5120x2048xf32, #tpu.memory_space<hbm>> -> memref<5120x2048xf32, #tpu.memory_space<hbm>>
    tpu.wait_indirect_dma semaphore(%arg12 : memref<!tpu.dma_semaphore, #tpu.memory_space<semaphore_mem>>) src(%dma_wait3A_190 : memref<5120x2048xf32, #tpu.memory_space<hbm>>) dst(%arg10 : memref<16x2048xf32, #tpu.memory_space<vmem>>)
    %add3A_191 = arith.constant 32 : i32
    %add3A_192 = arith.addi %mul3A_2, %add3A_191 : i32
    "tpu.region"() ({
      %run_scoped3A = tpu.sem_alloc : memref<!tpu.dma_semaphore, #tpu.memory_space<semaphore_mem>>
      %dma_start3A_219 = arith.constant 0 : i32
      %dma_start3A_220 = tpu.memref_slice %arg5[%add3A_192, %dma_start3A_219] : memref<2048x2048xf32, #tpu.memory_space<hbm>> -> memref<16x2048xf32, #tpu.memory_space<hbm>>
      %dma_start3A_221 = arith.constant 0 : i32
      %dma_start3A_222 = tpu.memref_slice %arg5[%add3A_192, %dma_start3A_221] : memref<2048x2048xf32, #tpu.memory_space<hbm>> -> memref<16x2048xf32, #tpu.memory_space<hbm>>
      tpu.enqueue_dma source(%arg9 : memref<16x2048xf32, #tpu.memory_space<vmem>>) target(%dma_start3A_222 : memref<16x2048xf32, #tpu.memory_space<hbm>>) target_semaphore(%run_scoped3A : memref<!tpu.dma_semaphore, #tpu.memory_space<semaphore_mem>>)
      %dma_wait3A_223 = arith.constant 0 : i32
      %dma_wait3A_224 = tpu.memref_slice %arg5[%add3A_192, %dma_wait3A_223] : memref<2048x2048xf32, #tpu.memory_space<hbm>> -> memref<16x2048xf32, #tpu.memory_space<hbm>>
      %dma_wait3A_225 = arith.constant 0 : i32
      %dma_wait3A_226 = tpu.memref_slice %arg5[%add3A_192, %dma_wait3A_225] : memref<2048x2048xf32, #tpu.memory_space<hbm>> -> memref<16x2048xf32, #tpu.memory_space<hbm>>
      tpu.wait_dma2 semaphore(%run_scoped3A : memref<!tpu.dma_semaphore, #tpu.memory_space<semaphore_mem>>) src(%arg9 : memref<16x2048xf32, #tpu.memory_space<vmem>>) dst(%dma_wait3A_226 : memref<16x2048xf32, #tpu.memory_space<hbm>>)
      tpu.yield
    }) : () -> ()
    %add3A_193 = arith.constant 32 : i32
    %add3A_194 = arith.addi %mul3A_2, %add3A_193 : i32
    "tpu.region"() ({
      %run_scoped3A = tpu.sem_alloc : memref<!tpu.dma_semaphore, #tpu.memory_space<semaphore_mem>>
      %dma_start3A_219 = arith.constant 0 : i32
      %dma_start3A_220 = tpu.memref_slice %arg6[%add3A_194, %dma_start3A_219] : memref<2048x2048xf32, #tpu.memory_space<hbm>> -> memref<16x2048xf32, #tpu.memory_space<hbm>>
      %dma_start3A_221 = arith.constant 0 : i32
      %dma_start3A_222 = tpu.memref_slice %arg6[%add3A_194, %dma_start3A_221] : memref<2048x2048xf32, #tpu.memory_space<hbm>> -> memref<16x2048xf32, #tpu.memory_space<hbm>>
      tpu.enqueue_dma source(%arg10 : memref<16x2048xf32, #tpu.memory_space<vmem>>) target(%dma_start3A_222 : memref<16x2048xf32, #tpu.memory_space<hbm>>) target_semaphore(%run_scoped3A : memref<!tpu.dma_semaphore, #tpu.memory_space<semaphore_mem>>)
      %dma_wait3A_223 = arith.constant 0 : i32
      %dma_wait3A_224 = tpu.memref_slice %arg6[%add3A_194, %dma_wait3A_223] : memref<2048x2048xf32, #tpu.memory_space<hbm>> -> memref<16x2048xf32, #tpu.memory_space<hbm>>
      %dma_wait3A_225 = arith.constant 0 : i32
      %dma_wait3A_226 = tpu.memref_slice %arg6[%add3A_194, %dma_wait3A_225] : memref<2048x2048xf32, #tpu.memory_space<hbm>> -> memref<16x2048xf32, #tpu.memory_space<hbm>>
      tpu.wait_dma2 semaphore(%run_scoped3A : memref<!tpu.dma_semaphore, #tpu.memory_space<semaphore_mem>>) src(%arg10 : memref<16x2048xf32, #tpu.memory_space<vmem>>) dst(%dma_wait3A_226 : memref<16x2048xf32, #tpu.memory_space<hbm>>)
      tpu.yield
    }) : () -> ()
    %dma_start3A_195 = arith.constant 48 : i32
    %dma_start3A_196 = tpu.memref_slice %arg7[%dma_start3A_195] : memref<64xi32, #tpu.memory_space<vmem>> -> memref<16xi32, #tpu.memory_space<vmem>>
    %dma_start3A_197 = arith.constant 0 : i32
    %dma_start3A_198 = arith.constant 0 : i32
    %dma_start3A_199 = tpu.memref_slice %arg2[%dma_start3A_197, %dma_start3A_198] : memref<5120x2048xf32, #tpu.memory_space<hbm>> -> memref<5120x2048xf32, #tpu.memory_space<hbm>>
    tpu.enqueue_indirect_dma source(%dma_start3A_199 : memref<5120x2048xf32, #tpu.memory_space<hbm>>) target(%arg9 : memref<16x2048xf32, #tpu.memory_space<vmem>>) offsets(%dma_start3A_196 : memref<16xi32, #tpu.memory_space<vmem>>) semaphore(%arg11 : memref<!tpu.dma_semaphore, #tpu.memory_space<semaphore_mem>>)
    %dma_start3A_200 = arith.constant 48 : i32
    %dma_start3A_201 = tpu.memref_slice %arg8[%dma_start3A_200] : memref<64xi32, #tpu.memory_space<vmem>> -> memref<16xi32, #tpu.memory_space<vmem>>
    %dma_start3A_202 = arith.constant 0 : i32
    %dma_start3A_203 = arith.constant 0 : i32
    %dma_start3A_204 = tpu.memref_slice %arg2[%dma_start3A_202, %dma_start3A_203] : memref<5120x2048xf32, #tpu.memory_space<hbm>> -> memref<5120x2048xf32, #tpu.memory_space<hbm>>
    tpu.enqueue_indirect_dma source(%dma_start3A_204 : memref<5120x2048xf32, #tpu.memory_space<hbm>>) target(%arg10 : memref<16x2048xf32, #tpu.memory_space<vmem>>) offsets(%dma_start3A_201 : memref<16xi32, #tpu.memory_space<vmem>>) semaphore(%arg12 : memref<!tpu.dma_semaphore, #tpu.memory_space<semaphore_mem>>)
    %dma_wait3A_205 = arith.constant 48 : i32
    %dma_wait3A_206 = tpu.memref_slice %arg7[%dma_wait3A_205] : memref<64xi32, #tpu.memory_space<vmem>> -> memref<16xi32, #tpu.memory_space<vmem>>
    %dma_wait3A_207 = arith.constant 0 : i32
    %dma_wait3A_208 = arith.constant 0 : i32
    %dma_wait3A_209 = tpu.memref_slice %arg2[%dma_wait3A_207, %dma_wait3A_208] : memref<5120x2048xf32, #tpu.memory_space<hbm>> -> memref<5120x2048xf32, #tpu.memory_space<hbm>>
    tpu.wait_indirect_dma semaphore(%arg11 : memref<!tpu.dma_semaphore, #tpu.memory_space<semaphore_mem>>) src(%dma_wait3A_209 : memref<5120x2048xf32, #tpu.memory_space<hbm>>) dst(%arg9 : memref<16x2048xf32, #tpu.memory_space<vmem>>)
    %dma_wait3A_210 = arith.constant 48 : i32
    %dma_wait3A_211 = tpu.memref_slice %arg8[%dma_wait3A_210] : memref<64xi32, #tpu.memory_space<vmem>> -> memref<16xi32, #tpu.memory_space<vmem>>
    %dma_wait3A_212 = arith.constant 0 : i32
    %dma_wait3A_213 = arith.constant 0 : i32
    %dma_wait3A_214 = tpu.memref_slice %arg2[%dma_wait3A_212, %dma_wait3A_213] : memref<5120x2048xf32, #tpu.memory_space<hbm>> -> memref<5120x2048xf32, #tpu.memory_space<hbm>>
    tpu.wait_indirect_dma semaphore(%arg12 : memref<!tpu.dma_semaphore, #tpu.memory_space<semaphore_mem>>) src(%dma_wait3A_214 : memref<5120x2048xf32, #tpu.memory_space<hbm>>) dst(%arg10 : memref<16x2048xf32, #tpu.memory_space<vmem>>)
    %add3A_215 = arith.constant 48 : i32
    %add3A_216 = arith.addi %mul3A_2, %add3A_215 : i32
    "tpu.region"() ({
      %run_scoped3A = tpu.sem_alloc : memref<!tpu.dma_semaphore, #tpu.memory_space<semaphore_mem>>
      %dma_start3A_219 = arith.constant 0 : i32
      %dma_start3A_220 = tpu.memref_slice %arg5[%add3A_216, %dma_start3A_219] : memref<2048x2048xf32, #tpu.memory_space<hbm>> -> memref<16x2048xf32, #tpu.memory_space<hbm>>
      %dma_start3A_221 = arith.constant 0 : i32
      %dma_start3A_222 = tpu.memref_slice %arg5[%add3A_216, %dma_start3A_221] : memref<2048x2048xf32, #tpu.memory_space<hbm>> -> memref<16x2048xf32, #tpu.memory_space<hbm>>
      tpu.enqueue_dma source(%arg9 : memref<16x2048xf32, #tpu.memory_space<vmem>>) target(%dma_start3A_222 : memref<16x2048xf32, #tpu.memory_space<hbm>>) target_semaphore(%run_scoped3A : memref<!tpu.dma_semaphore, #tpu.memory_space<semaphore_mem>>)
      %dma_wait3A_223 = arith.constant 0 : i32
      %dma_wait3A_224 = tpu.memref_slice %arg5[%add3A_216, %dma_wait3A_223] : memref<2048x2048xf32, #tpu.memory_space<hbm>> -> memref<16x2048xf32, #tpu.memory_space<hbm>>
      %dma_wait3A_225 = arith.constant 0 : i32
      %dma_wait3A_226 = tpu.memref_slice %arg5[%add3A_216, %dma_wait3A_225] : memref<2048x2048xf32, #tpu.memory_space<hbm>> -> memref<16x2048xf32, #tpu.memory_space<hbm>>
      tpu.wait_dma2 semaphore(%run_scoped3A : memref<!tpu.dma_semaphore, #tpu.memory_space<semaphore_mem>>) src(%arg9 : memref<16x2048xf32, #tpu.memory_space<vmem>>) dst(%dma_wait3A_226 : memref<16x2048xf32, #tpu.memory_space<hbm>>)
      tpu.yield
    }) : () -> ()
    %add3A_217 = arith.constant 48 : i32
    %add3A_218 = arith.addi %mul3A_2, %add3A_217 : i32
    "tpu.region"() ({
      %run_scoped3A = tpu.sem_alloc : memref<!tpu.dma_semaphore, #tpu.memory_space<semaphore_mem>>
      %dma_start3A_219 = arith.constant 0 : i32
      %dma_start3A_220 = tpu.memref_slice %arg6[%add3A_218, %dma_start3A_219] : memref<2048x2048xf32, #tpu.memory_space<hbm>> -> memref<16x2048xf32, #tpu.memory_space<hbm>>
      %dma_start3A_221 = arith.constant 0 : i32
      %dma_start3A_222 = tpu.memref_slice %arg6[%add3A_218, %dma_start3A_221] : memref<2048x2048xf32, #tpu.memory_space<hbm>> -> memref<16x2048xf32, #tpu.memory_space<hbm>>
      tpu.enqueue_dma source(%arg10 : memref<16x2048xf32, #tpu.memory_space<vmem>>) target(%dma_start3A_222 : memref<16x2048xf32, #tpu.memory_space<hbm>>) target_semaphore(%run_scoped3A : memref<!tpu.dma_semaphore, #tpu.memory_space<semaphore_mem>>)
      %dma_wait3A_223 = arith.constant 0 : i32
      %dma_wait3A_224 = tpu.memref_slice %arg6[%add3A_218, %dma_wait3A_223] : memref<2048x2048xf32, #tpu.memory_space<hbm>> -> memref<16x2048xf32, #tpu.memory_space<hbm>>
      %dma_wait3A_225 = arith.constant 0 : i32
      %dma_wait3A_226 = tpu.memref_slice %arg6[%add3A_218, %dma_wait3A_225] : memref<2048x2048xf32, #tpu.memory_space<hbm>> -> memref<16x2048xf32, #tpu.memory_space<hbm>>
      tpu.wait_dma2 semaphore(%run_scoped3A : memref<!tpu.dma_semaphore, #tpu.memory_space<semaphore_mem>>) src(%arg10 : memref<16x2048xf32, #tpu.memory_space<vmem>>) dst(%dma_wait3A_226 : memref<16x2048xf32, #tpu.memory_space<hbm>>)
      tpu.yield
    }) : () -> ()
    return
  }
}

module attributes {stable_mosaic.version = 14 : i64} {
  func.func @_k1a_body(%arg0: i32, %arg1: memref<128x2048xf32, #tpu.memory_space<vmem>>, %arg2: memref<8x2048xf32, #tpu.memory_space<vmem>>, %arg3: memref<256x2048xbf16, #tpu.memory_space<vmem>>, %arg4: memref<256x2048xbf16, #tpu.memory_space<vmem>>, %arg5: memref<8x2048xf32, #tpu.memory_space<vmem>>, %arg6: memref<128x512xf32, #tpu.memory_space<vmem>>) attributes {dimension_semantics = [#tpu.dimension_semantics<arbitrary>], iteration_bounds = array<i64: 16>, scalar_prefetch = 0 : i64, scratch_operands = 0 : i64, tpu.core_type = #tpu.core_type<tc>, window_params = [{transform_indices = @transform_0, window_bounds = array<i64: 128, 2048>}, {pipeline_mode = #tpu.pipeline_mode<synchronous>, transform_indices = @transform_1, window_bounds = array<i64: 8, 2048>}, {pipeline_mode = #tpu.pipeline_mode<synchronous>, transform_indices = @transform_2, window_bounds = array<i64: 256, 2048>}, {pipeline_mode = #tpu.pipeline_mode<synchronous>, transform_indices = @transform_3, window_bounds = array<i64: 256, 2048>}, {pipeline_mode = #tpu.pipeline_mode<synchronous>, transform_indices = @transform_4, window_bounds = array<i64: 8, 2048>}, {transform_indices = @transform_5, window_bounds = array<i64: 128, 512>}]} {
    %get3A = arith.constant 0 : index
    %get3A_0 = arith.constant 0 : index
    %get3A_1 = vector.load %arg1[%get3A, %get3A_0] : memref<128x2048xf32, #tpu.memory_space<vmem>>, vector<128x2048xf32>
    %get3A_2 = arith.constant 0 : index
    %get3A_3 = arith.constant 0 : index
    %get3A_4 = vector.load %arg2[%get3A_2, %get3A_3] : memref<8x2048xf32, #tpu.memory_space<vmem>>, vector<8x2048xf32>
    %dot_general3A = arith.constant dense<0.000000e+00> : vector<128x8xf32>
    %dot_general3A_5 = tpu.matmul %get3A_1, %get3A_4, %dot_general3A {dimension_numbers = #tpu.dot_dimension_numbers<[1], [1], [0], [0], [0, 0, 1, 0], [], []>, transpose_lhs_hint = false} : vector<128x2048xf32>, vector<8x2048xf32>, vector<128x8xf32> -> vector<128x8xf32>
    %reduce_max3A = arith.constant dense<0xFF800000> : vector<128xf32>
    %reduce_max3A_6 = vector.multi_reduction <maximumf>, %dot_general3A_5, %reduce_max3A [1] : vector<128x8xf32> to vector<128xf32>
    %broadcast_in_dim3A = vector.shape_cast %reduce_max3A_6 : vector<128xf32> to vector<128x1xf32>
    %sub3A = vector.broadcast %broadcast_in_dim3A : vector<128x1xf32> to vector<128x8xf32>
    %sub3A_7 = arith.subf %dot_general3A_5, %sub3A : vector<128x8xf32>
    %exp3A = math.exp %sub3A_7 : vector<128x8xf32>
    %reduce_sum3A = arith.constant dense<0.000000e+00> : vector<128xf32>
    %reduce_sum3A_8 = vector.multi_reduction <add>, %exp3A, %reduce_sum3A [1] : vector<128x8xf32> to vector<128xf32>
    %broadcast_in_dim3A_9 = vector.shape_cast %reduce_sum3A_8 : vector<128xf32> to vector<128x1xf32>
    %div3A = vector.broadcast %broadcast_in_dim3A_9 : vector<128x1xf32> to vector<128x8xf32>
    %div3A_10 = arith.divf %exp3A, %div3A : vector<128x8xf32>
    %iota3A = tpu.iota {dimensions = array<i32: 1>} : vector<128x8xi32>
    %reduce_max3A_11 = arith.constant dense<0xFF800000> : vector<128xf32>
    %reduce_max3A_12 = vector.multi_reduction <maximumf>, %div3A_10, %reduce_max3A_11 [1] : vector<128x8xf32> to vector<128xf32>
    %broadcast_in_dim3A_13 = vector.shape_cast %reduce_max3A_12 : vector<128xf32> to vector<128x1xf32>
    %ge3A = vector.broadcast %broadcast_in_dim3A_13 : vector<128x1xf32> to vector<128x8xf32>
    %ge3A_14 = arith.cmpf oge, %div3A_10, %ge3A : vector<128x8xf32>
    %jit3A = arith.constant 8 : i32
    %broadcast_in_dim3A_15 = vector.broadcast %jit3A : i32 to vector<128x8xi32>
    %select_n3A = arith.select %ge3A_14, %iota3A, %broadcast_in_dim3A_15 : vector<128x8xi1>, vector<128x8xi32>
    %reduce_min3A = arith.constant dense<2147483647> : vector<128xi32>
    %reduce_min3A_16 = vector.multi_reduction <minsi>, %select_n3A, %reduce_min3A [1] : vector<128x8xi32> to vector<128xi32>
    %broadcast_in_dim3A_17 = vector.shape_cast %reduce_min3A_16 : vector<128xi32> to vector<128x1xi32>
    %eq3A = vector.broadcast %broadcast_in_dim3A_17 : vector<128x1xi32> to vector<128x8xi32>
    %eq3A_18 = arith.cmpi eq, %iota3A, %eq3A : vector<128x8xi32>
    %jit3A_19 = arith.constant 0xFF800000 : f32
    %broadcast_in_dim3A_20 = vector.broadcast %jit3A_19 : f32 to vector<128x8xf32>
    %select_n3A_21 = arith.select %eq3A_18, %broadcast_in_dim3A_20, %div3A_10 : vector<128x8xi1>, vector<128x8xf32>
    %reduce_max3A_22 = arith.constant dense<0xFF800000> : vector<128xf32>
    %reduce_max3A_23 = vector.multi_reduction <maximumf>, %select_n3A_21, %reduce_max3A_22 [1] : vector<128x8xf32> to vector<128xf32>
    %broadcast_in_dim3A_24 = vector.shape_cast %reduce_max3A_23 : vector<128xf32> to vector<128x1xf32>
    %ge3A_25 = vector.broadcast %broadcast_in_dim3A_24 : vector<128x1xf32> to vector<128x8xf32>
    %ge3A_26 = arith.cmpf oge, %select_n3A_21, %ge3A_25 : vector<128x8xf32>
    %jit3A_27 = arith.constant 8 : i32
    %broadcast_in_dim3A_28 = vector.broadcast %jit3A_27 : i32 to vector<128x8xi32>
    %select_n3A_29 = arith.select %ge3A_26, %iota3A, %broadcast_in_dim3A_28 : vector<128x8xi1>, vector<128x8xi32>
    %reduce_min3A_30 = arith.constant dense<2147483647> : vector<128xi32>
    %reduce_min3A_31 = vector.multi_reduction <minsi>, %select_n3A_29, %reduce_min3A_30 [1] : vector<128x8xi32> to vector<128xi32>
    %broadcast_in_dim3A_32 = vector.shape_cast %reduce_min3A_31 : vector<128xi32> to vector<128x1xi32>
    %add3A = arith.addf %broadcast_in_dim3A_13, %broadcast_in_dim3A_24 : vector<128x1xf32>
    %add3A_33 = arith.constant 9.99999968E-21 : f32
    %add3A_34 = vector.broadcast %add3A_33 : f32 to vector<128x1xf32>
    %add3A_35 = arith.addf %add3A, %add3A_34 : vector<128x1xf32>
    %div3A_36 = arith.divf %broadcast_in_dim3A_13, %add3A_35 : vector<128x1xf32>
    %div3A_37 = arith.divf %broadcast_in_dim3A_24, %add3A_35 : vector<128x1xf32>
    %eq3A_38 = vector.broadcast %broadcast_in_dim3A_17 : vector<128x1xi32> to vector<128x8xi32>
    %eq3A_39 = arith.cmpi eq, %iota3A, %eq3A_38 : vector<128x8xi32>
    %eq3A_40 = vector.broadcast %broadcast_in_dim3A_32 : vector<128x1xi32> to vector<128x8xi32>
    %eq3A_41 = arith.cmpi eq, %iota3A, %eq3A_40 : vector<128x8xi32>
    %jit3A_42 = arith.constant 0.000000e+00 : f32
    %broadcast_in_dim3A_43 = vector.shape_cast %div3A_37 : vector<128x1xf32> to vector<128x1xf32>
    %broadcast_in_dim3A_44 = vector.broadcast %broadcast_in_dim3A_43 : vector<128x1xf32> to vector<128x8xf32>
    %broadcast_in_dim3A_45 = vector.broadcast %jit3A_42 : f32 to vector<128x8xf32>
    %select_n3A_46 = arith.select %eq3A_41, %broadcast_in_dim3A_44, %broadcast_in_dim3A_45 : vector<128x8xi1>, vector<128x8xf32>
    %broadcast_in_dim3A_47 = vector.shape_cast %div3A_36 : vector<128x1xf32> to vector<128x1xf32>
    %broadcast_in_dim3A_48 = vector.broadcast %broadcast_in_dim3A_47 : vector<128x1xf32> to vector<128x8xf32>
    %select_n3A_49 = arith.select %eq3A_39, %broadcast_in_dim3A_48, %select_n3A_46 : vector<128x8xi1>, vector<128x8xf32>
    %transpose3A = tpu.transpose %select_n3A_49, [1, 0] : vector<128x8xf32> -> vector<8x128xf32>
    %mul3A = arith.constant 128 : i32
    %mul3A_50 = arith.muli %arg0, %mul3A : i32
    %swap3A = arith.constant 0 : index
    %swap3A_51 = arith.index_cast %mul3A_50 : i32 to index
    %swap3A_52 = vector.load %arg5[%swap3A, %swap3A_51] : memref<8x2048xf32, #tpu.memory_space<vmem>>, vector<8x128xf32>
    tpu.vector_store %arg5[%swap3A, %swap3A_51], %transpose3A {strides = array<i32>} : memref<8x2048xf32, #tpu.memory_space<vmem>>, vector<8x128xf32>,
    %convert_element_type3A = arith.truncf %get3A_1 : vector<128x2048xf32> to vector<128x2048xbf16>
    %get3A_53 = arith.constant 0 : index
    %get3A_54 = arith.constant 0 : index
    %get3A_55 = vector.load %arg3[%get3A_53, %get3A_54] : memref<256x2048xbf16, #tpu.memory_space<vmem>>, vector<256x2048xbf16>
    %dot_general3A_56 = arith.constant dense<0.000000e+00> : vector<128x256xf32>
    %dot_general3A_57 = tpu.matmul %convert_element_type3A, %get3A_55, %dot_general3A_56 {dimension_numbers = #tpu.dot_dimension_numbers<[1], [1], [0], [0], [0, 0, 1, 0], [], []>, transpose_lhs_hint = false} : vector<128x2048xbf16>, vector<256x2048xbf16>, vector<128x256xf32> -> vector<128x256xf32>
    %swap3A_58 = arith.constant 0 : index
    %swap3A_59 = arith.constant 0 : index
    %swap3A_60 = vector.load %arg6[%swap3A_58, %swap3A_59] : memref<128x512xf32, #tpu.memory_space<vmem>>, vector<128x256xf32>
    tpu.vector_store %arg6[%swap3A_58, %swap3A_59], %dot_general3A_57 {strides = array<i32>} : memref<128x512xf32, #tpu.memory_space<vmem>>, vector<128x256xf32>,
    %get3A_61 = arith.constant 0 : index
    %get3A_62 = arith.constant 0 : index
    %get3A_63 = vector.load %arg4[%get3A_61, %get3A_62] : memref<256x2048xbf16, #tpu.memory_space<vmem>>, vector<256x2048xbf16>
    %dot_general3A_64 = arith.constant dense<0.000000e+00> : vector<128x256xf32>
    %dot_general3A_65 = tpu.matmul %convert_element_type3A, %get3A_63, %dot_general3A_64 {dimension_numbers = #tpu.dot_dimension_numbers<[1], [1], [0], [0], [0, 0, 1, 0], [], []>, transpose_lhs_hint = false} : vector<128x2048xbf16>, vector<256x2048xbf16>, vector<128x256xf32> -> vector<128x256xf32>
    %swap3A_66 = arith.constant 0 : index
    %swap3A_67 = arith.constant 256 : index
    %swap3A_68 = vector.load %arg6[%swap3A_66, %swap3A_67] : memref<128x512xf32, #tpu.memory_space<vmem>>, vector<128x256xf32>
    tpu.vector_store %arg6[%swap3A_66, %swap3A_67], %dot_general3A_65 {strides = array<i32>} : memref<128x512xf32, #tpu.memory_space<vmem>>, vector<128x256xf32>,
    return
  }
  func.func @transform_0(%arg0: i32) -> (i32, i32) {
    %c0_i32 = arith.constant 0 : i32
    %c0_i32_0 = arith.constant 0 : i32
    return %arg0, %c0_i32 : i32, i32
  }
  func.func @transform_1(%arg0: i32) -> (i32, i32) {
    %c0_i32 = arith.constant 0 : i32
    %c0_i32_0 = arith.constant 0 : i32
    %c0_i32_1 = arith.constant 0 : i32
    return %c0_i32, %c0_i32_0 : i32, i32
  }
  func.func @transform_2(%arg0: i32) -> (i32, i32) {
    %c0_i32 = arith.constant 0 : i32
    %c0_i32_0 = arith.constant 0 : i32
    %c0_i32_1 = arith.constant 0 : i32
    return %c0_i32, %c0_i32_0 : i32, i32
  }
  func.func @transform_3(%arg0: i32) -> (i32, i32) {
    %c0_i32 = arith.constant 0 : i32
    %c0_i32_0 = arith.constant 0 : i32
    %c0_i32_1 = arith.constant 0 : i32
    return %c0_i32, %c0_i32_0 : i32, i32
  }
  func.func @transform_4(%arg0: i32) -> (i32, i32) {
    %c0_i32 = arith.constant 0 : i32
    %c0_i32_0 = arith.constant 0 : i32
    %c0_i32_1 = arith.constant 0 : i32
    return %c0_i32, %c0_i32_0 : i32, i32
  }
  func.func @transform_5(%arg0: i32) -> (i32, i32) {
    %c0_i32 = arith.constant 0 : i32
    %c0_i32_0 = arith.constant 0 : i32
    return %arg0, %c0_i32 : i32, i32
  }
}

module attributes {stable_mosaic.version = 14 : i64} {
  func.func @_k2_body(%arg0: i32, %arg1: memref<48xi32, #tpu.memory_space<smem>>, %arg2: memref<128x512xf32, #tpu.memory_space<vmem>>, %arg3: memref<1x1x128xf32, #tpu.memory_space<vmem>>, %arg4: memref<1x256x256xbf16, #tpu.memory_space<vmem>>, %arg5: memref<1x1408x256xbf16, #tpu.memory_space<vmem>>, %arg6: memref<1x256x256xbf16, #tpu.memory_space<vmem>>, %arg7: memref<1x1408x256xbf16, #tpu.memory_space<vmem>>, %arg8: memref<256x1408xbf16, #tpu.memory_space<vmem>>, %arg9: memref<1x256x256xbf16, #tpu.memory_space<vmem>>, %arg10: memref<1x2048x256xbf16, #tpu.memory_space<vmem>>, %arg11: memref<128x2048xf32, #tpu.memory_space<vmem>>) attributes {dimension_semantics = [#tpu.dimension_semantics<arbitrary>], iteration_bounds = array<i64: 40>, scalar_prefetch = 1 : i64, scratch_operands = 0 : i64, tpu.core_type = #tpu.core_type<tc>, window_params = [{transform_indices = @transform_0, window_bounds = array<i64: 128, 512>}, {transform_indices = @transform_1, window_bounds = array<i64: 1, 1, 128>}, {transform_indices = @transform_2, window_bounds = array<i64: 1, 256, 256>}, {transform_indices = @transform_3, window_bounds = array<i64: 1, 1408, 256>}, {transform_indices = @transform_4, window_bounds = array<i64: 1, 256, 256>}, {transform_indices = @transform_5, window_bounds = array<i64: 1, 1408, 256>}, {pipeline_mode = #tpu.pipeline_mode<synchronous>, transform_indices = @transform_6, window_bounds = array<i64: 256, 1408>}, {transform_indices = @transform_7, window_bounds = array<i64: 1, 256, 256>}, {transform_indices = @transform_8, window_bounds = array<i64: 1, 2048, 256>}, {transform_indices = @transform_9, window_bounds = array<i64: 128, 2048>}]} {
    %get3A = arith.constant 0 : index
    %get3A_0 = arith.constant 0 : index
    %get3A_1 = arith.constant 0 : index
    %get3A_2 = vector.load %arg3[%get3A, %get3A_0, %get3A_1] : memref<1x1x128xf32, #tpu.memory_space<vmem>>, vector<1x1x128xf32>
    %get3A_3 = vector.shape_cast %get3A_2 : vector<1x1x128xf32> to vector<128xf32>
    %reshape3A = vector.shape_cast %get3A_3 : vector<128xf32> to vector<128x1xf32>
    %get3A_4 = arith.constant 0 : index
    %get3A_5 = arith.constant 0 : index
    %get3A_6 = vector.load %arg2[%get3A_4, %get3A_5] : memref<128x512xf32, #tpu.memory_space<vmem>>, vector<128x256xf32>
    %get3A_7 = arith.constant 0 : index
    %get3A_8 = arith.constant 0 : index
    %get3A_9 = arith.constant 0 : index
    %get3A_10 = vector.load %arg4[%get3A_7, %get3A_8, %get3A_9] : memref<1x256x256xbf16, #tpu.memory_space<vmem>>, vector<1x256x256xbf16>
    %get3A_11 = vector.shape_cast %get3A_10 : vector<1x256x256xbf16> to vector<256x256xbf16>
    %convert_element_type3A = arith.truncf %get3A_6 : vector<128x256xf32> to vector<128x256xbf16>
    %dot_general3A = arith.constant dense<0.000000e+00> : vector<128x256xf32>
    %dot_general3A_12 = tpu.matmul %convert_element_type3A, %get3A_11, %dot_general3A {dimension_numbers = #tpu.dot_dimension_numbers<[1], [1], [0], [0], [0, 0, 1, 0], [], []>, transpose_lhs_hint = false} : vector<128x256xbf16>, vector<256x256xbf16>, vector<128x256xf32> -> vector<128x256xf32>
    %get3A_13 = arith.constant 0 : index
    %get3A_14 = arith.constant 0 : index
    %get3A_15 = arith.constant 0 : index
    %get3A_16 = vector.load %arg5[%get3A_13, %get3A_14, %get3A_15] : memref<1x1408x256xbf16, #tpu.memory_space<vmem>>, vector<1x1408x256xbf16>
    %get3A_17 = vector.shape_cast %get3A_16 : vector<1x1408x256xbf16> to vector<1408x256xbf16>
    %convert_element_type3A_18 = arith.truncf %dot_general3A_12 : vector<128x256xf32> to vector<128x256xbf16>
    %dot_general3A_19 = arith.constant dense<0.000000e+00> : vector<128x1408xf32>
    %dot_general3A_20 = tpu.matmul %convert_element_type3A_18, %get3A_17, %dot_general3A_19 {dimension_numbers = #tpu.dot_dimension_numbers<[1], [1], [0], [0], [0, 0, 1, 0], [], []>, transpose_lhs_hint = false} : vector<128x256xbf16>, vector<1408x256xbf16>, vector<128x1408xf32> -> vector<128x1408xf32>
    %logistic3A = arith.negf %dot_general3A_20 : vector<128x1408xf32>
    %logistic3A_21 = math.exp %logistic3A : vector<128x1408xf32>
    %logistic3A_22 = arith.constant 1.000000e+00 : f32
    %logistic3A_23 = vector.broadcast %logistic3A_22 : f32 to vector<128x1408xf32>
    %logistic3A_24 = arith.addf %logistic3A_23, %logistic3A_21 : vector<128x1408xf32>
    %logistic3A_25 = arith.divf %logistic3A_23, %logistic3A_24 : vector<128x1408xf32>
    %mul3A = arith.mulf %dot_general3A_20, %logistic3A_25 : vector<128x1408xf32>
    %get3A_26 = arith.constant 0 : index
    %get3A_27 = arith.constant 256 : index
    %get3A_28 = vector.load %arg2[%get3A_26, %get3A_27] : memref<128x512xf32, #tpu.memory_space<vmem>>, vector<128x256xf32>
    %mul3A_29 = vector.broadcast %reshape3A : vector<128x1xf32> to vector<128x256xf32>
    %mul3A_30 = arith.mulf %get3A_28, %mul3A_29 : vector<128x256xf32>
    %get3A_31 = arith.constant 0 : index
    %get3A_32 = arith.constant 0 : index
    %get3A_33 = arith.constant 0 : index
    %get3A_34 = vector.load %arg6[%get3A_31, %get3A_32, %get3A_33] : memref<1x256x256xbf16, #tpu.memory_space<vmem>>, vector<1x256x256xbf16>
    %get3A_35 = vector.shape_cast %get3A_34 : vector<1x256x256xbf16> to vector<256x256xbf16>
    %convert_element_type3A_36 = arith.truncf %mul3A_30 : vector<128x256xf32> to vector<128x256xbf16>
    %dot_general3A_37 = arith.constant dense<0.000000e+00> : vector<128x256xf32>
    %dot_general3A_38 = tpu.matmul %convert_element_type3A_36, %get3A_35, %dot_general3A_37 {dimension_numbers = #tpu.dot_dimension_numbers<[1], [1], [0], [0], [0, 0, 1, 0], [], []>, transpose_lhs_hint = false} : vector<128x256xbf16>, vector<256x256xbf16>, vector<128x256xf32> -> vector<128x256xf32>
    %get3A_39 = arith.constant 0 : index
    %get3A_40 = arith.constant 0 : index
    %get3A_41 = arith.constant 0 : index
    %get3A_42 = vector.load %arg7[%get3A_39, %get3A_40, %get3A_41] : memref<1x1408x256xbf16, #tpu.memory_space<vmem>>, vector<1x1408x256xbf16>
    %get3A_43 = vector.shape_cast %get3A_42 : vector<1x1408x256xbf16> to vector<1408x256xbf16>
    %convert_element_type3A_44 = arith.truncf %dot_general3A_38 : vector<128x256xf32> to vector<128x256xbf16>
    %dot_general3A_45 = arith.constant dense<0.000000e+00> : vector<128x1408xf32>
    %dot_general3A_46 = tpu.matmul %convert_element_type3A_44, %get3A_43, %dot_general3A_45 {dimension_numbers = #tpu.dot_dimension_numbers<[1], [1], [0], [0], [0, 0, 1, 0], [], []>, transpose_lhs_hint = false} : vector<128x256xbf16>, vector<1408x256xbf16>, vector<128x1408xf32> -> vector<128x1408xf32>
    %mul3A_47 = arith.mulf %mul3A, %dot_general3A_46 : vector<128x1408xf32>
    %get3A_48 = arith.constant 0 : index
    %get3A_49 = arith.constant 0 : index
    %get3A_50 = vector.load %arg8[%get3A_48, %get3A_49] : memref<256x1408xbf16, #tpu.memory_space<vmem>>, vector<256x1408xbf16>
    %convert_element_type3A_51 = arith.truncf %mul3A_47 : vector<128x1408xf32> to vector<128x1408xbf16>
    %dot_general3A_52 = arith.constant dense<0.000000e+00> : vector<128x256xf32>
    %dot_general3A_53 = tpu.matmul %convert_element_type3A_51, %get3A_50, %dot_general3A_52 {dimension_numbers = #tpu.dot_dimension_numbers<[1], [1], [0], [0], [0, 0, 1, 0], [], []>, transpose_lhs_hint = false} : vector<128x1408xbf16>, vector<256x1408xbf16>, vector<128x256xf32> -> vector<128x256xf32>
    %get3A_54 = arith.constant 0 : index
    %get3A_55 = arith.constant 0 : index
    %get3A_56 = arith.constant 0 : index
    %get3A_57 = vector.load %arg9[%get3A_54, %get3A_55, %get3A_56] : memref<1x256x256xbf16, #tpu.memory_space<vmem>>, vector<1x256x256xbf16>
    %get3A_58 = vector.shape_cast %get3A_57 : vector<1x256x256xbf16> to vector<256x256xbf16>
    %convert_element_type3A_59 = arith.truncf %dot_general3A_53 : vector<128x256xf32> to vector<128x256xbf16>
    %dot_general3A_60 = arith.constant dense<0.000000e+00> : vector<128x256xf32>
    %dot_general3A_61 = tpu.matmul %convert_element_type3A_59, %get3A_58, %dot_general3A_60 {dimension_numbers = #tpu.dot_dimension_numbers<[1], [1], [0], [0], [0, 0, 1, 0], [], []>, transpose_lhs_hint = false} : vector<128x256xbf16>, vector<256x256xbf16>, vector<128x256xf32> -> vector<128x256xf32>
    %get3A_62 = arith.constant 0 : index
    %get3A_63 = arith.constant 0 : index
    %get3A_64 = arith.constant 0 : index
    %get3A_65 = vector.load %arg10[%get3A_62, %get3A_63, %get3A_64] : memref<1x2048x256xbf16, #tpu.memory_space<vmem>>, vector<1x2048x256xbf16>
    %get3A_66 = vector.shape_cast %get3A_65 : vector<1x2048x256xbf16> to vector<2048x256xbf16>
    %convert_element_type3A_67 = arith.truncf %dot_general3A_61 : vector<128x256xf32> to vector<128x256xbf16>
    %dot_general3A_68 = arith.constant dense<0.000000e+00> : vector<128x2048xf32>
    %dot_general3A_69 = tpu.matmul %convert_element_type3A_67, %get3A_66, %dot_general3A_68 {dimension_numbers = #tpu.dot_dimension_numbers<[1], [1], [0], [0], [0, 0, 1, 0], [], []>, transpose_lhs_hint = false} : vector<128x256xbf16>, vector<2048x256xbf16>, vector<128x2048xf32> -> vector<128x2048xf32>
    %swap3A = arith.constant 0 : index
    %swap3A_70 = arith.constant 0 : index
    %swap3A_71 = vector.load %arg11[%swap3A, %swap3A_70] : memref<128x2048xf32, #tpu.memory_space<vmem>>, vector<128x2048xf32>
    tpu.vector_store %arg11[%swap3A, %swap3A_70], %dot_general3A_69 {strides = array<i32>} : memref<128x2048xf32, #tpu.memory_space<vmem>>, vector<128x2048xf32>,
    return
  }
  func.func @transform_0(%arg0: i32, %arg1: memref<48xi32, #tpu.memory_space<smem>>) -> (i32, i32) {
    %c0_i32 = arith.constant 0 : i32
    %c0_i32_0 = arith.constant 0 : i32
    return %arg0, %c0_i32 : i32, i32
  }
  func.func @transform_1(%arg0: i32, %arg1: memref<48xi32, #tpu.memory_space<smem>>) -> (i32, i32, i32) {
    %c0_i32 = arith.constant 0 : i32
    %c0_i32_0 = arith.constant 0 : i32
    %c0_i32_1 = arith.constant 0 : i32
    return %arg0, %c0_i32, %c0_i32_0 : i32, i32, i32
  }
  func.func @transform_2(%arg0: i32, %arg1: memref<48xi32, #tpu.memory_space<smem>>) -> (i32, i32, i32) {
    %get3A = arith.index_cast %arg0 : i32 to index
    %get3A_0 = memref.load %arg1[%get3A] : memref<48xi32, #tpu.memory_space<smem>>
    %c0_i32 = arith.constant 0 : i32
    %c0_i32_1 = arith.constant 0 : i32
    %c0_i32_2 = arith.constant 0 : i32
    return %get3A_0, %c0_i32, %c0_i32_1 : i32, i32, i32
  }
  func.func @transform_3(%arg0: i32, %arg1: memref<48xi32, #tpu.memory_space<smem>>) -> (i32, i32, i32) {
    %get3A = arith.index_cast %arg0 : i32 to index
    %get3A_0 = memref.load %arg1[%get3A] : memref<48xi32, #tpu.memory_space<smem>>
    %c0_i32 = arith.constant 0 : i32
    %c0_i32_1 = arith.constant 0 : i32
    %c0_i32_2 = arith.constant 0 : i32
    return %get3A_0, %c0_i32, %c0_i32_1 : i32, i32, i32
  }
  func.func @transform_4(%arg0: i32, %arg1: memref<48xi32, #tpu.memory_space<smem>>) -> (i32, i32, i32) {
    %get3A = arith.index_cast %arg0 : i32 to index
    %get3A_0 = memref.load %arg1[%get3A] : memref<48xi32, #tpu.memory_space<smem>>
    %c0_i32 = arith.constant 0 : i32
    %c0_i32_1 = arith.constant 0 : i32
    %c0_i32_2 = arith.constant 0 : i32
    return %get3A_0, %c0_i32, %c0_i32_1 : i32, i32, i32
  }
  func.func @transform_5(%arg0: i32, %arg1: memref<48xi32, #tpu.memory_space<smem>>) -> (i32, i32, i32) {
    %get3A = arith.index_cast %arg0 : i32 to index
    %get3A_0 = memref.load %arg1[%get3A] : memref<48xi32, #tpu.memory_space<smem>>
    %c0_i32 = arith.constant 0 : i32
    %c0_i32_1 = arith.constant 0 : i32
    %c0_i32_2 = arith.constant 0 : i32
    return %get3A_0, %c0_i32, %c0_i32_1 : i32, i32, i32
  }
  func.func @transform_6(%arg0: i32, %arg1: memref<48xi32, #tpu.memory_space<smem>>) -> (i32, i32) {
    %c0_i32 = arith.constant 0 : i32
    %c0_i32_0 = arith.constant 0 : i32
    %c0_i32_1 = arith.constant 0 : i32
    return %c0_i32, %c0_i32_0 : i32, i32
  }
  func.func @transform_7(%arg0: i32, %arg1: memref<48xi32, #tpu.memory_space<smem>>) -> (i32, i32, i32) {
    %get3A = arith.index_cast %arg0 : i32 to index
    %get3A_0 = memref.load %arg1[%get3A] : memref<48xi32, #tpu.memory_space<smem>>
    %c0_i32 = arith.constant 0 : i32
    %c0_i32_1 = arith.constant 0 : i32
    %c0_i32_2 = arith.constant 0 : i32
    return %get3A_0, %c0_i32, %c0_i32_1 : i32, i32, i32
  }
  func.func @transform_8(%arg0: i32, %arg1: memref<48xi32, #tpu.memory_space<smem>>) -> (i32, i32, i32) {
    %get3A = arith.index_cast %arg0 : i32 to index
    %get3A_0 = memref.load %arg1[%get3A] : memref<48xi32, #tpu.memory_space<smem>>
    %c0_i32 = arith.constant 0 : i32
    %c0_i32_1 = arith.constant 0 : i32
    %c0_i32_2 = arith.constant 0 : i32
    return %get3A_0, %c0_i32, %c0_i32_1 : i32, i32, i32
  }
  func.func @transform_9(%arg0: i32, %arg1: memref<48xi32, #tpu.memory_space<smem>>) -> (i32, i32) {
    %c0_i32 = arith.constant 0 : i32
    %c0_i32_0 = arith.constant 0 : i32
    return %arg0, %c0_i32 : i32, i32
  }
}

module attributes {stable_mosaic.version = 14 : i64} {
  func.func @_k1b_body(%arg0: i32, %arg1: memref<128x2048xf32, #tpu.memory_space<vmem>>, %arg2: memref<256x2048xbf16, #tpu.memory_space<vmem>>, %arg3: memref<256x256xbf16, #tpu.memory_space<vmem>>, %arg4: memref<2816x256xbf16, #tpu.memory_space<vmem>>, %arg5: memref<256x2048xbf16, #tpu.memory_space<vmem>>, %arg6: memref<256x256xbf16, #tpu.memory_space<vmem>>, %arg7: memref<2816x256xbf16, #tpu.memory_space<vmem>>, %arg8: memref<256x2816xbf16, #tpu.memory_space<vmem>>, %arg9: memref<256x256xbf16, #tpu.memory_space<vmem>>, %arg10: memref<2048x256xbf16, #tpu.memory_space<vmem>>, %arg11: memref<128x2048xf32, #tpu.memory_space<vmem>>) attributes {dimension_semantics = [#tpu.dimension_semantics<arbitrary>], iteration_bounds = array<i64: 16>, scalar_prefetch = 0 : i64, scratch_operands = 0 : i64, tpu.core_type = #tpu.core_type<tc>, window_params = [{transform_indices = @transform_0, window_bounds = array<i64: 128, 2048>}, {pipeline_mode = #tpu.pipeline_mode<synchronous>, transform_indices = @transform_1, window_bounds = array<i64: 256, 2048>}, {pipeline_mode = #tpu.pipeline_mode<synchronous>, transform_indices = @transform_2, window_bounds = array<i64: 256, 256>}, {pipeline_mode = #tpu.pipeline_mode<synchronous>, transform_indices = @transform_3, window_bounds = array<i64: 2816, 256>}, {pipeline_mode = #tpu.pipeline_mode<synchronous>, transform_indices = @transform_4, window_bounds = array<i64: 256, 2048>}, {pipeline_mode = #tpu.pipeline_mode<synchronous>, transform_indices = @transform_5, window_bounds = array<i64: 256, 256>}, {pipeline_mode = #tpu.pipeline_mode<synchronous>, transform_indices = @transform_6, window_bounds = array<i64: 2816, 256>}, {pipeline_mode = #tpu.pipeline_mode<synchronous>, transform_indices = @transform_7, window_bounds = array<i64: 256, 2816>}, {pipeline_mode = #tpu.pipeline_mode<synchronous>, transform_indices = @transform_8, window_bounds = array<i64: 256, 256>}, {pipeline_mode = #tpu.pipeline_mode<synchronous>, transform_indices = @transform_9, window_bounds = array<i64: 2048, 256>}, {transform_indices = @transform_10, window_bounds = array<i64: 128, 2048>}]} {
    %get3A = arith.constant 0 : index
    %get3A_0 = arith.constant 0 : index
    %get3A_1 = vector.load %arg1[%get3A, %get3A_0] : memref<128x2048xf32, #tpu.memory_space<vmem>>, vector<128x2048xf32>
    %convert_element_type3A = arith.truncf %get3A_1 : vector<128x2048xf32> to vector<128x2048xbf16>
    %get3A_2 = arith.constant 0 : index
    %get3A_3 = arith.constant 0 : index
    %get3A_4 = vector.load %arg2[%get3A_2, %get3A_3] : memref<256x2048xbf16, #tpu.memory_space<vmem>>, vector<256x2048xbf16>
    %dot_general3A = arith.constant dense<0.000000e+00> : vector<128x256xf32>
    %dot_general3A_5 = tpu.matmul %convert_element_type3A, %get3A_4, %dot_general3A {dimension_numbers = #tpu.dot_dimension_numbers<[1], [1], [0], [0], [0, 0, 1, 0], [], []>, transpose_lhs_hint = false} : vector<128x2048xbf16>, vector<256x2048xbf16>, vector<128x256xf32> -> vector<128x256xf32>
    %get3A_6 = arith.constant 0 : index
    %get3A_7 = arith.constant 0 : index
    %get3A_8 = vector.load %arg3[%get3A_6, %get3A_7] : memref<256x256xbf16, #tpu.memory_space<vmem>>, vector<256x256xbf16>
    %convert_element_type3A_9 = arith.truncf %dot_general3A_5 : vector<128x256xf32> to vector<128x256xbf16>
    %dot_general3A_10 = arith.constant dense<0.000000e+00> : vector<128x256xf32>
    %dot_general3A_11 = tpu.matmul %convert_element_type3A_9, %get3A_8, %dot_general3A_10 {dimension_numbers = #tpu.dot_dimension_numbers<[1], [1], [0], [0], [0, 0, 1, 0], [], []>, transpose_lhs_hint = false} : vector<128x256xbf16>, vector<256x256xbf16>, vector<128x256xf32> -> vector<128x256xf32>
    %get3A_12 = arith.constant 0 : index
    %get3A_13 = arith.constant 0 : index
    %get3A_14 = vector.load %arg4[%get3A_12, %get3A_13] : memref<2816x256xbf16, #tpu.memory_space<vmem>>, vector<2816x256xbf16>
    %convert_element_type3A_15 = arith.truncf %dot_general3A_11 : vector<128x256xf32> to vector<128x256xbf16>
    %dot_general3A_16 = arith.constant dense<0.000000e+00> : vector<128x2816xf32>
    %dot_general3A_17 = tpu.matmul %convert_element_type3A_15, %get3A_14, %dot_general3A_16 {dimension_numbers = #tpu.dot_dimension_numbers<[1], [1], [0], [0], [0, 0, 1, 0], [], []>, transpose_lhs_hint = false} : vector<128x256xbf16>, vector<2816x256xbf16>, vector<128x2816xf32> -> vector<128x2816xf32>
    %logistic3A = arith.negf %dot_general3A_17 : vector<128x2816xf32>
    %logistic3A_18 = math.exp %logistic3A : vector<128x2816xf32>
    %logistic3A_19 = arith.constant 1.000000e+00 : f32
    %logistic3A_20 = vector.broadcast %logistic3A_19 : f32 to vector<128x2816xf32>
    %logistic3A_21 = arith.addf %logistic3A_20, %logistic3A_18 : vector<128x2816xf32>
    %logistic3A_22 = arith.divf %logistic3A_20, %logistic3A_21 : vector<128x2816xf32>
    %mul3A = arith.mulf %dot_general3A_17, %logistic3A_22 : vector<128x2816xf32>
    %get3A_23 = arith.constant 0 : index
    %get3A_24 = arith.constant 0 : index
    %get3A_25 = vector.load %arg5[%get3A_23, %get3A_24] : memref<256x2048xbf16, #tpu.memory_space<vmem>>, vector<256x2048xbf16>
    %dot_general3A_26 = arith.constant dense<0.000000e+00> : vector<128x256xf32>
    %dot_general3A_27 = tpu.matmul %convert_element_type3A, %get3A_25, %dot_general3A_26 {dimension_numbers = #tpu.dot_dimension_numbers<[1], [1], [0], [0], [0, 0, 1, 0], [], []>, transpose_lhs_hint = false} : vector<128x2048xbf16>, vector<256x2048xbf16>, vector<128x256xf32> -> vector<128x256xf32>
    %get3A_28 = arith.constant 0 : index
    %get3A_29 = arith.constant 0 : index
    %get3A_30 = vector.load %arg6[%get3A_28, %get3A_29] : memref<256x256xbf16, #tpu.memory_space<vmem>>, vector<256x256xbf16>
    %convert_element_type3A_31 = arith.truncf %dot_general3A_27 : vector<128x256xf32> to vector<128x256xbf16>
    %dot_general3A_32 = arith.constant dense<0.000000e+00> : vector<128x256xf32>
    %dot_general3A_33 = tpu.matmul %convert_element_type3A_31, %get3A_30, %dot_general3A_32 {dimension_numbers = #tpu.dot_dimension_numbers<[1], [1], [0], [0], [0, 0, 1, 0], [], []>, transpose_lhs_hint = false} : vector<128x256xbf16>, vector<256x256xbf16>, vector<128x256xf32> -> vector<128x256xf32>
    %get3A_34 = arith.constant 0 : index
    %get3A_35 = arith.constant 0 : index
    %get3A_36 = vector.load %arg7[%get3A_34, %get3A_35] : memref<2816x256xbf16, #tpu.memory_space<vmem>>, vector<2816x256xbf16>
    %convert_element_type3A_37 = arith.truncf %dot_general3A_33 : vector<128x256xf32> to vector<128x256xbf16>
    %dot_general3A_38 = arith.constant dense<0.000000e+00> : vector<128x2816xf32>
    %dot_general3A_39 = tpu.matmul %convert_element_type3A_37, %get3A_36, %dot_general3A_38 {dimension_numbers = #tpu.dot_dimension_numbers<[1], [1], [0], [0], [0, 0, 1, 0], [], []>, transpose_lhs_hint = false} : vector<128x256xbf16>, vector<2816x256xbf16>, vector<128x2816xf32> -> vector<128x2816xf32>
    %mul3A_40 = arith.mulf %mul3A, %dot_general3A_39 : vector<128x2816xf32>
    %get3A_41 = arith.constant 0 : index
    %get3A_42 = arith.constant 0 : index
    %get3A_43 = vector.load %arg8[%get3A_41, %get3A_42] : memref<256x2816xbf16, #tpu.memory_space<vmem>>, vector<256x2816xbf16>
    %convert_element_type3A_44 = arith.truncf %mul3A_40 : vector<128x2816xf32> to vector<128x2816xbf16>
    %dot_general3A_45 = arith.constant dense<0.000000e+00> : vector<128x256xf32>
    %dot_general3A_46 = tpu.matmul %convert_element_type3A_44, %get3A_43, %dot_general3A_45 {dimension_numbers = #tpu.dot_dimension_numbers<[1], [1], [0], [0], [0, 0, 1, 0], [], []>, transpose_lhs_hint = false} : vector<128x2816xbf16>, vector<256x2816xbf16>, vector<128x256xf32> -> vector<128x256xf32>
    %get3A_47 = arith.constant 0 : index
    %get3A_48 = arith.constant 0 : index
    %get3A_49 = vector.load %arg9[%get3A_47, %get3A_48] : memref<256x256xbf16, #tpu.memory_space<vmem>>, vector<256x256xbf16>
    %convert_element_type3A_50 = arith.truncf %dot_general3A_46 : vector<128x256xf32> to vector<128x256xbf16>
    %dot_general3A_51 = arith.constant dense<0.000000e+00> : vector<128x256xf32>
    %dot_general3A_52 = tpu.matmul %convert_element_type3A_50, %get3A_49, %dot_general3A_51 {dimension_numbers = #tpu.dot_dimension_numbers<[1], [1], [0], [0], [0, 0, 1, 0], [], []>, transpose_lhs_hint = false} : vector<128x256xbf16>, vector<256x256xbf16>, vector<128x256xf32> -> vector<128x256xf32>
    %get3A_53 = arith.constant 0 : index
    %get3A_54 = arith.constant 0 : index
    %get3A_55 = vector.load %arg10[%get3A_53, %get3A_54] : memref<2048x256xbf16, #tpu.memory_space<vmem>>, vector<2048x256xbf16>
    %convert_element_type3A_56 = arith.truncf %dot_general3A_52 : vector<128x256xf32> to vector<128x256xbf16>
    %dot_general3A_57 = arith.constant dense<0.000000e+00> : vector<128x2048xf32>
    %dot_general3A_58 = tpu.matmul %convert_element_type3A_56, %get3A_55, %dot_general3A_57 {dimension_numbers = #tpu.dot_dimension_numbers<[1], [1], [0], [0], [0, 0, 1, 0], [], []>, transpose_lhs_hint = false} : vector<128x256xbf16>, vector<2048x256xbf16>, vector<128x2048xf32> -> vector<128x2048xf32>
    %swap3A = arith.constant 0 : index
    %swap3A_59 = arith.constant 0 : index
    %swap3A_60 = vector.load %arg11[%swap3A, %swap3A_59] : memref<128x2048xf32, #tpu.memory_space<vmem>>, vector<128x2048xf32>
    tpu.vector_store %arg11[%swap3A, %swap3A_59], %dot_general3A_58 {strides = array<i32>} : memref<128x2048xf32, #tpu.memory_space<vmem>>, vector<128x2048xf32>,
    return
  }
  func.func @transform_0(%arg0: i32) -> (i32, i32) {
    %c0_i32 = arith.constant 0 : i32
    %c0_i32_0 = arith.constant 0 : i32
    return %arg0, %c0_i32 : i32, i32
  }
  func.func @transform_1(%arg0: i32) -> (i32, i32) {
    %c0_i32 = arith.constant 0 : i32
    %c0_i32_0 = arith.constant 0 : i32
    %c0_i32_1 = arith.constant 0 : i32
    return %c0_i32, %c0_i32_0 : i32, i32
  }
  func.func @transform_2(%arg0: i32) -> (i32, i32) {
    %c0_i32 = arith.constant 0 : i32
    %c0_i32_0 = arith.constant 0 : i32
    %c0_i32_1 = arith.constant 0 : i32
    return %c0_i32, %c0_i32_0 : i32, i32
  }
  func.func @transform_3(%arg0: i32) -> (i32, i32) {
    %c0_i32 = arith.constant 0 : i32
    %c0_i32_0 = arith.constant 0 : i32
    %c0_i32_1 = arith.constant 0 : i32
    return %c0_i32, %c0_i32_0 : i32, i32
  }
  func.func @transform_4(%arg0: i32) -> (i32, i32) {
    %c0_i32 = arith.constant 0 : i32
    %c0_i32_0 = arith.constant 0 : i32
    %c0_i32_1 = arith.constant 0 : i32
    return %c0_i32, %c0_i32_0 : i32, i32
  }
  func.func @transform_5(%arg0: i32) -> (i32, i32) {
    %c0_i32 = arith.constant 0 : i32
    %c0_i32_0 = arith.constant 0 : i32
    %c0_i32_1 = arith.constant 0 : i32
    return %c0_i32, %c0_i32_0 : i32, i32
  }
  func.func @transform_6(%arg0: i32) -> (i32, i32) {
    %c0_i32 = arith.constant 0 : i32
    %c0_i32_0 = arith.constant 0 : i32
    %c0_i32_1 = arith.constant 0 : i32
    return %c0_i32, %c0_i32_0 : i32, i32
  }
  func.func @transform_7(%arg0: i32) -> (i32, i32) {
    %c0_i32 = arith.constant 0 : i32
    %c0_i32_0 = arith.constant 0 : i32
    %c0_i32_1 = arith.constant 0 : i32
    return %c0_i32, %c0_i32_0 : i32, i32
  }
  func.func @transform_8(%arg0: i32) -> (i32, i32) {
    %c0_i32 = arith.constant 0 : i32
    %c0_i32_0 = arith.constant 0 : i32
    %c0_i32_1 = arith.constant 0 : i32
    return %c0_i32, %c0_i32_0 : i32, i32
  }
  func.func @transform_9(%arg0: i32) -> (i32, i32) {
    %c0_i32 = arith.constant 0 : i32
    %c0_i32_0 = arith.constant 0 : i32
    %c0_i32_1 = arith.constant 0 : i32
    return %c0_i32, %c0_i32_0 : i32, i32
  }
  func.func @transform_10(%arg0: i32) -> (i32, i32) {
    %c0_i32 = arith.constant 0 : i32
    %c0_i32_0 = arith.constant 0 : i32
    return %arg0, %c0_i32 : i32, i32
  }
}

module attributes {stable_mosaic.version = 14 : i64} {
  func.func @_k3_body(%arg0: i32, %arg1: memref<128x2048xf32, #tpu.memory_space<vmem>>, %arg2: memref<128x2048xf32, #tpu.memory_space<vmem>>, %arg3: memref<128x2048xf32, #tpu.memory_space<vmem>>, %arg4: memref<128x2048xf32, #tpu.memory_space<vmem>>) attributes {dimension_semantics = [#tpu.dimension_semantics<arbitrary>], iteration_bounds = array<i64: 16>, scalar_prefetch = 0 : i64, scratch_operands = 0 : i64, tpu.core_type = #tpu.core_type<tc>, window_params = [{transform_indices = @transform_0, window_bounds = array<i64: 128, 2048>}, {transform_indices = @transform_1, window_bounds = array<i64: 128, 2048>}, {transform_indices = @transform_2, window_bounds = array<i64: 128, 2048>}, {transform_indices = @transform_3, window_bounds = array<i64: 128, 2048>}]} {
    %get3A = arith.constant 0 : index
    %get3A_0 = arith.constant 0 : index
    %get3A_1 = vector.load %arg1[%get3A, %get3A_0] : memref<128x2048xf32, #tpu.memory_space<vmem>>, vector<128x2048xf32>
    %get3A_2 = arith.constant 0 : index
    %get3A_3 = arith.constant 0 : index
    %get3A_4 = vector.load %arg2[%get3A_2, %get3A_3] : memref<128x2048xf32, #tpu.memory_space<vmem>>, vector<128x2048xf32>
    %add3A = arith.addf %get3A_1, %get3A_4 : vector<128x2048xf32>
    %get3A_5 = arith.constant 0 : index
    %get3A_6 = arith.constant 0 : index
    %get3A_7 = vector.load %arg3[%get3A_5, %get3A_6] : memref<128x2048xf32, #tpu.memory_space<vmem>>, vector<128x2048xf32>
    %add3A_8 = arith.addf %add3A, %get3A_7 : vector<128x2048xf32>
    %swap3A = arith.constant 0 : index
    %swap3A_9 = arith.constant 0 : index
    %swap3A_10 = vector.load %arg4[%swap3A, %swap3A_9] : memref<128x2048xf32, #tpu.memory_space<vmem>>, vector<128x2048xf32>
    tpu.vector_store %arg4[%swap3A, %swap3A_9], %add3A_8 {strides = array<i32>} : memref<128x2048xf32, #tpu.memory_space<vmem>>, vector<128x2048xf32>,
    return
  }
  func.func @transform_0(%arg0: i32) -> (i32, i32) {
    %c0_i32 = arith.constant 0 : i32
    %c0_i32_0 = arith.constant 0 : i32
    return %arg0, %c0_i32 : i32, i32
  }
  func.func @transform_1(%arg0: i32) -> (i32, i32) {
    %c0_i32 = arith.constant 0 : i32
    %c0_i32_0 = arith.constant 0 : i32
    return %arg0, %c0_i32 : i32, i32
  }
  func.func @transform_2(%arg0: i32) -> (i32, i32) {
    %c0_i32 = arith.constant 0 : i32
    %c0_i32_0 = arith.constant 0 : i32
    return %arg0, %c0_i32 : i32, i32
  }
  func.func @transform_3(%arg0: i32) -> (i32, i32) {
    %c0_i32 = arith.constant 0 : i32
    %c0_i32_0 = arith.constant 0 : i32
    return %arg0, %c0_i32 : i32, i32
  }
}

</mosaic_0001>

<sc_bundles>
// kernel: kernel.12.cloned.1.call-start
scs
__scs_entry_jumppad:
0x0: {  	(pc) =	sbr.rel $0x88, $3  }
0x1: {  	(tag) =	ssettag $0x0;
	lr =	simm.s32 $0x1  }
0x2: {  	[smem:$0x3F8D] =	sst lr;
	_ =	strace $0xD0000000  }
0x3: {  	_ = 	snop  }
0x4: {  	_ = 	snop  }
0x5: {  	_ = 	snop  }
0x6: {  	_ = 	snop  }
0x7: {  	_ = 	snop  }
__scs_overlays_trampoline_lowered:
0x8: {  	[smem:$0x3F9C] =	sst s0  }
0x9: {  	[smem:$0x3F9D] =	sst s1  }
0xa: {  	[smem:$0x3F9E] =	sst s2  }
0xb: {  	[smem:$0x3F9F] =	sst s3  }
0xc: {  	[smem:$0x3FA0] =	sst s4  }
0xd: {  	[smem:$0x3FA1] =	sst s5  }
0xe: {  	[smem:$0x3FA2] =	sst s6  }
0xf: {  	[smem:$0x3FA3] =	sst s7  }
0x10: {  	[smem:$0x3FA4] =	sst s8  }
0x11: {  	[smem:$0x3FA5] =	sst s9;
	s0 =	simm.s32 @!p0 $0x0  }
0x12: {  	s1 =	sld [smem:$0x3F8B];
	s0 =	simm.s32 @p0 $0x1  }
0x13: {  	[smem:$0x3FA6] =	sst s0;
	s0 =	simm.s32 @!p1 $0x0  }
0x14: {  	s2 =	sld [smem:$0x3F8A];
	s0 =	simm.s32 @p1 $0x1  }
0x15: {  	[smem:$0x3FA7] =	sst s0;
	s0 =	simm.s32 @!p2 $0x0  }
0x16: {  	s3 =	sld [smem:$0x3FDB];
	s0 =	simm.s32 @p2 $0x1  }
0x17: {  	s4 =	simm.s32 $0x1BF5;
	[smem:$0x3FA9] =	sst s0  }
0x18: {  	s0 =	sld [smem:$0x3F8C];
	_ =	swait.ge [sflag:s4], $0x0  }
0x19: {  	s7 =	sld [smem:$0x3F8D]  }
0x1a: {  	s8 =	sadd.s32 $0xFFFFE003, lr  }
0x1b: {  	s9 =	sadd.s32 $0xFFFFFEF7, lr;
	s5 =	simm.s32 $0xFFFFFFFF;
	p2 =	slt.u32 s8, $0xFFFFF086  }
0x1c: {  	p1 =	slt.u32 s9, $0xF7A;
	s5 =	simm.s32 @!p2 $0x0  }
0x1d: {  	s5 =	simm.s32 @p1 $0x1;
	p0 =	seq.s32 s7, s2  }
0x1e: {  	s7 =	smul.u32 @!p0 $0xF7A, s2;
	p2 =	seq.s32 @!p0 s5, $0x0  }
0x1f: {  	s9 =	smul.u32 $0xF7A, s1;
	s8 =	simm.s32 @!p0 $0x1BF5;
	p2 =	por !p2, p0  }
0x20: {  	[sflag:s8] =	ssyncset.s32 @!p0 $0xFFFFF086;
	s6 =	sadd.s32 @!p0 s3, s7;
	s7 =	simm.s32 @!p0 $0x108  }
0x21: {  	s3 =	sadd.s32 s3, s9;
	s6 =	sadd.s32 @!p0 $0x88, s6;
	s7 =	simm.s32 @p2 $0x1082  }
0x22: {  	[simem:s7], [sflag:s8] =	dma.local @!p0 [hbm:s6], $0xF7A  }
0x23: {  	s9 =	sor.u32 $0xD0000000, s2;
	s6 =	simm.s32 $0x108;
	_ =	swait.ge @!p0 [sflag:s8], $0x0  }
0x24: {  	s3 =	sadd.s32 $0x88, s3;
	s6 =	simm.s32 @!p1 $0x1082;
	[sflag:s4] =	ssyncset.s32 $0xFFFFF086  }
0x25: {  	[simem:s6], [sflag:s4] =	dma.local [hbm:s3], $0xF7A  }
0x26: {  	[smem:$0x3F8D] =	sst s1;
	(tag) =	ssettag s2;
	_ =	strace s9  }
0x27: {  	s1 =	sld [smem:$0x3F9D]  }
0x28: {  	s2 =	sld [smem:$0x3F9E]  }
0x29: {  	s4 =	sld [smem:$0x3FA0]  }
0x2a: {  	p0 =	seq.s32 s5, $0x0;
	s5 =	sld [smem:$0x3FA1]  }
0x2b: {  	s6 =	sld [smem:$0x3FA2]  }
0x2c: {  	s7 =	sld [smem:$0x3FA3]  }
0x2d: {  	s3 =	simm.s32 $0x108;
	s8 =	sld [smem:$0x3FA4]  }
0x2e: {  	s3 =	simm.s32 @!p0 $0x1082;
	s9 =	sld [smem:$0x3FA5]  }
0x2f: {  	lr =	sadd.s32 s0, s3;
	s0 =	sld [smem:$0x3F9C]  }
0x30: {  	s3 =	sld [smem:$0x3F9F]  }
0x31: {  	[smem:$0x3FA8] =	sst s10  }
0x32: {  	s10 =	sld [smem:$0x3FA6];
	_ =	sdelay $0x3  }
0x33: {  	p0 =	seq.s32 s10, $0x1;
	s10 =	sld [smem:$0x3FA8];
	_ =	sdelay $0x3  }
0x34: {  	[smem:$0x3FA8] =	sst s10  }
0x35: {  	s10 =	sld [smem:$0x3FA7];
	_ =	sdelay $0x3  }
0x36: {  	p1 =	seq.s32 s10, $0x1;
	s10 =	sld [smem:$0x3FA8];
	_ =	sdelay $0x3  }
0x37: {  	[smem:$0x3FA8] =	sst s10  }
0x38: {  	s10 =	sld [smem:$0x3FA9]  }
0x39: {  	_ = 	snop;
	(pc) =	sbr.ind lr, $3  }
0x3a: {  	_ = 	snop  }
0x3b: {  	_ = 	snop  }
0x3c: {  	p2 =	seq.s32 s10, $0x1;
	s10 =	sld [smem:$0x3FA8]  }
0x3d: {  	_ =	shalt  }
0x3e: {  	_ =	shalt  }
0x3f: {  	_ =	shalt  }
0x40: {  	_ =	shalt  }
0x41: {  	_ =	shalt  }
0x42: {  	_ =	shalt  }
0x43: {  	_ =	shalt  }
0x44: {  	_ =	shalt  }
0x45: {  	_ =	shalt  }
0x46: {  	_ =	shalt  }
0x47: {  	_ =	shalt  }
0x48: {  	_ =	shalt  }
0x49: {  	_ =	shalt  }
0x4a: {  	_ =	shalt  }
0x4b: {  	_ =	shalt  }
0x4c: {  	_ =	shalt  }
0x4d: {  	_ =	shalt  }
0x4e: {  	_ =	shalt  }
0x4f: {  	_ =	shalt  }
0x50: {  	_ =	shalt  }
0x51: {  	_ =	shalt  }
0x52: {  	_ =	shalt  }
0x53: {  	_ =	shalt  }
0x54: {  	_ =	shalt  }
0x55: {  	_ =	shalt  }
0x56: {  	_ =	shalt  }
0x57: {  	_ =	shalt  }
0x58: {  	_ =	shalt  }
0x59: {  	_ =	shalt  }
0x5a: {  	_ =	shalt  }
0x5b: {  	_ =	shalt  }
0x5c: {  	_ =	shalt  }
0x5d: {  	_ =	shalt  }
0x5e: {  	_ =	shalt  }
0x5f: {  	_ =	shalt  }
0x60: {  	_ =	shalt  }
0x61: {  	_ =	shalt  }
0x62: {  	_ =	shalt  }
0x63: {  	_ =	shalt  }
0x64: {  	_ =	shalt  }
0x65: {  	_ =	shalt  }
0x66: {  	_ =	shalt  }
0x67: {  	_ =	shalt  }
0x68: {  	_ =	shalt  }
0x69: {  	_ =	shalt  }
0x6a: {  	_ =	shalt  }
0x6b: {  	_ =	shalt  }
0x6c: {  	_ =	shalt  }
0x6d: {  	_ =	shalt  }
0x6e: {  	_ =	shalt  }
0x6f: {  	_ =	shalt  }
0x70: {  	_ =	shalt  }
0x71: {  	_ =	shalt  }
0x72: {  	_ =	shalt  }
0x73: {  	_ =	shalt  }
0x74: {  	_ =	shalt  }
0x75: {  	_ =	shalt  }
0x76: {  	_ =	shalt  }
0x77: {  	_ =	shalt  }
0x78: {  	_ =	shalt  }
0x79: {  	_ =	shalt  }
0x7a: {  	_ =	shalt  }
0x7b: {  	_ =	shalt  }
0x7c: {  	_ =	shalt  }
0x7d: {  	_ =	shalt  }
0x7e: {  	_ =	shalt  }
0x7f: {  	_ =	shalt  }
0x80: {  	_ =	shalt  }
0x81: {  	_ =	shalt  }
0x82: {  	_ =	shalt  }
0x83: {  	_ =	shalt  }
0x84: {  	_ =	shalt  }
0x85: {  	_ =	shalt  }
0x86: {  	_ =	shalt  }
0x87: {  	_ =	shalt  }
.Lfunc_end0:
.L_simem_size_0:
called_computation.1_lowered:
.L_overlay_start_0:
0x88: {  	s2 =	sld [smem:$0x3FD9]  }
0x89: {  	s3 =	sld [smem:$0x3FFE];
	_ =	sdelay $0x1  }
0x8a: {  	s1 =	srdreg.scid  }
0x8b: {  	s0 =	sand.u32 $0x1, s1  }
0x8c: {  	s17 =	sshll.u32 s0, $0xA;
	s2 =	sadd.s32 s3, s2  }
0x8d: {  	s2 =	sadd.s32 s2, s17  }
0x8e: {  	[smem:$0x3FB4] =	sst s2  }
0x8f: {  	_ = 	snop  }
0x90: {  	s2 =	sld [smem:$0x3FD0];
	(tm) =	ssettm $0x1  }
0x91: {  	s18 =	sld [smem:$0x3FFB];
	_ =	sdelay $0x3  }
0x92: {  	_ =	strace s18  }
0x93: {  	s3 =	sld [smem:$0x3FFC];
	_ =	sdelay $0x3  }
0x94: {  	_ =	strace s3  }
0x95: {  	s3 =	sld [smem:$0x3FFD];
	_ =	sdelay $0x3  }
0x96: {  	_ =	strace s3  }
0x97: {  	_ =	strace $0x8FFFFFFF  }
0x98: {  	s19 =	sld [smem:$0x3FDB];
	_ =	sdelay $0x1  }
0x99: {  	s4 =	simm.s32 $_scs_section_size  }
0x9a: {  	s5 =	simm.s32 $_size__tile_overlayer_lowered;
	s6 =	simm.s32 $_tile_overlayer_lowered  }
0x9b: {  	s22 =	simm.s32 $0x1BFF;
	s21 =	sshll.u32 s6, $0x1;
	s3 =	sadd.s32 s4, s19  }
0x9c: {  	s7 =	simm.s32 $0x0;
	s20 =	sshll.u32 s5, $0x1;
	s5 =	sadd.s32 s21, s3  }
0x9d: {  	[timem:s7], [sflag:s22] =	dma.local [hbm:s5], s20  }
0x9e: {  	_ =	swait.ge [sflag:s22], s20  }
0x9f: {  	s4 =	ssub.s32 $0x0, s20;
	[sflag:s22] =	ssyncset.done $0x0  }
0xa0: {  	[sflag:s22] =	ssyncadd.s32 s4;
	_ =	sdelay $0x1  }
0xa1: {  	s23 =	simm.s32 $0x1B8B  }
0xa2: {  	_ =	swait.ge [sflag:s23], $0x1  }
0xa3: {  	[sflag:s23] =	ssyncset.done $0x0  }
0xa4: {  	s25 =	simm.s32 $0x1B8E;
	s24 =	sld [smem:$0x3FFE];
	[sflag:s23] =	ssyncadd.s32 $0xFFFFFFFF  }
0xa5: {  	s26 =	simm.s32 $execute0_lowered;
	[smem:$0x3FD2] =	sst s25  }
0xa6: {  	s5 =	sshll.u32 s26, $0x1;
	_ =	strace $0x80000049;
	[dreg:$0x1] =	wrdreg $0xFFFFFFFF  }
0xa7: {  	s28 =	simm.s32 $_size_execute0_lowered;
	s3 =	sadd.s32 s3, s5;
	[dreg:$0x0] =	wrdreg $0x0  }
0xa8: {  	s5 =	sshll.u32 s28, $0x1;
	[dreg:$0x2] =	wrdreg s3  }
0xa9: {  	[dreg:$0x3] =	wrdreg s5  }
0xaa: {  	[dreg:$0x4] =	wrdreg $0xC0  }
0xab: {  	_ =	task [dreg:s7], $0x5FFFF  }
0xac: {  	[dreg:$0x1] =	wrdreg $0xFFFFFFFF  }
0xad: {  	[dreg:$0x0] =	wrdreg $0x60  }
0xae: {  	[dreg:$0x2] =	wrdreg s24  }
0xaf: {  	[dreg:$0x3] =	wrdreg s2  }
0xb0: {  	[dreg:$0x4] =	wrdreg $0x9  }
0xb1: {  	_ =	task.clear_ibuf [dreg:s7], $0x5FFFF;
	_ =	strace $0x90000049  }
0xb2: {  	s29 =	simm.s32 $0x9;
	_ =	strace $0x8000004B  }
0xb3: {  	_ =	swait.ge [sflag:s29], $0x1  }
0xb4: {  	[sflag:s29] =	ssyncadd.s32 $0xFFFFFFFF  }
0xb5: {  	_ =	strace $0x9000004B  }
0xb6: {  	_ =	sfence  }
0xb7: {  	s30 =	sld [smem:$0x0];
	_ =	sdelay $0x2  }
0xb8: {  	s31 =	sshll.u32 s1, $0xD;
	s1 =	sshrl.u32 s1, $0x2  }
0xb9: {  	s3 =	sand.u32 $0x4000, s31;
	s1 =	sadd.s32 s1, s30  }
0xba: {  	s0 =	sor.u32 s3, s0;
	s1 =	sshll.u32 s1, $0x11  }
0xbb: {  	s0 =	sor.u32 s1, s0  }
0xbc: {  	s0 =	sadd.s32 $0x8F2B, s0  }
0xbd: {  	[sflag:s0] =	ssyncadd.remote.s32 $0x1  }
0xbe: {  	_ =	sfence.sel $0xFFFF  }
0xbf: {  	[dreg:$0x0] =	wrdreg $0xFFFFFFFF;
	(pc) =	sbr.abs _section_cstart, $3  }
0xc0: {  	[dreg:$0x1] =	wrdreg $0xFFFFFFFF  }
0xc1: {  	_ =	task.clear_ibuf [dreg:s7], $0x2FFFF;
	_ =	strace $0x9FFFFFFF  }
0xc2: {  	(tm) =	ssettm $0x7FFFFFFF  }
0xc3: {  	_ =	shalt  }
tec
execute0_lowered:
.L_overlay_start_1:
0x0: {  	(tag) =	ssettag $0x1  }
0x1: {  	s1 =	srdreg.scid;
	s0 =	stileid.u32  }
0x2: {  	s4 =	rddreg [dreg:$0x0];
	s1 =	sand.u32 $0x1, s1;
	s2 =	sshll.u32 s0, $0x1  }
0x3: {  	s5 =	rddreg [dreg:$0x1];
	s3 =	sor.u32 s1, s2;
	s2 =	simm.s32 $0x0  }
0x4: {  	s9 =	simm.s32 $0x900;
	[smem:$0x7FF] =	sst s2  }
0x5: {  	s10 =	simm.s32 $0x1100;
	_ =	strace $0x8000004A;
	[dreg:$0x5] =	wrdreg s9  }
0x6: {  	s11 =	simm.s32 $0x1900;
	[dreg:$0x6] =	wrdreg s10  }
0x7: {  	s12 =	simm.s32 $0x2100;
	[dreg:$0x7] =	wrdreg s11  }
0x8: {  	s13 =	simm.s32 $0x2900;
	[dreg:$0x8] =	wrdreg s12  }
0x9: {  	s14 =	simm.s32 $0x3100;
	[dreg:$0x9] =	wrdreg s13  }
0xa: {  	s15 =	simm.s32 $0x3900;
	[dreg:$0xa] =	wrdreg s14  }
0xb: {  	s16 =	simm.s32 $0x4100;
	[dreg:$0xb] =	wrdreg s15  }
0xc: {  	s17 =	simm.s32 $0x4900;
	s18 =	simm.s32 $0x5100;
	[dreg:$0xc] =	wrdreg s16  }
0xd: {  	s19 =	simm.s32 $0x5900;
	s20 =	simm.s32 $0x6100;
	[dreg:$0xd] =	wrdreg s17  }
0xe: {  	s21 =	simm.s32 $0x6900;
	s23 =	simm.s32 $0x7100;
	[dreg:$0xe] =	wrdreg s18  }
0xf: {  	s24 =	simm.s32 $0x7900;
	s25 =	simm.s32 $0x8100;
	[dreg:$0xf] =	wrdreg s19  }
0x10: {  	s26 =	simm.s32 $0x8900;
	s7 =	simm.s32 $0x100;
	[dreg:$0x10] =	wrdreg s20  }
0x11: {  	s28 =	simm.s32 $0x12900;
	s29 =	simm.s32 $0x13100;
	[dreg:$0x11] =	wrdreg s21  }
0x12: {  	s30 =	simm.s32 $0x13900;
	s31 =	simm.s32 $0x1;
	[dreg:$0x12] =	wrdreg s23  }
0x13: {  	s1 =	ssub.s32 $0x2, s1;
	s6 =	smul.u32 $0x14, s3;
	[dreg:$0x13] =	wrdreg s24  }
0x14: {  	s3 =	smul.u32 $0x2800, s3;
	s22 =	sshrl.u32 s1, $0x1;
	[dreg:$0x14] =	wrdreg s25  }
0x15: {  	s1 =	ssub.s32 s1, s22;
	[dreg:$0x15] =	wrdreg s26;
	s9 =	simm.s32 $0x9900  }
0x16: {  	s10 =	simm.s32 $0xA100;
	s11 =	simm.s32 $0xA900;
	s12 =	simm.s32 $0xB100  }
0x17: {  	s13 =	simm.s32 $0xB900;
	s14 =	simm.s32 $0xC100;
	s15 =	simm.s32 $0xC900  }
0x18: {  	s16 =	simm.s32 $0xD100;
	s17 =	simm.s32 $0xD900;
	s18 =	simm.s32 $0xE100  }
0x19: {  	s19 =	simm.s32 $0xE900;
	s20 =	simm.s32 $0xF100;
	s21 =	simm.s32 $0xF900  }
0x1a: {  	s22 =	simm.s32 $0x10100;
	s23 =	simm.s32 $0x10900;
	s24 =	simm.s32 $0x11100  }
0x1b: {  	s25 =	simm.s32 $0x11900;
	s26 =	simm.s32 $0x12100;
	s6 =	sadd.s32 s6, s4  }
0x1c: {  	v2 =	vlaneseq.u32;
	s3 =	sadd.s32 s5, s3;
	s5 =	smax.u32 s1, $0x1;
	s1 =	simm.s32 $0x2  }
0x1d: {  	vm0 =	vmmov $0xffff;
	v1 =	vshrl.u32 v2, $0x3;
	s6 =	sadd.s32 $0x26600, s6;
	[dreg:$0x4] =	wrdreg s3;
	s3 =	sadd.s32 $0x6600, s4  }
0x1e: {  	v0 =	vand.u32 $0x7, v2;
	v2 =	vor.u32 $0x8, v2;
	v1 =	vmul.u32 $0x8, v1;
	s4 =	sadd.s32 $0x6700, s4;
	[dreg:$0x3] =	wrdreg s6;
	s6 =	simm.s32 $0x3  }
.LBB2_1:
0x1f: {  	s0 =	rddreg [dreg:$0x3]  }
0x20: {  	[tilespmem:s2], [sflag:$0x3] =	stream.linear.gather [hbm4b:s0+s2], $0xA0, $0x38;
	[tilespmem:$0x14100] =	vst v63  }
0x21: {  	_ =	swait.ge [sflag:s6], $0xA0  }
0x22: {  	[sflag:s6] =	ssyncset.done $0x0  }
0x23: {  	[sflag:s6] =	ssyncadd.s32 $0xFFFFFF60  }
0x24: {  	v3 =	vld [tilespmem:$0x0]  }
0x25: {  	v4 =	vld [tilespmem:$0x10]  }
0x26: {  	v5 =	vld [tilespmem:$0x20]  }
0x27: {  	v6 =	vld [tilespmem:$0x30]  }
0x28: {  	v7 =	vld [tilespmem:$0x40]  }
0x29: {  	v9 =	vld [tilespmem:$0x50];
	v8 =	vand.u32 $0x7FF, v3  }
0x2a: {  	v42 =	vld [tilespmem:$0x60];
	v4 =	vand.u32 $0x7FF, v4;
	v10 =	vshll.u32 v3, $0x2;
	[tilespmem:$0x0] =	vst v8  }
0x2b: {  	v44 =	vld [tilespmem:$0x70];
	v43 =	vand.u32 $0x7FF, v5;
	v3 =	vand.u32 $0x7, v3;
	[tilespmem:$0x10] =	vst v4;
	v10 =	vand.u32 $0x1FE0, v10  }
0x2c: {  	v46 =	vld [tilespmem:$0x80];
	v45 =	vand.u32 $0x7FF, v6;
	[tilespmem:$0x20] =	vst v43;
	v3 =	vor.u32 v3, v10  }
0x2d: {  	v48 =	vld [tilespmem:$0x90];
	v47 =	vand.u32 $0x7FF, v7;
	[tilespmem:$0x30] =	vst v45;
	v10 =	vperm.xlane v3, v0  }
0x2e: {  	v49 =	vand.u32 $0x7FF, v9;
	[tilespmem:$0x40] =	vst v47  }
0x2f: {  	v50 =	vand.u32 $0x7FF, v42;
	[tilespmem:$0x50] =	vst v49;
	v51 =	vadd.s32 v1, v10  }
0x30: {  	v52 =	vand.u32 $0x7FF, v44;
	[tilespmem:$0x60] =	vst v50  }
0x31: {  	v53 =	vand.u32 $0x7FF, v46;
	[tilespmem:$0x70] =	vst v52;
	v3 =	vperm.xlane v3, v2  }
0x32: {  	v54 =	vand.u32 $0x7FF, v48;
	[tilespmem:$0x80] =	vst v53  }
0x33: {  	[tilespmem:$0x90] =	vst v54;
	v3 =	vadd.s32 v1, v3  }
0x34: {  	[tilespmem:s7], [sflag:$0x1] =	stream.indirect_vreg.gather [hbm4b:s3+s2], $0x80, v51, vm0, $0xb8;
	[tilespmem:$0x14100] =	vst v63  }
0x35: {  	s0 =	rddreg [dreg:$0x5]  }
0x36: {  	[tilespmem:s0], [sflag:$0x1] =	stream.indirect_vreg.gather [hbm4b:s4+s2], $0x80, v51, vm0, $0xb8;
	[tilespmem:$0x14100] =	vst v63  }
0x37: {  	s8 =	rddreg [dreg:$0x6]  }
0x38: {  	[tilespmem:s8], [sflag:$0x1] =	stream.indirect_vreg.gather [hbm4b:s3+s2], $0x80, v3, vm0, $0xb8;
	[tilespmem:$0x14100] =	vst v63  }
0x39: {  	s0 =	rddreg [dreg:$0x7]  }
0x3a: {  	[tilespmem:s0], [sflag:$0x1] =	stream.indirect_vreg.gather [hbm4b:s4+s2], $0x80, v3, vm0, $0xb8;
	[tilespmem:$0x14100] =	vst v63  }
0x3b: {  	v3 =	vld [tilespmem:$0x10];
	_ =	sdelay $0x4  }
0x3c: {  	v55 =	vshll.u32 v3, $0x2  }
0x3d: {  	v3 =	vand.u32 $0x7, v3;
	v4 =	vand.u32 $0xFFFFFFE0, v55  }
0x3e: {  	v3 =	vor.u32 v3, v4  }
0x3f: {  	v4 =	vperm.xlane v3, v0;
	_ =	sdelay $0x1  }
0x40: {  	v4 =	vadd.s32 v1, v4;
	_ =	sdelay $0x1  }
0x41: {  	v3 =	vperm.xlane v3, v2;
	_ =	sdelay $0x1  }
0x42: {  	s0 =	rddreg [dreg:$0x8];
	v3 =	vadd.s32 v1, v3  }
0x43: {  	[tilespmem:s0], [sflag:$0x1] =	stream.indirect_vreg.gather [hbm4b:s3+s2], $0x80, v4, vm0, $0xb8;
	[tilespmem:$0x14100] =	vst v63  }
0x44: {  	s8 =	rddreg [dreg:$0x9]  }
0x45: {  	[tilespmem:s8], [sflag:$0x1] =	stream.indirect_vreg.gather [hbm4b:s4+s2], $0x80, v4, vm0, $0xb8;
	[tilespmem:$0x14100] =	vst v63  }
0x46: {  	s0 =	rddreg [dreg:$0xa]  }
0x47: {  	[tilespmem:s0], [sflag:$0x1] =	stream.indirect_vreg.gather [hbm4b:s3+s2], $0x80, v3, vm0, $0xb8;
	[tilespmem:$0x14100] =	vst v63  }
0x48: {  	s8 =	rddreg [dreg:$0xb]  }
0x49: {  	[tilespmem:s8], [sflag:$0x1] =	stream.indirect_vreg.gather [hbm4b:s4+s2], $0x80, v3, vm0, $0xb8;
	[tilespmem:$0x14100] =	vst v63  }
0x4a: {  	v3 =	vld [tilespmem:$0x20];
	_ =	sdelay $0x4  }
0x4b: {  	v56 =	vshll.u32 v3, $0x2  }
0x4c: {  	v3 =	vand.u32 $0x7, v3;
	v4 =	vand.u32 $0xFFFFFFE0, v56  }
0x4d: {  	v3 =	vor.u32 v3, v4  }
0x4e: {  	v4 =	vperm.xlane v3, v0;
	_ =	sdelay $0x1  }
0x4f: {  	v4 =	vadd.s32 v1, v4;
	_ =	sdelay $0x1  }
0x50: {  	v3 =	vperm.xlane v3, v2;
	_ =	sdelay $0x1  }
0x51: {  	s0 =	rddreg [dreg:$0xc];
	v3 =	vadd.s32 v1, v3  }
0x52: {  	[tilespmem:s0], [sflag:$0x1] =	stream.indirect_vreg.gather [hbm4b:s3+s2], $0x80, v4, vm0, $0xb8;
	[tilespmem:$0x14100] =	vst v63  }
0x53: {  	s8 =	rddreg [dreg:$0xd]  }
0x54: {  	[tilespmem:s8], [sflag:$0x1] =	stream.indirect_vreg.gather [hbm4b:s4+s2], $0x80, v4, vm0, $0xb8;
	[tilespmem:$0x14100] =	vst v63  }
0x55: {  	s0 =	rddreg [dreg:$0xe]  }
0x56: {  	[tilespmem:s0], [sflag:$0x1] =	stream.indirect_vreg.gather [hbm4b:s3+s2], $0x80, v3, vm0, $0xb8;
	[tilespmem:$0x14100] =	vst v63  }
0x57: {  	s8 =	rddreg [dreg:$0xf]  }
0x58: {  	[tilespmem:s8], [sflag:$0x1] =	stream.indirect_vreg.gather [hbm4b:s4+s2], $0x80, v3, vm0, $0xb8;
	[tilespmem:$0x14100] =	vst v63  }
0x59: {  	v3 =	vld [tilespmem:$0x30];
	_ =	sdelay $0x4  }
0x5a: {  	v57 =	vshll.u32 v3, $0x2  }
0x5b: {  	v3 =	vand.u32 $0x7, v3;
	v4 =	vand.u32 $0xFFFFFFE0, v57  }
0x5c: {  	v3 =	vor.u32 v3, v4  }
0x5d: {  	v4 =	vperm.xlane v3, v0;
	_ =	sdelay $0x1  }
0x5e: {  	v4 =	vadd.s32 v1, v4;
	_ =	sdelay $0x1  }
0x5f: {  	v3 =	vperm.xlane v3, v2;
	_ =	sdelay $0x1  }
0x60: {  	s0 =	rddreg [dreg:$0x10];
	v3 =	vadd.s32 v1, v3  }
0x61: {  	[tilespmem:s0], [sflag:$0x1] =	stream.indirect_vreg.gather [hbm4b:s3+s2], $0x80, v4, vm0, $0xb8;
	[tilespmem:$0x14100] =	vst v63  }
0x62: {  	s8 =	rddreg [dreg:$0x11]  }
0x63: {  	[tilespmem:s8], [sflag:$0x1] =	stream.indirect_vreg.gather [hbm4b:s4+s2], $0x80, v4, vm0, $0xb8;
	[tilespmem:$0x14100] =	vst v63  }
0x64: {  	s0 =	rddreg [dreg:$0x12]  }
0x65: {  	[tilespmem:s0], [sflag:$0x1] =	stream.indirect_vreg.gather [hbm4b:s3+s2], $0x80, v3, vm0, $0xb8;
	[tilespmem:$0x14100] =	vst v63  }
0x66: {  	s8 =	rddreg [dreg:$0x13]  }
0x67: {  	[tilespmem:s8], [sflag:$0x1] =	stream.indirect_vreg.gather [hbm4b:s4+s2], $0x80, v3, vm0, $0xb8;
	[tilespmem:$0x14100] =	vst v63  }
0x68: {  	v3 =	vld [tilespmem:$0x40];
	_ =	sdelay $0x4  }
0x69: {  	v58 =	vshll.u32 v3, $0x2  }
0x6a: {  	v3 =	vand.u32 $0x7, v3;
	v4 =	vand.u32 $0xFFFFFFE0, v58  }
0x6b: {  	v3 =	vor.u32 v3, v4  }
0x6c: {  	v4 =	vperm.xlane v3, v0;
	_ =	sdelay $0x1  }
0x6d: {  	v4 =	vadd.s32 v1, v4;
	_ =	sdelay $0x1  }
0x6e: {  	v3 =	vperm.xlane v3, v2;
	_ =	sdelay $0x1  }
0x6f: {  	s0 =	rddreg [dreg:$0x14];
	v3 =	vadd.s32 v1, v3  }
0x70: {  	[tilespmem:s0], [sflag:$0x1] =	stream.indirect_vreg.gather [hbm4b:s3+s2], $0x80, v4, vm0, $0xb8;
	[tilespmem:$0x14100] =	vst v63  }
0x71: {  	s8 =	rddreg [dreg:$0x15]  }
0x72: {  	[tilespmem:s8], [sflag:$0x1] =	stream.indirect_vreg.gather [hbm4b:s4+s2], $0x80, v4, vm0, $0xb8;
	[tilespmem:$0x14100] =	vst v63  }
0x73: {  	s8 =	simm.s32 $0x9100  }
0x74: {  	[tilespmem:s8], [sflag:$0x1] =	stream.indirect_vreg.gather [hbm4b:s3+s2], $0x80, v3, vm0, $0xb8;
	[tilespmem:$0x14100] =	vst v63  }
0x75: {  	_ = 	snop  }
0x76: {  	[tilespmem:s9], [sflag:$0x1] =	stream.indirect_vreg.gather [hbm4b:s4+s2], $0x80, v3, vm0, $0xb8;
	[tilespmem:$0x14100] =	vst v63  }
0x77: {  	v3 =	vld [tilespmem:$0x50];
	_ =	sdelay $0x4  }
0x78: {  	v59 =	vshll.u32 v3, $0x2  }
0x79: {  	v3 =	vand.u32 $0x7, v3;
	v4 =	vand.u32 $0xFFFFFFE0, v59  }
0x7a: {  	v3 =	vor.u32 v3, v4  }
0x7b: {  	v4 =	vperm.xlane v3, v0;
	_ =	sdelay $0x1  }
0x7c: {  	v4 =	vadd.s32 v1, v4;
	_ =	sdelay $0x1  }
0x7d: {  	v3 =	vperm.xlane v3, v2;
	_ =	sdelay $0x1  }
0x7e: {  	v3 =	vadd.s32 v1, v3  }
0x7f: {  	[tilespmem:s10], [sflag:$0x1] =	stream.indirect_vreg.gather [hbm4b:s3+s2], $0x80, v4, vm0, $0xb8;
	[tilespmem:$0x14100] =	vst v63  }
0x80: {  	_ = 	snop  }
0x81: {  	[tilespmem:s11], [sflag:$0x1] =	stream.indirect_vreg.gather [hbm4b:s4+s2], $0x80, v4, vm0, $0xb8;
	[tilespmem:$0x14100] =	vst v63  }
0x82: {  	_ = 	snop  }
0x83: {  	[tilespmem:s12], [sflag:$0x1] =	stream.indirect_vreg.gather [hbm4b:s3+s2], $0x80, v3, vm0, $0xb8;
	[tilespmem:$0x14100] =	vst v63  }
0x84: {  	_ = 	snop  }
0x85: {  	[tilespmem:s13], [sflag:$0x1] =	stream.indirect_vreg.gather [hbm4b:s4+s2], $0x80, v3, vm0, $0xb8;
	[tilespmem:$0x14100] =	vst v63  }
0x86: {  	v3 =	vld [tilespmem:$0x60];
	_ =	sdelay $0x4  }
0x87: {  	v60 =	vshll.u32 v3, $0x2  }
0x88: {  	v3 =	vand.u32 $0x7, v3;
	v4 =	vand.u32 $0xFFFFFFE0, v60  }
0x89: {  	v3 =	vor.u32 v3, v4  }
0x8a: {  	v4 =	vperm.xlane v3, v0;
	_ =	sdelay $0x1  }
0x8b: {  	v4 =	vadd.s32 v1, v4;
	_ =	sdelay $0x1  }
0x8c: {  	v3 =	vperm.xlane v3, v2;
	_ =	sdelay $0x1  }
0x8d: {  	v3 =	vadd.s32 v1, v3  }
0x8e: {  	[tilespmem:s14], [sflag:$0x1] =	stream.indirect_vreg.gather [hbm4b:s3+s2], $0x80, v4, vm0, $0xb8;
	[tilespmem:$0x14100] =	vst v63  }
0x8f: {  	_ = 	snop  }
0x90: {  	[tilespmem:s15], [sflag:$0x1] =	stream.indirect_vreg.gather [hbm4b:s4+s2], $0x80, v4, vm0, $0xb8;
	[tilespmem:$0x14100] =	vst v63  }
0x91: {  	_ = 	snop  }
0x92: {  	[tilespmem:s16], [sflag:$0x1] =	stream.indirect_vreg.gather [hbm4b:s3+s2], $0x80, v3, vm0, $0xb8;
	[tilespmem:$0x14100] =	vst v63  }
0x93: {  	_ = 	snop  }
0x94: {  	[tilespmem:s17], [sflag:$0x1] =	stream.indirect_vreg.gather [hbm4b:s4+s2], $0x80, v3, vm0, $0xb8;
	[tilespmem:$0x14100] =	vst v63  }
0x95: {  	v3 =	vld [tilespmem:$0x70];
	_ =	sdelay $0x4  }
0x96: {  	v61 =	vshll.u32 v3, $0x2  }
0x97: {  	v3 =	vand.u32 $0x7, v3;
	v4 =	vand.u32 $0xFFFFFFE0, v61  }
0x98: {  	v3 =	vor.u32 v3, v4  }
0x99: {  	v4 =	vperm.xlane v3, v0;
	_ =	sdelay $0x1  }
0x9a: {  	v4 =	vadd.s32 v1, v4;
	_ =	sdelay $0x1  }
0x9b: {  	v3 =	vperm.xlane v3, v2;
	_ =	sdelay $0x1  }
0x9c: {  	v3 =	vadd.s32 v1, v3  }
0x9d: {  	[tilespmem:s18], [sflag:$0x1] =	stream.indirect_vreg.gather [hbm4b:s3+s2], $0x80, v4, vm0, $0xb8;
	[tilespmem:$0x14100] =	vst v63  }
0x9e: {  	_ = 	snop  }
0x9f: {  	[tilespmem:s19], [sflag:$0x1] =	stream.indirect_vreg.gather [hbm4b:s4+s2], $0x80, v4, vm0, $0xb8;
	[tilespmem:$0x14100] =	vst v63  }
0xa0: {  	_ = 	snop  }
0xa1: {  	[tilespmem:s20], [sflag:$0x1] =	stream.indirect_vreg.gather [hbm4b:s3+s2], $0x80, v3, vm0, $0xb8;
	[tilespmem:$0x14100] =	vst v63  }
0xa2: {  	_ = 	snop  }
0xa3: {  	[tilespmem:s21], [sflag:$0x1] =	stream.indirect_vreg.gather [hbm4b:s4+s2], $0x80, v3, vm0, $0xb8;
	[tilespmem:$0x14100] =	vst v63  }
0xa4: {  	v3 =	vld [tilespmem:$0x80];
	_ =	sdelay $0x4  }
0xa5: {  	v62 =	vshll.u32 v3, $0x2  }
0xa6: {  	v3 =	vand.u32 $0x7, v3;
	v4 =	vand.u32 $0xFFFFFFE0, v62  }
0xa7: {  	v3 =	vor.u32 v3, v4  }
0xa8: {  	v4 =	vperm.xlane v3, v0;
	_ =	sdelay $0x1  }
0xa9: {  	v4 =	vadd.s32 v1, v4;
	_ =	sdelay $0x1  }
0xaa: {  	v3 =	vperm.xlane v3, v2;
	_ =	sdelay $0x1  }
0xab: {  	v3 =	vadd.s32 v1, v3  }
0xac: {  	[tilespmem:s22], [sflag:$0x2] =	stream.indirect_vreg.gather [hbm4b:s3+s2], $0x80, v4, vm0, $0xb8;
	[tilespmem:$0x14100] =	vst v63  }
0xad: {  	_ = 	snop  }
0xae: {  	[tilespmem:s23], [sflag:$0x2] =	stream.indirect_vreg.gather [hbm4b:s4+s2], $0x80, v4, vm0, $0xb8;
	[tilespmem:$0x14100] =	vst v63  }
0xaf: {  	_ = 	snop  }
0xb0: {  	[tilespmem:s24], [sflag:$0x2] =	stream.indirect_vreg.gather [hbm4b:s3+s2], $0x80, v3, vm0, $0xb8;
	[tilespmem:$0x14100] =	vst v63  }
0xb1: {  	_ = 	snop  }
0xb2: {  	[tilespmem:s25], [sflag:$0x2] =	stream.indirect_vreg.gather [hbm4b:s4+s2], $0x80, v3, vm0, $0xb8;
	[tilespmem:$0x14100] =	vst v63  }
0xb3: {  	v3 =	vld [tilespmem:$0x90];
	_ =	sdelay $0x4  }
0xb4: {  	v63 =	vshll.u32 v3, $0x2  }
0xb5: {  	v3 =	vand.u32 $0x7, v3;
	v4 =	vand.u32 $0xFFFFFFE0, v63  }
0xb6: {  	v3 =	vor.u32 v3, v4  }
0xb7: {  	v4 =	vperm.xlane v3, v0;
	_ =	sdelay $0x1  }
0xb8: {  	v4 =	vadd.s32 v1, v4;
	_ =	sdelay $0x1  }
0xb9: {  	v3 =	vperm.xlane v3, v2;
	_ =	sdelay $0x1  }
0xba: {  	v3 =	vadd.s32 v1, v3  }
0xbb: {  	[tilespmem:s26], [sflag:$0x2] =	stream.indirect_vreg.gather [hbm4b:s3+s2], $0x80, v4, vm0, $0xb8;
	[tilespmem:$0x14100] =	vst v63  }
0xbc: {  	_ = 	snop  }
0xbd: {  	[tilespmem:s28], [sflag:$0x2] =	stream.indirect_vreg.gather [hbm4b:s4+s2], $0x80, v4, vm0, $0xb8;
	[tilespmem:$0x14100] =	vst v63  }
0xbe: {  	_ = 	snop  }
0xbf: {  	[tilespmem:s29], [sflag:$0x2] =	stream.indirect_vreg.gather [hbm4b:s3+s2], $0x80, v3, vm0, $0xb8;
	[tilespmem:$0x14100] =	vst v63  }
0xc0: {  	_ = 	snop  }
0xc1: {  	[tilespmem:s30], [sflag:$0x2] =	stream.indirect_vreg.gather [hbm4b:s4+s2], $0x80, v3, vm0, $0xb8;
	[tilespmem:$0x14100] =	vst v63  }
0xc2: {  	_ =	swait.ge [sflag:s31], $0x10000  }
0xc3: {  	[sflag:s31] =	ssyncset.done $0x0  }
0xc4: {  	[sflag:s31] =	ssyncadd.s32 $0xFFFF0000  }
0xc5: {  	_ =	swait.ge [sflag:s1], $0x4000  }
0xc6: {  	p0 =	sne.s32 s5, $0x1;
	[sflag:s1] =	ssyncset.done $0x0  }
.Ltmp0:
0xc7: {  	s8 =	rddreg [dreg:$0x4];
	[sflag:s1] =	ssyncadd.s32 $0xFFFFC000;
	(pc) =	sbr.rel @p0 .LBB2_1-.Ltmp0, $4  }
0xc8: {  	[hbm4b:s8+s2] =	stream.linear.scatter [tilespmem:s7], [sflag:$0x3], $0x14000, $0x38;
	[tilespmem:$0x14100] =	vst v63  }
0xc9: {  	_ =	swait.ge [sflag:s6], $0x14000  }
0xca: {  	[sflag:s6] =	ssyncset.done $0x0  }
0xcb: {  	s5 =	sadd.s32 $0xFFFFFFFF, s5;
	[sflag:s6] =	ssyncadd.s32 $0xFFFEC000  }
0xcc: {  	_ =	sfence.sel $0x180000  }
0xcd: {  	[bflag:$0x0] =	sbarrier.arrive $0xFFFF  }
0xce: {  	_ =	strace $0x9000004A  }
0xcf: {  	s0 =	stileid.u32;
	[bflag:$0x2] =	sbarrier.arrive $0xFFFF  }
0xd0: {  	p0 =	sne.s32 s0, $0x0;
	s0 =	rddreg [dreg:$0x2]  }
0xd1: {  	s0 =	sadd.s32 @!p0 $0x100000, s0  }
0xd2: {  	[sflag:s0] =	ssyncadd.tile.s32 @!p0 $0x1;
	_ =	shalt  }
.Lfunc_end2:
_tile_overlayer_lowered:
.L_overlay_start_2:
0xd3: {  	(tag) =	ssettag $0x2  }
0xd4: {  	s0 =	rddreg [dreg:$0x0];
	s2 =	stileid.u32  }
0xd5: {  	s1 =	rddreg [dreg:$0x1];
	p0 =	sne.s32 s2, $0x0  }
0xd6: {  	s3 =	rddreg [dreg:$0x2];
	[bflag:$0x3] =	sbarrier.arrive $0xFFFF;
	s2 =	simm.s32 @!p0 $0x1C03  }
0xd7: {  	[timem:s3], [sflag:s2] =	dma.local @!p0 [hbm:s0], s1  }
0xd8: {  	s0 =	simm.s32 @!p0 $0x3  }
0xd9: {  	_ =	swait.ge @!p0 [sflag:s0], s1  }
0xda: {  	s1 =	ssub.s32 @!p0 $0x0, s1;
	[sflag:s0] =	ssyncset.done @!p0 $0x0  }
0xdb: {  	[sflag:s0] =	ssyncadd.s32 @!p0 s1  }
0xdc: {  	[bflag:$0x3] =	sbarrier.arrive $0xFFFF  }
0xdd: {  	_ =	shalt  }

// kernel: kernel.15.cloned.1.call-start
scs
__scs_entry_jumppad:
0x0: {  	(pc) =	sbr.rel $0x88, $3  }
0x1: {  	(tag) =	ssettag $0x0;
	lr =	simm.s32 $0x1  }
0x2: {  	[smem:$0x3F8D] =	sst lr;
	_ =	strace $0xD0000000  }
0x3: {  	_ = 	snop  }
0x4: {  	_ = 	snop  }
0x5: {  	_ = 	snop  }
0x6: {  	_ = 	snop  }
0x7: {  	_ = 	snop  }
__scs_overlays_trampoline_lowered:
0x8: {  	[smem:$0x3F9C] =	sst s0  }
0x9: {  	[smem:$0x3F9D] =	sst s1  }
0xa: {  	[smem:$0x3F9E] =	sst s2  }
0xb: {  	[smem:$0x3F9F] =	sst s3  }
0xc: {  	[smem:$0x3FA0] =	sst s4  }
0xd: {  	[smem:$0x3FA1] =	sst s5  }
0xe: {  	[smem:$0x3FA2] =	sst s6  }
0xf: {  	[smem:$0x3FA3] =	sst s7  }
0x10: {  	[smem:$0x3FA4] =	sst s8  }
0x11: {  	[smem:$0x3FA5] =	sst s9;
	s0 =	simm.s32 @!p0 $0x0  }
0x12: {  	s1 =	sld [smem:$0x3F8B];
	s0 =	simm.s32 @p0 $0x1  }
0x13: {  	[smem:$0x3FA6] =	sst s0;
	s0 =	simm.s32 @!p1 $0x0  }
0x14: {  	s2 =	sld [smem:$0x3F8A];
	s0 =	simm.s32 @p1 $0x1  }
0x15: {  	[smem:$0x3FA7] =	sst s0;
	s0 =	simm.s32 @!p2 $0x0  }
0x16: {  	s3 =	sld [smem:$0x3FDB];
	s0 =	simm.s32 @p2 $0x1  }
0x17: {  	s4 =	simm.s32 $0x1BF5;
	[smem:$0x3FA9] =	sst s0  }
0x18: {  	s0 =	sld [smem:$0x3F8C];
	_ =	swait.ge [sflag:s4], $0x0  }
0x19: {  	s7 =	sld [smem:$0x3F8D]  }
0x1a: {  	s8 =	sadd.s32 $0xFFFFE003, lr  }
0x1b: {  	s9 =	sadd.s32 $0xFFFFFEF7, lr;
	s5 =	simm.s32 $0xFFFFFFFF;
	p2 =	slt.u32 s8, $0xFFFFF086  }
0x1c: {  	p1 =	slt.u32 s9, $0xF7A;
	s5 =	simm.s32 @!p2 $0x0  }
0x1d: {  	s5 =	simm.s32 @p1 $0x1;
	p0 =	seq.s32 s7, s2  }
0x1e: {  	s7 =	smul.u32 @!p0 $0xF7A, s2;
	p2 =	seq.s32 @!p0 s5, $0x0  }
0x1f: {  	s9 =	smul.u32 $0xF7A, s1;
	s8 =	simm.s32 @!p0 $0x1BF5;
	p2 =	por !p2, p0  }
0x20: {  	[sflag:s8] =	ssyncset.s32 @!p0 $0xFFFFF086;
	s6 =	sadd.s32 @!p0 s3, s7;
	s7 =	simm.s32 @!p0 $0x108  }
0x21: {  	s3 =	sadd.s32 s3, s9;
	s6 =	sadd.s32 @!p0 $0x88, s6;
	s7 =	simm.s32 @p2 $0x1082  }
0x22: {  	[simem:s7], [sflag:s8] =	dma.local @!p0 [hbm:s6], $0xF7A  }
0x23: {  	s9 =	sor.u32 $0xD0000000, s2;
	s6 =	simm.s32 $0x108;
	_ =	swait.ge @!p0 [sflag:s8], $0x0  }
0x24: {  	s3 =	sadd.s32 $0x88, s3;
	s6 =	simm.s32 @!p1 $0x1082;
	[sflag:s4] =	ssyncset.s32 $0xFFFFF086  }
0x25: {  	[simem:s6], [sflag:s4] =	dma.local [hbm:s3], $0xF7A  }
0x26: {  	[smem:$0x3F8D] =	sst s1;
	(tag) =	ssettag s2;
	_ =	strace s9  }
0x27: {  	s1 =	sld [smem:$0x3F9D]  }
0x28: {  	s2 =	sld [smem:$0x3F9E]  }
0x29: {  	s4 =	sld [smem:$0x3FA0]  }
0x2a: {  	p0 =	seq.s32 s5, $0x0;
	s5 =	sld [smem:$0x3FA1]  }
0x2b: {  	s6 =	sld [smem:$0x3FA2]  }
0x2c: {  	s7 =	sld [smem:$0x3FA3]  }
0x2d: {  	s3 =	simm.s32 $0x108;
	s8 =	sld [smem:$0x3FA4]  }
0x2e: {  	s3 =	simm.s32 @!p0 $0x1082;
	s9 =	sld [smem:$0x3FA5]  }
0x2f: {  	lr =	sadd.s32 s0, s3;
	s0 =	sld [smem:$0x3F9C]  }
0x30: {  	s3 =	sld [smem:$0x3F9F]  }
0x31: {  	[smem:$0x3FA8] =	sst s10  }
0x32: {  	s10 =	sld [smem:$0x3FA6];
	_ =	sdelay $0x3  }
0x33: {  	p0 =	seq.s32 s10, $0x1;
	s10 =	sld [smem:$0x3FA8];
	_ =	sdelay $0x3  }
0x34: {  	[smem:$0x3FA8] =	sst s10  }
0x35: {  	s10 =	sld [smem:$0x3FA7];
	_ =	sdelay $0x3  }
0x36: {  	p1 =	seq.s32 s10, $0x1;
	s10 =	sld [smem:$0x3FA8];
	_ =	sdelay $0x3  }
0x37: {  	[smem:$0x3FA8] =	sst s10  }
0x38: {  	s10 =	sld [smem:$0x3FA9]  }
0x39: {  	_ = 	snop;
	(pc) =	sbr.ind lr, $3  }
0x3a: {  	_ = 	snop  }
0x3b: {  	_ = 	snop  }
0x3c: {  	p2 =	seq.s32 s10, $0x1;
	s10 =	sld [smem:$0x3FA8]  }
0x3d: {  	_ =	shalt  }
0x3e: {  	_ =	shalt  }
0x3f: {  	_ =	shalt  }
0x40: {  	_ =	shalt  }
0x41: {  	_ =	shalt  }
0x42: {  	_ =	shalt  }
0x43: {  	_ =	shalt  }
0x44: {  	_ =	shalt  }
0x45: {  	_ =	shalt  }
0x46: {  	_ =	shalt  }
0x47: {  	_ =	shalt  }
0x48: {  	_ =	shalt  }
0x49: {  	_ =	shalt  }
0x4a: {  	_ =	shalt  }
0x4b: {  	_ =	shalt  }
0x4c: {  	_ =	shalt  }
0x4d: {  	_ =	shalt  }
0x4e: {  	_ =	shalt  }
0x4f: {  	_ =	shalt  }
0x50: {  	_ =	shalt  }
0x51: {  	_ =	shalt  }
0x52: {  	_ =	shalt  }
0x53: {  	_ =	shalt  }
0x54: {  	_ =	shalt  }
0x55: {  	_ =	shalt  }
0x56: {  	_ =	shalt  }
0x57: {  	_ =	shalt  }
0x58: {  	_ =	shalt  }
0x59: {  	_ =	shalt  }
0x5a: {  	_ =	shalt  }
0x5b: {  	_ =	shalt  }
0x5c: {  	_ =	shalt  }
0x5d: {  	_ =	shalt  }
0x5e: {  	_ =	shalt  }
0x5f: {  	_ =	shalt  }
0x60: {  	_ =	shalt  }
0x61: {  	_ =	shalt  }
0x62: {  	_ =	shalt  }
0x63: {  	_ =	shalt  }
0x64: {  	_ =	shalt  }
0x65: {  	_ =	shalt  }
0x66: {  	_ =	shalt  }
0x67: {  	_ =	shalt  }
0x68: {  	_ =	shalt  }
0x69: {  	_ =	shalt  }
0x6a: {  	_ =	shalt  }
0x6b: {  	_ =	shalt  }
0x6c: {  	_ =	shalt  }
0x6d: {  	_ =	shalt  }
0x6e: {  	_ =	shalt  }
0x6f: {  	_ =	shalt  }
0x70: {  	_ =	shalt  }
0x71: {  	_ =	shalt  }
0x72: {  	_ =	shalt  }
0x73: {  	_ =	shalt  }
0x74: {  	_ =	shalt  }
0x75: {  	_ =	shalt  }
0x76: {  	_ =	shalt  }
0x77: {  	_ =	shalt  }
0x78: {  	_ =	shalt  }
0x79: {  	_ =	shalt  }
0x7a: {  	_ =	shalt  }
0x7b: {  	_ =	shalt  }
0x7c: {  	_ =	shalt  }
0x7d: {  	_ =	shalt  }
0x7e: {  	_ =	shalt  }
0x7f: {  	_ =	shalt  }
0x80: {  	_ =	shalt  }
0x81: {  	_ =	shalt  }
0x82: {  	_ =	shalt  }
0x83: {  	_ =	shalt  }
0x84: {  	_ =	shalt  }
0x85: {  	_ =	shalt  }
0x86: {  	_ =	shalt  }
0x87: {  	_ =	shalt  }
.Lfunc_end0:
.L_simem_size_0:
called_computation.2_lowered:
.L_overlay_start_0:
0x88: {  	s2 =	sld [smem:$0x3FD9]  }
0x89: {  	s3 =	sld [smem:$0x3FFE];
	_ =	sdelay $0x1  }
0x8a: {  	s1 =	srdreg.scid  }
0x8b: {  	s0 =	sand.u32 $0x1, s1  }
0x8c: {  	s16 =	sshll.u32 s0, $0xA;
	s2 =	sadd.s32 s3, s2  }
0x8d: {  	s2 =	sadd.s32 s2, s16  }
0x8e: {  	[smem:$0x3FB4] =	sst s2  }
0x8f: {  	_ = 	snop  }
0x90: {  	(tm) =	ssettm $0x1  }
0x91: {  	s17 =	sld [smem:$0x3FFB];
	_ =	sdelay $0x3  }
0x92: {  	_ =	strace s17  }
0x93: {  	s2 =	sld [smem:$0x3FFC];
	_ =	sdelay $0x3  }
0x94: {  	_ =	strace s2  }
0x95: {  	s2 =	sld [smem:$0x3FFD];
	_ =	sdelay $0x3  }
0x96: {  	_ =	strace s2  }
0x97: {  	_ =	strace $0x8FFFFFFF  }
0x98: {  	s18 =	sld [smem:$0x3FDB];
	_ =	sdelay $0x1  }
0x99: {  	s19 =	simm.s32 $_scs_section_size  }
0x9a: {  	s4 =	simm.s32 $_size__tile_overlayer_lowered;
	s5 =	simm.s32 $_tile_overlayer_lowered  }
0x9b: {  	s22 =	simm.s32 $0x1BFF;
	s21 =	sshll.u32 s5, $0x1;
	s2 =	sadd.s32 s19, s18  }
0x9c: {  	s6 =	simm.s32 $0x0;
	s20 =	sshll.u32 s4, $0x1;
	s4 =	sadd.s32 s21, s2  }
0x9d: {  	[timem:s6], [sflag:s22] =	dma.local [hbm:s4], s20  }
0x9e: {  	_ =	swait.ge [sflag:s22], s20  }
0x9f: {  	s3 =	ssub.s32 $0x0, s20;
	[sflag:s22] =	ssyncset.done $0x0  }
0xa0: {  	[sflag:s22] =	ssyncadd.s32 s3;
	_ =	sdelay $0x1  }
0xa1: {  	s23 =	simm.s32 $0x1B8B  }
0xa2: {  	_ =	swait.ge [sflag:s23], $0x1  }
0xa3: {  	[sflag:s23] =	ssyncset.done $0x0  }
0xa4: {  	s25 =	simm.s32 $0x1B8E;
	s24 =	sld [smem:$0x3FFE];
	[sflag:s23] =	ssyncadd.s32 $0xFFFFFFFF  }
0xa5: {  	s26 =	simm.s32 $execute0_lowered;
	[smem:$0x3FD2] =	sst s25  }
0xa6: {  	s4 =	sshll.u32 s26, $0x1;
	_ =	strace $0x8000004C;
	[dreg:$0x1] =	wrdreg $0xFFFFFFFF  }
0xa7: {  	s28 =	simm.s32 $_size_execute0_lowered;
	s2 =	sadd.s32 s2, s4;
	[dreg:$0x0] =	wrdreg $0x0  }
0xa8: {  	s4 =	sshll.u32 s28, $0x1;
	[dreg:$0x2] =	wrdreg s2  }
0xa9: {  	[dreg:$0x3] =	wrdreg s4  }
0xaa: {  	[dreg:$0x4] =	wrdreg $0xC0  }
0xab: {  	_ =	task [dreg:s6], $0x5FFFF  }
0xac: {  	[dreg:$0x1] =	wrdreg $0xFFFFFFFF  }
0xad: {  	[dreg:$0x0] =	wrdreg $0x60  }
0xae: {  	[dreg:$0x2] =	wrdreg s24  }
0xaf: {  	[dreg:$0x3] =	wrdreg $0x9  }
0xb0: {  	_ =	task.clear_ibuf [dreg:s6], $0x4FFFF;
	_ =	strace $0x9000004C  }
0xb1: {  	s29 =	simm.s32 $0x9;
	_ =	strace $0x8000004E  }
0xb2: {  	_ =	swait.ge [sflag:s29], $0x1  }
0xb3: {  	[sflag:s29] =	ssyncadd.s32 $0xFFFFFFFF  }
0xb4: {  	_ =	strace $0x9000004E  }
0xb5: {  	_ =	sfence  }
0xb6: {  	s30 =	sld [smem:$0x0];
	_ =	sdelay $0x2  }
0xb7: {  	s31 =	sshll.u32 s1, $0xD;
	s1 =	sshrl.u32 s1, $0x2  }
0xb8: {  	s3 =	sand.u32 $0x4000, s31;
	s1 =	sadd.s32 s1, s30  }
0xb9: {  	s0 =	sor.u32 s3, s0;
	s1 =	sshll.u32 s1, $0x11  }
0xba: {  	s0 =	sor.u32 s1, s0  }
0xbb: {  	s0 =	sadd.s32 $0x8F2B, s0  }
0xbc: {  	[sflag:s0] =	ssyncadd.remote.s32 $0x1  }
0xbd: {  	_ =	sfence.sel $0xFFFF  }
0xbe: {  	[dreg:$0x0] =	wrdreg $0xFFFFFFFF;
	(pc) =	sbr.abs _section_cstart, $3  }
0xbf: {  	[dreg:$0x1] =	wrdreg $0xFFFFFFFF  }
0xc0: {  	_ =	task.clear_ibuf [dreg:s6], $0x2FFFF;
	_ =	strace $0x9FFFFFFF  }
0xc1: {  	(tm) =	ssettm $0x7FFFFFFF  }
tec
execute0_lowered:
.L_overlay_start_1:
0x0: {  	(tag) =	ssettag $0x1  }
0x1: {  	s0 =	rddreg [dreg:$0x0]  }
0x2: {  	s1 =	srdreg.scid;
	s3 =	stileid.u32  }
0x3: {  	s2 =	simm.s32 $0x0;
	s31 =	simm.s32 $0x80;
	s28 =	simm.s32 $0x2  }
0x4: {  	s30 =	simm.s32 $0x100;
	s14 =	simm.s32 $0x2100;
	s15 =	simm.s32 $0x2900  }
0x5: {  	s16 =	simm.s32 $0x3100;
	s17 =	simm.s32 $0x3900;
	s18 =	simm.s32 $0x4100  }
0x6: {  	s19 =	simm.s32 $0x4900;
	s20 =	simm.s32 $0x5100;
	s1 =	sand.u32 $0x1, s1  }
0x7: {  	s3 =	sshll.u32 s3, $0x7;
	[smem:$0x7FF] =	sst s2;
	s10 =	sadd.s32 $0x1A7400, s0  }
0x8: {  	s11 =	sadd.s32 $0x227400, s0;
	s4 =	sshll.u32 s1, $0x6;
	_ =	strace $0x8000004D  }
0x9: {  	s1 =	ssub.s32 $0x2, s1;
	[dreg:$0xc] =	wrdreg s31;
	s5 =	sor.u32 s4, s3  }
0xa: {  	s3 =	sadd.s32 $0x67400, s0;
	s6 =	sshrl.u32 s1, $0x1;
	s4 =	sshrl.u32 s5, $0x3  }
0xb: {  	s1 =	ssub.s32 s1, s6;
	s9 =	sshll.u32 s5, $0x8;
	s5 =	sadd.s32 $0x67600, s0  }
0xc: {  	s6 =	sadd.s32 $0x67700, s0;
	s4 =	sadd.s32 s4, s0;
	s21 =	sadd.s32 s10, s9  }
0xd: {  	s8 =	sadd.s32 s11, s9;
	s12 =	sor.u32 $0x1000, s9;
	s13 =	sor.u32 $0x2000, s9  }
0xe: {  	s25 =	sor.u32 $0x3000, s9;
	s9 =	sadd.s32 $0x67A00, s0;
	[dreg:$0x4] =	wrdreg s21  }
0xf: {  	s7 =	sadd.s32 $0x27000, s4;
	s4 =	sadd.s32 $0x27200, s4;
	[dreg:$0x5] =	wrdreg s8  }
0x10: {  	s22 =	sadd.s32 s10, s12;
	s12 =	sadd.s32 s11, s12;
	[dreg:$0x2] =	wrdreg s7  }
0x11: {  	s8 =	sadd.s32 $0x67900, s0;
	s23 =	sadd.s32 s10, s13;
	[dreg:$0x3] =	wrdreg s4  }
0x12: {  	s24 =	sadd.s32 s11, s13;
	s26 =	sadd.s32 s10, s25;
	[dreg:$0x6] =	wrdreg s22  }
0x13: {  	s10 =	sadd.s32 $0x67B00, s0;
	s29 =	sadd.s32 s11, s25;
	[dreg:$0x7] =	wrdreg s12  }
0x14: {  	s11 =	smax.u32 s1, $0x1;
	s21 =	simm.s32 $0x5900;
	[dreg:$0x8] =	wrdreg s23  }
0x15: {  	s25 =	simm.s32 $0x7900;
	s13 =	simm.s32 $0x8900;
	[dreg:$0x9] =	wrdreg s24  }
0x16: {  	v2 =	vlaneseq.u32;
	s4 =	sadd.s32 $0x67500, s0;
	s7 =	sadd.s32 $0x67800, s0;
	[dreg:$0xa] =	wrdreg s26  }
0x17: {  	vm0 =	vmmov $0xffff;
	v1 =	vshrl.u32 v2, $0x3;
	[dreg:$0xb] =	wrdreg s29;
	s12 =	simm.s32 $0x3;
	s26 =	simm.s32 $0x1  }
0x18: {  	v0 =	vand.u32 $0x7, v2;
	v2 =	vor.u32 $0x8, v2;
	v1 =	vmul.u32 $0x8, v1;
	s22 =	simm.s32 $0x6100;
	s23 =	simm.s32 $0x6900;
	s24 =	simm.s32 $0x7100  }
.LBB2_1:
0x19: {  	s29 =	rddreg [dreg:$0x2]  }
0x1a: {  	[tilespmem:s2], [sflag:$0x3] =	stream.linear.gather [hbm4b:s29+s2], $0x40, $0x38;
	[tilespmem:$0x10100] =	vst v63  }
0x1b: {  	_ =	swait.ge [sflag:s12], $0x40  }
0x1c: {  	s1 =	rddreg [dreg:$0x3];
	[sflag:s12] =	ssyncset.done $0x0  }
0x1d: {  	s31 =	rddreg [dreg:$0xc];
	[sflag:s12] =	ssyncadd.s32 $0xFFFFFFC0  }
0x1e: {  	[tilespmem:s31], [sflag:$0x3] =	stream.linear.gather [hbm4b:s1+s2], $0x40, $0x38;
	[tilespmem:$0x10100] =	vst v63  }
0x1f: {  	_ =	swait.ge [sflag:s12], $0x40  }
0x20: {  	[sflag:s12] =	ssyncset.done $0x0  }
0x21: {  	[sflag:s12] =	ssyncadd.s32 $0xFFFFFFC0  }
0x22: {  	v3 =	vld [tilespmem:$0x0];
	_ =	sdelay $0x3  }
0x23: {  	v4 =	vld [tilespmem:$0x80]  }
0x24: {  	v5 =	vld [tilespmem:$0x10];
	v3 =	vadd.s32 $0xFFFFFFFF, v3  }
0x25: {  	v6 =	vld [tilespmem:$0x90];
	vm1 =	vgt.s32 v3, $0x0  }
0x26: {  	v7 =	vld [tilespmem:$0x20];
	v3 =	vnsel vm1, $0x0, v3  }
0x27: {  	v8 =	vld [tilespmem:$0xA0];
	v3 =	vmin.u32 v3, $0x13FF  }
0x28: {  	v10 =	vld [tilespmem:$0x30];
	[tilespmem:$0x0] =	vst v3  }
0x29: {  	v3 =	vld [tilespmem:$0x0]  }
0x2a: {  	v4 =	vadd.s32 $0xFFFFFFFF, v4  }
0x2b: {  	v5 =	vadd.s32 $0xFFFFFFFF, v5;
	v6 =	vadd.s32 $0xFFFFFFFF, v6;
	v7 =	vadd.s32 $0xFFFFFFFF, v7  }
0x2c: {  	v8 =	vadd.s32 $0xFFFFFFFF, v8;
	vm2 =	vgt.s32 v5, $0x0;
	vm1 =	vgt.s32 v4, $0x0  }
0x2d: {  	v47 =	vld [tilespmem:$0xB0];
	v53 =	vadd.s32 $0xFFFFFFFF, v10;
	v5 =	vnsel vm2, $0x0, v5;
	v4 =	vnsel vm1, $0x0, v4  }
0x2e: {  	vm1 =	vgt.s32 v6, $0x0;
	v48 =	vmin.u32 v5, $0x13FF;
	v9 =	vshll.u32 v3, $0x4  }
0x2f: {  	v6 =	vnsel vm1, $0x0, v6;
	v3 =	vand.u32 $0x7, v3;
	v9 =	vand.u32 $0xFFFFFF80, v9  }
0x30: {  	vm1 =	vgt.s32 v7, $0x0;
	v4 =	vmin.u32 v4, $0x13FF;
	v3 =	vor.u32 v3, v9  }
0x31: {  	[tilespmem:$0x10] =	vst v48;
	v7 =	vnsel vm1, $0x0, v7;
	vm1 =	vgt.s32 v8, $0x0;
	v50 =	vperm.xlane v3, v0  }
0x32: {  	v54 =	vadd.s32 $0xFFFFFFFF, v47;
	[tilespmem:$0x80] =	vst v4;
	v51 =	vmin.u32 v6, $0x13FF;
	v49 =	vnsel vm1, $0x0, v8  }
0x33: {  	v52 =	vmin.u32 v7, $0x13FF;
	[tilespmem:$0x90] =	vst v51;
	vm1 =	vgt.s32 v53, $0x0;
	v8 =	vadd.s32 v1, v50  }
0x34: {  	[tilespmem:$0x20] =	vst v52;
	v5 =	vmin.u32 v49, $0x13FF;
	v55 =	vnsel vm1, $0x0, v53;
	vm1 =	vgt.s32 v54, $0x0  }
0x35: {  	[tilespmem:$0xA0] =	vst v5;
	v4 =	vnsel vm1, $0x0, v54;
	v56 =	vmin.u32 v55, $0x13FF  }
0x36: {  	[tilespmem:$0x30] =	vst v56;
	v4 =	vmin.u32 v4, $0x13FF  }
0x37: {  	[tilespmem:$0xB0] =	vst v4  }
0x38: {  	[tilespmem:s30], [sflag:$0x1] =	stream.indirect_vreg.gather [hbm4b:s3+s2], $0x80, v8, vm0, $0xb8;
	[tilespmem:$0x10100] =	vst v63  }
0x39: {  	s31 =	simm.s32 $0x900  }
0x3a: {  	[tilespmem:s31], [sflag:$0x1] =	stream.indirect_vreg.gather [hbm4b:s4+s2], $0x80, v8, vm0, $0xb8;
	[tilespmem:$0x10100] =	vst v63  }
0x3b: {  	s0 =	simm.s32 $0x1100  }
0x3c: {  	[tilespmem:s0], [sflag:$0x1] =	stream.indirect_vreg.gather [hbm4b:s5+s2], $0x80, v8, vm0, $0xb8;
	[tilespmem:$0x10100] =	vst v63  }
0x3d: {  	s1 =	simm.s32 $0x1900  }
0x3e: {  	[tilespmem:s1], [sflag:$0x1] =	stream.indirect_vreg.gather [hbm4b:s6+s2], $0x80, v8, vm0, $0xb8;
	[tilespmem:$0x10100] =	vst v63  }
0x3f: {  	_ = 	snop  }
0x40: {  	[tilespmem:s14], [sflag:$0x1] =	stream.indirect_vreg.gather [hbm4b:s7+s2], $0x80, v8, vm0, $0xb8;
	[tilespmem:$0x10100] =	vst v63  }
0x41: {  	v3 =	vperm.xlane v3, v2  }
0x42: {  	[tilespmem:s15], [sflag:$0x1] =	stream.indirect_vreg.gather [hbm4b:s8+s2], $0x80, v8, vm0, $0xb8;
	[tilespmem:$0x10100] =	vst v63  }
0x43: {  	v3 =	vadd.s32 v1, v3  }
0x44: {  	[tilespmem:s16], [sflag:$0x1] =	stream.indirect_vreg.gather [hbm4b:s9+s2], $0x80, v8, vm0, $0xb8;
	[tilespmem:$0x10100] =	vst v63  }
0x45: {  	_ = 	snop  }
0x46: {  	[tilespmem:s17], [sflag:$0x1] =	stream.indirect_vreg.gather [hbm4b:s10+s2], $0x80, v8, vm0, $0xb8;
	[tilespmem:$0x10100] =	vst v63  }
0x47: {  	_ = 	snop  }
0x48: {  	[tilespmem:s18], [sflag:$0x1] =	stream.indirect_vreg.gather [hbm4b:s3+s2], $0x80, v3, vm0, $0xb8;
	[tilespmem:$0x10100] =	vst v63  }
0x49: {  	_ = 	snop  }
0x4a: {  	[tilespmem:s19], [sflag:$0x1] =	stream.indirect_vreg.gather [hbm4b:s4+s2], $0x80, v3, vm0, $0xb8;
	[tilespmem:$0x10100] =	vst v63  }
0x4b: {  	_ = 	snop  }
0x4c: {  	[tilespmem:s20], [sflag:$0x1] =	stream.indirect_vreg.gather [hbm4b:s5+s2], $0x80, v3, vm0, $0xb8;
	[tilespmem:$0x10100] =	vst v63  }
0x4d: {  	_ = 	snop  }
0x4e: {  	[tilespmem:s21], [sflag:$0x1] =	stream.indirect_vreg.gather [hbm4b:s6+s2], $0x80, v3, vm0, $0xb8;
	[tilespmem:$0x10100] =	vst v63  }
0x4f: {  	_ = 	snop  }
0x50: {  	[tilespmem:s22], [sflag:$0x1] =	stream.indirect_vreg.gather [hbm4b:s7+s2], $0x80, v3, vm0, $0xb8;
	[tilespmem:$0x10100] =	vst v63  }
0x51: {  	_ = 	snop  }
0x52: {  	[tilespmem:s23], [sflag:$0x1] =	stream.indirect_vreg.gather [hbm4b:s8+s2], $0x80, v3, vm0, $0xb8;
	[tilespmem:$0x10100] =	vst v63  }
0x53: {  	_ = 	snop  }
0x54: {  	[tilespmem:s24], [sflag:$0x1] =	stream.indirect_vreg.gather [hbm4b:s9+s2], $0x80, v3, vm0, $0xb8;
	[tilespmem:$0x10100] =	vst v63  }
0x55: {  	_ = 	snop  }
0x56: {  	[tilespmem:s25], [sflag:$0x1] =	stream.indirect_vreg.gather [hbm4b:s10+s2], $0x80, v3, vm0, $0xb8;
	[tilespmem:$0x10100] =	vst v63  }
0x57: {  	v3 =	vld [tilespmem:$0x80];
	_ =	sdelay $0x4  }
0x58: {  	v57 =	vshll.u32 v3, $0x4  }
0x59: {  	v3 =	vand.u32 $0x7, v3;
	v4 =	vand.u32 $0xFFFFFF80, v57  }
0x5a: {  	v3 =	vor.u32 v3, v4  }
0x5b: {  	v4 =	vperm.xlane v3, v0;
	_ =	sdelay $0x1  }
0x5c: {  	v4 =	vadd.s32 v1, v4;
	_ =	sdelay $0x3  }
0x5d: {  	s0 =	simm.s32 $0x8100  }
0x5e: {  	[tilespmem:s0], [sflag:$0x2] =	stream.indirect_vreg.gather [hbm4b:s3+s2], $0x80, v4, vm0, $0xb8;
	[tilespmem:$0x10100] =	vst v63  }
0x5f: {  	_ = 	snop  }
0x60: {  	[tilespmem:s13], [sflag:$0x2] =	stream.indirect_vreg.gather [hbm4b:s4+s2], $0x80, v4, vm0, $0xb8;
	[tilespmem:$0x10100] =	vst v63  }
0x61: {  	s29 =	simm.s32 $0x9100  }
0x62: {  	[tilespmem:s29], [sflag:$0x2] =	stream.indirect_vreg.gather [hbm4b:s5+s2], $0x80, v4, vm0, $0xb8;
	[tilespmem:$0x10100] =	vst v63  }
0x63: {  	s29 =	simm.s32 $0x9900  }
0x64: {  	[tilespmem:s29], [sflag:$0x2] =	stream.indirect_vreg.gather [hbm4b:s6+s2], $0x80, v4, vm0, $0xb8;
	[tilespmem:$0x10100] =	vst v63  }
0x65: {  	s29 =	simm.s32 $0xA100  }
0x66: {  	[tilespmem:s29], [sflag:$0x2] =	stream.indirect_vreg.gather [hbm4b:s7+s2], $0x80, v4, vm0, $0xb8;
	[tilespmem:$0x10100] =	vst v63  }
0x67: {  	v3 =	vperm.xlane v3, v2;
	s29 =	simm.s32 $0xA900  }
0x68: {  	[tilespmem:s29], [sflag:$0x2] =	stream.indirect_vreg.gather [hbm4b:s8+s2], $0x80, v4, vm0, $0xb8;
	[tilespmem:$0x10100] =	vst v63  }
0x69: {  	v3 =	vadd.s32 v1, v3;
	s29 =	simm.s32 $0xB100  }
0x6a: {  	[tilespmem:s29], [sflag:$0x2] =	stream.indirect_vreg.gather [hbm4b:s9+s2], $0x80, v4, vm0, $0xb8;
	[tilespmem:$0x10100] =	vst v63  }
0x6b: {  	s29 =	simm.s32 $0xB900  }
0x6c: {  	[tilespmem:s29], [sflag:$0x2] =	stream.indirect_vreg.gather [hbm4b:s10+s2], $0x80, v4, vm0, $0xb8;
	[tilespmem:$0x10100] =	vst v63  }
0x6d: {  	s29 =	simm.s32 $0xC100  }
0x6e: {  	[tilespmem:s29], [sflag:$0x2] =	stream.indirect_vreg.gather [hbm4b:s3+s2], $0x80, v3, vm0, $0xb8;
	[tilespmem:$0x10100] =	vst v63  }
0x6f: {  	s29 =	simm.s32 $0xC900  }
0x70: {  	[tilespmem:s29], [sflag:$0x2] =	stream.indirect_vreg.gather [hbm4b:s4+s2], $0x80, v3, vm0, $0xb8;
	[tilespmem:$0x10100] =	vst v63  }
0x71: {  	s29 =	simm.s32 $0xD100  }
0x72: {  	[tilespmem:s29], [sflag:$0x2] =	stream.indirect_vreg.gather [hbm4b:s5+s2], $0x80, v3, vm0, $0xb8;
	[tilespmem:$0x10100] =	vst v63  }
0x73: {  	s29 =	simm.s32 $0xD900  }
0x74: {  	[tilespmem:s29], [sflag:$0x2] =	stream.indirect_vreg.gather [hbm4b:s6+s2], $0x80, v3, vm0, $0xb8;
	[tilespmem:$0x10100] =	vst v63  }
0x75: {  	s29 =	simm.s32 $0xE100  }
0x76: {  	[tilespmem:s29], [sflag:$0x2] =	stream.indirect_vreg.gather [hbm4b:s7+s2], $0x80, v3, vm0, $0xb8;
	[tilespmem:$0x10100] =	vst v63  }
0x77: {  	s29 =	simm.s32 $0xE900  }
0x78: {  	[tilespmem:s29], [sflag:$0x2] =	stream.indirect_vreg.gather [hbm4b:s8+s2], $0x80, v3, vm0, $0xb8;
	[tilespmem:$0x10100] =	vst v63  }
0x79: {  	s29 =	simm.s32 $0xF100  }
0x7a: {  	[tilespmem:s29], [sflag:$0x2] =	stream.indirect_vreg.gather [hbm4b:s9+s2], $0x80, v3, vm0, $0xb8;
	[tilespmem:$0x10100] =	vst v63  }
0x7b: {  	s29 =	simm.s32 $0xF900  }
0x7c: {  	[tilespmem:s29], [sflag:$0x2] =	stream.indirect_vreg.gather [hbm4b:s10+s2], $0x80, v3, vm0, $0xb8;
	[tilespmem:$0x10100] =	vst v63  }
0x7d: {  	_ =	swait.ge [sflag:s26], $0x8000  }
0x7e: {  	[sflag:s26] =	ssyncset.done $0x0  }
0x7f: {  	[sflag:s26] =	ssyncadd.s32 $0xFFFF8000  }
0x80: {  	_ =	swait.ge [sflag:s28], $0x8000  }
0x81: {  	[sflag:s28] =	ssyncset.done $0x0  }
0x82: {  	s29 =	rddreg [dreg:$0x4];
	[sflag:s28] =	ssyncadd.s32 $0xFFFF8000  }
0x83: {  	[hbm4b:s29+s2] =	stream.linear.scatter [tilespmem:s30], [sflag:$0x3], $0x8000, $0x38;
	[tilespmem:$0x10100] =	vst v63  }
0x84: {  	_ =	swait.ge [sflag:s12], $0x8000  }
0x85: {  	[sflag:s12] =	ssyncset.done $0x0  }
0x86: {  	s29 =	rddreg [dreg:$0x5];
	[sflag:s12] =	ssyncadd.s32 $0xFFFF8000  }
0x87: {  	[hbm4b:s29+s2] =	stream.linear.scatter [tilespmem:s0], [sflag:$0x3], $0x8000, $0x38;
	[tilespmem:$0x10100] =	vst v63  }
0x88: {  	_ =	swait.ge [sflag:s12], $0x8000  }
0x89: {  	[sflag:s12] =	ssyncset.done $0x0  }
0x8a: {  	[sflag:s12] =	ssyncadd.s32 $0xFFFF8000  }
0x8b: {  	v3 =	vld [tilespmem:$0x10];
	_ =	sdelay $0x4  }
0x8c: {  	v58 =	vshll.u32 v3, $0x4  }
0x8d: {  	v3 =	vand.u32 $0x7, v3;
	v4 =	vand.u32 $0xFFFFFF80, v58  }
0x8e: {  	v3 =	vor.u32 v3, v4  }
0x8f: {  	v4 =	vperm.xlane v3, v0;
	_ =	sdelay $0x1  }
0x90: {  	v4 =	vadd.s32 v1, v4;
	_ =	sdelay $0x4  }
0x91: {  	[tilespmem:s30], [sflag:$0x1] =	stream.indirect_vreg.gather [hbm4b:s3+s2], $0x80, v4, vm0, $0xb8;
	[tilespmem:$0x10100] =	vst v63  }
0x92: {  	_ = 	snop  }
0x93: {  	[tilespmem:s31], [sflag:$0x1] =	stream.indirect_vreg.gather [hbm4b:s4+s2], $0x80, v4, vm0, $0xb8;
	[tilespmem:$0x10100] =	vst v63  }
0x94: {  	s29 =	simm.s32 $0x1100  }
0x95: {  	[tilespmem:s29], [sflag:$0x1] =	stream.indirect_vreg.gather [hbm4b:s5+s2], $0x80, v4, vm0, $0xb8;
	[tilespmem:$0x10100] =	vst v63  }
0x96: {  	_ = 	snop  }
0x97: {  	[tilespmem:s1], [sflag:$0x1] =	stream.indirect_vreg.gather [hbm4b:s6+s2], $0x80, v4, vm0, $0xb8;
	[tilespmem:$0x10100] =	vst v63  }
0x98: {  	_ = 	snop  }
0x99: {  	[tilespmem:s14], [sflag:$0x1] =	stream.indirect_vreg.gather [hbm4b:s7+s2], $0x80, v4, vm0, $0xb8;
	[tilespmem:$0x10100] =	vst v63  }
0x9a: {  	v3 =	vperm.xlane v3, v2  }
0x9b: {  	[tilespmem:s15], [sflag:$0x1] =	stream.indirect_vreg.gather [hbm4b:s8+s2], $0x80, v4, vm0, $0xb8;
	[tilespmem:$0x10100] =	vst v63  }
0x9c: {  	v3 =	vadd.s32 v1, v3  }
0x9d: {  	[tilespmem:s16], [sflag:$0x1] =	stream.indirect_vreg.gather [hbm4b:s9+s2], $0x80, v4, vm0, $0xb8;
	[tilespmem:$0x10100] =	vst v63  }
0x9e: {  	_ = 	snop  }
0x9f: {  	[tilespmem:s17], [sflag:$0x1] =	stream.indirect_vreg.gather [hbm4b:s10+s2], $0x80, v4, vm0, $0xb8;
	[tilespmem:$0x10100] =	vst v63  }
0xa0: {  	_ = 	snop  }
0xa1: {  	[tilespmem:s18], [sflag:$0x1] =	stream.indirect_vreg.gather [hbm4b:s3+s2], $0x80, v3, vm0, $0xb8;
	[tilespmem:$0x10100] =	vst v63  }
0xa2: {  	_ = 	snop  }
0xa3: {  	[tilespmem:s19], [sflag:$0x1] =	stream.indirect_vreg.gather [hbm4b:s4+s2], $0x80, v3, vm0, $0xb8;
	[tilespmem:$0x10100] =	vst v63  }
0xa4: {  	_ = 	snop  }
0xa5: {  	[tilespmem:s20], [sflag:$0x1] =	stream.indirect_vreg.gather [hbm4b:s5+s2], $0x80, v3, vm0, $0xb8;
	[tilespmem:$0x10100] =	vst v63  }
0xa6: {  	_ = 	snop  }
0xa7: {  	[tilespmem:s21], [sflag:$0x1] =	stream.indirect_vreg.gather [hbm4b:s6+s2], $0x80, v3, vm0, $0xb8;
	[tilespmem:$0x10100] =	vst v63  }
0xa8: {  	_ = 	snop  }
0xa9: {  	[tilespmem:s22], [sflag:$0x1] =	stream.indirect_vreg.gather [hbm4b:s7+s2], $0x80, v3, vm0, $0xb8;
	[tilespmem:$0x10100] =	vst v63  }
0xaa: {  	_ = 	snop  }
0xab: {  	[tilespmem:s23], [sflag:$0x1] =	stream.indirect_vreg.gather [hbm4b:s8+s2], $0x80, v3, vm0, $0xb8;
	[tilespmem:$0x10100] =	vst v63  }
0xac: {  	_ = 	snop  }
0xad: {  	[tilespmem:s24], [sflag:$0x1] =	stream.indirect_vreg.gather [hbm4b:s9+s2], $0x80, v3, vm0, $0xb8;
	[tilespmem:$0x10100] =	vst v63  }
0xae: {  	_ = 	snop  }
0xaf: {  	[tilespmem:s25], [sflag:$0x1] =	stream.indirect_vreg.gather [hbm4b:s10+s2], $0x80, v3, vm0, $0xb8;
	[tilespmem:$0x10100] =	vst v63  }
0xb0: {  	v3 =	vld [tilespmem:$0x90];
	_ =	sdelay $0x4  }
0xb1: {  	v59 =	vshll.u32 v3, $0x4  }
0xb2: {  	v3 =	vand.u32 $0x7, v3;
	v4 =	vand.u32 $0xFFFFFF80, v59  }
0xb3: {  	v3 =	vor.u32 v3, v4  }
0xb4: {  	v4 =	vperm.xlane v3, v0;
	_ =	sdelay $0x1  }
0xb5: {  	v4 =	vadd.s32 v1, v4;
	_ =	sdelay $0x4  }
0xb6: {  	[tilespmem:s0], [sflag:$0x2] =	stream.indirect_vreg.gather [hbm4b:s3+s2], $0x80, v4, vm0, $0xb8;
	[tilespmem:$0x10100] =	vst v63  }
0xb7: {  	_ = 	snop  }
0xb8: {  	[tilespmem:s13], [sflag:$0x2] =	stream.indirect_vreg.gather [hbm4b:s4+s2], $0x80, v4, vm0, $0xb8;
	[tilespmem:$0x10100] =	vst v63  }
0xb9: {  	s29 =	simm.s32 $0x9100  }
0xba: {  	[tilespmem:s29], [sflag:$0x2] =	stream.indirect_vreg.gather [hbm4b:s5+s2], $0x80, v4, vm0, $0xb8;
	[tilespmem:$0x10100] =	vst v63  }
0xbb: {  	s29 =	simm.s32 $0x9900  }
0xbc: {  	[tilespmem:s29], [sflag:$0x2] =	stream.indirect_vreg.gather [hbm4b:s6+s2], $0x80, v4, vm0, $0xb8;
	[tilespmem:$0x10100] =	vst v63  }
0xbd: {  	s29 =	simm.s32 $0xA100  }
0xbe: {  	[tilespmem:s29], [sflag:$0x2] =	stream.indirect_vreg.gather [hbm4b:s7+s2], $0x80, v4, vm0, $0xb8;
	[tilespmem:$0x10100] =	vst v63  }
0xbf: {  	v3 =	vperm.xlane v3, v2;
	s29 =	simm.s32 $0xA900  }
0xc0: {  	[tilespmem:s29], [sflag:$0x2] =	stream.indirect_vreg.gather [hbm4b:s8+s2], $0x80, v4, vm0, $0xb8;
	[tilespmem:$0x10100] =	vst v63  }
0xc1: {  	v3 =	vadd.s32 v1, v3;
	s29 =	simm.s32 $0xB100  }
0xc2: {  	[tilespmem:s29], [sflag:$0x2] =	stream.indirect_vreg.gather [hbm4b:s9+s2], $0x80, v4, vm0, $0xb8;
	[tilespmem:$0x10100] =	vst v63  }
0xc3: {  	s29 =	simm.s32 $0xB900  }
0xc4: {  	[tilespmem:s29], [sflag:$0x2] =	stream.indirect_vreg.gather [hbm4b:s10+s2], $0x80, v4, vm0, $0xb8;
	[tilespmem:$0x10100] =	vst v63  }
0xc5: {  	s29 =	simm.s32 $0xC100  }
0xc6: {  	[tilespmem:s29], [sflag:$0x2] =	stream.indirect_vreg.gather [hbm4b:s3+s2], $0x80, v3, vm0, $0xb8;
	[tilespmem:$0x10100] =	vst v63  }
0xc7: {  	s29 =	simm.s32 $0xC900  }
0xc8: {  	[tilespmem:s29], [sflag:$0x2] =	stream.indirect_vreg.gather [hbm4b:s4+s2], $0x80, v3, vm0, $0xb8;
	[tilespmem:$0x10100] =	vst v63  }
0xc9: {  	s29 =	simm.s32 $0xD100  }
0xca: {  	[tilespmem:s29], [sflag:$0x2] =	stream.indirect_vreg.gather [hbm4b:s5+s2], $0x80, v3, vm0, $0xb8;
	[tilespmem:$0x10100] =	vst v63  }
0xcb: {  	s29 =	simm.s32 $0xD900  }
0xcc: {  	[tilespmem:s29], [sflag:$0x2] =	stream.indirect_vreg.gather [hbm4b:s6+s2], $0x80, v3, vm0, $0xb8;
	[tilespmem:$0x10100] =	vst v63  }
0xcd: {  	s29 =	simm.s32 $0xE100  }
0xce: {  	[tilespmem:s29], [sflag:$0x2] =	stream.indirect_vreg.gather [hbm4b:s7+s2], $0x80, v3, vm0, $0xb8;
	[tilespmem:$0x10100] =	vst v63  }
0xcf: {  	s29 =	simm.s32 $0xE900  }
0xd0: {  	[tilespmem:s29], [sflag:$0x2] =	stream.indirect_vreg.gather [hbm4b:s8+s2], $0x80, v3, vm0, $0xb8;
	[tilespmem:$0x10100] =	vst v63  }
0xd1: {  	s29 =	simm.s32 $0xF100  }
0xd2: {  	[tilespmem:s29], [sflag:$0x2] =	stream.indirect_vreg.gather [hbm4b:s9+s2], $0x80, v3, vm0, $0xb8;
	[tilespmem:$0x10100] =	vst v63  }
0xd3: {  	s29 =	simm.s32 $0xF900  }
0xd4: {  	[tilespmem:s29], [sflag:$0x2] =	stream.indirect_vreg.gather [hbm4b:s10+s2], $0x80, v3, vm0, $0xb8;
	[tilespmem:$0x10100] =	vst v63  }
0xd5: {  	_ =	swait.ge [sflag:s26], $0x8000  }
0xd6: {  	[sflag:s26] =	ssyncset.done $0x0  }
0xd7: {  	[sflag:s26] =	ssyncadd.s32 $0xFFFF8000  }
0xd8: {  	_ =	swait.ge [sflag:s28], $0x8000  }
0xd9: {  	[sflag:s28] =	ssyncset.done $0x0  }
0xda: {  	s29 =	rddreg [dreg:$0x6];
	[sflag:s28] =	ssyncadd.s32 $0xFFFF8000  }
0xdb: {  	[hbm4b:s29+s2] =	stream.linear.scatter [tilespmem:s30], [sflag:$0x3], $0x8000, $0x38;
	[tilespmem:$0x10100] =	vst v63  }
0xdc: {  	_ =	swait.ge [sflag:s12], $0x8000  }
0xdd: {  	[sflag:s12] =	ssyncset.done $0x0  }
0xde: {  	s29 =	rddreg [dreg:$0x7];
	[sflag:s12] =	ssyncadd.s32 $0xFFFF8000  }
0xdf: {  	[hbm4b:s29+s2] =	stream.linear.scatter [tilespmem:s0], [sflag:$0x3], $0x8000, $0x38;
	[tilespmem:$0x10100] =	vst v63  }
0xe0: {  	_ =	swait.ge [sflag:s12], $0x8000  }
0xe1: {  	[sflag:s12] =	ssyncset.done $0x0  }
0xe2: {  	[sflag:s12] =	ssyncadd.s32 $0xFFFF8000  }
0xe3: {  	v3 =	vld [tilespmem:$0x20];
	_ =	sdelay $0x4  }
0xe4: {  	v60 =	vshll.u32 v3, $0x4  }
0xe5: {  	v3 =	vand.u32 $0x7, v3;
	v4 =	vand.u32 $0xFFFFFF80, v60  }
0xe6: {  	v3 =	vor.u32 v3, v4  }
0xe7: {  	v4 =	vperm.xlane v3, v0;
	_ =	sdelay $0x1  }
0xe8: {  	v4 =	vadd.s32 v1, v4;
	_ =	sdelay $0x4  }
0xe9: {  	[tilespmem:s30], [sflag:$0x1] =	stream.indirect_vreg.gather [hbm4b:s3+s2], $0x80, v4, vm0, $0xb8;
	[tilespmem:$0x10100] =	vst v63  }
0xea: {  	_ = 	snop  }
0xeb: {  	[tilespmem:s31], [sflag:$0x1] =	stream.indirect_vreg.gather [hbm4b:s4+s2], $0x80, v4, vm0, $0xb8;
	[tilespmem:$0x10100] =	vst v63  }
0xec: {  	s29 =	simm.s32 $0x1100  }
0xed: {  	[tilespmem:s29], [sflag:$0x1] =	stream.indirect_vreg.gather [hbm4b:s5+s2], $0x80, v4, vm0, $0xb8;
	[tilespmem:$0x10100] =	vst v63  }
0xee: {  	_ = 	snop  }
0xef: {  	[tilespmem:s1], [sflag:$0x1] =	stream.indirect_vreg.gather [hbm4b:s6+s2], $0x80, v4, vm0, $0xb8;
	[tilespmem:$0x10100] =	vst v63  }
0xf0: {  	_ = 	snop  }
0xf1: {  	[tilespmem:s14], [sflag:$0x1] =	stream.indirect_vreg.gather [hbm4b:s7+s2], $0x80, v4, vm0, $0xb8;
	[tilespmem:$0x10100] =	vst v63  }
0xf2: {  	v3 =	vperm.xlane v3, v2  }
0xf3: {  	[tilespmem:s15], [sflag:$0x1] =	stream.indirect_vreg.gather [hbm4b:s8+s2], $0x80, v4, vm0, $0xb8;
	[tilespmem:$0x10100] =	vst v63  }
0xf4: {  	v3 =	vadd.s32 v1, v3  }
0xf5: {  	[tilespmem:s16], [sflag:$0x1] =	stream.indirect_vreg.gather [hbm4b:s9+s2], $0x80, v4, vm0, $0xb8;
	[tilespmem:$0x10100] =	vst v63  }
0xf6: {  	_ = 	snop  }
0xf7: {  	[tilespmem:s17], [sflag:$0x1] =	stream.indirect_vreg.gather [hbm4b:s10+s2], $0x80, v4, vm0, $0xb8;
	[tilespmem:$0x10100] =	vst v63  }
0xf8: {  	_ = 	snop  }
0xf9: {  	[tilespmem:s18], [sflag:$0x1] =	stream.indirect_vreg.gather [hbm4b:s3+s2], $0x80, v3, vm0, $0xb8;
	[tilespmem:$0x10100] =	vst v63  }
0xfa: {  	_ = 	snop  }
0xfb: {  	[tilespmem:s19], [sflag:$0x1] =	stream.indirect_vreg.gather [hbm4b:s4+s2], $0x80, v3, vm0, $0xb8;
	[tilespmem:$0x10100] =	vst v63  }
0xfc: {  	_ = 	snop  }
0xfd: {  	[tilespmem:s20], [sflag:$0x1] =	stream.indirect_vreg.gather [hbm4b:s5+s2], $0x80, v3, vm0, $0xb8;
	[tilespmem:$0x10100] =	vst v63  }
0xfe: {  	_ = 	snop  }
0xff: {  	[tilespmem:s21], [sflag:$0x1] =	stream.indirect_vreg.gather [hbm4b:s6+s2], $0x80, v3, vm0, $0xb8;
	[tilespmem:$0x10100] =	vst v63  }
0x100: {  	_ = 	snop  }
0x101: {  	[tilespmem:s22], [sflag:$0x1] =	stream.indirect_vreg.gather [hbm4b:s7+s2], $0x80, v3, vm0, $0xb8;
	[tilespmem:$0x10100] =	vst v63  }
0x102: {  	_ = 	snop  }
0x103: {  	[tilespmem:s23], [sflag:$0x1] =	stream.indirect_vreg.gather [hbm4b:s8+s2], $0x80, v3, vm0, $0xb8;
	[tilespmem:$0x10100] =	vst v63  }
0x104: {  	_ = 	snop  }
0x105: {  	[tilespmem:s24], [sflag:$0x1] =	stream.indirect_vreg.gather [hbm4b:s9+s2], $0x80, v3, vm0, $0xb8;
	[tilespmem:$0x10100] =	vst v63  }
0x106: {  	_ = 	snop  }
0x107: {  	[tilespmem:s25], [sflag:$0x1] =	stream.indirect_vreg.gather [hbm4b:s10+s2], $0x80, v3, vm0, $0xb8;
	[tilespmem:$0x10100] =	vst v63  }
0x108: {  	v3 =	vld [tilespmem:$0xA0];
	_ =	sdelay $0x4  }
0x109: {  	v61 =	vshll.u32 v3, $0x4  }
0x10a: {  	v3 =	vand.u32 $0x7, v3;
	v4 =	vand.u32 $0xFFFFFF80, v61  }
0x10b: {  	v3 =	vor.u32 v3, v4  }
0x10c: {  	v4 =	vperm.xlane v3, v0;
	_ =	sdelay $0x1  }
0x10d: {  	v4 =	vadd.s32 v1, v4;
	_ =	sdelay $0x4  }
0x10e: {  	[tilespmem:s0], [sflag:$0x2] =	stream.indirect_vreg.gather [hbm4b:s3+s2], $0x80, v4, vm0, $0xb8;
	[tilespmem:$0x10100] =	vst v63  }
0x10f: {  	_ = 	snop  }
0x110: {  	[tilespmem:s13], [sflag:$0x2] =	stream.indirect_vreg.gather [hbm4b:s4+s2], $0x80, v4, vm0, $0xb8;
	[tilespmem:$0x10100] =	vst v63  }
0x111: {  	s29 =	simm.s32 $0x9100  }
0x112: {  	[tilespmem:s29], [sflag:$0x2] =	stream.indirect_vreg.gather [hbm4b:s5+s2], $0x80, v4, vm0, $0xb8;
	[tilespmem:$0x10100] =	vst v63  }
0x113: {  	s29 =	simm.s32 $0x9900  }
0x114: {  	[tilespmem:s29], [sflag:$0x2] =	stream.indirect_vreg.gather [hbm4b:s6+s2], $0x80, v4, vm0, $0xb8;
	[tilespmem:$0x10100] =	vst v63  }
0x115: {  	s29 =	simm.s32 $0xA100  }
0x116: {  	[tilespmem:s29], [sflag:$0x2] =	stream.indirect_vreg.gather [hbm4b:s7+s2], $0x80, v4, vm0, $0xb8;
	[tilespmem:$0x10100] =	vst v63  }
0x117: {  	v3 =	vperm.xlane v3, v2;
	s29 =	simm.s32 $0xA900  }
0x118: {  	[tilespmem:s29], [sflag:$0x2] =	stream.indirect_vreg.gather [hbm4b:s8+s2], $0x80, v4, vm0, $0xb8;
	[tilespmem:$0x10100] =	vst v63  }
0x119: {  	v3 =	vadd.s32 v1, v3;
	s29 =	simm.s32 $0xB100  }
0x11a: {  	[tilespmem:s29], [sflag:$0x2] =	stream.indirect_vreg.gather [hbm4b:s9+s2], $0x80, v4, vm0, $0xb8;
	[tilespmem:$0x10100] =	vst v63  }
0x11b: {  	s29 =	simm.s32 $0xB900  }
0x11c: {  	[tilespmem:s29], [sflag:$0x2] =	stream.indirect_vreg.gather [hbm4b:s10+s2], $0x80, v4, vm0, $0xb8;
	[tilespmem:$0x10100] =	vst v63  }
0x11d: {  	s29 =	simm.s32 $0xC100  }
0x11e: {  	[tilespmem:s29], [sflag:$0x2] =	stream.indirect_vreg.gather [hbm4b:s3+s2], $0x80, v3, vm0, $0xb8;
	[tilespmem:$0x10100] =	vst v63  }
0x11f: {  	s29 =	simm.s32 $0xC900  }
0x120: {  	[tilespmem:s29], [sflag:$0x2] =	stream.indirect_vreg.gather [hbm4b:s4+s2], $0x80, v3, vm0, $0xb8;
	[tilespmem:$0x10100] =	vst v63  }
0x121: {  	s29 =	simm.s32 $0xD100  }
0x122: {  	[tilespmem:s29], [sflag:$0x2] =	stream.indirect_vreg.gather [hbm4b:s5+s2], $0x80, v3, vm0, $0xb8;
	[tilespmem:$0x10100] =	vst v63  }
0x123: {  	s29 =	simm.s32 $0xD900  }
0x124: {  	[tilespmem:s29], [sflag:$0x2] =	stream.indirect_vreg.gather [hbm4b:s6+s2], $0x80, v3, vm0, $0xb8;
	[tilespmem:$0x10100] =	vst v63  }
0x125: {  	s29 =	simm.s32 $0xE100  }
0x126: {  	[tilespmem:s29], [sflag:$0x2] =	stream.indirect_vreg.gather [hbm4b:s7+s2], $0x80, v3, vm0, $0xb8;
	[tilespmem:$0x10100] =	vst v63  }
0x127: {  	s29 =	simm.s32 $0xE900  }
0x128: {  	[tilespmem:s29], [sflag:$0x2] =	stream.indirect_vreg.gather [hbm4b:s8+s2], $0x80, v3, vm0, $0xb8;
	[tilespmem:$0x10100] =	vst v63  }
0x129: {  	s29 =	simm.s32 $0xF100  }
0x12a: {  	[tilespmem:s29], [sflag:$0x2] =	stream.indirect_vreg.gather [hbm4b:s9+s2], $0x80, v3, vm0, $0xb8;
	[tilespmem:$0x10100] =	vst v63  }
0x12b: {  	s29 =	simm.s32 $0xF900  }
0x12c: {  	[tilespmem:s29], [sflag:$0x2] =	stream.indirect_vreg.gather [hbm4b:s10+s2], $0x80, v3, vm0, $0xb8;
	[tilespmem:$0x10100] =	vst v63  }
0x12d: {  	_ =	swait.ge [sflag:s26], $0x8000  }
0x12e: {  	[sflag:s26] =	ssyncset.done $0x0  }
0x12f: {  	[sflag:s26] =	ssyncadd.s32 $0xFFFF8000  }
0x130: {  	_ =	swait.ge [sflag:s28], $0x8000  }
0x131: {  	[sflag:s28] =	ssyncset.done $0x0  }
0x132: {  	s29 =	rddreg [dreg:$0x8];
	[sflag:s28] =	ssyncadd.s32 $0xFFFF8000  }
0x133: {  	[hbm4b:s29+s2] =	stream.linear.scatter [tilespmem:s30], [sflag:$0x3], $0x8000, $0x38;
	[tilespmem:$0x10100] =	vst v63  }
0x134: {  	_ =	swait.ge [sflag:s12], $0x8000  }
0x135: {  	[sflag:s12] =	ssyncset.done $0x0  }
0x136: {  	s29 =	rddreg [dreg:$0x9];
	[sflag:s12] =	ssyncadd.s32 $0xFFFF8000  }
0x137: {  	[hbm4b:s29+s2] =	stream.linear.scatter [tilespmem:s0], [sflag:$0x3], $0x8000, $0x38;
	[tilespmem:$0x10100] =	vst v63  }
0x138: {  	_ =	swait.ge [sflag:s12], $0x8000  }
0x139: {  	[sflag:s12] =	ssyncset.done $0x0  }
0x13a: {  	[sflag:s12] =	ssyncadd.s32 $0xFFFF8000  }
0x13b: {  	v3 =	vld [tilespmem:$0x30];
	_ =	sdelay $0x4  }
0x13c: {  	v62 =	vshll.u32 v3, $0x4  }
0x13d: {  	v3 =	vand.u32 $0x7, v3;
	v4 =	vand.u32 $0xFFFFFF80, v62  }
0x13e: {  	v3 =	vor.u32 v3, v4  }
0x13f: {  	v4 =	vperm.xlane v3, v0;
	_ =	sdelay $0x1  }
0x140: {  	v4 =	vadd.s32 v1, v4;
	_ =	sdelay $0x4  }
0x141: {  	[tilespmem:s30], [sflag:$0x1] =	stream.indirect_vreg.gather [hbm4b:s3+s2], $0x80, v4, vm0, $0xb8;
	[tilespmem:$0x10100] =	vst v63  }
0x142: {  	_ = 	snop  }
0x143: {  	[tilespmem:s31], [sflag:$0x1] =	stream.indirect_vreg.gather [hbm4b:s4+s2], $0x80, v4, vm0, $0xb8;
	[tilespmem:$0x10100] =	vst v63  }
0x144: {  	s31 =	simm.s32 $0x1100  }
0x145: {  	[tilespmem:s31], [sflag:$0x1] =	stream.indirect_vreg.gather [hbm4b:s5+s2], $0x80, v4, vm0, $0xb8;
	[tilespmem:$0x10100] =	vst v63  }
0x146: {  	_ = 	snop  }
0x147: {  	[tilespmem:s1], [sflag:$0x1] =	stream.indirect_vreg.gather [hbm4b:s6+s2], $0x80, v4, vm0, $0xb8;
	[tilespmem:$0x10100] =	vst v63  }
0x148: {  	_ = 	snop  }
0x149: {  	[tilespmem:s14], [sflag:$0x1] =	stream.indirect_vreg.gather [hbm4b:s7+s2], $0x80, v4, vm0, $0xb8;
	[tilespmem:$0x10100] =	vst v63  }
0x14a: {  	v3 =	vperm.xlane v3, v2  }
0x14b: {  	[tilespmem:s15], [sflag:$0x1] =	stream.indirect_vreg.gather [hbm4b:s8+s2], $0x80, v4, vm0, $0xb8;
	[tilespmem:$0x10100] =	vst v63  }
0x14c: {  	v3 =	vadd.s32 v1, v3  }
0x14d: {  	[tilespmem:s16], [sflag:$0x1] =	stream.indirect_vreg.gather [hbm4b:s9+s2], $0x80, v4, vm0, $0xb8;
	[tilespmem:$0x10100] =	vst v63  }
0x14e: {  	_ = 	snop  }
0x14f: {  	[tilespmem:s17], [sflag:$0x1] =	stream.indirect_vreg.gather [hbm4b:s10+s2], $0x80, v4, vm0, $0xb8;
	[tilespmem:$0x10100] =	vst v63  }
0x150: {  	_ = 	snop  }
0x151: {  	[tilespmem:s18], [sflag:$0x1] =	stream.indirect_vreg.gather [hbm4b:s3+s2], $0x80, v3, vm0, $0xb8;
	[tilespmem:$0x10100] =	vst v63  }
0x152: {  	_ = 	snop  }
0x153: {  	[tilespmem:s19], [sflag:$0x1] =	stream.indirect_vreg.gather [hbm4b:s4+s2], $0x80, v3, vm0, $0xb8;
	[tilespmem:$0x10100] =	vst v63  }
0x154: {  	_ = 	snop  }
0x155: {  	[tilespmem:s20], [sflag:$0x1] =	stream.indirect_vreg.gather [hbm4b:s5+s2], $0x80, v3, vm0, $0xb8;
	[tilespmem:$0x10100] =	vst v63  }
0x156: {  	_ = 	snop  }
0x157: {  	[tilespmem:s21], [sflag:$0x1] =	stream.indirect_vreg.gather [hbm4b:s6+s2], $0x80, v3, vm0, $0xb8;
	[tilespmem:$0x10100] =	vst v63  }
0x158: {  	_ = 	snop  }
0x159: {  	[tilespmem:s22], [sflag:$0x1] =	stream.indirect_vreg.gather [hbm4b:s7+s2], $0x80, v3, vm0, $0xb8;
	[tilespmem:$0x10100] =	vst v63  }
0x15a: {  	_ = 	snop  }
0x15b: {  	[tilespmem:s23], [sflag:$0x1] =	stream.indirect_vreg.gather [hbm4b:s8+s2], $0x80, v3, vm0, $0xb8;
	[tilespmem:$0x10100] =	vst v63  }
0x15c: {  	_ = 	snop  }
0x15d: {  	[tilespmem:s24], [sflag:$0x1] =	stream.indirect_vreg.gather [hbm4b:s9+s2], $0x80, v3, vm0, $0xb8;
	[tilespmem:$0x10100] =	vst v63  }
0x15e: {  	_ = 	snop  }
0x15f: {  	[tilespmem:s25], [sflag:$0x1] =	stream.indirect_vreg.gather [hbm4b:s10+s2], $0x80, v3, vm0, $0xb8;
	[tilespmem:$0x10100] =	vst v63  }
0x160: {  	v3 =	vld [tilespmem:$0xB0];
	_ =	sdelay $0x4  }
0x161: {  	v63 =	vshll.u32 v3, $0x4  }
0x162: {  	v3 =	vand.u32 $0x7, v3;
	v4 =	vand.u32 $0xFFFFFF80, v63  }
0x163: {  	v3 =	vor.u32 v3, v4  }
0x164: {  	v4 =	vperm.xlane v3, v0;
	_ =	sdelay $0x1  }
0x165: {  	v4 =	vadd.s32 v1, v4;
	_ =	sdelay $0x4  }
0x166: {  	[tilespmem:s0], [sflag:$0x2] =	stream.indirect_vreg.gather [hbm4b:s3+s2], $0x80, v4, vm0, $0xb8;
	[tilespmem:$0x10100] =	vst v63  }
0x167: {  	_ = 	snop  }
0x168: {  	[tilespmem:s13], [sflag:$0x2] =	stream.indirect_vreg.gather [hbm4b:s4+s2], $0x80, v4, vm0, $0xb8;
	[tilespmem:$0x10100] =	vst v63  }
0x169: {  	s29 =	simm.s32 $0x9100  }
0x16a: {  	[tilespmem:s29], [sflag:$0x2] =	stream.indirect_vreg.gather [hbm4b:s5+s2], $0x80, v4, vm0, $0xb8;
	[tilespmem:$0x10100] =	vst v63  }
0x16b: {  	s31 =	simm.s32 $0x9900  }
0x16c: {  	[tilespmem:s31], [sflag:$0x2] =	stream.indirect_vreg.gather [hbm4b:s6+s2], $0x80, v4, vm0, $0xb8;
	[tilespmem:$0x10100] =	vst v63  }
0x16d: {  	s29 =	simm.s32 $0xA100  }
0x16e: {  	[tilespmem:s29], [sflag:$0x2] =	stream.indirect_vreg.gather [hbm4b:s7+s2], $0x80, v4, vm0, $0xb8;
	[tilespmem:$0x10100] =	vst v63  }
0x16f: {  	v3 =	vperm.xlane v3, v2;
	s31 =	simm.s32 $0xA900  }
0x170: {  	[tilespmem:s31], [sflag:$0x2] =	stream.indirect_vreg.gather [hbm4b:s8+s2], $0x80, v4, vm0, $0xb8;
	[tilespmem:$0x10100] =	vst v63  }
0x171: {  	v3 =	vadd.s32 v1, v3;
	s29 =	simm.s32 $0xB100  }
0x172: {  	[tilespmem:s29], [sflag:$0x2] =	stream.indirect_vreg.gather [hbm4b:s9+s2], $0x80, v4, vm0, $0xb8;
	[tilespmem:$0x10100] =	vst v63  }
0x173: {  	s31 =	simm.s32 $0xB900  }
0x174: {  	[tilespmem:s31], [sflag:$0x2] =	stream.indirect_vreg.gather [hbm4b:s10+s2], $0x80, v4, vm0, $0xb8;
	[tilespmem:$0x10100] =	vst v63  }
0x175: {  	s29 =	simm.s32 $0xC100  }
0x176: {  	[tilespmem:s29], [sflag:$0x2] =	stream.indirect_vreg.gather [hbm4b:s3+s2], $0x80, v3, vm0, $0xb8;
	[tilespmem:$0x10100] =	vst v63  }
0x177: {  	s31 =	simm.s32 $0xC900  }
0x178: {  	[tilespmem:s31], [sflag:$0x2] =	stream.indirect_vreg.gather [hbm4b:s4+s2], $0x80, v3, vm0, $0xb8;
	[tilespmem:$0x10100] =	vst v63  }
0x179: {  	s29 =	simm.s32 $0xD100  }
0x17a: {  	[tilespmem:s29], [sflag:$0x2] =	stream.indirect_vreg.gather [hbm4b:s5+s2], $0x80, v3, vm0, $0xb8;
	[tilespmem:$0x10100] =	vst v63  }
0x17b: {  	s31 =	simm.s32 $0xD900  }
0x17c: {  	[tilespmem:s31], [sflag:$0x2] =	stream.indirect_vreg.gather [hbm4b:s6+s2], $0x80, v3, vm0, $0xb8;
	[tilespmem:$0x10100] =	vst v63  }
0x17d: {  	s29 =	simm.s32 $0xE100  }
0x17e: {  	[tilespmem:s29], [sflag:$0x2] =	stream.indirect_vreg.gather [hbm4b:s7+s2], $0x80, v3, vm0, $0xb8;
	[tilespmem:$0x10100] =	vst v63  }
0x17f: {  	s31 =	simm.s32 $0xE900  }
0x180: {  	[tilespmem:s31], [sflag:$0x2] =	stream.indirect_vreg.gather [hbm4b:s8+s2], $0x80, v3, vm0, $0xb8;
	[tilespmem:$0x10100] =	vst v63  }
0x181: {  	s29 =	simm.s32 $0xF100  }
0x182: {  	[tilespmem:s29], [sflag:$0x2] =	stream.indirect_vreg.gather [hbm4b:s9+s2], $0x80, v3, vm0, $0xb8;
	[tilespmem:$0x10100] =	vst v63  }
0x183: {  	s31 =	simm.s32 $0xF900  }
0x184: {  	[tilespmem:s31], [sflag:$0x2] =	stream.indirect_vreg.gather [hbm4b:s10+s2], $0x80, v3, vm0, $0xb8;
	[tilespmem:$0x10100] =	vst v63  }
0x185: {  	_ =	swait.ge [sflag:s26], $0x8000  }
0x186: {  	[sflag:s26] =	ssyncset.done $0x0  }
0x187: {  	[sflag:s26] =	ssyncadd.s32 $0xFFFF8000  }
0x188: {  	_ =	swait.ge [sflag:s28], $0x8000  }
0x189: {  	[sflag:s28] =	ssyncset.done $0x0  }
0x18a: {  	s1 =	rddreg [dreg:$0xa];
	[sflag:s28] =	ssyncadd.s32 $0xFFFF8000  }
0x18b: {  	[hbm4b:s1+s2] =	stream.linear.scatter [tilespmem:s30], [sflag:$0x3], $0x8000, $0x38;
	[tilespmem:$0x10100] =	vst v63  }
0x18c: {  	_ =	swait.ge [sflag:s12], $0x8000  }
0x18d: {  	p0 =	sne.s32 s11, $0x1;
	[sflag:s12] =	ssyncset.done $0x0  }
.Ltmp0:
0x18e: {  	s31 =	rddreg [dreg:$0xb];
	[sflag:s12] =	ssyncadd.s32 $0xFFFF8000;
	(pc) =	sbr.rel @p0 .LBB2_1-.Ltmp0, $4  }
0x18f: {  	[hbm4b:s31+s2] =	stream.linear.scatter [tilespmem:s0], [sflag:$0x3], $0x8000, $0x38;
	[tilespmem:$0x10100] =	vst v63  }
0x190: {  	_ =	swait.ge [sflag:s12], $0x8000  }
0x191: {  	[sflag:s12] =	ssyncset.done $0x0  }
0x192: {  	s11 =	sadd.s32 $0xFFFFFFFF, s11;
	[sflag:s12] =	ssyncadd.s32 $0xFFFF8000  }
0x193: {  	_ =	sfence.sel $0x180000  }
0x194: {  	[bflag:$0x0] =	sbarrier.arrive $0xFFFF  }
0x195: {  	_ =	strace $0x9000004D  }
0x196: {  	s0 =	stileid.u32;
	[bflag:$0x2] =	sbarrier.arrive $0xFFFF  }
0x197: {  	p0 =	sne.s32 s0, $0x0;
	s0 =	rddreg [dreg:$0x1]  }
0x198: {  	s0 =	sadd.s32 @!p0 $0x100000, s0  }
0x199: {  	[sflag:s0] =	ssyncadd.tile.s32 @!p0 $0x1;
	_ =	shalt  }
.Lfunc_end2:
_tile_overlayer_lowered:
.L_overlay_start_2:
0x19a: {  	(tag) =	ssettag $0x2  }
0x19b: {  	s0 =	rddreg [dreg:$0x0];
	s2 =	stileid.u32  }
0x19c: {  	s1 =	rddreg [dreg:$0x1];
	p0 =	sne.s32 s2, $0x0  }
0x19d: {  	s3 =	rddreg [dreg:$0x2];
	[bflag:$0x3] =	sbarrier.arrive $0xFFFF;
	s2 =	simm.s32 @!p0 $0x1C03  }
0x19e: {  	[timem:s3], [sflag:s2] =	dma.local @!p0 [hbm:s0], s1  }
0x19f: {  	s0 =	simm.s32 @!p0 $0x3  }
0x1a0: {  	_ =	swait.ge @!p0 [sflag:s0], s1  }
0x1a1: {  	s1 =	ssub.s32 @!p0 $0x0, s1;
	[sflag:s0] =	ssyncset.done @!p0 $0x0  }
0x1a2: {  	[sflag:s0] =	ssyncadd.s32 @!p0 s1  }
0x1a3: {  	[bflag:$0x3] =	sbarrier.arrive $0xFFFF  }
0x1a4: {  	_ =	shalt  }

// kernel: kernel.9.cloned.1.call-start
scs
__scs_entry_jumppad:
0x0: {  	(pc) =	sbr.rel $0x88, $3  }
0x1: {  	(tag) =	ssettag $0x0;
	lr =	simm.s32 $0x1  }
0x2: {  	[smem:$0x3F8D] =	sst lr;
	_ =	strace $0xD0000000  }
0x3: {  	_ = 	snop  }
0x4: {  	_ = 	snop  }
0x5: {  	_ = 	snop  }
0x6: {  	_ = 	snop  }
0x7: {  	_ = 	snop  }
__scs_overlays_trampoline_lowered:
0x8: {  	[smem:$0x3F9C] =	sst s0  }
0x9: {  	[smem:$0x3F9D] =	sst s1  }
0xa: {  	[smem:$0x3F9E] =	sst s2  }
0xb: {  	[smem:$0x3F9F] =	sst s3  }
0xc: {  	[smem:$0x3FA0] =	sst s4  }
0xd: {  	[smem:$0x3FA1] =	sst s5  }
0xe: {  	[smem:$0x3FA2] =	sst s6  }
0xf: {  	[smem:$0x3FA3] =	sst s7  }
0x10: {  	[smem:$0x3FA4] =	sst s8  }
0x11: {  	[smem:$0x3FA5] =	sst s9;
	s0 =	simm.s32 @!p0 $0x0  }
0x12: {  	s1 =	sld [smem:$0x3F8B];
	s0 =	simm.s32 @p0 $0x1  }
0x13: {  	[smem:$0x3FA6] =	sst s0;
	s0 =	simm.s32 @!p1 $0x0  }
0x14: {  	s2 =	sld [smem:$0x3F8A];
	s0 =	simm.s32 @p1 $0x1  }
0x15: {  	[smem:$0x3FA7] =	sst s0;
	s0 =	simm.s32 @!p2 $0x0  }
0x16: {  	s3 =	sld [smem:$0x3FDB];
	s0 =	simm.s32 @p2 $0x1  }
0x17: {  	s4 =	simm.s32 $0x1BF5;
	[smem:$0x3FA9] =	sst s0  }
0x18: {  	s0 =	sld [smem:$0x3F8C];
	_ =	swait.ge [sflag:s4], $0x0  }
0x19: {  	s7 =	sld [smem:$0x3F8D]  }
0x1a: {  	s8 =	sadd.s32 $0xFFFFE003, lr  }
0x1b: {  	s9 =	sadd.s32 $0xFFFFFEF7, lr;
	s5 =	simm.s32 $0xFFFFFFFF;
	p2 =	slt.u32 s8, $0xFFFFF086  }
0x1c: {  	p1 =	slt.u32 s9, $0xF7A;
	s5 =	simm.s32 @!p2 $0x0  }
0x1d: {  	s5 =	simm.s32 @p1 $0x1;
	p0 =	seq.s32 s7, s2  }
0x1e: {  	s7 =	smul.u32 @!p0 $0xF7A, s2;
	p2 =	seq.s32 @!p0 s5, $0x0  }
0x1f: {  	s9 =	smul.u32 $0xF7A, s1;
	s8 =	simm.s32 @!p0 $0x1BF5;
	p2 =	por !p2, p0  }
0x20: {  	[sflag:s8] =	ssyncset.s32 @!p0 $0xFFFFF086;
	s6 =	sadd.s32 @!p0 s3, s7;
	s7 =	simm.s32 @!p0 $0x108  }
0x21: {  	s3 =	sadd.s32 s3, s9;
	s6 =	sadd.s32 @!p0 $0x88, s6;
	s7 =	simm.s32 @p2 $0x1082  }
0x22: {  	[simem:s7], [sflag:s8] =	dma.local @!p0 [hbm:s6], $0xF7A  }
0x23: {  	s9 =	sor.u32 $0xD0000000, s2;
	s6 =	simm.s32 $0x108;
	_ =	swait.ge @!p0 [sflag:s8], $0x0  }
0x24: {  	s3 =	sadd.s32 $0x88, s3;
	s6 =	simm.s32 @!p1 $0x1082;
	[sflag:s4] =	ssyncset.s32 $0xFFFFF086  }
0x25: {  	[simem:s6], [sflag:s4] =	dma.local [hbm:s3], $0xF7A  }
0x26: {  	[smem:$0x3F8D] =	sst s1;
	(tag) =	ssettag s2;
	_ =	strace s9  }
0x27: {  	s1 =	sld [smem:$0x3F9D]  }
0x28: {  	s2 =	sld [smem:$0x3F9E]  }
0x29: {  	s4 =	sld [smem:$0x3FA0]  }
0x2a: {  	p0 =	seq.s32 s5, $0x0;
	s5 =	sld [smem:$0x3FA1]  }
0x2b: {  	s6 =	sld [smem:$0x3FA2]  }
0x2c: {  	s7 =	sld [smem:$0x3FA3]  }
0x2d: {  	s3 =	simm.s32 $0x108;
	s8 =	sld [smem:$0x3FA4]  }
0x2e: {  	s3 =	simm.s32 @!p0 $0x1082;
	s9 =	sld [smem:$0x3FA5]  }
0x2f: {  	lr =	sadd.s32 s0, s3;
	s0 =	sld [smem:$0x3F9C]  }
0x30: {  	s3 =	sld [smem:$0x3F9F]  }
0x31: {  	[smem:$0x3FA8] =	sst s10  }
0x32: {  	s10 =	sld [smem:$0x3FA6];
	_ =	sdelay $0x3  }
0x33: {  	p0 =	seq.s32 s10, $0x1;
	s10 =	sld [smem:$0x3FA8];
	_ =	sdelay $0x3  }
0x34: {  	[smem:$0x3FA8] =	sst s10  }
0x35: {  	s10 =	sld [smem:$0x3FA7];
	_ =	sdelay $0x3  }
0x36: {  	p1 =	seq.s32 s10, $0x1;
	s10 =	sld [smem:$0x3FA8];
	_ =	sdelay $0x3  }
0x37: {  	[smem:$0x3FA8] =	sst s10  }
0x38: {  	s10 =	sld [smem:$0x3FA9]  }
0x39: {  	_ = 	snop;
	(pc) =	sbr.ind lr, $3  }
0x3a: {  	_ = 	snop  }
0x3b: {  	_ = 	snop  }
0x3c: {  	p2 =	seq.s32 s10, $0x1;
	s10 =	sld [smem:$0x3FA8]  }
0x3d: {  	_ =	shalt  }
0x3e: {  	_ =	shalt  }
0x3f: {  	_ =	shalt  }
0x40: {  	_ =	shalt  }
0x41: {  	_ =	shalt  }
0x42: {  	_ =	shalt  }
0x43: {  	_ =	shalt  }
0x44: {  	_ =	shalt  }
0x45: {  	_ =	shalt  }
0x46: {  	_ =	shalt  }
0x47: {  	_ =	shalt  }
0x48: {  	_ =	shalt  }
0x49: {  	_ =	shalt  }
0x4a: {  	_ =	shalt  }
0x4b: {  	_ =	shalt  }
0x4c: {  	_ =	shalt  }
0x4d: {  	_ =	shalt  }
0x4e: {  	_ =	shalt  }
0x4f: {  	_ =	shalt  }
0x50: {  	_ =	shalt  }
0x51: {  	_ =	shalt  }
0x52: {  	_ =	shalt  }
0x53: {  	_ =	shalt  }
0x54: {  	_ =	shalt  }
0x55: {  	_ =	shalt  }
0x56: {  	_ =	shalt  }
0x57: {  	_ =	shalt  }
0x58: {  	_ =	shalt  }
0x59: {  	_ =	shalt  }
0x5a: {  	_ =	shalt  }
0x5b: {  	_ =	shalt  }
0x5c: {  	_ =	shalt  }
0x5d: {  	_ =	shalt  }
0x5e: {  	_ =	shalt  }
0x5f: {  	_ =	shalt  }
0x60: {  	_ =	shalt  }
0x61: {  	_ =	shalt  }
0x62: {  	_ =	shalt  }
0x63: {  	_ =	shalt  }
0x64: {  	_ =	shalt  }
0x65: {  	_ =	shalt  }
0x66: {  	_ =	shalt  }
0x67: {  	_ =	shalt  }
0x68: {  	_ =	shalt  }
0x69: {  	_ =	shalt  }
0x6a: {  	_ =	shalt  }
0x6b: {  	_ =	shalt  }
0x6c: {  	_ =	shalt  }
0x6d: {  	_ =	shalt  }
0x6e: {  	_ =	shalt  }
0x6f: {  	_ =	shalt  }
0x70: {  	_ =	shalt  }
0x71: {  	_ =	shalt  }
0x72: {  	_ =	shalt  }
0x73: {  	_ =	shalt  }
0x74: {  	_ =	shalt  }
0x75: {  	_ =	shalt  }
0x76: {  	_ =	shalt  }
0x77: {  	_ =	shalt  }
0x78: {  	_ =	shalt  }
0x79: {  	_ =	shalt  }
0x7a: {  	_ =	shalt  }
0x7b: {  	_ =	shalt  }
0x7c: {  	_ =	shalt  }
0x7d: {  	_ =	shalt  }
0x7e: {  	_ =	shalt  }
0x7f: {  	_ =	shalt  }
0x80: {  	_ =	shalt  }
0x81: {  	_ =	shalt  }
0x82: {  	_ =	shalt  }
0x83: {  	_ =	shalt  }
0x84: {  	_ =	shalt  }
0x85: {  	_ =	shalt  }
0x86: {  	_ =	shalt  }
0x87: {  	_ =	shalt  }
.Lfunc_end0:
.L_simem_size_0:
called_computation_lowered:
.L_overlay_start_0:
0x88: {  	s2 =	sld [smem:$0x3FD9]  }
0x89: {  	s3 =	sld [smem:$0x3FFE];
	_ =	sdelay $0x1  }
0x8a: {  	s1 =	srdreg.scid  }
0x8b: {  	s0 =	sand.u32 $0x1, s1  }
0x8c: {  	s17 =	sshll.u32 s0, $0xA;
	s2 =	sadd.s32 s3, s2  }
0x8d: {  	s2 =	sadd.s32 s2, s17  }
0x8e: {  	[smem:$0x3FB4] =	sst s2  }
0x8f: {  	_ = 	snop  }
0x90: {  	s2 =	sld [smem:$0x3FD0];
	(tm) =	ssettm $0x1  }
0x91: {  	s18 =	sld [smem:$0x3FFB];
	_ =	sdelay $0x3  }
0x92: {  	_ =	strace s18  }
0x93: {  	s3 =	sld [smem:$0x3FFC];
	_ =	sdelay $0x3  }
0x94: {  	_ =	strace s3  }
0x95: {  	s3 =	sld [smem:$0x3FFD];
	_ =	sdelay $0x3  }
0x96: {  	_ =	strace s3  }
0x97: {  	_ =	strace $0x8FFFFFFF  }
0x98: {  	s19 =	sld [smem:$0x3FDB];
	_ =	sdelay $0x1  }
0x99: {  	s4 =	simm.s32 $_scs_section_size  }
0x9a: {  	s5 =	simm.s32 $_size__tile_overlayer_lowered;
	s6 =	simm.s32 $_tile_overlayer_lowered  }
0x9b: {  	s22 =	simm.s32 $0x1BFF;
	s21 =	sshll.u32 s6, $0x1;
	s3 =	sadd.s32 s4, s19  }
0x9c: {  	s7 =	simm.s32 $0x0;
	s20 =	sshll.u32 s5, $0x1;
	s5 =	sadd.s32 s21, s3  }
0x9d: {  	[timem:s7], [sflag:s22] =	dma.local [hbm:s5], s20  }
0x9e: {  	_ =	swait.ge [sflag:s22], s20  }
0x9f: {  	s4 =	ssub.s32 $0x0, s20;
	[sflag:s22] =	ssyncset.done $0x0  }
0xa0: {  	[sflag:s22] =	ssyncadd.s32 s4;
	_ =	sdelay $0x1  }
0xa1: {  	s23 =	simm.s32 $0x1B8B  }
0xa2: {  	_ =	swait.ge [sflag:s23], $0x1  }
0xa3: {  	[sflag:s23] =	ssyncset.done $0x0  }
0xa4: {  	s25 =	simm.s32 $0x1B8E;
	s24 =	sld [smem:$0x3FFE];
	[sflag:s23] =	ssyncadd.s32 $0xFFFFFFFF  }
0xa5: {  	s26 =	simm.s32 $execute0_lowered;
	[smem:$0x3FD2] =	sst s25  }
0xa6: {  	s5 =	sshll.u32 s26, $0x1;
	_ =	strace $0x80000046;
	[dreg:$0x1] =	wrdreg $0xFFFFFFFF  }
0xa7: {  	s28 =	simm.s32 $_size_execute0_lowered;
	s3 =	sadd.s32 s3, s5;
	[dreg:$0x0] =	wrdreg $0x0  }
0xa8: {  	s5 =	sshll.u32 s28, $0x1;
	[dreg:$0x2] =	wrdreg s3  }
0xa9: {  	[dreg:$0x3] =	wrdreg s5  }
0xaa: {  	[dreg:$0x4] =	wrdreg $0xC0  }
0xab: {  	_ =	task [dreg:s7], $0x5FFFF  }
0xac: {  	[dreg:$0x1] =	wrdreg $0xFFFFFFFF  }
0xad: {  	[dreg:$0x0] =	wrdreg $0x60  }
0xae: {  	[dreg:$0x2] =	wrdreg s2  }
0xaf: {  	[dreg:$0x3] =	wrdreg s24  }
0xb0: {  	[dreg:$0x4] =	wrdreg $0x9  }
0xb1: {  	_ =	task.clear_ibuf [dreg:s7], $0x5FFFF;
	_ =	strace $0x90000046  }
0xb2: {  	s29 =	simm.s32 $0x9;
	_ =	strace $0x80000048  }
0xb3: {  	_ =	swait.ge [sflag:s29], $0x1  }
0xb4: {  	[sflag:s29] =	ssyncadd.s32 $0xFFFFFFFF  }
0xb5: {  	_ =	strace $0x90000048  }
0xb6: {  	_ =	sfence  }
0xb7: {  	s30 =	sld [smem:$0x0];
	_ =	sdelay $0x2  }
0xb8: {  	s31 =	sshll.u32 s1, $0xD;
	s1 =	sshrl.u32 s1, $0x2  }
0xb9: {  	s3 =	sand.u32 $0x4000, s31;
	s1 =	sadd.s32 s1, s30  }
0xba: {  	s0 =	sor.u32 s3, s0;
	s1 =	sshll.u32 s1, $0x11  }
0xbb: {  	s0 =	sor.u32 s1, s0  }
0xbc: {  	s0 =	sadd.s32 $0x8F2B, s0  }
0xbd: {  	[sflag:s0] =	ssyncadd.remote.s32 $0x1  }
0xbe: {  	_ =	sfence.sel $0xFFFF  }
0xbf: {  	[dreg:$0x0] =	wrdreg $0xFFFFFFFF;
	(pc) =	sbr.abs _section_cstart, $3  }
0xc0: {  	[dreg:$0x1] =	wrdreg $0xFFFFFFFF  }
0xc1: {  	_ =	task.clear_ibuf [dreg:s7], $0x2FFFF;
	_ =	strace $0x9FFFFFFF  }
0xc2: {  	(tm) =	ssettm $0x7FFFFFFF  }
0xc3: {  	_ =	shalt  }
tec
execute0_lowered:
.L_overlay_start_1:
0x0: {  	(tag) =	ssettag $0x1  }
0x1: {  	s0 =	srdreg.scid  }
0x2: {  	s0 =	sand.u32 $0x1, s0  }
0x3: {  	s1 =	stileid.u32;
	p0 =	seq.s32 s0, $0x1  }
0x4: {  	p1 =	sgt.u32 @!p0 s1, $0x9  }
0x5: {  	p0 =	por p0, p1  }
.Ltmp0:
0x6: {  	_ = 	snop;
	(pc) =	sbr.rel @p0 .LBB2_110-.Ltmp0, $4  }
0x7: {  	s2 =	rddreg [dreg:$0x0]  }
0x8: {  	s4 =	rddreg [dreg:$0x1];
	s7 =	simm.s32 $0x0  }
0x9: {  	[smem:$0x7FF] =	sst s7  }
0xa: {  	s13 =	rddreg [dreg:$0x2];
	_ =	strace $0x80000047  }
0xb: {  	[tilespmem:s7], [sflag:$0x1] =	stream.linear.gather [hbm4b:s2+s7], $0x4000, $0x38;
	[tilespmem:$0x6180] =	vst v63  }
0xc: {  	s19 =	simm.s32 $0x1  }
0xd: {  	s20 =	sand.u32 $0x70, s7;
	s3 =	sand.u32 $0x3C00, s7;
	_ =	swait.ge [sflag:s19], $0x4000  }
0xe: {  	s5 =	simm.s32 $0x10;
	s22 =	simm.s32 $0x80;
	[sflag:s19] =	ssyncset.done $0x0  }
0xf: {  	s6 =	simm.s32 $0x20;
	s2 =	sor.u32 s20, s3;
	[sflag:s19] =	ssyncadd.s32 $0xFFFFC000  }
0x10: {  	s8 =	simm.s32 $0x100;
	s21 =	sand.u32 $0x70, s5;
	s5 =	sand.u32 $0x3C00, s22;
	v1 =	vld [tilespmem:s2+$0x0]  }
0x11: {  	s24 =	sand.u32 $0x70, s6;
	s25 =	sand.u32 $0x3C00, s8;
	s23 =	sor.u32 s21, s5  }
0x12: {  	s26 =	sor.u32 s24, s25;
	v2 =	vld [tilespmem:s23+$0x0]  }
0x13: {  	v3 =	vld [tilespmem:s26+$0x0];
	_ =	sdelay $0x1  }
0x14: {  	v0 =	vimm.s32 $0x0;
	vm0 =	vgt.f32 v1, $0.0e+00  }
0x15: {  	v1 =	vsel vm0, $0x1, v0  }
0x16: {  	vm13 =	vgt.f32 v2, $0.0e+00;
	(xrf0) =	vadd.scan.msk.s32 $0xffff, v1  }
0x17: {  	s28 =	simm.s32 $0x30;
	s29 =	simm.s32 $0x180;
	vm14 =	vgt.f32 v3, $0.0e+00;
	v1 =	vsel vm13, $0x1, v0  }
0x18: {  	s3 =	sand.u32 $0x3C00, s29;
	s2 =	sand.u32 $0x70, s28;
	(xrf0) =	vadd.scan.msk.s32 $0xffff, v1;
	v1 =	vsel vm14, $0x1, v0  }
0x19: {  	s2 =	sor.u32 s2, s3;
	(xrf0) =	vadd.scan.msk.s32 $0xffff, v1  }
0x1a: {  	v2 =	vld [tilespmem:s2+$0x0];
	_ =	sdelay $0x1  }
0x1b: {  	v1, _, _ =	vpop (xrf0)  }
0x1c: {  	(v2sf) =	vpush v1, $0xF  }
0x1d: {  	v1, _, _ =	vpop (xrf0)  }
0x1e: {  	vm15 =	vgt.f32 v2, $0.0e+00;
	(v2sf) =	vpush v1, $0xF;
	v2, _, _ =	vpop (xrf0)  }
0x1f: {  	(v2sf) =	vpush v2, $0xF;
	_ =	sdelay $0x3  }
0x20: {  	s30 =	simm.s32 $0x40;
	s8 =	simm.s32 $0x200  }
0x21: {  	s31 =	sand.u32 $0x70, s30;
	s9 =	sand.u32 $0x3C00, s8  }
0x22: {  	s10 =	sor.u32 s31, s9;
	v1 =	vsel vm15, $0x1, v0  }
0x23: {  	(xrf0) =	vadd.scan.msk.s32 $0xffff, v1;
	v1 =	vld [tilespmem:s10+$0x0]  }
0x24: {  	s6 =	sadd.s32 $0x26E00, s4;
	s5 =	sadd.s32 $0x27000, s4;
	s9 =	simm.s32 $0x50  }
0x25: {  	s3 =	sadd.s32 $0x26600, s4;
	s2 =	sadd.s32 $0x26A00, s4;
	s4 =	sadd.s32 $0x27200, s4  }
.LBB2_2:
0x26: {  	s10 =	sand.u32 $0x70, s9;
	s8 =	sadd.s32 $0x80, s8;
	p0 =	sne.s32 s9, $0x7F0  }
.Ltmp1:
0x27: {  	s9 =	sadd.s32 $0x10, s9;
	s11 =	sand.u32 $0x3C00, s8;
	(pc) =	sbr.rel @p0 .LBB2_2-.Ltmp1, $4  }
0x28: {  	s10 =	sor.u32 s10, s11;
	vm0 =	vgt.f32 v1, $0.0e+00;
	s11 =	spop (v2sf)  }
0x29: {  	v1 =	vld [tilespmem:s10+$0x0];
	v3 =	vsel vm0, $0x1, v0;
	s7 =	sadd.s32 s7, s11  }
0x2a: {  	(xrf0) =	vadd.scan.msk.s32 $0xffff, v3;
	v2, _, _ =	vpop (xrf0)  }
0x2b: {  	(v2sf) =	vpush v2, $0xF  }
0x2c: {  	_ =	sdelay $0x1  }
0x2d: {  	vm0 =	vgt.f32 v1, $0.0e+00  }
0x2e: {  	s8 =	simm.s32 $0x0;
	v0 =	vsel vm0, $0x1, v0  }
0x2f: {  	s11 =	simm.s32 $0x10;
	s9 =	sand.u32 $0x70, s8;
	s10 =	sand.u32 $0x3C00, s8;
	(xrf0) =	vadd.scan.msk.s32 $0xffff, v0  }
0x30: {  	s17 =	simm.s32 $0x80;
	s12 =	simm.s32 $0x20;
	s9 =	sor.u32 s9, s10  }
0x31: {  	s13 =	simm.s32 $0x100;
	s16 =	sand.u32 $0x70, s11;
	s11 =	sand.u32 $0x3C00, s17;
	v1 =	vld [tilespmem:s9+$0x80]  }
0x32: {  	s19 =	sand.u32 $0x70, s12;
	s20 =	sand.u32 $0x3C00, s13;
	s18 =	sor.u32 s16, s11  }
0x33: {  	s21 =	sor.u32 s19, s20;
	v2 =	vld [tilespmem:s18+$0x80]  }
0x34: {  	v3 =	vld [tilespmem:s21+$0x80];
	v0, _, _ =	vpop (xrf0)  }
0x35: {  	(v2sf) =	vpush v0, $0xF;
	v0, _, _ =	vpop (xrf0)  }
0x36: {  	vm12 =	vgt.f32 v1, $0.0e+00;
	(v2sf) =	vpush v0, $0xF;
	v0 =	vimm.s32 $0x0  }
0x37: {  	v1 =	vsel vm12, $0x1, v0  }
0x38: {  	vm13 =	vgt.f32 v2, $0.0e+00;
	(xrf0) =	vadd.scan.msk.s32 $0xffff, v1  }
0x39: {  	s22 =	simm.s32 $0x30;
	s23 =	simm.s32 $0x180;
	vm14 =	vgt.f32 v3, $0.0e+00;
	v1 =	vsel vm13, $0x1, v0  }
0x3a: {  	s10 =	sand.u32 $0x3C00, s23;
	s9 =	sand.u32 $0x70, s22;
	(xrf0) =	vadd.scan.msk.s32 $0xffff, v1;
	v1 =	vsel vm14, $0x1, v0  }
0x3b: {  	s9 =	sor.u32 s9, s10;
	(xrf0) =	vadd.scan.msk.s32 $0xffff, v1  }
0x3c: {  	v2 =	vld [tilespmem:s9+$0x80];
	_ =	sdelay $0x1  }
0x3d: {  	v1, _, _ =	vpop (xrf0)  }
0x3e: {  	s24 =	spop (v2sf);
	(v2sf) =	vpush v1, $0xF  }
0x3f: {  	v1, _, _ =	vpop (xrf0)  }
0x40: {  	s25 =	spop (v2sf);
	vm15 =	vgt.f32 v2, $0.0e+00;
	(v2sf) =	vpush v1, $0xF;
	v2, _, _ =	vpop (xrf0)  }
0x41: {  	s26 =	spop (v2sf);
	(v2sf) =	vpush v2, $0xF;
	_ =	sdelay $0x3  }
0x42: {  	s28 =	simm.s32 $0x40;
	s9 =	simm.s32 $0x200  }
0x43: {  	s7 =	sadd.s32 s7, s24;
	s10 =	sand.u32 $0x70, s28;
	s30 =	sand.u32 $0x3C00, s9  }
0x44: {  	s7 =	sadd.s32 s7, s25;
	s12 =	sor.u32 s10, s30;
	v1 =	vsel vm15, $0x1, v0  }
0x45: {  	s7 =	sadd.s32 s7, s26;
	s29 =	spop (v2sf);
	(xrf0) =	vadd.scan.msk.s32 $0xffff, v1;
	v1 =	vld [tilespmem:s12+$0x80]  }
0x46: {  	s7 =	sadd.s32 s7, s29;
	s31 =	spop (v2sf)  }
0x47: {  	s10 =	simm.s32 $0x50;
	s7 =	sadd.s32 s7, s31  }
.LBB2_4:
0x48: {  	s11 =	sand.u32 $0x70, s10;
	s9 =	sadd.s32 $0x80, s9;
	p0 =	sne.s32 s10, $0x7F0  }
.Ltmp2:
0x49: {  	s10 =	sadd.s32 $0x10, s10;
	s12 =	sand.u32 $0x3C00, s9;
	(pc) =	sbr.rel @p0 .LBB2_4-.Ltmp2, $4  }
0x4a: {  	s11 =	sor.u32 s11, s12;
	vm0 =	vgt.f32 v1, $0.0e+00;
	s12 =	spop (v2sf)  }
0x4b: {  	v1 =	vld [tilespmem:s11+$0x80];
	v3 =	vsel vm0, $0x1, v0;
	s8 =	sadd.s32 s8, s12  }
0x4c: {  	(xrf0) =	vadd.scan.msk.s32 $0xffff, v3;
	v2, _, _ =	vpop (xrf0)  }
0x4d: {  	(v2sf) =	vpush v2, $0xF  }
0x4e: {  	_ =	sdelay $0x1  }
0x4f: {  	vm0 =	vgt.f32 v1, $0.0e+00  }
0x50: {  	s10 =	simm.s32 $0x0;
	v0 =	vsel vm0, $0x1, v0  }
0x51: {  	s12 =	simm.s32 $0x10;
	s9 =	sand.u32 $0x70, s10;
	s11 =	sand.u32 $0x3C00, s10;
	(xrf0) =	vadd.scan.msk.s32 $0xffff, v0  }
0x52: {  	s17 =	simm.s32 $0x80;
	s13 =	simm.s32 $0x20;
	s9 =	sor.u32 s9, s11  }
0x53: {  	s14 =	simm.s32 $0x100;
	s16 =	sand.u32 $0x70, s12;
	s12 =	sand.u32 $0x3C00, s17;
	v1 =	vld [tilespmem:s9+$0x100]  }
0x54: {  	s19 =	sand.u32 $0x70, s13;
	s20 =	sand.u32 $0x3C00, s14;
	s18 =	sor.u32 s16, s12  }
0x55: {  	s21 =	sor.u32 s19, s20;
	v2 =	vld [tilespmem:s18+$0x100]  }
0x56: {  	v3 =	vld [tilespmem:s21+$0x100];
	v0, _, _ =	vpop (xrf0)  }
0x57: {  	(v2sf) =	vpush v0, $0xF;
	v0, _, _ =	vpop (xrf0)  }
0x58: {  	vm12 =	vgt.f32 v1, $0.0e+00;
	(v2sf) =	vpush v0, $0xF;
	v0 =	vimm.s32 $0x0  }
0x59: {  	v1 =	vsel vm12, $0x1, v0  }
0x5a: {  	vm13 =	vgt.f32 v2, $0.0e+00;
	(xrf0) =	vadd.scan.msk.s32 $0xffff, v1  }
0x5b: {  	s22 =	simm.s32 $0x30;
	s23 =	simm.s32 $0x180;
	vm14 =	vgt.f32 v3, $0.0e+00;
	v1 =	vsel vm13, $0x1, v0  }
0x5c: {  	s11 =	sand.u32 $0x3C00, s23;
	s9 =	sand.u32 $0x70, s22;
	(xrf0) =	vadd.scan.msk.s32 $0xffff, v1;
	v1 =	vsel vm14, $0x1, v0  }
0x5d: {  	s9 =	sor.u32 s9, s11;
	(xrf0) =	vadd.scan.msk.s32 $0xffff, v1  }
0x5e: {  	v2 =	vld [tilespmem:s9+$0x100];
	_ =	sdelay $0x1  }
0x5f: {  	v1, _, _ =	vpop (xrf0)  }
0x60: {  	s24 =	spop (v2sf);
	(v2sf) =	vpush v1, $0xF  }
0x61: {  	v1, _, _ =	vpop (xrf0)  }
0x62: {  	s25 =	spop (v2sf);
	vm15 =	vgt.f32 v2, $0.0e+00;
	(v2sf) =	vpush v1, $0xF;
	v2, _, _ =	vpop (xrf0)  }
0x63: {  	s26 =	spop (v2sf);
	(v2sf) =	vpush v2, $0xF;
	_ =	sdelay $0x1  }
0x64: {  	s8 =	sadd.s32 s8, s24  }
0x65: {  	s8 =	sadd.s32 s8, s25  }
0x66: {  	s28 =	simm.s32 $0x40;
	s9 =	sadd.s32 s8, s26;
	s8 =	simm.s32 $0x200  }
0x67: {  	s11 =	sand.u32 $0x70, s28;
	s30 =	sand.u32 $0x3C00, s8  }
0x68: {  	s13 =	sor.u32 s11, s30;
	v1 =	vsel vm15, $0x1, v0  }
0x69: {  	s29 =	spop (v2sf);
	(xrf0) =	vadd.scan.msk.s32 $0xffff, v1;
	v1 =	vld [tilespmem:s13+$0x100]  }
0x6a: {  	s9 =	sadd.s32 s9, s29;
	s31 =	spop (v2sf)  }
0x6b: {  	s11 =	simm.s32 $0x50;
	s9 =	sadd.s32 s9, s31  }
.LBB2_6:
0x6c: {  	s12 =	sand.u32 $0x70, s11;
	s8 =	sadd.s32 $0x80, s8;
	p0 =	sne.s32 s11, $0x7F0  }
.Ltmp3:
0x6d: {  	s11 =	sadd.s32 $0x10, s11;
	s13 =	sand.u32 $0x3C00, s8;
	(pc) =	sbr.rel @p0 .LBB2_6-.Ltmp3, $4  }
0x6e: {  	s12 =	sor.u32 s12, s13;
	vm0 =	vgt.f32 v1, $0.0e+00;
	s13 =	spop (v2sf)  }
0x6f: {  	v1 =	vld [tilespmem:s12+$0x100];
	v3 =	vsel vm0, $0x1, v0;
	s10 =	sadd.s32 s10, s13  }
0x70: {  	(xrf0) =	vadd.scan.msk.s32 $0xffff, v3;
	v2, _, _ =	vpop (xrf0)  }
0x71: {  	(v2sf) =	vpush v2, $0xF  }
0x72: {  	_ =	sdelay $0x1  }
0x73: {  	vm0 =	vgt.f32 v1, $0.0e+00  }
0x74: {  	s8 =	simm.s32 $0x0;
	v0 =	vsel vm0, $0x1, v0  }
0x75: {  	s13 =	simm.s32 $0x10;
	s11 =	sand.u32 $0x70, s8;
	s12 =	sand.u32 $0x3C00, s8;
	(xrf0) =	vadd.scan.msk.s32 $0xffff, v0  }
0x76: {  	s17 =	simm.s32 $0x80;
	s14 =	simm.s32 $0x20;
	s11 =	sor.u32 s11, s12  }
0x77: {  	s15 =	simm.s32 $0x100;
	s16 =	sand.u32 $0x70, s13;
	s13 =	sand.u32 $0x3C00, s17;
	v1 =	vld [tilespmem:s11+$0x180]  }
0x78: {  	s19 =	sand.u32 $0x70, s14;
	s20 =	sand.u32 $0x3C00, s15;
	s18 =	sor.u32 s16, s13  }
0x79: {  	s21 =	sor.u32 s19, s20;
	v2 =	vld [tilespmem:s18+$0x180]  }
0x7a: {  	v3 =	vld [tilespmem:s21+$0x180];
	v0, _, _ =	vpop (xrf0)  }
0x7b: {  	(v2sf) =	vpush v0, $0xF;
	v0, _, _ =	vpop (xrf0)  }
0x7c: {  	vm12 =	vgt.f32 v1, $0.0e+00;
	(v2sf) =	vpush v0, $0xF;
	v0 =	vimm.s32 $0x0  }
0x7d: {  	v1 =	vsel vm12, $0x1, v0  }
0x7e: {  	vm13 =	vgt.f32 v2, $0.0e+00;
	(xrf0) =	vadd.scan.msk.s32 $0xffff, v1  }
0x7f: {  	s22 =	simm.s32 $0x30;
	s23 =	simm.s32 $0x180;
	vm14 =	vgt.f32 v3, $0.0e+00;
	v1 =	vsel vm13, $0x1, v0  }
0x80: {  	s12 =	sand.u32 $0x3C00, s23;
	s11 =	sand.u32 $0x70, s22;
	(xrf0) =	vadd.scan.msk.s32 $0xffff, v1;
	v1 =	vsel vm14, $0x1, v0  }
0x81: {  	s11 =	sor.u32 s11, s12;
	(xrf0) =	vadd.scan.msk.s32 $0xffff, v1  }
0x82: {  	v2 =	vld [tilespmem:s11+$0x180];
	_ =	sdelay $0x1  }
0x83: {  	v1, _, _ =	vpop (xrf0)  }
0x84: {  	s24 =	spop (v2sf);
	(v2sf) =	vpush v1, $0xF  }
0x85: {  	v1, _, _ =	vpop (xrf0)  }
0x86: {  	s25 =	spop (v2sf);
	vm15 =	vgt.f32 v2, $0.0e+00;
	(v2sf) =	vpush v1, $0xF;
	v2, _, _ =	vpop (xrf0)  }
0x87: {  	s26 =	spop (v2sf);
	(v2sf) =	vpush v2, $0xF;
	_ =	sdelay $0x3  }
0x88: {  	s28 =	simm.s32 $0x40;
	s11 =	simm.s32 $0x200  }
0x89: {  	s10 =	sadd.s32 s10, s24;
	s12 =	sand.u32 $0x70, s28;
	s30 =	sand.u32 $0x3C00, s11  }
0x8a: {  	s10 =	sadd.s32 s10, s25;
	s14 =	sor.u32 s12, s30;
	v1 =	vsel vm15, $0x1, v0  }
0x8b: {  	s10 =	sadd.s32 s10, s26;
	s29 =	spop (v2sf);
	(xrf0) =	vadd.scan.msk.s32 $0xffff, v1;
	v1 =	vld [tilespmem:s14+$0x180]  }
0x8c: {  	s10 =	sadd.s32 s10, s29;
	s31 =	spop (v2sf)  }
0x8d: {  	s12 =	simm.s32 $0x50;
	s10 =	sadd.s32 s10, s31  }
.LBB2_8:
0x8e: {  	s13 =	sand.u32 $0x70, s12;
	s11 =	sadd.s32 $0x80, s11;
	p0 =	sne.s32 s12, $0x7F0  }
.Ltmp4:
0x8f: {  	s12 =	sadd.s32 $0x10, s12;
	s14 =	sand.u32 $0x3C00, s11;
	(pc) =	sbr.rel @p0 .LBB2_8-.Ltmp4, $4  }
0x90: {  	s13 =	sor.u32 s13, s14;
	vm0 =	vgt.f32 v1, $0.0e+00;
	s14 =	spop (v2sf)  }
0x91: {  	v1 =	vld [tilespmem:s13+$0x180];
	v3 =	vsel vm0, $0x1, v0;
	s8 =	sadd.s32 s8, s14  }
0x92: {  	(xrf0) =	vadd.scan.msk.s32 $0xffff, v3;
	v2, _, _ =	vpop (xrf0)  }
0x93: {  	(v2sf) =	vpush v2, $0xF  }
0x94: {  	_ =	sdelay $0x1  }
0x95: {  	vm0 =	vgt.f32 v1, $0.0e+00  }
0x96: {  	s11 =	simm.s32 $0x0;
	v0 =	vsel vm0, $0x1, v0  }
0x97: {  	s14 =	simm.s32 $0x10;
	s12 =	sand.u32 $0x70, s11;
	s13 =	sand.u32 $0x3C00, s11;
	(xrf0) =	vadd.scan.msk.s32 $0xffff, v0  }
0x98: {  	s17 =	simm.s32 $0x80;
	s15 =	simm.s32 $0x20;
	s12 =	sor.u32 s12, s13  }
0x99: {  	s16 =	simm.s32 $0x100;
	s0 =	sand.u32 $0x70, s14;
	s14 =	sand.u32 $0x3C00, s17;
	v1 =	vld [tilespmem:s12+$0x200]  }
0x9a: {  	s19 =	sand.u32 $0x70, s15;
	s20 =	sand.u32 $0x3C00, s16;
	s18 =	sor.u32 s0, s14  }
0x9b: {  	s21 =	sor.u32 s19, s20;
	v2 =	vld [tilespmem:s18+$0x200]  }
0x9c: {  	v3 =	vld [tilespmem:s21+$0x200];
	v0, _, _ =	vpop (xrf0)  }
0x9d: {  	(v2sf) =	vpush v0, $0xF;
	v0, _, _ =	vpop (xrf0)  }
0x9e: {  	vm12 =	vgt.f32 v1, $0.0e+00;
	(v2sf) =	vpush v0, $0xF;
	v0 =	vimm.s32 $0x0  }
0x9f: {  	v1 =	vsel vm12, $0x1, v0  }
0xa0: {  	vm13 =	vgt.f32 v2, $0.0e+00;
	(xrf0) =	vadd.scan.msk.s32 $0xffff, v1  }
0xa1: {  	s22 =	simm.s32 $0x30;
	s23 =	simm.s32 $0x180;
	vm14 =	vgt.f32 v3, $0.0e+00;
	v1 =	vsel vm13, $0x1, v0  }
0xa2: {  	s13 =	sand.u32 $0x3C00, s23;
	s12 =	sand.u32 $0x70, s22;
	(xrf0) =	vadd.scan.msk.s32 $0xffff, v1;
	v1 =	vsel vm14, $0x1, v0  }
0xa3: {  	s12 =	sor.u32 s12, s13;
	(xrf0) =	vadd.scan.msk.s32 $0xffff, v1  }
0xa4: {  	v2 =	vld [tilespmem:s12+$0x200];
	_ =	sdelay $0x1  }
0xa5: {  	v1, _, _ =	vpop (xrf0)  }
0xa6: {  	s24 =	spop (v2sf);
	(v2sf) =	vpush v1, $0xF  }
0xa7: {  	v1, _, _ =	vpop (xrf0)  }
0xa8: {  	s25 =	spop (v2sf);
	vm15 =	vgt.f32 v2, $0.0e+00;
	(v2sf) =	vpush v1, $0xF;
	v2, _, _ =	vpop (xrf0)  }
0xa9: {  	s26 =	spop (v2sf);
	(v2sf) =	vpush v2, $0xF;
	_ =	sdelay $0x1  }
0xaa: {  	s8 =	sadd.s32 s8, s24  }
0xab: {  	s8 =	sadd.s32 s8, s25  }
0xac: {  	s28 =	simm.s32 $0x40;
	s12 =	sadd.s32 s8, s26;
	s8 =	simm.s32 $0x200  }
0xad: {  	s13 =	sand.u32 $0x70, s28;
	s30 =	sand.u32 $0x3C00, s8  }
0xae: {  	s15 =	sor.u32 s13, s30;
	v1 =	vsel vm15, $0x1, v0  }
0xaf: {  	s29 =	spop (v2sf);
	(xrf0) =	vadd.scan.msk.s32 $0xffff, v1;
	v1 =	vld [tilespmem:s15+$0x200]  }
0xb0: {  	s12 =	sadd.s32 s12, s29;
	s31 =	spop (v2sf)  }
0xb1: {  	s13 =	simm.s32 $0x50;
	s12 =	sadd.s32 s12, s31  }
.LBB2_10:
0xb2: {  	s14 =	sand.u32 $0x70, s13;
	s8 =	sadd.s32 $0x80, s8;
	p0 =	sne.s32 s13, $0x7F0  }
.Ltmp5:
0xb3: {  	s13 =	sadd.s32 $0x10, s13;
	s15 =	sand.u32 $0x3C00, s8;
	(pc) =	sbr.rel @p0 .LBB2_10-.Ltmp5, $4  }
0xb4: {  	s14 =	sor.u32 s14, s15;
	vm0 =	vgt.f32 v1, $0.0e+00;
	s15 =	spop (v2sf)  }
0xb5: {  	v1 =	vld [tilespmem:s14+$0x200];
	v3 =	vsel vm0, $0x1, v0;
	s11 =	sadd.s32 s11, s15  }
0xb6: {  	(xrf0) =	vadd.scan.msk.s32 $0xffff, v3;
	v2, _, _ =	vpop (xrf0)  }
0xb7: {  	(v2sf) =	vpush v2, $0xF  }
0xb8: {  	_ =	sdelay $0x1  }
0xb9: {  	vm0 =	vgt.f32 v1, $0.0e+00  }
0xba: {  	s14 =	simm.s32 $0x0;
	v0 =	vsel vm0, $0x1, v0  }
0xbb: {  	s15 =	simm.s32 $0x10;
	s8 =	sand.u32 $0x70, s14;
	s13 =	sand.u32 $0x3C00, s14;
	(xrf0) =	vadd.scan.msk.s32 $0xffff, v0  }
0xbc: {  	s17 =	simm.s32 $0x80;
	s16 =	simm.s32 $0x20;
	s8 =	sor.u32 s8, s13  }
0xbd: {  	s0 =	sand.u32 $0x70, s15;
	s15 =	sand.u32 $0x3C00, s17;
	s17 =	simm.s32 $0x100;
	v1 =	vld [tilespmem:s8+$0x280]  }
0xbe: {  	s19 =	sand.u32 $0x70, s16;
	s18 =	sor.u32 s0, s15;
	s20 =	sand.u32 $0x3C00, s17  }
0xbf: {  	v2 =	vld [tilespmem:s18+$0x280];
	s21 =	sor.u32 s19, s20  }
0xc0: {  	v3 =	vld [tilespmem:s21+$0x280];
	v0, _, _ =	vpop (xrf0)  }
0xc1: {  	(v2sf) =	vpush v0, $0xF;
	v0, _, _ =	vpop (xrf0)  }
0xc2: {  	vm12 =	vgt.f32 v1, $0.0e+00;
	(v2sf) =	vpush v0, $0xF;
	v0 =	vimm.s32 $0x0  }
0xc3: {  	v1 =	vsel vm12, $0x1, v0  }
0xc4: {  	vm13 =	vgt.f32 v2, $0.0e+00;
	(xrf0) =	vadd.scan.msk.s32 $0xffff, v1  }
0xc5: {  	s22 =	simm.s32 $0x30;
	s23 =	simm.s32 $0x180;
	vm14 =	vgt.f32 v3, $0.0e+00;
	v1 =	vsel vm13, $0x1, v0  }
0xc6: {  	s13 =	sand.u32 $0x3C00, s23;
	s8 =	sand.u32 $0x70, s22;
	(xrf0) =	vadd.scan.msk.s32 $0xffff, v1;
	v1 =	vsel vm14, $0x1, v0  }
0xc7: {  	s8 =	sor.u32 s8, s13;
	(xrf0) =	vadd.scan.msk.s32 $0xffff, v1  }
0xc8: {  	v2 =	vld [tilespmem:s8+$0x280];
	_ =	sdelay $0x1  }
0xc9: {  	v1, _, _ =	vpop (xrf0)  }
0xca: {  	s24 =	spop (v2sf);
	(v2sf) =	vpush v1, $0xF  }
0xcb: {  	v1, _, _ =	vpop (xrf0)  }
0xcc: {  	s25 =	spop (v2sf);
	vm15 =	vgt.f32 v2, $0.0e+00;
	(v2sf) =	vpush v1, $0xF;
	v2, _, _ =	vpop (xrf0)  }
0xcd: {  	s26 =	spop (v2sf);
	(v2sf) =	vpush v2, $0xF;
	_ =	sdelay $0x1  }
0xce: {  	s8 =	sadd.s32 s11, s24  }
0xcf: {  	s8 =	sadd.s32 s8, s25  }
0xd0: {  	s28 =	simm.s32 $0x40;
	s11 =	sadd.s32 s8, s26;
	s8 =	simm.s32 $0x200  }
0xd1: {  	s13 =	sand.u32 $0x70, s28;
	s30 =	sand.u32 $0x3C00, s8  }
0xd2: {  	s16 =	sor.u32 s13, s30;
	v1 =	vsel vm15, $0x1, v0  }
0xd3: {  	s29 =	spop (v2sf);
	(xrf0) =	vadd.scan.msk.s32 $0xffff, v1;
	v1 =	vld [tilespmem:s16+$0x280]  }
0xd4: {  	s11 =	sadd.s32 s11, s29;
	s31 =	spop (v2sf)  }
0xd5: {  	s13 =	sadd.s32 s11, s31;
	s11 =	simm.s32 $0x50  }
.LBB2_12:
0xd6: {  	s15 =	sand.u32 $0x70, s11;
	s8 =	sadd.s32 $0x80, s8;
	p0 =	sne.s32 s11, $0x7F0  }
.Ltmp6:
0xd7: {  	s11 =	sadd.s32 $0x10, s11;
	s16 =	sand.u32 $0x3C00, s8;
	(pc) =	sbr.rel @p0 .LBB2_12-.Ltmp6, $4  }
0xd8: {  	s15 =	sor.u32 s15, s16;
	vm0 =	vgt.f32 v1, $0.0e+00;
	s16 =	spop (v2sf)  }
0xd9: {  	v1 =	vld [tilespmem:s15+$0x280];
	v3 =	vsel vm0, $0x1, v0;
	s14 =	sadd.s32 s14, s16  }
0xda: {  	(xrf0) =	vadd.scan.msk.s32 $0xffff, v3;
	v2, _, _ =	vpop (xrf0)  }
0xdb: {  	(v2sf) =	vpush v2, $0xF  }
0xdc: {  	_ =	sdelay $0x1  }
0xdd: {  	vm0 =	vgt.f32 v1, $0.0e+00  }
0xde: {  	s8 =	simm.s32 $0x0;
	v0 =	vsel vm0, $0x1, v0  }
0xdf: {  	s16 =	simm.s32 $0x10;
	s11 =	sand.u32 $0x70, s8;
	s15 =	sand.u32 $0x3C00, s8;
	(xrf0) =	vadd.scan.msk.s32 $0xffff, v0  }
0xe0: {  	s0 =	simm.s32 $0x80;
	s17 =	simm.s32 $0x20;
	s11 =	sor.u32 s11, s15  }
0xe1: {  	s18 =	simm.s32 $0x100;
	s31 =	sand.u32 $0x70, s16;
	s16 =	sand.u32 $0x3C00, s0;
	v1 =	vld [tilespmem:s11+$0x300]  }
0xe2: {  	s19 =	sand.u32 $0x70, s17;
	s20 =	sand.u32 $0x3C00, s18;
	s16 =	sor.u32 s31, s16  }
0xe3: {  	s21 =	sor.u32 s19, s20;
	v2 =	vld [tilespmem:s16+$0x300]  }
0xe4: {  	v3 =	vld [tilespmem:s21+$0x300];
	v0, _, _ =	vpop (xrf0)  }
0xe5: {  	(v2sf) =	vpush v0, $0xF;
	v0, _, _ =	vpop (xrf0)  }
0xe6: {  	vm12 =	vgt.f32 v1, $0.0e+00;
	(v2sf) =	vpush v0, $0xF;
	v0 =	vimm.s32 $0x0  }
0xe7: {  	v1 =	vsel vm12, $0x1, v0  }
0xe8: {  	vm13 =	vgt.f32 v2, $0.0e+00;
	(xrf0) =	vadd.scan.msk.s32 $0xffff, v1  }
0xe9: {  	s22 =	simm.s32 $0x30;
	s23 =	simm.s32 $0x180;
	vm14 =	vgt.f32 v3, $0.0e+00;
	v1 =	vsel vm13, $0x1, v0  }
0xea: {  	s15 =	sand.u32 $0x3C00, s23;
	s11 =	sand.u32 $0x70, s22;
	(xrf0) =	vadd.scan.msk.s32 $0xffff, v1;
	v1 =	vsel vm14, $0x1, v0  }
0xeb: {  	s11 =	sor.u32 s11, s15;
	(xrf0) =	vadd.scan.msk.s32 $0xffff, v1  }
0xec: {  	v2 =	vld [tilespmem:s11+$0x300];
	_ =	sdelay $0x1  }
0xed: {  	v1, _, _ =	vpop (xrf0)  }
0xee: {  	s24 =	spop (v2sf);
	(v2sf) =	vpush v1, $0xF  }
0xef: {  	v1, _, _ =	vpop (xrf0)  }
0xf0: {  	s25 =	spop (v2sf);
	vm15 =	vgt.f32 v2, $0.0e+00;
	(v2sf) =	vpush v1, $0xF;
	v2, _, _ =	vpop (xrf0)  }
0xf1: {  	s26 =	spop (v2sf);
	(v2sf) =	vpush v2, $0xF;
	_ =	sdelay $0x1  }
0xf2: {  	s11 =	sadd.s32 s14, s24  }
0xf3: {  	s11 =	sadd.s32 s11, s25  }
0xf4: {  	s28 =	simm.s32 $0x40;
	s14 =	sadd.s32 s11, s26;
	s11 =	simm.s32 $0x200  }
0xf5: {  	s15 =	sand.u32 $0x70, s28;
	s30 =	sand.u32 $0x3C00, s11  }
0xf6: {  	s15 =	sor.u32 s15, s30;
	v1 =	vsel vm15, $0x1, v0  }
0xf7: {  	s29 =	spop (v2sf);
	(xrf0) =	vadd.scan.msk.s32 $0xffff, v1;
	v1 =	vld [tilespmem:s15+$0x300]  }
0xf8: {  	s14 =	sadd.s32 s14, s29;
	s31 =	spop (v2sf)  }
0xf9: {  	s16 =	sadd.s32 s14, s31;
	s14 =	simm.s32 $0x50  }
.LBB2_14:
0xfa: {  	s15 =	sand.u32 $0x70, s14;
	s11 =	sadd.s32 $0x80, s11;
	p0 =	sne.s32 s14, $0x7F0  }
.Ltmp7:
0xfb: {  	s14 =	sadd.s32 $0x10, s14;
	s17 =	sand.u32 $0x3C00, s11;
	(pc) =	sbr.rel @p0 .LBB2_14-.Ltmp7, $4  }
0xfc: {  	s15 =	sor.u32 s15, s17;
	vm0 =	vgt.f32 v1, $0.0e+00;
	s17 =	spop (v2sf)  }
0xfd: {  	v1 =	vld [tilespmem:s15+$0x300];
	v3 =	vsel vm0, $0x1, v0;
	s8 =	sadd.s32 s8, s17  }
0xfe: {  	(xrf0) =	vadd.scan.msk.s32 $0xffff, v3;
	v2, _, _ =	vpop (xrf0)  }
0xff: {  	(v2sf) =	vpush v2, $0xF  }
0x100: {  	_ = 	snop  }
0x101: {  	s11 =	simm.s32 $0x0  }
0x102: {  	s14 =	sand.u32 $0x7, s11;
	vm0 =	vgt.f32 v1, $0.0e+00  }
0x103: {  	s15 =	simm.s32 $0x1;
	s14 =	sshll.u32 s14, $0x4;
	v0 =	vsel vm0, $0x1, v0  }
0x104: {  	s15 =	sand.u32 $0x7, s15;
	s14 =	sadd.s32 $0x0, s14;
	(xrf0) =	vadd.scan.msk.s32 $0xffff, v0  }
0x105: {  	s17 =	simm.s32 $0x2;
	s15 =	sshll.u32 s15, $0x4;
	s14 =	sor.u32 $0x380, s14  }
0x106: {  	s17 =	sand.u32 $0x7, s17;
	s15 =	sadd.s32 $0x80, s15;
	v1 =	vld [tilespmem:s14+$0x0]  }
0x107: {  	s17 =	sshll.u32 s17, $0x4;
	s20 =	sor.u32 $0x380, s15  }
0x108: {  	s21 =	sadd.s32 $0x100, s17;
	v2 =	vld [tilespmem:s20+$0x0]  }
0x109: {  	s22 =	sor.u32 $0x380, s21;
	v0, _, _ =	vpop (xrf0)  }
0x10a: {  	v3 =	vld [tilespmem:s22+$0x0];
	(v2sf) =	vpush v0, $0xF;
	v0, _, _ =	vpop (xrf0)  }
0x10b: {  	s23 =	simm.s32 $0x3;
	vm12 =	vgt.f32 v1, $0.0e+00;
	(v2sf) =	vpush v0, $0xF;
	v0 =	vimm.s32 $0x0  }
0x10c: {  	s14 =	sand.u32 $0x7, s23;
	v1 =	vsel vm12, $0x1, v0  }
0x10d: {  	s14 =	sshll.u32 s14, $0x4;
	vm13 =	vgt.f32 v2, $0.0e+00;
	(xrf0) =	vadd.scan.msk.s32 $0xffff, v1  }
0x10e: {  	s14 =	sadd.s32 $0x180, s14;
	v1 =	vsel vm13, $0x1, v0  }
0x10f: {  	s14 =	sor.u32 $0x380, s14;
	vm14 =	vgt.f32 v3, $0.0e+00;
	(xrf0) =	vadd.scan.msk.s32 $0xffff, v1  }
0x110: {  	v2 =	vsel vm14, $0x1, v0;
	v1 =	vld [tilespmem:s14+$0x0];
	_ =	sdelay $0x2  }
0x111: {  	(xrf0) =	vadd.scan.msk.s32 $0xffff, v2;
	v2, _, _ =	vpop (xrf0)  }
0x112: {  	s24 =	spop (v2sf);
	(v2sf) =	vpush v2, $0xF  }
0x113: {  	vm15 =	vgt.f32 v1, $0.0e+00;
	v1, _, _ =	vpop (xrf0)  }
0x114: {  	s25 =	spop (v2sf);
	(v2sf) =	vpush v1, $0xF;
	_ =	sdelay $0x2  }
0x115: {  	s26 =	simm.s32 $0x4  }
0x116: {  	s14 =	sand.u32 $0x7, s26  }
0x117: {  	s8 =	sadd.s32 s8, s24;
	s14 =	sshll.u32 s14, $0x4  }
0x118: {  	s8 =	sadd.s32 s8, s25;
	s28 =	spop (v2sf);
	s14 =	sadd.s32 $0x200, s14;
	v2 =	vsel vm15, $0x1, v0  }
0x119: {  	s8 =	sadd.s32 s8, s28;
	s31 =	sor.u32 $0x380, s14;
	s29 =	spop (v2sf)  }
0x11a: {  	s15 =	simm.s32 $0x5;
	v1 =	vld [tilespmem:s31+$0x0];
	s8 =	sadd.s32 s8, s29;
	s30 =	spop (v2sf)  }
0x11b: {  	s14 =	simm.s32 $0x200;
	(xrf0) =	vadd.scan.msk.s32 $0xffff, v2;
	v2, _, _ =	vpop (xrf0);
	s19 =	sadd.s32 s8, s30;
	s8 =	simm.s32 $0x50  }
.LBB2_16:
0x11c: {  	s17 =	sand.u32 $0x7, s15;
	p0 =	sne.s32 s8, $0x7F0;
	s8 =	sadd.s32 $0x10, s8;
	(v2sf) =	vpush v2, $0xF  }
.Ltmp8:
0x11d: {  	s14 =	sadd.s32 $0x80, s14;
	s17 =	sshll.u32 s17, $0x4;
	(pc) =	sbr.rel @p0 .LBB2_16-.Ltmp8, $4  }
0x11e: {  	s17 =	sadd.s32 s17, s14  }
0x11f: {  	s17 =	sor.u32 $0x380, s17;
	vm0 =	vgt.f32 v1, $0.0e+00;
	s18 =	spop (v2sf)  }
0x120: {  	v1 =	vld [tilespmem:s17+$0x0];
	v3 =	vsel vm0, $0x1, v0;
	s11 =	sadd.s32 s11, s18  }
0x121: {  	s15 =	sadd.s32 $0x1, s15;
	(xrf0) =	vadd.scan.msk.s32 $0xffff, v3;
	v2, _, _ =	vpop (xrf0)  }
0x122: {  	_ =	sdelay $0x2  }
0x123: {  	vm0 =	vgt.f32 v1, $0.0e+00  }
0x124: {  	v0 =	vsel vm0, $0x1, v0  }
0x125: {  	(xrf0) =	vadd.scan.msk.s32 $0xffff, v0  }
0x126: {  	(v2sf) =	vpush v2, $0xF;
	v62, _, _ =	vpop (xrf0)  }
0x127: {  	(v2sf) =	vpush v62, $0xF;
	_ =	sdelay $0x3  }
0x128: {  	v63, _, _ =	vpop (xrf0)  }
0x129: {  	s8 =	spop (v2sf);
	s7 =	sadd.s32 $0x7F, s7;
	(v2sf) =	vpush v63, $0xF  }
0x12a: {  	s21 =	simm.s32 $0xFFFFFFFF;
	s9 =	sadd.s32 $0x7F, s9;
	s31 =	simm.s32 $0x1  }
0x12b: {  	s10 =	sadd.s32 $0x7F, s10;
	s25 =	sadd.s32 $0x7F, s12;
	s13 =	sadd.s32 $0x7F, s13  }
0x12c: {  	s8 =	sadd.s32 s11, s8;
	s17 =	sshra.s32 s7, $0x1F;
	p0 =	slt.s32 s7, $0x1  }
0x12d: {  	s20 =	sshra.s32 s9, $0x1F;
	s22 =	sand.u32 $0x7F, s9;
	p5 =	slt.s32 s9, $0x1  }
0x12e: {  	s23 =	sand.u32 $0x7F, s10;
	s12 =	sshra.s32 s25, $0x1F;
	p3 =	slt.s32 s25, $0x1  }
0x12f: {  	s29 =	sand.u32 $0x7F, s13;
	s11 =	sshrl.u32 s17, $0x19;
	p6 =	sne.s32 s22, $0x0  }
0x130: {  	s17 =	sshra.s32 s10, $0x1F;
	p2 =	sne.s32 s23, $0x0;
	s22 =	sand.u32 $0x7F, s25  }
0x131: {  	s23 =	sshrl.u32 s12, $0x19;
	s11 =	sadd.s32 s11, s7;
	s14 =	spop (v2sf)  }
0x132: {  	s24 =	sshrl.u32 s17, $0x19;
	s8 =	sadd.s32 s8, s14;
	s14 =	spop (v2sf)  }
0x133: {  	p4 =	sne.s32 s22, $0x0;
	s8 =	sadd.s32 s8, s14;
	s15 =	spop (v2sf)  }
0x134: {  	s28 =	sadd.s32 s23, s25;
	s8 =	sadd.s32 s8, s15;
	s15 =	sand.u32 $0x7F, s7  }
0x135: {  	s17 =	simm.s32 $0x1;
	s14 =	sshrl.u32 s20, $0x19;
	p1 =	sne.s32 s15, $0x0  }
0x136: {  	s9 =	sadd.s32 s14, s9;
	s14 =	simm.s32 $0x1;
	p0 =	por !p0, !p1  }
0x137: {  	s7 =	simm.s32 $0xFFFFFFFF;
	s15 =	simm.s32 $0x1;
	p0 =	por !p0, !p0  }
0x138: {  	p1 =	slt.s32 s10, $0x1;
	s7 =	simm.s32 @!p0 $0x0;
	s18 =	spop (v2sf)  }
0x139: {  	s26 =	sadd.s32 s8, s18;
	s8 =	sshra.s32 s11, $0x7;
	s11 =	simm.s32 $0x1  }
0x13a: {  	s11 =	simm.s32 @!p0 $0x0;
	p0 =	por !p5, !p6;
	p5 =	slt.s32 s13, $0x1  }
0x13b: {  	p6 =	sne.s32 s29, $0x0;
	s18 =	ssub.s32 s8, s11;
	p0 =	por !p0, !p0  }
0x13c: {  	s11 =	sshra.s32 s9, $0x7;
	s9 =	simm.s32 $0xFFFFFFFF;
	s14 =	simm.s32 @!p0 $0x0  }
0x13d: {  	s9 =	simm.s32 @!p0 $0x0;
	p0 =	por !p1, !p2;
	s20 =	ssub.s32 s11, s14  }
0x13e: {  	s14 =	sadd.s32 s24, s10;
	p0 =	por !p0, !p0;
	s10 =	simm.s32 $0xFFFFFFFF  }
0x13f: {  	p1 =	sgt.s32 s1, $0x4;
	s24 =	sshra.s32 s13, $0x1F;
	s10 =	simm.s32 @!p0 $0x0  }
0x140: {  	s15 =	simm.s32 @!p0 $0x0;
	s12 =	sshra.s32 s14, $0x7;
	p0 =	por !p3, !p4  }
0x141: {  	s14 =	simm.s32 $0xFFFFFFFF;
	s30 =	sshrl.u32 s24, $0x19;
	s24 =	simm.s32 $0x1  }
.Ltmp9:
0x142: {  	s22 =	ssub.s32 s12, s15;
	p0 =	por !p0, !p0;
	(pc) =	sbr.rel @p1 .LBB2_41-.Ltmp9, $4  }
0x143: {  	s14 =	simm.s32 @!p0 $0x0;
	s17 =	simm.s32 @!p0 $0x0;
	p0 =	por !p5, !p6  }
0x144: {  	s15 =	sshra.s32 s28, $0x7;
	s13 =	sadd.s32 s30, s13;
	p0 =	por !p0, !p0  }
0x145: {  	s23 =	ssub.s32 s15, s17;
	s17 =	sshra.s32 s13, $0x7;
	s24 =	simm.s32 @!p0 $0x0  }
0x146: {  	s25 =	sadd.s32 s18, s20;
	s13 =	simm.s32 $0x0;
	s24 =	ssub.s32 s17, s24  }
0x147: {  	p0 =	sgt.s32 s1, $0x1  }
.Ltmp10:
0x148: {  	_ = 	snop;
	(pc) =	sbr.rel @!p0 .LBB2_19-.Ltmp10, $1  }
0x149: {  	_ =	sdelay $0x3  }
0x14a: {  	p0 =	seq.s32 s1, $0x2  }
.Ltmp11:
0x14b: {  	_ = 	snop;
	(pc) =	sbr.rel @p0 .LBB2_28-.Ltmp11, $2  }
0x14c: {  	_ =	sdelay $0x2  }
0x14d: {  	v0 =	vimm.s32 $0x0;
	v1 =	vimm.f32 $0.0e+00  }
0x14e: {  	p0 =	seq.s32 s1, $0x3  }
.Ltmp12:
0x14f: {  	_ = 	snop;
	(pc) =	sbr.rel @!p0 .LBB2_81-.Ltmp12, $1  }
0x150: {  	_ =	sdelay $0x3  }
.LBB2_35:
0x151: {  	p0 =	seq.s32 s13, $0x2000  }
.Ltmp13:
0x152: {  	_ = 	snop;
	(pc) =	sbr.rel @!p0 .LBB2_35-.Ltmp13, $4  }
0x153: {  	_ = 	snop  }
0x154: {  	s0 =	sshra.s32 s13, $0x2  }
0x155: {  	[tilespmem:s0+$0x4000] =	vst v0  }
0x156: {  	s13 =	sadd.s32 $0x40, s13;
	[tilespmem:s0+$0x4880] =	vst v1  }
0x157: {  	s4 =	simm.s32 $0x0  }
0x158: {  	s0 =	sand.u32 $0x70, s4;
	s5 =	sand.u32 $0x3C00, s4  }
0x159: {  	s0 =	sor.u32 s0, s5  }
0x15a: {  	v2 =	vld [tilespmem:s0+$0x180];
	_ =	sdelay $0x4  }
0x15b: {  	v1 =	vimm.s32 $0x0;
	vm0 =	vgt.f32 v2, $0.0e+00  }
0x15c: {  	v3 =	vsel vm0, $0x1, v1  }
0x15d: {  	(xrf0) =	vadd.scan.msk.s32 $0xffff, v3;
	_ =	sdelay $0x4  }
0x15e: {  	v0 =	vlaneseq.u32  }
0x15f: {  	v3 =	vor.u32 s4, v0;
	v4, _, _ =	vpop (xrf0)  }
0x160: {  	s6 =	simm.s32 $0x80;
	s5 =	simm.s32 $0x10;
	[tilespmem:s4+$0x4000] =	vst.msk vm0, v3;
	(v2sf) =	vpush v4, $0xF  }
0x161: {  	s13 =	simm.s32 $0x20;
	s15 =	sand.u32 $0x3C00, s6;
	s14 =	sand.u32 $0x70, s5;
	[tilespmem:s4+$0x4880] =	vst.msk vm0, v2  }
.LBB2_37:
0x162: {  	p0 =	seq.s32 s13, $0x7F0;
	s0 =	sor.u32 s14, s15  }
0x163: {  	v2 =	vld [tilespmem:s0+$0x180];
	_ =	sdelay $0x4  }
0x164: {  	vm0 =	vgt.f32 v2, $0.0e+00  }
0x165: {  	v3 =	vsel vm0, $0x1, v1  }
0x166: {  	(xrf0) =	vadd.scan.msk.s32 $0xffff, v3;
	_ =	sdelay $0x3  }
.Ltmp14:
0x167: {  	(pc) =	sbr.rel @!p0 .LBB2_37-.Ltmp14, $4  }
0x168: {  	s0 =	spop (v2sf)  }
0x169: {  	v3 =	vor.u32 s5, v0;
	s5 =	smov.u32 s13;
	v4, _, _ =	vpop (xrf0);
	s4 =	sadd.s32 s4, s0  }
0x16a: {  	s6 =	sadd.s32 $0x80, s6;
	[tilespmem:s4+$0x4000] =	vst.msk vm0, v3;
	(v2sf) =	vpush v4, $0xF  }
0x16b: {  	s15 =	sand.u32 $0x3C00, s6;
	s13 =	sadd.s32 $0x10, s13;
	s14 =	sand.u32 $0x70, s5;
	[tilespmem:s4+$0x4880] =	vst.msk vm0, v2  }
0x16c: {  	s0 =	sor.u32 s14, s15  }
0x16d: {  	v2 =	vld [tilespmem:s0+$0x180];
	_ =	sdelay $0x4  }
0x16e: {  	vm0 =	vgt.f32 v2, $0.0e+00  }
0x16f: {  	v1 =	vsel vm0, $0x1, v1  }
0x170: {  	(xrf0) =	vadd.scan.msk.s32 $0xffff, v1;
	_ =	sdelay $0x5  }
0x171: {  	v1, _, _ =	vpop (xrf0)  }
0x172: {  	(v2sf) =	vpush v1, $0xF;
	_ =	sdelay $0x9  }
0x173: {  	p0 =	slt.s32 s23, $0x1  }
.Ltmp15:
0x174: {  	_ = 	snop;
	(pc) =	sbr.rel @p0 .LBB2_110-.Ltmp15, $4  }
0x175: {  	s30 =	spop (v2sf)  }
0x176: {  	v0 =	vor.u32 s5, v0;
	s0 =	sadd.s32 s4, s30  }
0x177: {  	[tilespmem:s0+$0x4000] =	vst.msk vm0, v0  }
0x178: {  	s13 =	rddreg [dreg:$0x2];
	[tilespmem:s0+$0x4880] =	vst.msk vm0, v2;
	s31 =	spop (v2sf)  }
0x179: {  	s0 =	sadd.s32 s8, s11  }
0x17a: {  	p1 =	seq.s32 s23, $0x1;
	s0 =	sadd.s32 s12, s0  }
.Ltmp16:
0x17b: {  	s0 =	sadd.s32 s9, s0;
	(pc) =	sbr.rel @p1 .LBB2_40-.Ltmp16, $4  }
0x17c: {  	s0 =	sadd.s32 s7, s0  }
0x17d: {  	s6 =	simm.s32 $0x4000;
	s5 =	simm.s32 $0x0;
	s0 =	sadd.s32 s10, s0  }
0x17e: {  	s4 =	simm.s32 $0x1;
	p0 =	por $0x0, $0x0;
	s9 =	sshll.u32 s0, $0x4  }
0x17f: {  	s7 =	simm.s32 $0x4880;
	s10 =	sadd.s32 $0xFFFFFFFF, s23;
	s8 =	sand.u32 $0x1FFFFFF0, s9  }
0x180: {  	s0 =	sadd.s32 s3, s8  }
0x181: {  	[hbm4b:s0+s5] =	stream.linear.scatter [tilespmem:s6], [sflag:$0x1], $0x80, $0x38;
	[tilespmem:$0x6180] =	vst v63  }
0x182: {  	p1 =	seq.s32 s10, $0x1;
	_ =	swait.ge [sflag:s4], $0x80  }
.Ltmp17:
0x183: {  	s31 =	sadd.s32 s2, s8;
	[sflag:s4] =	ssyncset.done $0x0;
	(pc) =	sbr.rel @p1 .LBB2_78-.Ltmp17, $4  }
0x184: {  	s9 =	sadd.s32 $0x10, s9;
	s11 =	sadd.s32 $0xFFFFFFFF, s10;
	[sflag:s4] =	ssyncadd.s32 $0xFFFFFF80  }
0x185: {  	[hbm4b:s31+s5] =	stream.linear.scatter [tilespmem:s7], [sflag:$0x1], $0x80, $0x38;
	[tilespmem:$0x6180] =	vst v63  }
0x186: {  	p0 =	por $0x1, $0x1;
	s10 =	simm.s32 $0x4000;
	_ =	swait.ge [sflag:s4], $0x80  }
0x187: {  	s8 =	sand.u32 $0x1FFFFFF0, s9;
	s7 =	simm.s32 $0x4900;
	[sflag:s4] =	ssyncset.done $0x0  }
.LBB2_79:
0x188: {  	s0 =	sadd.s32 s3, s8;
	[sflag:s4] =	ssyncadd.s32 $0xFFFFFF80;
	s10 =	sadd.s32 $0x80, s10  }
0x189: {  	[hbm4b:s0+s5] =	stream.linear.scatter [tilespmem:s10], [sflag:$0x1], $0x80, $0x38;
	[tilespmem:$0x6180] =	vst v63  }
0x18a: {  	p1 =	seq.s32 s11, $0x1;
	s11 =	sadd.s32 $0xFFFFFFFF, s11;
	_ =	swait.ge [sflag:s4], $0x80  }
.Ltmp18:
0x18b: {  	[sflag:s4] =	ssyncset.done $0x0;
	(pc) =	sbr.rel @!p1 .LBB2_79-.Ltmp18, $4  }
0x18c: {  	s0 =	sadd.s32 s2, s8;
	[sflag:s4] =	ssyncadd.s32 $0xFFFFFF80  }
0x18d: {  	[hbm4b:s0+s5] =	stream.linear.scatter [tilespmem:s7], [sflag:$0x1], $0x80, $0x38;
	[tilespmem:$0x6180] =	vst v63  }
0x18e: {  	s9 =	sadd.s32 $0x10, s9;
	_ =	swait.ge [sflag:s4], $0x80  }
0x18f: {  	s8 =	sand.u32 $0x1FFFFFF0, s9;
	s7 =	sadd.s32 $0x80, s7;
	[sflag:s4] =	ssyncset.done $0x0  }
.LBB2_80:
0x190: {  	s0 =	sadd.s32 @p0 $0x80, s10  }
0x191: {  	s3 =	sadd.s32 s3, s8;
	[sflag:s4] =	ssyncadd.s32 @p0 $0xFFFFFF80;
	s6 =	smov.u32 @p0 s0  }
0x192: {  	[hbm4b:s3+s5] =	stream.linear.scatter [tilespmem:s6], [sflag:$0x1], $0x80, $0x38;
	[tilespmem:$0x6180] =	vst v63  }
0x193: {  	_ =	swait.ge [sflag:s4], $0x80  }
0x194: {  	[sflag:s4] =	ssyncset.done $0x0  }
.Ltmp19:
0x195: {  	s31 =	sadd.s32 s2, s8;
	[sflag:s4] =	ssyncadd.s32 $0xFFFFFF80;
	(pc) =	sbr.rel .LBB2_110-.Ltmp19, $4  }
0x196: {  	[hbm4b:s31+s5] =	stream.linear.scatter [tilespmem:s7], [sflag:$0x1], $0x80, $0x38;
	[tilespmem:$0x6180] =	vst v63  }
0x197: {  	_ =	swait.ge [sflag:s4], $0x80  }
0x198: {  	[sflag:s4] =	ssyncset.done $0x0  }
0x199: {  	[sflag:s4] =	ssyncadd.s32 $0xFFFFFF80  }
.LBB2_28:
0x19a: {  	p0 =	seq.s32 s13, $0x2000  }
.Ltmp20:
0x19b: {  	_ = 	snop;
	(pc) =	sbr.rel @!p0 .LBB2_28-.Ltmp20, $4  }
0x19c: {  	_ = 	snop  }
0x19d: {  	s0 =	sshra.s32 s13, $0x2  }
0x19e: {  	[tilespmem:s0+$0x4000] =	vst v0  }
0x19f: {  	s13 =	sadd.s32 $0x40, s13;
	[tilespmem:s0+$0x4880] =	vst v1  }
0x1a0: {  	s4 =	simm.s32 $0x0  }
0x1a1: {  	s0 =	sand.u32 $0x70, s4;
	s5 =	sand.u32 $0x3C00, s4  }
0x1a2: {  	s0 =	sor.u32 s0, s5  }
0x1a3: {  	v2 =	vld [tilespmem:s0+$0x100];
	_ =	sdelay $0x4  }
0x1a4: {  	v1 =	vimm.s32 $0x0;
	vm0 =	vgt.f32 v2, $0.0e+00  }
0x1a5: {  	v3 =	vsel vm0, $0x1, v1  }
0x1a6: {  	(xrf0) =	vadd.scan.msk.s32 $0xffff, v3;
	_ =	sdelay $0x4  }
0x1a7: {  	v0 =	vlaneseq.u32  }
0x1a8: {  	v3 =	vor.u32 s4, v0;
	v4, _, _ =	vpop (xrf0)  }
0x1a9: {  	s6 =	simm.s32 $0x80;
	s7 =	simm.s32 $0x20;
	s5 =	simm.s32 $0x10;
	[tilespmem:s4+$0x4000] =	vst.msk vm0, v3;
	(v2sf) =	vpush v4, $0xF  }
0x1aa: {  	s13 =	rddreg [dreg:$0x2];
	s9 =	sand.u32 $0x3C00, s6;
	s8 =	sand.u32 $0x70, s5;
	[tilespmem:s4+$0x4880] =	vst.msk vm0, v2  }
.LBB2_30:
0x1ab: {  	p0 =	seq.s32 s7, $0x7F0;
	s0 =	sor.u32 s8, s9  }
0x1ac: {  	v2 =	vld [tilespmem:s0+$0x100];
	_ =	sdelay $0x4  }
0x1ad: {  	vm0 =	vgt.f32 v2, $0.0e+00  }
0x1ae: {  	v3 =	vsel vm0, $0x1, v1  }
0x1af: {  	(xrf0) =	vadd.scan.msk.s32 $0xffff, v3;
	_ =	sdelay $0x3  }
.Ltmp21:
0x1b0: {  	(pc) =	sbr.rel @!p0 .LBB2_30-.Ltmp21, $4  }
0x1b1: {  	s0 =	spop (v2sf)  }
0x1b2: {  	v3 =	vor.u32 s5, v0;
	s5 =	smov.u32 s7;
	v4, _, _ =	vpop (xrf0);
	s4 =	sadd.s32 s4, s0  }
0x1b3: {  	s6 =	sadd.s32 $0x80, s6;
	[tilespmem:s4+$0x4000] =	vst.msk vm0, v3;
	(v2sf) =	vpush v4, $0xF  }
0x1b4: {  	s9 =	sand.u32 $0x3C00, s6;
	s7 =	sadd.s32 $0x10, s7;
	s8 =	sand.u32 $0x70, s5;
	[tilespmem:s4+$0x4880] =	vst.msk vm0, v2  }
0x1b5: {  	s0 =	sor.u32 s8, s9  }
0x1b6: {  	v2 =	vld [tilespmem:s0+$0x100];
	_ =	sdelay $0x4  }
0x1b7: {  	vm0 =	vgt.f32 v2, $0.0e+00  }
0x1b8: {  	v1 =	vsel vm0, $0x1, v1  }
0x1b9: {  	(xrf0) =	vadd.scan.msk.s32 $0xffff, v1;
	_ =	sdelay $0x5  }
0x1ba: {  	v1, _, _ =	vpop (xrf0)  }
0x1bb: {  	(v2sf) =	vpush v1, $0xF;
	_ =	sdelay $0x9  }
0x1bc: {  	p0 =	slt.s32 s22, $0x1  }
.Ltmp22:
0x1bd: {  	_ = 	snop;
	(pc) =	sbr.rel @p0 .LBB2_110-.Ltmp22, $4  }
0x1be: {  	s30 =	spop (v2sf)  }
0x1bf: {  	v0 =	vor.u32 s5, v0;
	s0 =	sadd.s32 s4, s30  }
0x1c0: {  	[tilespmem:s0+$0x4000] =	vst.msk vm0, v0  }
0x1c1: {  	[tilespmem:s0+$0x4880] =	vst.msk vm0, v2;
	s31 =	spop (v2sf)  }
0x1c2: {  	p1 =	seq.s32 s22, $0x1  }
.Ltmp23:
0x1c3: {  	_ = 	snop;
	(pc) =	sbr.rel @p1 .LBB2_33-.Ltmp23, $4  }
0x1c4: {  	_ = 	snop  }
0x1c5: {  	s9 =	sshll.u32 s25, $0x4;
	s6 =	simm.s32 $0x4000  }
0x1c6: {  	s7 =	simm.s32 $0x4880;
	s5 =	simm.s32 $0x0;
	s4 =	simm.s32 $0x1  }
0x1c7: {  	s10 =	sadd.s32 $0xFFFFFFFF, s22;
	p0 =	por $0x0, $0x0;
	s8 =	sand.u32 $0x1FFFFFF0, s9  }
0x1c8: {  	s0 =	sadd.s32 s3, s8  }
0x1c9: {  	[hbm4b:s0+s5] =	stream.linear.scatter [tilespmem:s6], [sflag:$0x1], $0x80, $0x38;
	[tilespmem:$0x6180] =	vst v63  }
0x1ca: {  	p1 =	seq.s32 s10, $0x1;
	_ =	swait.ge [sflag:s4], $0x80  }
.Ltmp24:
0x1cb: {  	s31 =	sadd.s32 s2, s8;
	[sflag:s4] =	ssyncset.done $0x0;
	(pc) =	sbr.rel @p1 .LBB2_74-.Ltmp24, $4  }
0x1cc: {  	s9 =	sadd.s32 $0x10, s9;
	s11 =	sadd.s32 $0xFFFFFFFF, s10;
	[sflag:s4] =	ssyncadd.s32 $0xFFFFFF80  }
0x1cd: {  	[hbm4b:s31+s5] =	stream.linear.scatter [tilespmem:s7], [sflag:$0x1], $0x80, $0x38;
	[tilespmem:$0x6180] =	vst v63  }
0x1ce: {  	p0 =	por $0x1, $0x1;
	s10 =	simm.s32 $0x4000;
	_ =	swait.ge [sflag:s4], $0x80  }
0x1cf: {  	s8 =	sand.u32 $0x1FFFFFF0, s9;
	s7 =	simm.s32 $0x4900;
	[sflag:s4] =	ssyncset.done $0x0  }
.LBB2_75:
0x1d0: {  	s0 =	sadd.s32 s3, s8;
	[sflag:s4] =	ssyncadd.s32 $0xFFFFFF80;
	s10 =	sadd.s32 $0x80, s10  }
0x1d1: {  	[hbm4b:s0+s5] =	stream.linear.scatter [tilespmem:s10], [sflag:$0x1], $0x80, $0x38;
	[tilespmem:$0x6180] =	vst v63  }
0x1d2: {  	p1 =	seq.s32 s11, $0x1;
	s11 =	sadd.s32 $0xFFFFFFFF, s11;
	_ =	swait.ge [sflag:s4], $0x80  }
.Ltmp25:
0x1d3: {  	[sflag:s4] =	ssyncset.done $0x0;
	(pc) =	sbr.rel @!p1 .LBB2_75-.Ltmp25, $4  }
0x1d4: {  	s0 =	sadd.s32 s2, s8;
	[sflag:s4] =	ssyncadd.s32 $0xFFFFFF80  }
0x1d5: {  	[hbm4b:s0+s5] =	stream.linear.scatter [tilespmem:s7], [sflag:$0x1], $0x80, $0x38;
	[tilespmem:$0x6180] =	vst v63  }
0x1d6: {  	s9 =	sadd.s32 $0x10, s9;
	_ =	swait.ge [sflag:s4], $0x80  }
0x1d7: {  	s8 =	sand.u32 $0x1FFFFFF0, s9;
	s7 =	sadd.s32 $0x80, s7;
	[sflag:s4] =	ssyncset.done $0x0  }
.LBB2_76:
0x1d8: {  	s0 =	sadd.s32 @p0 $0x80, s10  }
0x1d9: {  	s3 =	sadd.s32 s3, s8;
	[sflag:s4] =	ssyncadd.s32 @p0 $0xFFFFFF80;
	s6 =	smov.u32 @p0 s0  }
0x1da: {  	[hbm4b:s3+s5] =	stream.linear.scatter [tilespmem:s6], [sflag:$0x1], $0x80, $0x38;
	[tilespmem:$0x6180] =	vst v63  }
0x1db: {  	_ =	swait.ge [sflag:s4], $0x80  }
0x1dc: {  	[sflag:s4] =	ssyncset.done $0x0  }
.Ltmp26:
0x1dd: {  	s31 =	sadd.s32 s2, s8;
	[sflag:s4] =	ssyncadd.s32 $0xFFFFFF80;
	(pc) =	sbr.rel .LBB2_110-.Ltmp26, $4  }
0x1de: {  	[hbm4b:s31+s5] =	stream.linear.scatter [tilespmem:s7], [sflag:$0x1], $0x80, $0x38;
	[tilespmem:$0x6180] =	vst v63  }
0x1df: {  	_ =	swait.ge [sflag:s4], $0x80  }
0x1e0: {  	[sflag:s4] =	ssyncset.done $0x0  }
0x1e1: {  	[sflag:s4] =	ssyncadd.s32 $0xFFFFFF80  }
.LBB2_81:
0x1e2: {  	p0 =	seq.s32 s13, $0x2000  }
.Ltmp27:
0x1e3: {  	_ = 	snop;
	(pc) =	sbr.rel @!p0 .LBB2_81-.Ltmp27, $4  }
0x1e4: {  	_ = 	snop  }
0x1e5: {  	s0 =	sshra.s32 s13, $0x2  }
0x1e6: {  	[tilespmem:s0+$0x4000] =	vst v0  }
0x1e7: {  	s13 =	sadd.s32 $0x40, s13;
	[tilespmem:s0+$0x4880] =	vst v1  }
0x1e8: {  	s4 =	simm.s32 $0x0  }
0x1e9: {  	s0 =	sand.u32 $0x70, s4;
	s5 =	sand.u32 $0x3C00, s4  }
0x1ea: {  	s0 =	sor.u32 s0, s5  }
0x1eb: {  	v2 =	vld [tilespmem:s0+$0x200];
	_ =	sdelay $0x4  }
0x1ec: {  	v1 =	vimm.s32 $0x0;
	vm0 =	vgt.f32 v2, $0.0e+00  }
0x1ed: {  	v3 =	vsel vm0, $0x1, v1  }
0x1ee: {  	(xrf0) =	vadd.scan.msk.s32 $0xffff, v3;
	_ =	sdelay $0x4  }
0x1ef: {  	v0 =	vlaneseq.u32  }
0x1f0: {  	v3 =	vor.u32 s4, v0;
	v4, _, _ =	vpop (xrf0)  }
0x1f1: {  	s6 =	simm.s32 $0x80;
	s5 =	simm.s32 $0x10;
	[tilespmem:s4+$0x4000] =	vst.msk vm0, v3;
	(v2sf) =	vpush v4, $0xF  }
0x1f2: {  	s13 =	simm.s32 $0x20;
	s17 =	sand.u32 $0x3C00, s6;
	s16 =	sand.u32 $0x70, s5;
	[tilespmem:s4+$0x4880] =	vst.msk vm0, v2  }
.LBB2_83:
0x1f3: {  	p0 =	seq.s32 s13, $0x7F0;
	s0 =	sor.u32 s16, s17  }
0x1f4: {  	v2 =	vld [tilespmem:s0+$0x200];
	_ =	sdelay $0x4  }
0x1f5: {  	vm0 =	vgt.f32 v2, $0.0e+00  }
0x1f6: {  	v3 =	vsel vm0, $0x1, v1  }
0x1f7: {  	(xrf0) =	vadd.scan.msk.s32 $0xffff, v3;
	_ =	sdelay $0x3  }
.Ltmp28:
0x1f8: {  	(pc) =	sbr.rel @!p0 .LBB2_83-.Ltmp28, $4  }
0x1f9: {  	s0 =	spop (v2sf)  }
0x1fa: {  	v3 =	vor.u32 s5, v0;
	s5 =	smov.u32 s13;
	v4, _, _ =	vpop (xrf0);
	s4 =	sadd.s32 s4, s0  }
0x1fb: {  	s6 =	sadd.s32 $0x80, s6;
	[tilespmem:s4+$0x4000] =	vst.msk vm0, v3;
	(v2sf) =	vpush v4, $0xF  }
0x1fc: {  	s17 =	sand.u32 $0x3C00, s6;
	s13 =	sadd.s32 $0x10, s13;
	s16 =	sand.u32 $0x70, s5;
	[tilespmem:s4+$0x4880] =	vst.msk vm0, v2  }
0x1fd: {  	s0 =	sor.u32 s16, s17  }
0x1fe: {  	v2 =	vld [tilespmem:s0+$0x200];
	_ =	sdelay $0x4  }
0x1ff: {  	vm0 =	vgt.f32 v2, $0.0e+00  }
0x200: {  	v1 =	vsel vm0, $0x1, v1  }
0x201: {  	(xrf0) =	vadd.scan.msk.s32 $0xffff, v1;
	_ =	sdelay $0x5  }
0x202: {  	v1, _, _ =	vpop (xrf0)  }
0x203: {  	(v2sf) =	vpush v1, $0xF;
	_ =	sdelay $0x9  }
0x204: {  	p0 =	slt.s32 s24, $0x1  }
.Ltmp29:
0x205: {  	_ = 	snop;
	(pc) =	sbr.rel @p0 .LBB2_110-.Ltmp29, $4  }
0x206: {  	s30 =	spop (v2sf)  }
0x207: {  	v0 =	vor.u32 s5, v0;
	s0 =	sadd.s32 s4, s30  }
0x208: {  	[tilespmem:s0+$0x4000] =	vst.msk vm0, v0  }
0x209: {  	s13 =	rddreg [dreg:$0x2];
	[tilespmem:s0+$0x4880] =	vst.msk vm0, v2;
	s31 =	spop (v2sf)  }
0x20a: {  	s0 =	sadd.s32 s8, s11  }
0x20b: {  	s0 =	sadd.s32 s12, s0  }
0x20c: {  	s0 =	sadd.s32 s15, s0  }
0x20d: {  	p1 =	seq.s32 s24, $0x1;
	s0 =	sadd.s32 s9, s0  }
.Ltmp30:
0x20e: {  	s0 =	sadd.s32 s7, s0;
	(pc) =	sbr.rel @p1 .LBB2_86-.Ltmp30, $4  }
0x20f: {  	s0 =	sadd.s32 s10, s0  }
0x210: {  	s6 =	simm.s32 $0x4000;
	s5 =	simm.s32 $0x0;
	s0 =	sadd.s32 s14, s0  }
0x211: {  	s4 =	simm.s32 $0x1;
	p0 =	por $0x0, $0x0;
	s9 =	sshll.u32 s0, $0x4  }
0x212: {  	s7 =	simm.s32 $0x4880;
	s10 =	sadd.s32 $0xFFFFFFFF, s24;
	s8 =	sand.u32 $0x1FFFFFF0, s9  }
0x213: {  	s0 =	sadd.s32 s3, s8  }
0x214: {  	[hbm4b:s0+s5] =	stream.linear.scatter [tilespmem:s6], [sflag:$0x1], $0x80, $0x38;
	[tilespmem:$0x6180] =	vst v63  }
0x215: {  	p1 =	seq.s32 s10, $0x1;
	_ =	swait.ge [sflag:s4], $0x80  }
.Ltmp31:
0x216: {  	s31 =	sadd.s32 s2, s8;
	[sflag:s4] =	ssyncset.done $0x0;
	(pc) =	sbr.rel @p1 .LBB2_88-.Ltmp31, $4  }
0x217: {  	s9 =	sadd.s32 $0x10, s9;
	s11 =	sadd.s32 $0xFFFFFFFF, s10;
	[sflag:s4] =	ssyncadd.s32 $0xFFFFFF80  }
0x218: {  	[hbm4b:s31+s5] =	stream.linear.scatter [tilespmem:s7], [sflag:$0x1], $0x80, $0x38;
	[tilespmem:$0x6180] =	vst v63  }
0x219: {  	p0 =	por $0x1, $0x1;
	s10 =	simm.s32 $0x4000;
	_ =	swait.ge [sflag:s4], $0x80  }
0x21a: {  	s8 =	sand.u32 $0x1FFFFFF0, s9;
	s7 =	simm.s32 $0x4900;
	[sflag:s4] =	ssyncset.done $0x0  }
.LBB2_89:
0x21b: {  	s0 =	sadd.s32 s3, s8;
	[sflag:s4] =	ssyncadd.s32 $0xFFFFFF80;
	s10 =	sadd.s32 $0x80, s10  }
0x21c: {  	[hbm4b:s0+s5] =	stream.linear.scatter [tilespmem:s10], [sflag:$0x1], $0x80, $0x38;
	[tilespmem:$0x6180] =	vst v63  }
0x21d: {  	p1 =	seq.s32 s11, $0x1;
	s11 =	sadd.s32 $0xFFFFFFFF, s11;
	_ =	swait.ge [sflag:s4], $0x80  }
.Ltmp32:
0x21e: {  	[sflag:s4] =	ssyncset.done $0x0;
	(pc) =	sbr.rel @!p1 .LBB2_89-.Ltmp32, $4  }
0x21f: {  	s0 =	sadd.s32 s2, s8;
	[sflag:s4] =	ssyncadd.s32 $0xFFFFFF80  }
0x220: {  	[hbm4b:s0+s5] =	stream.linear.scatter [tilespmem:s7], [sflag:$0x1], $0x80, $0x38;
	[tilespmem:$0x6180] =	vst v63  }
0x221: {  	s9 =	sadd.s32 $0x10, s9;
	_ =	swait.ge [sflag:s4], $0x80  }
0x222: {  	s8 =	sand.u32 $0x1FFFFFF0, s9;
	s7 =	sadd.s32 $0x80, s7;
	[sflag:s4] =	ssyncset.done $0x0  }
.LBB2_90:
0x223: {  	s0 =	sadd.s32 @p0 $0x80, s10  }
0x224: {  	s3 =	sadd.s32 s3, s8;
	[sflag:s4] =	ssyncadd.s32 @p0 $0xFFFFFF80;
	s6 =	smov.u32 @p0 s0  }
0x225: {  	[hbm4b:s3+s5] =	stream.linear.scatter [tilespmem:s6], [sflag:$0x1], $0x80, $0x38;
	[tilespmem:$0x6180] =	vst v63  }
0x226: {  	_ =	swait.ge [sflag:s4], $0x80  }
0x227: {  	[sflag:s4] =	ssyncset.done $0x0  }
.Ltmp33:
0x228: {  	s31 =	sadd.s32 s2, s8;
	[sflag:s4] =	ssyncadd.s32 $0xFFFFFF80;
	(pc) =	sbr.rel .LBB2_110-.Ltmp33, $4  }
0x229: {  	[hbm4b:s31+s5] =	stream.linear.scatter [tilespmem:s7], [sflag:$0x1], $0x80, $0x38;
	[tilespmem:$0x6180] =	vst v63  }
0x22a: {  	_ =	swait.ge [sflag:s4], $0x80  }
0x22b: {  	[sflag:s4] =	ssyncset.done $0x0  }
0x22c: {  	[sflag:s4] =	ssyncadd.s32 $0xFFFFFF80  }
.LBB2_41:
0x22d: {  	s20 =	sadd.s32 $0x7F, s16;
	s16 =	simm.s32 $0xFFFFFFFF  }
0x22e: {  	s0 =	simm.s32 $0x1;
	s28 =	sshra.s32 s20, $0x1F;
	s29 =	sand.u32 $0x7F, s20  }
0x22f: {  	p1 =	slt.s32 s20, $0x1;
	s16 =	simm.s32 @!p0 $0x0;
	s28 =	sshrl.u32 s28, $0x19  }
0x230: {  	p2 =	sne.s32 s29, $0x0;
	s29 =	simm.s32 $0x1;
	s20 =	sadd.s32 s28, s20  }
0x231: {  	p4 =	por !p1, !p2;
	s28 =	sadd.s32 $0x7F, s19;
	s19 =	simm.s32 $0xFFFFFFFF  }
0x232: {  	p2 =	sgt.s32 s1, $0x6;
	s30 =	sand.u32 $0x7F, s28;
	p6 =	slt.s32 s28, $0x1  }
.Ltmp34:
0x233: {  	p5 =	sne.s32 s30, $0x0;
	s30 =	sshra.s32 s28, $0x1F;
	(pc) =	sbr.rel @!p2 .LBB2_42-.Ltmp34, $4  }
0x234: {  	s20 =	sshra.s32 s20, $0x7;
	s30 =	sshrl.u32 s30, $0x19;
	p0 =	por !p6, !p5  }
0x235: {  	p1 =	por !p4, !p4;
	s28 =	sadd.s32 s30, s28;
	p0 =	por !p0, !p0  }
0x236: {  	s29 =	simm.s32 @!p1 $0x0;
	s30 =	sshra.s32 s28, $0x7;
	s0 =	simm.s32 @!p0 $0x0  }
0x237: {  	s19 =	simm.s32 @!p1 $0x0;
	s29 =	ssub.s32 s20, s29;
	s28 =	ssub.s32 s30, s0  }
0x238: {  	s0 =	sadd.s32 $0x7F, s26  }
0x239: {  	s26 =	sand.u32 $0x7F, s0  }
0x23a: {  	p1 =	slt.s32 s0, $0x1;
	p2 =	sne.s32 s26, $0x0  }
0x23b: {  	p1 =	por !p1, !p2  }
0x23c: {  	p1 =	por !p1, !p1  }
0x23d: {  	s31 =	simm.s32 @!p1 $0x0;
	p1 =	seq.s32 s1, $0x7  }
.Ltmp35:
0x23e: {  	[dreg:$0xa] =	wrdreg s4;
	s4 =	sshra.s32 s0, $0x1F;
	(pc) =	sbr.rel @p1 .LBB2_50-.Ltmp35, $4  }
0x23f: {  	s4 =	sshrl.u32 s4, $0x19  }
0x240: {  	s0 =	sadd.s32 s4, s0  }
0x241: {  	s0 =	sshra.s32 s0, $0x7  }
0x242: {  	s26 =	ssub.s32 s0, s31  }
0x243: {  	p0 =	seq.s32 s1, $0x8  }
.Ltmp36:
0x244: {  	s9 =	sadd.s32 s25, s22;
	(pc) =	sbr.rel @!p0 .LBB2_109-.Ltmp36, $4  }
0x245: {  	s8 =	sadd.s32 s9, s23  }
0x246: {  	s7 =	sadd.s32 s8, s24  }
0x247: {  	s3 =	sadd.s32 s7, s29  }
0x248: {  	s2 =	sadd.s32 s3, s28  }
0x249: {  	s0 =	sshll.u32 s18, $0x7;
	s18 =	sand.u32 $0x70, s13;
	s4 =	sand.u32 $0x3C00, s13  }
0x24a: {  	[dreg:$0x3] =	wrdreg s0;
	s0 =	sor.u32 s18, s4  }
0x24b: {  	v1 =	vld [tilespmem:s0+$0x0]  }
0x24c: {  	v2 =	vld [tilespmem:s0+$0x80];
	_ =	sdelay $0x1  }
0x24d: {  	v3 =	vld [tilespmem:s0+$0x100];
	_ =	sdelay $0x1  }
0x24e: {  	v0 =	vimm.s32 $0x0;
	vm6 =	vgt.f32 v1, $0.0e+00;
	v1 =	vld [tilespmem:s0+$0x180]  }
0x24f: {  	v5 =	vld [tilespmem:s0+$0x380];
	vm7 =	vgt.f32 v2, $0.0e+00;
	v4 =	vsel vm6, $0x1, v0  }
0x250: {  	v2 =	vld [tilespmem:s0+$0x200];
	v6 =	vsel vm7, $0x1, v0;
	(xrf0) =	vadd.scan.msk.s32 $0xffff, v4  }
0x251: {  	vm5 =	vgt.f32 v3, $0.0e+00;
	v3 =	vld [tilespmem:s0+$0x280];
	(xrf0) =	vadd.scan.msk.s32 $0xffff, v6  }
0x252: {  	v52 =	vld [tilespmem:s0+$0x300];
	v51 =	vsel vm5, $0x1, v0  }
0x253: {  	(xrf0) =	vadd.scan.msk.s32 $0xffff, v51;
	vm4 =	vgt.f32 v1, $0.0e+00  }
0x254: {  	v1 =	vsel vm4, $0x1, v0  }
0x255: {  	vm3 =	vgt.f32 v2, $0.0e+00;
	(xrf0) =	vadd.scan.msk.s32 $0xffff, v1  }
0x256: {  	s11 =	sshll.u32 s25, $0x7;
	s19 =	rddreg [dreg:$0x3];
	vm2 =	vgt.f32 v3, $0.0e+00;
	v1 =	vsel vm3, $0x1, v0;
	v2, _, _ =	vpop (xrf0)  }
0x257: {  	[dreg:$0x4] =	wrdreg s11;
	vm0 =	vgt.f32 v5, $0.0e+00;
	s0 =	sadd.s32 $0x0, s19;
	vm1 =	vgt.f32 v52, $0.0e+00;
	(xrf0) =	vadd.scan.msk.s32 $0xffff, v1;
	v1 =	vsel vm2, $0x1, v0;
	v3, _, _ =	vpop (xrf0)  }
0x258: {  	s12 =	sshll.u32 s9, $0x7;
	s20 =	rddreg [dreg:$0x4];
	(v2sf) =	vpush v2, $0xF;
	v2 =	vadd.s32 s13, v2;
	v53 =	vadd.s32 s0, v3  }
0x259: {  	[dreg:$0x5] =	wrdreg s12;
	s4 =	sadd.s32 $0x0, s20;
	(xrf0) =	vadd.scan.msk.s32 $0xffff, v1;
	(v2sf) =	vpush v3, $0xF;
	v2 =	vnsel vm6, $0x0, v2;
	v55, _, _ =	vpop (xrf0);
	v3 =	vnsel vm7, $0x0, v53  }
0x25a: {  	s14 =	sshll.u32 s8, $0x7;
	s21 =	rddreg [dreg:$0x5];
	v54 =	vsel vm1, $0x1, v0;
	v1 =	vadd.s32 s4, v55;
	vm6 =	vgt.s32 v2, v3  }
0x25b: {  	[dreg:$0x6] =	wrdreg s14;
	v57 =	vsel vm0, $0x1, v0;
	s0 =	sadd.s32 $0x0, s21;
	(xrf0) =	vadd.scan.msk.s32 $0xffff, v54;
	v1 =	vnsel vm5, $0x0, v1;
	v56 =	vsel vm6, v2, v3;
	v7, _, _ =	vpop (xrf0)  }
0x25c: {  	s15 =	sshll.u32 s7, $0x7;
	s22 =	rddreg [dreg:$0x6];
	(v2sf) =	vpush v55, $0xF;
	vm5 =	vgt.s32 v56, v1;
	v58 =	vadd.s32 s0, v7  }
0x25d: {  	[dreg:$0x7] =	wrdreg s15;
	s4 =	sadd.s32 $0x0, s22;
	(v2sf) =	vpush v7, $0xF;
	v59, _, _ =	vpop (xrf0);
	(xrf0) =	vadd.scan.msk.s32 $0xffff, v57;
	v5 =	vsel vm5, v56, v1;
	v4 =	vnsel vm4, $0x0, v58  }
0x25e: {  	s16 =	sshll.u32 s3, $0x7;
	s23 =	rddreg [dreg:$0x7];
	(v2sf) =	vpush v59, $0xF;
	v60 =	vadd.s32 s4, v59;
	vm4 =	vgt.s32 v5, v4  }
0x25f: {  	[dreg:$0x8] =	wrdreg s16;
	s0 =	sadd.s32 $0x0, s23;
	v61, _, _ =	vpop (xrf0);
	v6 =	vnsel vm3, $0x0, v60;
	v5 =	vsel vm4, v5, v4  }
0x260: {  	s17 =	sshll.u32 s2, $0x7;
	s24 =	rddreg [dreg:$0x8];
	v8 =	vadd.s32 s0, v61;
	vm3 =	vgt.s32 v5, v6  }
0x261: {  	[dreg:$0x9] =	wrdreg s17;
	s4 =	sadd.s32 $0x0, s24;
	v9, _, _ =	vpop (xrf0);
	v8 =	vnsel vm2, $0x0, v8;
	v5 =	vsel vm3, v5, v6  }
0x262: {  	s25 =	rddreg [dreg:$0x9];
	v10 =	vadd.s32 s4, v9;
	vm2 =	vgt.s32 v5, v8  }
0x263: {  	v2 =	vadd.s32 v2, v3;
	s0 =	sadd.s32 $0x0, s25;
	v62 =	vnsel vm1, $0x0, v10;
	v63, _, _ =	vpop (xrf0);
	v3 =	vsel vm2, v5, v8  }
0x264: {  	v1 =	vadd.s32 v1, v2;
	v2 =	vadd.s32 s0, v63;
	vm1 =	vgt.s32 v3, v62  }
0x265: {  	v1 =	vadd.s32 v4, v1;
	v2 =	vnsel vm0, $0x0, v2;
	v3 =	vsel vm1, v3, v62  }
0x266: {  	v1 =	vadd.s32 v6, v1;
	vm0 =	vgt.s32 v3, v2  }
0x267: {  	s3 =	simm.s32 $0x5100;
	s2 =	simm.s32 $0x5900;
	v1 =	vadd.s32 v8, v1;
	v3 =	vsel vm0, v3, v2  }
0x268: {  	s28 =	simm.s32 $0x10;
	s8 =	simm.s32 $0x0;
	s7 =	simm.s32 $0x0;
	v1 =	vadd.s32 v62, v1;
	vm0 =	vgt.s32 v3, $0x0  }
0x269: {  	s14 =	simm.s32 $0x80;
	s15 =	simm.s32 $0x20;
	v1 =	vadd.s32 v2, v1;
	s26 =	spop (v2sf);
	v2 =	vnsel vm0, $0x0, v3  }
0x26a: {  	s30 =	sand.u32 $0x3C00, s14;
	s4 =	sand.u32 $0x70, s28;
	s6 =	spop (v2sf);
	v1 =	vsub.s32 v1, v2  }
0x26b: {  	s17 =	sor.u32 s4, s30;
	s10 =	sadd.s32 $0x0, s26;
	s29 =	spop (v2sf);
	(v2sf) =	vpush v61, $0xF;
	[tilespmem:s3+$0x0] =	vst v1  }
0x26c: {  	s12 =	sadd.s32 $0x0, s6;
	s6 =	simm.s32 $0x0;
	(v2sf) =	vpush v9, $0xF;
	s31 =	spop (v2sf);
	[tilespmem:s2+$0x0] =	vst v2  }
0x26d: {  	s11 =	sadd.s32 $0x0, s29;
	(v2sf) =	vpush v63, $0xF;
	s9 =	sadd.s32 $0x0, s31;
	s16 =	spop (v2sf);
	v1 =	vld [tilespmem:s17+$0x0]  }
.LBB2_59:
0x26e: {  	v2 =	vld [tilespmem:s17+$0x80];
	_ =	sdelay $0x1  }
0x26f: {  	v3 =	vld [tilespmem:s17+$0x100];
	_ =	sdelay $0x1  }
0x270: {  	vm6 =	vgt.f32 v1, $0.0e+00;
	v1 =	vld [tilespmem:s17+$0x180]  }
0x271: {  	v6 =	vld [tilespmem:s17+$0x200];
	v4 =	vsel vm6, $0x1, v0;
	vm7 =	vgt.f32 v2, $0.0e+00  }
0x272: {  	v2 =	vld [tilespmem:s17+$0x380];
	v5 =	vsel vm7, $0x1, v0;
	(xrf0) =	vadd.scan.msk.s32 $0xffff, v4  }
0x273: {  	vm5 =	vgt.f32 v3, $0.0e+00;
	v3 =	vld [tilespmem:s17+$0x280];
	(xrf0) =	vadd.scan.msk.s32 $0xffff, v5  }
0x274: {  	v50 =	vld [tilespmem:s17+$0x300];
	v49 =	vsel vm5, $0x1, v0  }
0x275: {  	(xrf0) =	vadd.scan.msk.s32 $0xffff, v49;
	vm4 =	vgt.f32 v1, $0.0e+00  }
0x276: {  	v1 =	vsel vm4, $0x1, v0  }
0x277: {  	vm3 =	vgt.f32 v6, $0.0e+00;
	(xrf0) =	vadd.scan.msk.s32 $0xffff, v1  }
0x278: {  	s13 =	sadd.s32 s13, s16;
	s19 =	rddreg [dreg:$0x3];
	vm2 =	vgt.f32 v3, $0.0e+00;
	vm0 =	vgt.f32 v2, $0.0e+00;
	v1 =	vsel vm3, $0x1, v0;
	s0 =	spop (v2sf);
	v2, _, _ =	vpop (xrf0)  }
0x279: {  	vm1 =	vgt.f32 v50, $0.0e+00;
	v3 =	vsel vm2, $0x1, v0;
	s8 =	sadd.s32 s8, s0;
	s16 =	spop (v2sf);
	s0 =	sadd.s32 s19, s12;
	v51, _, _ =	vpop (xrf0);
	(xrf0) =	vadd.scan.msk.s32 $0xffff, v1  }
0x27a: {  	s4 =	rddreg [dreg:$0x4];
	v1 =	vadd.s32 s10, v2;
	s18 =	spop (v2sf);
	(v2sf) =	vpush v2, $0xF;
	v2 =	vadd.s32 s0, v51  }
0x27b: {  	s4 =	sadd.s32 s4, s11;
	v52 =	vsel vm1, $0x1, v0;
	v1 =	vnsel vm6, $0x0, v1;
	v53, _, _ =	vpop (xrf0);
	(xrf0) =	vadd.scan.msk.s32 $0xffff, v3;
	v2 =	vnsel vm7, $0x0, v2  }
0x27c: {  	s20 =	rddreg [dreg:$0x5];
	v55 =	vsel vm0, $0x1, v0;
	v3 =	vadd.s32 s4, v53;
	vm6 =	vgt.s32 v1, v2  }
0x27d: {  	s0 =	sadd.s32 s20, s9;
	(v2sf) =	vpush v51, $0xF;
	v3 =	vnsel vm5, $0x0, v3;
	v54 =	vsel vm6, v1, v2;
	v7, _, _ =	vpop (xrf0);
	(xrf0) =	vadd.scan.msk.s32 $0xffff, v52  }
0x27e: {  	s21 =	rddreg [dreg:$0x6];
	(v2sf) =	vpush v53, $0xF;
	vm5 =	vgt.s32 v54, v3;
	v56 =	vadd.s32 s0, v7  }
0x27f: {  	s4 =	sadd.s32 s21, s13;
	(v2sf) =	vpush v7, $0xF;
	v5 =	vsel vm5, v54, v3;
	v4 =	vnsel vm4, $0x0, v56;
	v57, _, _ =	vpop (xrf0);
	(xrf0) =	vadd.scan.msk.s32 $0xffff, v55  }
0x280: {  	s22 =	rddreg [dreg:$0x7];
	vm4 =	vgt.s32 v5, v4;
	v58 =	vadd.s32 s4, v57;
	(v2sf) =	vpush v57, $0xF  }
0x281: {  	s0 =	sadd.s32 s22, s8;
	v59, _, _ =	vpop (xrf0);
	v5 =	vsel vm4, v5, v4;
	v6 =	vnsel vm3, $0x0, v58  }
0x282: {  	s23 =	rddreg [dreg:$0x8];
	s7 =	sadd.s32 s7, s16;
	v9 =	vadd.s32 s0, v59;
	vm3 =	vgt.s32 v5, v6  }
0x283: {  	s4 =	sadd.s32 s23, s7;
	v60 =	vnsel vm2, $0x0, v9;
	v5 =	vsel vm3, v5, v6;
	v8, _, _ =	vpop (xrf0)  }
0x284: {  	s24 =	rddreg [dreg:$0x9];
	s6 =	sadd.s32 s6, s18;
	vm2 =	vgt.s32 v5, v60;
	v61 =	vadd.s32 s4, v8  }
0x285: {  	v1 =	vadd.s32 v1, v2;
	s0 =	sadd.s32 s24, s6;
	v2 =	vsel vm2, v5, v60;
	v62 =	vnsel vm1, $0x0, v61;
	v63, _, _ =	vpop (xrf0)  }
0x286: {  	v1 =	vadd.s32 v3, v1;
	vm1 =	vgt.s32 v2, v62;
	v3 =	vadd.s32 s0, v63  }
0x287: {  	v1 =	vadd.s32 v4, v1;
	v2 =	vsel vm1, v2, v62;
	v3 =	vnsel vm0, $0x0, v3  }
0x288: {  	v1 =	vadd.s32 v6, v1;
	vm0 =	vgt.s32 v2, v3  }
0x289: {  	v1 =	vadd.s32 v60, v1;
	v2 =	vsel vm0, v2, v3  }
0x28a: {  	p0 =	sne.s32 s15, $0x7F0;
	s14 =	sadd.s32 $0x80, s14;
	s3 =	sadd.s32 $0x10, s3;
	v1 =	vadd.s32 v62, v1;
	vm0 =	vgt.s32 v2, $0x0  }
.Ltmp37:
0x28b: {  	s2 =	sadd.s32 $0x10, s2;
	v1 =	vadd.s32 v3, v1;
	s25 =	spop (v2sf);
	v2 =	vnsel vm0, $0x0, v2;
	(pc) =	sbr.rel @p0 .LBB2_59-.Ltmp37, $4  }
0x28c: {  	s29 =	sand.u32 $0x70, s15;
	s30 =	sand.u32 $0x3C00, s14;
	s26 =	spop (v2sf);
	v1 =	vsub.s32 v1, v2  }
0x28d: {  	s15 =	sadd.s32 $0x10, s15;
	s17 =	sor.u32 s29, s30;
	(v2sf) =	vpush v59, $0xF;
	s28 =	spop (v2sf);
	[tilespmem:s3+$0x0] =	vst v1  }
0x28e: {  	(v2sf) =	vpush v8, $0xF;
	s10 =	sadd.s32 s10, s25;
	s12 =	sadd.s32 s12, s26;
	s31 =	spop (v2sf);
	[tilespmem:s2+$0x0] =	vst v2  }
0x28f: {  	(v2sf) =	vpush v63, $0xF;
	s11 =	sadd.s32 s11, s28;
	s9 =	sadd.s32 s9, s31;
	v1 =	vld [tilespmem:s17+$0x0];
	s16 =	spop (v2sf)  }
0x290: {  	v2 =	vld [tilespmem:s17+$0x80]  }
0x291: {  	v3 =	vld [tilespmem:s17+$0x100]  }
0x292: {  	v4 =	vld [tilespmem:s17+$0x180]  }
0x293: {  	v5 =	vld [tilespmem:s17+$0x200]  }
0x294: {  	v46 =	vld [tilespmem:s17+$0x280];
	vm6 =	vgt.f32 v1, $0.0e+00  }
0x295: {  	v47 =	vld [tilespmem:s17+$0x300];
	v6 =	vsel vm6, $0x1, v0;
	vm7 =	vgt.f32 v2, $0.0e+00  }
0x296: {  	vm5 =	vgt.f32 v3, $0.0e+00;
	v7 =	vsel vm7, $0x1, v0;
	(xrf0) =	vadd.scan.msk.s32 $0xffff, v6  }
0x297: {  	v48 =	vld [tilespmem:s17+$0x380];
	vm4 =	vgt.f32 v4, $0.0e+00;
	v49 =	vsel vm5, $0x1, v0;
	(xrf0) =	vadd.scan.msk.s32 $0xffff, v7  }
0x298: {  	vm3 =	vgt.f32 v5, $0.0e+00;
	v4 =	vsel vm4, $0x1, v0;
	(xrf0) =	vadd.scan.msk.s32 $0xffff, v49  }
0x299: {  	vm2 =	vgt.f32 v46, $0.0e+00;
	v50 =	vsel vm3, $0x1, v0;
	(xrf0) =	vadd.scan.msk.s32 $0xffff, v4  }
0x29a: {  	vm1 =	vgt.f32 v47, $0.0e+00;
	v1 =	vsel vm2, $0x1, v0;
	(xrf0) =	vadd.scan.msk.s32 $0xffff, v50  }
0x29b: {  	v2 =	vsel vm1, $0x1, v0;
	(xrf0) =	vadd.scan.msk.s32 $0xffff, v1  }
0x29c: {  	s0 =	rddreg [dreg:$0x3];
	vm0 =	vgt.f32 v48, $0.0e+00;
	v51, _, _ =	vpop (xrf0);
	(xrf0) =	vadd.scan.msk.s32 $0xffff, v2  }
0x29d: {  	s0 =	sadd.s32 s0, s12;
	v53 =	vsel vm0, $0x1, v0;
	v52, _, _ =	vpop (xrf0);
	(v2sf) =	vpush v51, $0xF  }
0x29e: {  	s4 =	rddreg [dreg:$0x4];
	v1 =	vadd.s32 s10, v51;
	(xrf0) =	vadd.scan.msk.s32 $0xffff, v53;
	v54 =	vadd.s32 s0, v52;
	(v2sf) =	vpush v52, $0xF;
	v55, _, _ =	vpop (xrf0)  }
0x29f: {  	s4 =	sadd.s32 s4, s11;
	v1 =	vnsel vm6, $0x0, v1;
	v56, _, _ =	vpop (xrf0);
	v3 =	vnsel vm7, $0x0, v54;
	(v2sf) =	vpush v55, $0xF  }
0x2a0: {  	s10 =	rddreg [dreg:$0x5];
	v2 =	vadd.s32 s4, v55;
	vm6 =	vgt.s32 v1, v3;
	(v2sf) =	vpush v56, $0xF;
	v4, _, _ =	vpop (xrf0)  }
0x2a1: {  	s0 =	sadd.s32 s10, s9;
	v2 =	vnsel vm5, $0x0, v2;
	v57 =	vsel vm6, v1, v3;
	(v2sf) =	vpush v4, $0xF;
	v58, _, _ =	vpop (xrf0)  }
0x2a2: {  	s14 =	sadd.s32 s13, s16;
	s12 =	rddreg [dreg:$0x6];
	v0 =	vadd.s32 s0, v56;
	vm5 =	vgt.s32 v57, v2;
	(v2sf) =	vpush v58, $0xF;
	v59, _, _ =	vpop (xrf0)  }
0x2a3: {  	s16 =	spop (v2sf);
	s4 =	sadd.s32 s12, s14;
	v0 =	vnsel vm4, $0x0, v0;
	v5 =	vsel vm5, v57, v2;
	(v2sf) =	vpush v59, $0xF  }
0x2a4: {  	s15 =	rddreg [dreg:$0x7];
	s8 =	sadd.s32 s8, s16;
	v4 =	vadd.s32 s4, v4;
	v8, _, _ =	vpop (xrf0);
	vm4 =	vgt.s32 v5, v0  }
0x2a5: {  	s18 =	spop (v2sf);
	s0 =	sadd.s32 s15, s8;
	v4 =	vnsel vm3, $0x0, v4;
	(v2sf) =	vpush v8, $0xF;
	v5 =	vsel vm4, v5, v0  }
0x2a6: {  	s17 =	rddreg [dreg:$0x8];
	s7 =	sadd.s32 s7, s18;
	v6 =	vadd.s32 s0, v58;
	vm3 =	vgt.s32 v5, v4  }
0x2a7: {  	s20 =	spop (v2sf);
	s4 =	sadd.s32 s17, s7;
	v6 =	vnsel vm2, $0x0, v6;
	v5 =	vsel vm3, v5, v4  }
0x2a8: {  	s19 =	rddreg [dreg:$0x9];
	s6 =	sadd.s32 s6, s20;
	v7 =	vadd.s32 s4, v59;
	vm2 =	vgt.s32 v5, v6  }
0x2a9: {  	v1 =	vadd.s32 v1, v3;
	s0 =	sadd.s32 s19, s6;
	v61 =	vnsel vm1, $0x0, v7;
	v60 =	vsel vm2, v5, v6  }
0x2aa: {  	v1 =	vadd.s32 v2, v1;
	v62 =	vadd.s32 s0, v8;
	vm1 =	vgt.s32 v60, v61  }
0x2ab: {  	v0 =	vadd.s32 v0, v1;
	v2 =	vnsel vm0, $0x0, v62;
	v63 =	vsel vm1, v60, v61  }
0x2ac: {  	v0 =	vadd.s32 v4, v0;
	s21 =	spop (v2sf);
	vm0 =	vgt.s32 v63, v2  }
0x2ad: {  	v0 =	vadd.s32 v6, v0;
	v1 =	vsel vm0, v63, v2;
	s22 =	spop (v2sf)  }
0x2ae: {  	v0 =	vadd.s32 v61, v0;
	vm0 =	vgt.s32 v1, $0x0;
	s23 =	spop (v2sf)  }
0x2af: {  	v0 =	vadd.s32 v2, v0;
	v1 =	vnsel vm0, $0x0, v1;
	s24 =	spop (v2sf)  }
0x2b0: {  	s0 =	sadd.s32 $0x10, s3;
	v0 =	vsub.s32 v0, v1;
	s25 =	spop (v2sf)  }
0x2b1: {  	s2 =	sadd.s32 $0x10, s2;
	[tilespmem:s0+$0x0] =	vst v0;
	s26 =	spop (v2sf)  }
0x2b2: {  	s29 =	simm.s32 $0x5100;
	s0 =	simm.s32 $0x0;
	[tilespmem:s2+$0x0] =	vst v1;
	s28 =	spop (v2sf)  }
0x2b3: {  	[hbm4b:s5+s0] =	stream.linear.scatter [tilespmem:s29], [sflag:$0x1], $0x800, $0x38;
	[tilespmem:$0x6180] =	vst v63  }
0x2b4: {  	s2 =	simm.s32 $0x1;
	s30 =	spop (v2sf)  }
0x2b5: {  	_ =	swait.ge [sflag:s2], $0x800  }
0x2b6: {  	[sflag:s2] =	ssyncset.done $0x0  }
0x2b7: {  	s3 =	simm.s32 $0x5900;
	s31 =	rddreg [dreg:$0xa];
	[sflag:s2] =	ssyncadd.s32 $0xFFFFF800  }
0x2b8: {  	[hbm4b:s31+s0] =	stream.linear.scatter [tilespmem:s3], [sflag:$0x1], $0x800, $0x38;
	[tilespmem:$0x6180] =	vst v63  }
.Ltmp38:
0x2b9: {  	_ = 	snop;
	(pc) =	sbr.rel .LBB2_110-.Ltmp38, $4  }
0x2ba: {  	_ =	swait.ge [sflag:s2], $0x800  }
0x2bb: {  	[sflag:s2] =	ssyncset.done $0x0  }
0x2bc: {  	[sflag:s2] =	ssyncadd.s32 $0xFFFFF800  }
0x2bd: {  	s13 =	rddreg [dreg:$0x2]  }
.LBB2_19:
0x2be: {  	p0 =	seq.s32 s1, $0x0  }
.Ltmp39:
0x2bf: {  	_ = 	snop;
	(pc) =	sbr.rel @!p0 .LBB2_20-.Ltmp39, $1  }
0x2c0: {  	_ =	sdelay $0x3  }
0x2c1: {  	s4 =	sshll.u32 s1, $0x6;
	v0 =	vimm.s32 $0x0;
	v1 =	vimm.f32 $0.0e+00;
	s13 =	rddreg [dreg:$0x2]  }
.LBB2_62:
0x2c2: {  	p0 =	seq.s32 s4, $0x2000  }
.Ltmp40:
0x2c3: {  	_ = 	snop;
	(pc) =	sbr.rel @!p0 .LBB2_62-.Ltmp40, $4  }
0x2c4: {  	_ = 	snop  }
0x2c5: {  	s0 =	sshra.s32 s4, $0x2  }
0x2c6: {  	[tilespmem:s0+$0x4000] =	vst v0  }
0x2c7: {  	s4 =	sadd.s32 $0x40, s4;
	[tilespmem:s0+$0x4880] =	vst v1  }
0x2c8: {  	s4 =	simm.s32 $0x0  }
0x2c9: {  	s0 =	sand.u32 $0x70, s4;
	s5 =	sand.u32 $0x3C00, s4  }
0x2ca: {  	s0 =	sor.u32 s0, s5  }
0x2cb: {  	v2 =	vld [tilespmem:s0+$0x0];
	_ =	sdelay $0x4  }
0x2cc: {  	v1 =	vimm.s32 $0x0;
	vm0 =	vgt.f32 v2, $0.0e+00  }
0x2cd: {  	v3 =	vsel vm0, $0x1, v1  }
0x2ce: {  	(xrf0) =	vadd.scan.msk.s32 $0xffff, v3;
	_ =	sdelay $0x4  }
0x2cf: {  	v0 =	vlaneseq.u32  }
0x2d0: {  	v3 =	vor.u32 s4, v0;
	v4, _, _ =	vpop (xrf0)  }
0x2d1: {  	s6 =	simm.s32 $0x80;
	s5 =	simm.s32 $0x10;
	[tilespmem:s4+$0x4000] =	vst.msk vm0, v3;
	(v2sf) =	vpush v4, $0xF  }
0x2d2: {  	s7 =	simm.s32 $0x20;
	s9 =	sand.u32 $0x3C00, s6;
	s8 =	sand.u32 $0x70, s5;
	[tilespmem:s4+$0x4880] =	vst.msk vm0, v2  }
.LBB2_64:
0x2d3: {  	p0 =	seq.s32 s7, $0x7F0;
	s0 =	sor.u32 s8, s9  }
0x2d4: {  	v2 =	vld [tilespmem:s0+$0x0];
	_ =	sdelay $0x4  }
0x2d5: {  	vm0 =	vgt.f32 v2, $0.0e+00  }
0x2d6: {  	v3 =	vsel vm0, $0x1, v1  }
0x2d7: {  	(xrf0) =	vadd.scan.msk.s32 $0xffff, v3;
	_ =	sdelay $0x3  }
.Ltmp41:
0x2d8: {  	(pc) =	sbr.rel @!p0 .LBB2_64-.Ltmp41, $4  }
0x2d9: {  	s0 =	spop (v2sf)  }
0x2da: {  	v3 =	vor.u32 s5, v0;
	s5 =	smov.u32 s7;
	v4, _, _ =	vpop (xrf0);
	s4 =	sadd.s32 s4, s0  }
0x2db: {  	s6 =	sadd.s32 $0x80, s6;
	[tilespmem:s4+$0x4000] =	vst.msk vm0, v3;
	(v2sf) =	vpush v4, $0xF  }
0x2dc: {  	s9 =	sand.u32 $0x3C00, s6;
	s7 =	sadd.s32 $0x10, s7;
	s8 =	sand.u32 $0x70, s5;
	[tilespmem:s4+$0x4880] =	vst.msk vm0, v2  }
0x2dd: {  	s0 =	sor.u32 s8, s9  }
0x2de: {  	v2 =	vld [tilespmem:s0+$0x0];
	_ =	sdelay $0x4  }
0x2df: {  	vm0 =	vgt.f32 v2, $0.0e+00  }
0x2e0: {  	v1 =	vsel vm0, $0x1, v1  }
0x2e1: {  	(xrf0) =	vadd.scan.msk.s32 $0xffff, v1;
	_ =	sdelay $0x5  }
0x2e2: {  	v1, _, _ =	vpop (xrf0)  }
0x2e3: {  	(v2sf) =	vpush v1, $0xF;
	_ =	sdelay $0x9  }
0x2e4: {  	p0 =	sgt.s32 s18, $0x0  }
.Ltmp42:
0x2e5: {  	_ = 	snop;
	(pc) =	sbr.rel @!p0 .LBB2_110-.Ltmp42, $4  }
0x2e6: {  	s30 =	spop (v2sf)  }
0x2e7: {  	v0 =	vor.u32 s5, v0;
	s0 =	sadd.s32 s4, s30  }
0x2e8: {  	[tilespmem:s0+$0x4000] =	vst.msk vm0, v0  }
0x2e9: {  	[tilespmem:s0+$0x4880] =	vst.msk vm0, v2;
	s31 =	spop (v2sf)  }
0x2ea: {  	s7 =	simm.s32 $0x4000;
	s5 =	simm.s32 $0x0;
	s4 =	simm.s32 $0x1  }
0x2eb: {  	[hbm4b:s3+s5] =	stream.linear.scatter [tilespmem:s7], [sflag:$0x1], $0x80, $0x38;
	[tilespmem:$0x6180] =	vst v63  }
0x2ec: {  	p0 =	seq.s32 s18, $0x1;
	_ =	swait.ge [sflag:s4], $0x80  }
.Ltmp43:
0x2ed: {  	[sflag:s4] =	ssyncset.done $0x0;
	(pc) =	sbr.rel @p0 .LBB2_68-.Ltmp43, $4  }
0x2ee: {  	s6 =	simm.s32 $0x4880;
	[sflag:s4] =	ssyncadd.s32 $0xFFFFFF80  }
0x2ef: {  	[hbm4b:s2+s5] =	stream.linear.scatter [tilespmem:s6], [sflag:$0x1], $0x80, $0x38;
	[tilespmem:$0x6180] =	vst v63  }
0x2f0: {  	s8 =	simm.s32 $0x4900;
	_ =	swait.ge [sflag:s4], $0x80  }
0x2f1: {  	s7 =	simm.s32 $0x4080;
	s6 =	sadd.s32 $0xFFFFFFFF, s18;
	[sflag:s4] =	ssyncset.done $0x0  }
.LBB2_67:
0x2f2: {  	[sflag:s4] =	ssyncadd.s32 $0xFFFFFF80;
	s2 =	sadd.s32 $0x10, s2;
	s3 =	sadd.s32 $0x10, s3  }
0x2f3: {  	[hbm4b:s3+s5] =	stream.linear.scatter [tilespmem:s7], [sflag:$0x1], $0x80, $0x38;
	[tilespmem:$0x6180] =	vst v63  }
0x2f4: {  	p0 =	seq.s32 s6, $0x1;
	s6 =	sadd.s32 $0xFFFFFFFF, s6;
	_ =	swait.ge [sflag:s4], $0x80  }
.Ltmp44:
0x2f5: {  	[sflag:s4] =	ssyncset.done $0x0;
	(pc) =	sbr.rel @!p0 .LBB2_67-.Ltmp44, $4  }
0x2f6: {  	[sflag:s4] =	ssyncadd.s32 $0xFFFFFF80  }
0x2f7: {  	[hbm4b:s2+s5] =	stream.linear.scatter [tilespmem:s8], [sflag:$0x1], $0x80, $0x38;
	[tilespmem:$0x6180] =	vst v63  }
0x2f8: {  	_ =	swait.ge [sflag:s4], $0x80  }
0x2f9: {  	s7 =	sadd.s32 $0x80, s7;
	s8 =	sadd.s32 $0x80, s8;
	[sflag:s4] =	ssyncset.done $0x0  }
.LBB2_68:
.Ltmp45:
0x2fa: {  	(pc) =	sbr.rel .LBB2_110-.Ltmp45, $2  }
0x2fb: {  	_ =	sdelay $0x2  }
0x2fc: {  	[sflag:s4] =	ssyncadd.s32 $0xFFFFFF80  }
.LBB2_42:
0x2fd: {  	p0 =	seq.s32 s1, $0x5  }
.Ltmp46:
0x2fe: {  	_ = 	snop;
	(pc) =	sbr.rel @!p0 .LBB2_95-.Ltmp46, $2  }
0x2ff: {  	_ =	sdelay $0x2  }
0x300: {  	v0 =	vimm.s32 $0x0;
	v1 =	vimm.f32 $0.0e+00  }
.LBB2_43:
0x301: {  	p0 =	seq.s32 s13, $0x2000  }
.Ltmp47:
0x302: {  	_ = 	snop;
	(pc) =	sbr.rel @!p0 .LBB2_43-.Ltmp47, $4  }
0x303: {  	_ = 	snop  }
0x304: {  	s0 =	sshra.s32 s13, $0x2  }
0x305: {  	[tilespmem:s0+$0x4000] =	vst v0  }
0x306: {  	s13 =	sadd.s32 $0x40, s13;
	[tilespmem:s0+$0x4880] =	vst v1  }
0x307: {  	s4 =	simm.s32 $0x0  }
0x308: {  	s0 =	sand.u32 $0x70, s4;
	s5 =	sand.u32 $0x3C00, s4  }
0x309: {  	s0 =	sor.u32 s0, s5  }
0x30a: {  	v2 =	vld [tilespmem:s0+$0x280];
	_ =	sdelay $0x4  }
0x30b: {  	v1 =	vimm.s32 $0x0;
	vm0 =	vgt.f32 v2, $0.0e+00  }
0x30c: {  	v3 =	vsel vm0, $0x1, v1  }
0x30d: {  	(xrf0) =	vadd.scan.msk.s32 $0xffff, v3;
	_ =	sdelay $0x4  }
0x30e: {  	v0 =	vlaneseq.u32  }
0x30f: {  	v3 =	vor.u32 s4, v0;
	v4, _, _ =	vpop (xrf0)  }
0x310: {  	s6 =	simm.s32 $0x80;
	s5 =	simm.s32 $0x10;
	[tilespmem:s4+$0x4000] =	vst.msk vm0, v3;
	(v2sf) =	vpush v4, $0xF  }
0x311: {  	s13 =	simm.s32 $0x20;
	s19 =	sand.u32 $0x3C00, s6;
	s18 =	sand.u32 $0x70, s5;
	[tilespmem:s4+$0x4880] =	vst.msk vm0, v2  }
.LBB2_45:
0x312: {  	p0 =	seq.s32 s13, $0x7F0;
	s0 =	sor.u32 s18, s19  }
0x313: {  	v2 =	vld [tilespmem:s0+$0x280];
	_ =	sdelay $0x4  }
0x314: {  	vm0 =	vgt.f32 v2, $0.0e+00  }
0x315: {  	v3 =	vsel vm0, $0x1, v1  }
0x316: {  	(xrf0) =	vadd.scan.msk.s32 $0xffff, v3;
	_ =	sdelay $0x3  }
.Ltmp48:
0x317: {  	(pc) =	sbr.rel @!p0 .LBB2_45-.Ltmp48, $4  }
0x318: {  	s0 =	spop (v2sf)  }
0x319: {  	v3 =	vor.u32 s5, v0;
	s5 =	smov.u32 s13;
	v4, _, _ =	vpop (xrf0);
	s4 =	sadd.s32 s4, s0  }
0x31a: {  	s6 =	sadd.s32 $0x80, s6;
	[tilespmem:s4+$0x4000] =	vst.msk vm0, v3;
	(v2sf) =	vpush v4, $0xF  }
0x31b: {  	s19 =	sand.u32 $0x3C00, s6;
	s13 =	sadd.s32 $0x10, s13;
	s18 =	sand.u32 $0x70, s5;
	[tilespmem:s4+$0x4880] =	vst.msk vm0, v2  }
0x31c: {  	s0 =	sor.u32 s18, s19  }
0x31d: {  	v2 =	vld [tilespmem:s0+$0x280];
	_ =	sdelay $0x4  }
0x31e: {  	vm0 =	vgt.f32 v2, $0.0e+00  }
0x31f: {  	v1 =	vsel vm0, $0x1, v1  }
0x320: {  	(xrf0) =	vadd.scan.msk.s32 $0xffff, v1;
	_ =	sdelay $0x5  }
0x321: {  	v1, _, _ =	vpop (xrf0)  }
0x322: {  	(v2sf) =	vpush v1, $0xF;
	_ =	sdelay $0x9  }
0x323: {  	p0 =	slt.s32 s29, $0x1  }
.Ltmp49:
0x324: {  	_ = 	snop;
	(pc) =	sbr.rel @p0 .LBB2_110-.Ltmp49, $4  }
0x325: {  	s30 =	spop (v2sf)  }
0x326: {  	v0 =	vor.u32 s5, v0;
	s0 =	sadd.s32 s4, s30  }
0x327: {  	[tilespmem:s0+$0x4000] =	vst.msk vm0, v0  }
0x328: {  	s13 =	rddreg [dreg:$0x2];
	[tilespmem:s0+$0x4880] =	vst.msk vm0, v2;
	s31 =	spop (v2sf)  }
0x329: {  	s0 =	sadd.s32 s8, s11  }
0x32a: {  	s0 =	sadd.s32 s12, s0  }
0x32b: {  	s0 =	sadd.s32 s15, s0  }
0x32c: {  	s0 =	sadd.s32 s17, s0  }
0x32d: {  	s0 =	sadd.s32 s9, s0  }
0x32e: {  	p1 =	seq.s32 s29, $0x1;
	s0 =	sadd.s32 s7, s0  }
.Ltmp50:
0x32f: {  	s0 =	sadd.s32 s10, s0;
	(pc) =	sbr.rel @p1 .LBB2_48-.Ltmp50, $4  }
0x330: {  	s0 =	sadd.s32 s14, s0  }
0x331: {  	s6 =	simm.s32 $0x4000;
	s5 =	simm.s32 $0x0;
	s0 =	sadd.s32 s16, s0  }
0x332: {  	s4 =	simm.s32 $0x1;
	p0 =	por $0x0, $0x0;
	s9 =	sshll.u32 s0, $0x4  }
0x333: {  	s7 =	simm.s32 $0x4880;
	s10 =	sadd.s32 $0xFFFFFFFF, s29;
	s8 =	sand.u32 $0x1FFFFFF0, s9  }
0x334: {  	s0 =	sadd.s32 s3, s8  }
0x335: {  	[hbm4b:s0+s5] =	stream.linear.scatter [tilespmem:s6], [sflag:$0x1], $0x80, $0x38;
	[tilespmem:$0x6180] =	vst v63  }
0x336: {  	p1 =	seq.s32 s10, $0x1;
	_ =	swait.ge [sflag:s4], $0x80  }
.Ltmp51:
0x337: {  	s31 =	sadd.s32 s2, s8;
	[sflag:s4] =	ssyncset.done $0x0;
	(pc) =	sbr.rel @p1 .LBB2_92-.Ltmp51, $4  }
0x338: {  	s9 =	sadd.s32 $0x10, s9;
	s11 =	sadd.s32 $0xFFFFFFFF, s10;
	[sflag:s4] =	ssyncadd.s32 $0xFFFFFF80  }
0x339: {  	[hbm4b:s31+s5] =	stream.linear.scatter [tilespmem:s7], [sflag:$0x1], $0x80, $0x38;
	[tilespmem:$0x6180] =	vst v63  }
0x33a: {  	p0 =	por $0x1, $0x1;
	s10 =	simm.s32 $0x4000;
	_ =	swait.ge [sflag:s4], $0x80  }
0x33b: {  	s8 =	sand.u32 $0x1FFFFFF0, s9;
	s7 =	simm.s32 $0x4900;
	[sflag:s4] =	ssyncset.done $0x0  }
.LBB2_93:
0x33c: {  	s0 =	sadd.s32 s3, s8;
	[sflag:s4] =	ssyncadd.s32 $0xFFFFFF80;
	s10 =	sadd.s32 $0x80, s10  }
0x33d: {  	[hbm4b:s0+s5] =	stream.linear.scatter [tilespmem:s10], [sflag:$0x1], $0x80, $0x38;
	[tilespmem:$0x6180] =	vst v63  }
0x33e: {  	p1 =	seq.s32 s11, $0x1;
	s11 =	sadd.s32 $0xFFFFFFFF, s11;
	_ =	swait.ge [sflag:s4], $0x80  }
.Ltmp52:
0x33f: {  	[sflag:s4] =	ssyncset.done $0x0;
	(pc) =	sbr.rel @!p1 .LBB2_93-.Ltmp52, $4  }
0x340: {  	s0 =	sadd.s32 s2, s8;
	[sflag:s4] =	ssyncadd.s32 $0xFFFFFF80  }
0x341: {  	[hbm4b:s0+s5] =	stream.linear.scatter [tilespmem:s7], [sflag:$0x1], $0x80, $0x38;
	[tilespmem:$0x6180] =	vst v63  }
0x342: {  	s9 =	sadd.s32 $0x10, s9;
	_ =	swait.ge [sflag:s4], $0x80  }
0x343: {  	s8 =	sand.u32 $0x1FFFFFF0, s9;
	s7 =	sadd.s32 $0x80, s7;
	[sflag:s4] =	ssyncset.done $0x0  }
.LBB2_94:
0x344: {  	s0 =	sadd.s32 @p0 $0x80, s10  }
0x345: {  	s3 =	sadd.s32 s3, s8;
	[sflag:s4] =	ssyncadd.s32 @p0 $0xFFFFFF80;
	s6 =	smov.u32 @p0 s0  }
0x346: {  	[hbm4b:s3+s5] =	stream.linear.scatter [tilespmem:s6], [sflag:$0x1], $0x80, $0x38;
	[tilespmem:$0x6180] =	vst v63  }
0x347: {  	_ =	swait.ge [sflag:s4], $0x80  }
0x348: {  	[sflag:s4] =	ssyncset.done $0x0  }
.Ltmp53:
0x349: {  	s31 =	sadd.s32 s2, s8;
	[sflag:s4] =	ssyncadd.s32 $0xFFFFFF80;
	(pc) =	sbr.rel .LBB2_110-.Ltmp53, $4  }
0x34a: {  	[hbm4b:s31+s5] =	stream.linear.scatter [tilespmem:s7], [sflag:$0x1], $0x80, $0x38;
	[tilespmem:$0x6180] =	vst v63  }
0x34b: {  	_ =	swait.ge [sflag:s4], $0x80  }
0x34c: {  	[sflag:s4] =	ssyncset.done $0x0  }
0x34d: {  	[sflag:s4] =	ssyncadd.s32 $0xFFFFFF80  }
.LBB2_95:
0x34e: {  	p0 =	seq.s32 s13, $0x2000  }
.Ltmp54:
0x34f: {  	_ = 	snop;
	(pc) =	sbr.rel @!p0 .LBB2_95-.Ltmp54, $4  }
0x350: {  	_ = 	snop  }
0x351: {  	s0 =	sshra.s32 s13, $0x2  }
0x352: {  	[tilespmem:s0+$0x4000] =	vst v0  }
0x353: {  	s13 =	sadd.s32 $0x40, s13;
	[tilespmem:s0+$0x4880] =	vst v1  }
0x354: {  	s4 =	simm.s32 $0x0  }
0x355: {  	s0 =	sand.u32 $0x70, s4;
	s5 =	sand.u32 $0x3C00, s4  }
0x356: {  	s0 =	sor.u32 s0, s5  }
0x357: {  	v2 =	vld [tilespmem:s0+$0x300];
	_ =	sdelay $0x4  }
0x358: {  	v1 =	vimm.s32 $0x0;
	vm0 =	vgt.f32 v2, $0.0e+00  }
0x359: {  	v3 =	vsel vm0, $0x1, v1  }
0x35a: {  	(xrf0) =	vadd.scan.msk.s32 $0xffff, v3;
	_ =	sdelay $0x4  }
0x35b: {  	v0 =	vlaneseq.u32  }
0x35c: {  	v3 =	vor.u32 s4, v0;
	v4, _, _ =	vpop (xrf0)  }
0x35d: {  	s6 =	simm.s32 $0x80;
	s5 =	simm.s32 $0x10;
	[tilespmem:s4+$0x4000] =	vst.msk vm0, v3;
	(v2sf) =	vpush v4, $0xF  }
0x35e: {  	s13 =	simm.s32 $0x20;
	s21 =	sand.u32 $0x3C00, s6;
	s18 =	sand.u32 $0x70, s5;
	[tilespmem:s4+$0x4880] =	vst.msk vm0, v2  }
.LBB2_97:
0x35f: {  	p0 =	seq.s32 s13, $0x7F0;
	s0 =	sor.u32 s18, s21  }
0x360: {  	v2 =	vld [tilespmem:s0+$0x300];
	_ =	sdelay $0x4  }
0x361: {  	vm0 =	vgt.f32 v2, $0.0e+00  }
0x362: {  	v3 =	vsel vm0, $0x1, v1  }
0x363: {  	(xrf0) =	vadd.scan.msk.s32 $0xffff, v3;
	_ =	sdelay $0x3  }
.Ltmp55:
0x364: {  	(pc) =	sbr.rel @!p0 .LBB2_97-.Ltmp55, $4  }
0x365: {  	s0 =	spop (v2sf)  }
0x366: {  	v3 =	vor.u32 s5, v0;
	s5 =	smov.u32 s13;
	v4, _, _ =	vpop (xrf0);
	s4 =	sadd.s32 s4, s0  }
0x367: {  	s6 =	sadd.s32 $0x80, s6;
	[tilespmem:s4+$0x4000] =	vst.msk vm0, v3;
	(v2sf) =	vpush v4, $0xF  }
0x368: {  	s21 =	sand.u32 $0x3C00, s6;
	s13 =	sadd.s32 $0x10, s13;
	s18 =	sand.u32 $0x70, s5;
	[tilespmem:s4+$0x4880] =	vst.msk vm0, v2  }
0x369: {  	s0 =	sor.u32 s18, s21  }
0x36a: {  	v2 =	vld [tilespmem:s0+$0x300];
	_ =	sdelay $0x4  }
0x36b: {  	vm0 =	vgt.f32 v2, $0.0e+00  }
0x36c: {  	v1 =	vsel vm0, $0x1, v1  }
0x36d: {  	(xrf0) =	vadd.scan.msk.s32 $0xffff, v1;
	_ =	sdelay $0x5  }
0x36e: {  	v1, _, _ =	vpop (xrf0)  }
0x36f: {  	(v2sf) =	vpush v1, $0xF;
	_ =	sdelay $0x9  }
0x370: {  	p0 =	slt.s32 s28, $0x1  }
.Ltmp56:
0x371: {  	_ = 	snop;
	(pc) =	sbr.rel @p0 .LBB2_110-.Ltmp56, $4  }
0x372: {  	s30 =	spop (v2sf)  }
0x373: {  	v0 =	vor.u32 s5, v0;
	s0 =	sadd.s32 s4, s30  }
0x374: {  	[tilespmem:s0+$0x4000] =	vst.msk vm0, v0  }
0x375: {  	s13 =	rddreg [dreg:$0x2];
	[tilespmem:s0+$0x4880] =	vst.msk vm0, v2;
	s31 =	spop (v2sf)  }
0x376: {  	s0 =	sadd.s32 s8, s11  }
0x377: {  	s0 =	sadd.s32 s12, s0  }
0x378: {  	s0 =	sadd.s32 s15, s0  }
0x379: {  	s0 =	sadd.s32 s17, s0  }
0x37a: {  	s0 =	sadd.s32 s20, s0  }
0x37b: {  	s0 =	sadd.s32 s9, s0  }
0x37c: {  	s0 =	sadd.s32 s7, s0  }
0x37d: {  	p1 =	seq.s32 s28, $0x1;
	s0 =	sadd.s32 s10, s0  }
.Ltmp57:
0x37e: {  	s0 =	sadd.s32 s14, s0;
	(pc) =	sbr.rel @p1 .LBB2_100-.Ltmp57, $4  }
0x37f: {  	s0 =	sadd.s32 s16, s0  }
0x380: {  	s6 =	simm.s32 $0x4000;
	s5 =	simm.s32 $0x0;
	s0 =	sadd.s32 s19, s0  }
0x381: {  	s4 =	simm.s32 $0x1;
	p0 =	por $0x0, $0x0;
	s9 =	sshll.u32 s0, $0x4  }
0x382: {  	s7 =	simm.s32 $0x4880;
	s10 =	sadd.s32 $0xFFFFFFFF, s28;
	s8 =	sand.u32 $0x1FFFFFF0, s9  }
0x383: {  	s0 =	sadd.s32 s3, s8  }
0x384: {  	[hbm4b:s0+s5] =	stream.linear.scatter [tilespmem:s6], [sflag:$0x1], $0x80, $0x38;
	[tilespmem:$0x6180] =	vst v63  }
0x385: {  	p1 =	seq.s32 s10, $0x1;
	_ =	swait.ge [sflag:s4], $0x80  }
.Ltmp58:
0x386: {  	s31 =	sadd.s32 s2, s8;
	[sflag:s4] =	ssyncset.done $0x0;
	(pc) =	sbr.rel @p1 .LBB2_102-.Ltmp58, $4  }
0x387: {  	s9 =	sadd.s32 $0x10, s9;
	s11 =	sadd.s32 $0xFFFFFFFF, s10;
	[sflag:s4] =	ssyncadd.s32 $0xFFFFFF80  }
0x388: {  	[hbm4b:s31+s5] =	stream.linear.scatter [tilespmem:s7], [sflag:$0x1], $0x80, $0x38;
	[tilespmem:$0x6180] =	vst v63  }
0x389: {  	p0 =	por $0x1, $0x1;
	s10 =	simm.s32 $0x4000;
	_ =	swait.ge [sflag:s4], $0x80  }
0x38a: {  	s8 =	sand.u32 $0x1FFFFFF0, s9;
	s7 =	simm.s32 $0x4900;
	[sflag:s4] =	ssyncset.done $0x0  }
.LBB2_103:
0x38b: {  	s0 =	sadd.s32 s3, s8;
	[sflag:s4] =	ssyncadd.s32 $0xFFFFFF80;
	s10 =	sadd.s32 $0x80, s10  }
0x38c: {  	[hbm4b:s0+s5] =	stream.linear.scatter [tilespmem:s10], [sflag:$0x1], $0x80, $0x38;
	[tilespmem:$0x6180] =	vst v63  }
0x38d: {  	p1 =	seq.s32 s11, $0x1;
	s11 =	sadd.s32 $0xFFFFFFFF, s11;
	_ =	swait.ge [sflag:s4], $0x80  }
.Ltmp59:
0x38e: {  	[sflag:s4] =	ssyncset.done $0x0;
	(pc) =	sbr.rel @!p1 .LBB2_103-.Ltmp59, $4  }
0x38f: {  	s0 =	sadd.s32 s2, s8;
	[sflag:s4] =	ssyncadd.s32 $0xFFFFFF80  }
0x390: {  	[hbm4b:s0+s5] =	stream.linear.scatter [tilespmem:s7], [sflag:$0x1], $0x80, $0x38;
	[tilespmem:$0x6180] =	vst v63  }
0x391: {  	s9 =	sadd.s32 $0x10, s9;
	_ =	swait.ge [sflag:s4], $0x80  }
0x392: {  	s8 =	sand.u32 $0x1FFFFFF0, s9;
	s7 =	sadd.s32 $0x80, s7;
	[sflag:s4] =	ssyncset.done $0x0  }
.LBB2_104:
0x393: {  	s0 =	sadd.s32 @p0 $0x80, s10  }
0x394: {  	s3 =	sadd.s32 s3, s8;
	[sflag:s4] =	ssyncadd.s32 @p0 $0xFFFFFF80;
	s6 =	smov.u32 @p0 s0  }
0x395: {  	[hbm4b:s3+s5] =	stream.linear.scatter [tilespmem:s6], [sflag:$0x1], $0x80, $0x38;
	[tilespmem:$0x6180] =	vst v63  }
0x396: {  	_ =	swait.ge [sflag:s4], $0x80  }
0x397: {  	[sflag:s4] =	ssyncset.done $0x0  }
.Ltmp60:
0x398: {  	s31 =	sadd.s32 s2, s8;
	[sflag:s4] =	ssyncadd.s32 $0xFFFFFF80;
	(pc) =	sbr.rel .LBB2_110-.Ltmp60, $4  }
0x399: {  	[hbm4b:s31+s5] =	stream.linear.scatter [tilespmem:s7], [sflag:$0x1], $0x80, $0x38;
	[tilespmem:$0x6180] =	vst v63  }
0x39a: {  	_ =	swait.ge [sflag:s4], $0x80  }
0x39b: {  	[sflag:s4] =	ssyncset.done $0x0  }
0x39c: {  	[sflag:s4] =	ssyncadd.s32 $0xFFFFFF80  }
.LBB2_50:
0x39d: {  	s21 =	simm.s32 @!p0 $0x0;
	v0 =	vimm.s32 $0x0;
	v1 =	vimm.f32 $0.0e+00  }
.LBB2_51:
0x39e: {  	p0 =	seq.s32 s13, $0x2000  }
.Ltmp61:
0x39f: {  	_ = 	snop;
	(pc) =	sbr.rel @!p0 .LBB2_51-.Ltmp61, $4  }
0x3a0: {  	_ = 	snop  }
0x3a1: {  	s0 =	sshra.s32 s13, $0x2  }
0x3a2: {  	[tilespmem:s0+$0x4000] =	vst v0  }
0x3a3: {  	s13 =	sadd.s32 $0x40, s13;
	[tilespmem:s0+$0x4880] =	vst v1  }
0x3a4: {  	s4 =	simm.s32 $0x0  }
0x3a5: {  	s0 =	sand.u32 $0x7, s4  }
0x3a6: {  	s0 =	sshll.u32 s0, $0x4  }
0x3a7: {  	s0 =	sadd.s32 $0x0, s0  }
0x3a8: {  	s0 =	sor.u32 $0x380, s0  }
0x3a9: {  	v2 =	vld [tilespmem:s0+$0x0];
	_ =	sdelay $0x4  }
0x3aa: {  	v1 =	vimm.s32 $0x0;
	vm0 =	vgt.f32 v2, $0.0e+00  }
0x3ab: {  	v3 =	vsel vm0, $0x1, v1  }
0x3ac: {  	(xrf0) =	vadd.scan.msk.s32 $0xffff, v3;
	_ =	sdelay $0x4  }
0x3ad: {  	v0 =	vlaneseq.u32;
	s5 =	simm.s32 $0x10;
	s6 =	simm.s32 $0x1  }
0x3ae: {  	s13 =	simm.s32 $0x20;
	s18 =	simm.s32 $0x0;
	s22 =	sand.u32 $0x7, s6;
	v4 =	vor.u32 s4, v0;
	v3, _, _ =	vpop (xrf0)  }
.LBB2_53:
0x3af: {  	p0 =	seq.s32 s13, $0x7F0;
	s0 =	sshll.u32 s22, $0x4;
	[tilespmem:s4+$0x4000] =	vst.msk vm0, v4;
	s18 =	sadd.s32 $0x80, s18;
	(v2sf) =	vpush v3, $0xF  }
0x3b0: {  	s23 =	smov.u32 s5;
	s5 =	smov.u32 s13;
	s0 =	sadd.s32 s0, s18;
	[tilespmem:s4+$0x4880] =	vst.msk vm0, v2  }
0x3b1: {  	s0 =	sor.u32 $0x380, s0  }
0x3b2: {  	v2 =	vld [tilespmem:s0+$0x0];
	_ =	sdelay $0x4  }
0x3b3: {  	vm0 =	vgt.f32 v2, $0.0e+00  }
0x3b4: {  	v3 =	vsel vm0, $0x1, v1  }
0x3b5: {  	(xrf0) =	vadd.scan.msk.s32 $0xffff, v3;
	_ =	sdelay $0x1  }
.Ltmp62:
0x3b6: {  	(pc) =	sbr.rel @!p0 .LBB2_53-.Ltmp62, $3  }
0x3b7: {  	_ =	sdelay $0x1  }
0x3b8: {  	s6 =	sadd.s32 $0x1, s6;
	s0 =	spop (v2sf)  }
0x3b9: {  	s13 =	sadd.s32 $0x10, s13;
	s22 =	sand.u32 $0x7, s6;
	v4 =	vor.u32 s23, v0;
	v3, _, _ =	vpop (xrf0);
	s4 =	sadd.s32 s4, s0  }
0x3ba: {  	s0 =	sshll.u32 s22, $0x4;
	s6 =	sadd.s32 $0x80, s18  }
0x3bb: {  	[tilespmem:s4+$0x4000] =	vst.msk vm0, v4;
	s0 =	sadd.s32 s0, s6  }
0x3bc: {  	[tilespmem:s4+$0x4880] =	vst.msk vm0, v2;
	s0 =	sor.u32 $0x380, s0  }
0x3bd: {  	v2 =	vld [tilespmem:s0+$0x0];
	_ =	sdelay $0x4  }
0x3be: {  	vm15 =	vgt.f32 v2, $0.0e+00  }
0x3bf: {  	v1 =	vsel vm15, $0x1, v1  }
0x3c0: {  	(xrf0) =	vadd.scan.msk.s32 $0xffff, v1;
	_ =	sdelay $0x3  }
0x3c1: {  	(v2sf) =	vpush v3, $0xF;
	_ =	sdelay $0x1  }
0x3c2: {  	v1, _, _ =	vpop (xrf0)  }
0x3c3: {  	(v2sf) =	vpush v1, $0xF;
	_ =	sdelay $0x9  }
0x3c4: {  	p0 =	slt.s32 s26, $0x1  }
.Ltmp63:
0x3c5: {  	_ = 	snop;
	(pc) =	sbr.rel @p0 .LBB2_110-.Ltmp63, $4  }
0x3c6: {  	s29 =	spop (v2sf)  }
0x3c7: {  	v0 =	vor.u32 s5, v0;
	s0 =	sadd.s32 s4, s29  }
0x3c8: {  	[tilespmem:s0+$0x4000] =	vst.msk vm15, v0  }
0x3c9: {  	s13 =	rddreg [dreg:$0x2];
	[tilespmem:s0+$0x4880] =	vst.msk vm15, v2;
	s31 =	spop (v2sf)  }
0x3ca: {  	s0 =	sadd.s32 s8, s11  }
0x3cb: {  	s0 =	sadd.s32 s12, s0  }
0x3cc: {  	s0 =	sadd.s32 s15, s0  }
0x3cd: {  	s0 =	sadd.s32 s17, s0  }
0x3ce: {  	s0 =	sadd.s32 s20, s0  }
0x3cf: {  	s0 =	sadd.s32 s30, s0  }
0x3d0: {  	s0 =	sadd.s32 s9, s0  }
0x3d1: {  	s0 =	sadd.s32 s7, s0  }
0x3d2: {  	s0 =	sadd.s32 s10, s0  }
0x3d3: {  	p1 =	seq.s32 s26, $0x1;
	s0 =	sadd.s32 s14, s0  }
.Ltmp64:
0x3d4: {  	s0 =	sadd.s32 s16, s0;
	(pc) =	sbr.rel @p1 .LBB2_56-.Ltmp64, $4  }
0x3d5: {  	s0 =	sadd.s32 s19, s0  }
0x3d6: {  	s6 =	simm.s32 $0x4000;
	s5 =	simm.s32 $0x0;
	s0 =	sadd.s32 s21, s0  }
0x3d7: {  	s4 =	simm.s32 $0x1;
	p0 =	por $0x0, $0x0;
	s9 =	sshll.u32 s0, $0x4  }
0x3d8: {  	s7 =	simm.s32 $0x4880;
	s10 =	sadd.s32 $0xFFFFFFFF, s26;
	s8 =	sand.u32 $0x1FFFFFF0, s9  }
0x3d9: {  	s0 =	sadd.s32 s3, s8  }
0x3da: {  	[hbm4b:s0+s5] =	stream.linear.scatter [tilespmem:s6], [sflag:$0x1], $0x80, $0x38;
	[tilespmem:$0x6180] =	vst v63  }
0x3db: {  	p1 =	seq.s32 s10, $0x1;
	_ =	swait.ge [sflag:s4], $0x80  }
.Ltmp65:
0x3dc: {  	s31 =	sadd.s32 s2, s8;
	[sflag:s4] =	ssyncset.done $0x0;
	(pc) =	sbr.rel @p1 .LBB2_106-.Ltmp65, $4  }
0x3dd: {  	s9 =	sadd.s32 $0x10, s9;
	s11 =	sadd.s32 $0xFFFFFFFF, s10;
	[sflag:s4] =	ssyncadd.s32 $0xFFFFFF80  }
0x3de: {  	[hbm4b:s31+s5] =	stream.linear.scatter [tilespmem:s7], [sflag:$0x1], $0x80, $0x38;
	[tilespmem:$0x6180] =	vst v63  }
0x3df: {  	p0 =	por $0x1, $0x1;
	s10 =	simm.s32 $0x4000;
	_ =	swait.ge [sflag:s4], $0x80  }
0x3e0: {  	s8 =	sand.u32 $0x1FFFFFF0, s9;
	s7 =	simm.s32 $0x4900;
	[sflag:s4] =	ssyncset.done $0x0  }
.LBB2_107:
0x3e1: {  	s0 =	sadd.s32 s3, s8;
	[sflag:s4] =	ssyncadd.s32 $0xFFFFFF80;
	s10 =	sadd.s32 $0x80, s10  }
0x3e2: {  	[hbm4b:s0+s5] =	stream.linear.scatter [tilespmem:s10], [sflag:$0x1], $0x80, $0x38;
	[tilespmem:$0x6180] =	vst v63  }
0x3e3: {  	p1 =	seq.s32 s11, $0x1;
	s11 =	sadd.s32 $0xFFFFFFFF, s11;
	_ =	swait.ge [sflag:s4], $0x80  }
.Ltmp66:
0x3e4: {  	[sflag:s4] =	ssyncset.done $0x0;
	(pc) =	sbr.rel @!p1 .LBB2_107-.Ltmp66, $4  }
0x3e5: {  	s0 =	sadd.s32 s2, s8;
	[sflag:s4] =	ssyncadd.s32 $0xFFFFFF80  }
0x3e6: {  	[hbm4b:s0+s5] =	stream.linear.scatter [tilespmem:s7], [sflag:$0x1], $0x80, $0x38;
	[tilespmem:$0x6180] =	vst v63  }
0x3e7: {  	s9 =	sadd.s32 $0x10, s9;
	_ =	swait.ge [sflag:s4], $0x80  }
0x3e8: {  	s8 =	sand.u32 $0x1FFFFFF0, s9;
	s7 =	sadd.s32 $0x80, s7;
	[sflag:s4] =	ssyncset.done $0x0  }
.LBB2_108:
0x3e9: {  	s0 =	sadd.s32 @p0 $0x80, s10  }
0x3ea: {  	s3 =	sadd.s32 s3, s8;
	[sflag:s4] =	ssyncadd.s32 @p0 $0xFFFFFF80;
	s6 =	smov.u32 @p0 s0  }
0x3eb: {  	[hbm4b:s3+s5] =	stream.linear.scatter [tilespmem:s6], [sflag:$0x1], $0x80, $0x38;
	[tilespmem:$0x6180] =	vst v63  }
0x3ec: {  	_ =	swait.ge [sflag:s4], $0x80  }
0x3ed: {  	[sflag:s4] =	ssyncset.done $0x0  }
.Ltmp67:
0x3ee: {  	s31 =	sadd.s32 s2, s8;
	[sflag:s4] =	ssyncadd.s32 $0xFFFFFF80;
	(pc) =	sbr.rel .LBB2_110-.Ltmp67, $4  }
0x3ef: {  	[hbm4b:s31+s5] =	stream.linear.scatter [tilespmem:s7], [sflag:$0x1], $0x80, $0x38;
	[tilespmem:$0x6180] =	vst v63  }
0x3f0: {  	_ =	swait.ge [sflag:s4], $0x80  }
0x3f1: {  	[sflag:s4] =	ssyncset.done $0x0  }
0x3f2: {  	[sflag:s4] =	ssyncadd.s32 $0xFFFFFF80  }
.LBB2_109:
0x3f3: {  	v0 =	vlaneseq.u32  }
0x3f4: {  	v1 =	vmov s18;
	v3 =	vmov s25;
	v4 =	vimm.s32 $0x0  }
0x3f5: {  	v7 =	vmov s9;
	v37 =	vmov s8;
	v9 =	vmov s7  }
0x3f6: {  	v10 =	vmov s3;
	s0 =	sadd.s32 s2, s26;
	v40 =	vmov s2;
	v2 =	vadd.s32 $0x1, v0  }
0x3f7: {  	v12 =	vmov s0;
	v41 =	vadd.s32 $0x11, v0;
	v0 =	vadd.s32 $0x21, v0  }
0x3f8: {  	vm0 =	vlt.s32 v1, v2;
	vm1 =	vlt.s32 v3, v2;
	vm6 =	vlt.s32 v7, v2  }
0x3f9: {  	vm7 =	vlt.s32 v37, v2;
	vm8 =	vlt.s32 v9, v2;
	vm9 =	vlt.s32 v10, v2  }
0x3fa: {  	vm10 =	vlt.s32 v40, v2;
	vm11 =	vlt.s32 v12, v2;
	vm12 =	vlt.s32 v1, v41  }
0x3fb: {  	vm13 =	vlt.s32 v3, v41;
	vm14 =	vlt.s32 v7, v41;
	vm15 =	vlt.s32 v37, v41  }
0x3fc: {  	vm4 =	vlt.s32 v9, v41;
	vm5 =	vlt.s32 v10, v41;
	v5 =	vsel vm0, $0x1, v4  }
0x3fd: {  	v6 =	vsel vm1, $0x1, v4;
	v8 =	vsel vm6, $0x1, v4;
	v38 =	vsel vm7, $0x1, v4  }
0x3fe: {  	v39 =	vsel vm8, $0x1, v4;
	v11 =	vsel vm9, $0x1, v4;
	v13 =	vsel vm10, $0x1, v4  }
0x3ff: {  	v42 =	vsel vm11, $0x1, v4;
	v43 =	vsel vm12, $0x1, v4;
	v44 =	vsel vm13, $0x1, v4  }
0x400: {  	v45 =	vsel vm14, $0x1, v4;
	v46 =	vsel vm15, $0x1, v4;
	v47 =	vsel vm4, $0x1, v4  }
0x401: {  	v48 =	vsel vm5, $0x1, v4;
	vm6 =	vlt.s32 v40, v41;
	vm7 =	vlt.s32 v12, v41  }
0x402: {  	vm8 =	vlt.s32 v1, v0;
	vm9 =	vlt.s32 v3, v0;
	vm10 =	vlt.s32 v7, v0  }
0x403: {  	vm11 =	vlt.s32 v37, v0;
	vm12 =	vlt.s32 v9, v0;
	vm13 =	vlt.s32 v10, v0  }
0x404: {  	vm14 =	vlt.s32 v40, v0;
	vm15 =	vlt.s32 v12, v0;
	v5 =	vadd.s32 v5, v6  }
0x405: {  	v14 =	vsel vm6, $0x1, v4;
	v50 =	vsel vm7, $0x1, v4;
	v52 =	vsel vm8, $0x1, v4  }
0x406: {  	v54 =	vsel vm9, $0x1, v4;
	v55 =	vsel vm10, $0x1, v4;
	v5 =	vadd.s32 v8, v5  }
0x407: {  	v56 =	vsel vm11, $0x1, v4;
	v57 =	vsel vm12, $0x1, v4;
	v5 =	vadd.s32 v38, v5  }
0x408: {  	v58 =	vsel vm13, $0x1, v4;
	v2 =	vadd.s32 v52, v54;
	v5 =	vadd.s32 v39, v5  }
0x409: {  	v2 =	vadd.s32 v55, v2;
	v5 =	vadd.s32 v11, v5;
	v11 =	vadd.s32 v43, v44  }
0x40a: {  	v59 =	vsel vm14, $0x1, v4;
	v2 =	vadd.s32 v56, v2;
	v11 =	vadd.s32 v45, v11  }
0x40b: {  	v62 =	vsel vm15, $0x1, v4;
	v2 =	vadd.s32 v57, v2;
	v11 =	vadd.s32 v46, v11  }
0x40c: {  	v5 =	vadd.s32 v13, v5;
	v2 =	vadd.s32 v58, v2;
	v11 =	vadd.s32 v47, v11  }
0x40d: {  	v5 =	vadd.s32 v42, v5;
	v61 =	vadd.s32 v59, v2;
	v49 =	vadd.s32 v48, v11  }
0x40e: {  	v53 =	vmin.u32 v5, $0x7;
	v1 =	vadd.s32 v62, v61;
	v51 =	vadd.s32 v14, v49  }
0x40f: {  	[tilespmem:$0x6100] =	vst v53;
	v63 =	vmin.u32 v1, $0x7;
	v60 =	vadd.s32 v50, v51  }
0x410: {  	[tilespmem:$0x6120] =	vst v63;
	v0 =	vmin.u32 v60, $0x7  }
0x411: {  	s29 =	simm.s32 $0x0;
	s30 =	simm.s32 $0x6100;
	[tilespmem:$0x6110] =	vst v0  }
0x412: {  	[hbm4b:s6+s29] =	stream.linear.scatter [tilespmem:s30], [sflag:$0x1], $0x80, $0x38;
	[tilespmem:$0x6180] =	vst v63  }
.Ltmp68:
0x413: {  	s31 =	simm.s32 $0x1;
	(pc) =	sbr.rel .LBB2_110-.Ltmp68, $4  }
0x414: {  	_ =	swait.ge [sflag:s31], $0x80  }
0x415: {  	[sflag:s31] =	ssyncset.done $0x0  }
0x416: {  	[sflag:s31] =	ssyncadd.s32 $0xFFFFFF80  }
0x417: {  	s13 =	rddreg [dreg:$0x2]  }
.LBB2_20:
0x418: {  	v0 =	vimm.s32 $0x0;
	v1 =	vimm.f32 $0.0e+00  }
.LBB2_21:
0x419: {  	p0 =	seq.s32 s13, $0x2000  }
.Ltmp69:
0x41a: {  	_ = 	snop;
	(pc) =	sbr.rel @!p0 .LBB2_21-.Ltmp69, $4  }
0x41b: {  	_ = 	snop  }
0x41c: {  	s0 =	sshra.s32 s13, $0x2  }
0x41d: {  	[tilespmem:s0+$0x4000] =	vst v0  }
0x41e: {  	s13 =	sadd.s32 $0x40, s13;
	[tilespmem:s0+$0x4880] =	vst v1  }
0x41f: {  	s4 =	simm.s32 $0x0  }
0x420: {  	s0 =	sand.u32 $0x70, s4;
	s5 =	sand.u32 $0x3C00, s4  }
0x421: {  	s0 =	sor.u32 s0, s5  }
0x422: {  	v2 =	vld [tilespmem:s0+$0x80];
	_ =	sdelay $0x4  }
0x423: {  	v1 =	vimm.s32 $0x0;
	vm0 =	vgt.f32 v2, $0.0e+00  }
0x424: {  	v3 =	vsel vm0, $0x1, v1  }
0x425: {  	(xrf0) =	vadd.scan.msk.s32 $0xffff, v3;
	_ =	sdelay $0x4  }
0x426: {  	v0 =	vlaneseq.u32  }
0x427: {  	v3 =	vor.u32 s4, v0;
	v4, _, _ =	vpop (xrf0)  }
0x428: {  	s6 =	simm.s32 $0x80;
	s7 =	simm.s32 $0x20;
	s5 =	simm.s32 $0x10;
	[tilespmem:s4+$0x4000] =	vst.msk vm0, v3;
	(v2sf) =	vpush v4, $0xF  }
0x429: {  	s13 =	rddreg [dreg:$0x2];
	s9 =	sand.u32 $0x3C00, s6;
	s8 =	sand.u32 $0x70, s5;
	[tilespmem:s4+$0x4880] =	vst.msk vm0, v2  }
.LBB2_23:
0x42a: {  	p0 =	seq.s32 s7, $0x7F0;
	s0 =	sor.u32 s8, s9  }
0x42b: {  	v2 =	vld [tilespmem:s0+$0x80];
	_ =	sdelay $0x4  }
0x42c: {  	vm0 =	vgt.f32 v2, $0.0e+00  }
0x42d: {  	v3 =	vsel vm0, $0x1, v1  }
0x42e: {  	(xrf0) =	vadd.scan.msk.s32 $0xffff, v3;
	_ =	sdelay $0x3  }
.Ltmp70:
0x42f: {  	(pc) =	sbr.rel @!p0 .LBB2_23-.Ltmp70, $4  }
0x430: {  	s0 =	spop (v2sf)  }
0x431: {  	v3 =	vor.u32 s5, v0;
	s5 =	smov.u32 s7;
	v4, _, _ =	vpop (xrf0);
	s4 =	sadd.s32 s4, s0  }
0x432: {  	s6 =	sadd.s32 $0x80, s6;
	[tilespmem:s4+$0x4000] =	vst.msk vm0, v3;
	(v2sf) =	vpush v4, $0xF  }
0x433: {  	s9 =	sand.u32 $0x3C00, s6;
	s7 =	sadd.s32 $0x10, s7;
	s8 =	sand.u32 $0x70, s5;
	[tilespmem:s4+$0x4880] =	vst.msk vm0, v2  }
0x434: {  	s0 =	sor.u32 s8, s9  }
0x435: {  	v2 =	vld [tilespmem:s0+$0x80];
	_ =	sdelay $0x4  }
0x436: {  	vm0 =	vgt.f32 v2, $0.0e+00  }
0x437: {  	v1 =	vsel vm0, $0x1, v1  }
0x438: {  	(xrf0) =	vadd.scan.msk.s32 $0xffff, v1;
	_ =	sdelay $0x5  }
0x439: {  	v1, _, _ =	vpop (xrf0)  }
0x43a: {  	(v2sf) =	vpush v1, $0xF;
	_ =	sdelay $0x9  }
0x43b: {  	p0 =	slt.s32 s20, $0x1  }
.Ltmp71:
0x43c: {  	_ = 	snop;
	(pc) =	sbr.rel @p0 .LBB2_110-.Ltmp71, $4  }
0x43d: {  	s30 =	spop (v2sf)  }
0x43e: {  	v0 =	vor.u32 s5, v0;
	s0 =	sadd.s32 s4, s30  }
0x43f: {  	[tilespmem:s0+$0x4000] =	vst.msk vm0, v0  }
0x440: {  	[tilespmem:s0+$0x4880] =	vst.msk vm0, v2;
	s31 =	spop (v2sf)  }
0x441: {  	p1 =	seq.s32 s20, $0x1  }
.Ltmp72:
0x442: {  	_ = 	snop;
	(pc) =	sbr.rel @p1 .LBB2_26-.Ltmp72, $4  }
0x443: {  	_ = 	snop  }
0x444: {  	s9 =	sshll.u32 s18, $0x4;
	s6 =	simm.s32 $0x4000  }
0x445: {  	s7 =	simm.s32 $0x4880;
	s5 =	simm.s32 $0x0;
	s4 =	simm.s32 $0x1  }
0x446: {  	s10 =	sadd.s32 $0xFFFFFFFF, s20;
	p0 =	por $0x0, $0x0;
	s8 =	sand.u32 $0x1FFFFFF0, s9  }
0x447: {  	s0 =	sadd.s32 s3, s8  }
0x448: {  	[hbm4b:s0+s5] =	stream.linear.scatter [tilespmem:s6], [sflag:$0x1], $0x80, $0x38;
	[tilespmem:$0x6180] =	vst v63  }
0x449: {  	p1 =	seq.s32 s10, $0x1;
	_ =	swait.ge [sflag:s4], $0x80  }
.Ltmp73:
0x44a: {  	s31 =	sadd.s32 s2, s8;
	[sflag:s4] =	ssyncset.done $0x0;
	(pc) =	sbr.rel @p1 .LBB2_70-.Ltmp73, $4  }
0x44b: {  	s9 =	sadd.s32 $0x10, s9;
	s11 =	sadd.s32 $0xFFFFFFFF, s10;
	[sflag:s4] =	ssyncadd.s32 $0xFFFFFF80  }
0x44c: {  	[hbm4b:s31+s5] =	stream.linear.scatter [tilespmem:s7], [sflag:$0x1], $0x80, $0x38;
	[tilespmem:$0x6180] =	vst v63  }
0x44d: {  	p0 =	por $0x1, $0x1;
	s10 =	simm.s32 $0x4000;
	_ =	swait.ge [sflag:s4], $0x80  }
0x44e: {  	s8 =	sand.u32 $0x1FFFFFF0, s9;
	s7 =	simm.s32 $0x4900;
	[sflag:s4] =	ssyncset.done $0x0  }
.LBB2_71:
0x44f: {  	s0 =	sadd.s32 s3, s8;
	[sflag:s4] =	ssyncadd.s32 $0xFFFFFF80;
	s10 =	sadd.s32 $0x80, s10  }
0x450: {  	[hbm4b:s0+s5] =	stream.linear.scatter [tilespmem:s10], [sflag:$0x1], $0x80, $0x38;
	[tilespmem:$0x6180] =	vst v63  }
0x451: {  	p1 =	seq.s32 s11, $0x1;
	s11 =	sadd.s32 $0xFFFFFFFF, s11;
	_ =	swait.ge [sflag:s4], $0x80  }
.Ltmp74:
0x452: {  	[sflag:s4] =	ssyncset.done $0x0;
	(pc) =	sbr.rel @!p1 .LBB2_71-.Ltmp74, $4  }
0x453: {  	s0 =	sadd.s32 s2, s8;
	[sflag:s4] =	ssyncadd.s32 $0xFFFFFF80  }
0x454: {  	[hbm4b:s0+s5] =	stream.linear.scatter [tilespmem:s7], [sflag:$0x1], $0x80, $0x38;
	[tilespmem:$0x6180] =	vst v63  }
0x455: {  	s9 =	sadd.s32 $0x10, s9;
	_ =	swait.ge [sflag:s4], $0x80  }
0x456: {  	s8 =	sand.u32 $0x1FFFFFF0, s9;
	s7 =	sadd.s32 $0x80, s7;
	[sflag:s4] =	ssyncset.done $0x0  }
.LBB2_72:
0x457: {  	s0 =	sadd.s32 @p0 $0x80, s10  }
0x458: {  	s3 =	sadd.s32 s3, s8;
	[sflag:s4] =	ssyncadd.s32 @p0 $0xFFFFFF80;
	s6 =	smov.u32 @p0 s0  }
0x459: {  	[hbm4b:s3+s5] =	stream.linear.scatter [tilespmem:s6], [sflag:$0x1], $0x80, $0x38;
	[tilespmem:$0x6180] =	vst v63  }
0x45a: {  	_ =	swait.ge [sflag:s4], $0x80  }
0x45b: {  	[sflag:s4] =	ssyncset.done $0x0  }
0x45c: {  	s31 =	sadd.s32 s2, s8;
	[sflag:s4] =	ssyncadd.s32 $0xFFFFFF80  }
0x45d: {  	[hbm4b:s31+s5] =	stream.linear.scatter [tilespmem:s7], [sflag:$0x1], $0x80, $0x38;
	[tilespmem:$0x6180] =	vst v63  }
0x45e: {  	_ =	swait.ge [sflag:s4], $0x80  }
0x45f: {  	[sflag:s4] =	ssyncset.done $0x0  }
0x460: {  	[sflag:s4] =	ssyncadd.s32 $0xFFFFFF80  }
.LBB2_110:
0x461: {  	_ =	sfence.sel $0x180000  }
0x462: {  	[bflag:$0x0] =	sbarrier.arrive $0xFFFF  }
0x463: {  	p0 =	sne.s32 s1, $0x0;
	_ =	strace $0x90000047  }
0x464: {  	s0 =	sadd.s32 @!p0 $0x100000, s13;
	[bflag:$0x2] =	sbarrier.arrive $0xFFFF  }
0x465: {  	[sflag:s0] =	ssyncadd.tile.s32 @!p0 $0x1;
	_ =	shalt  }
.LBB2_33:
.Ltmp75:
0x466: {  	(pc) =	sbr.rel .LBB2_76-.Ltmp75, $2  }
0x467: {  	_ =	sdelay $0x2  }
0x468: {  	s10 =	simm.s32 $0x4000  }
.LBB2_56:
.Ltmp76:
0x469: {  	(pc) =	sbr.rel .LBB2_108-.Ltmp76, $2  }
0x46a: {  	_ =	sdelay $0x2  }
0x46b: {  	s10 =	simm.s32 $0x4000  }
.LBB2_40:
.Ltmp77:
0x46c: {  	(pc) =	sbr.rel .LBB2_80-.Ltmp77, $2  }
0x46d: {  	_ =	sdelay $0x2  }
0x46e: {  	s10 =	simm.s32 $0x4000  }
.LBB2_86:
.Ltmp78:
0x46f: {  	(pc) =	sbr.rel .LBB2_90-.Ltmp78, $2  }
0x470: {  	_ =	sdelay $0x2  }
0x471: {  	s10 =	simm.s32 $0x4000  }
.LBB2_48:
.Ltmp79:
0x472: {  	(pc) =	sbr.rel .LBB2_94-.Ltmp79, $2  }
0x473: {  	_ =	sdelay $0x2  }
0x474: {  	s10 =	simm.s32 $0x4000  }
.LBB2_100:
.Ltmp80:
0x475: {  	(pc) =	sbr.rel .LBB2_104-.Ltmp80, $2  }
0x476: {  	_ =	sdelay $0x2  }
0x477: {  	s10 =	simm.s32 $0x4000  }
.LBB2_26:
.Ltmp81:
0x478: {  	(pc) =	sbr.rel .LBB2_72-.Ltmp81, $2  }
0x479: {  	_ =	sdelay $0x2  }
0x47a: {  	s10 =	simm.s32 $0x4000  }
.LBB2_74:
.Ltmp82:
0x47b: {  	(pc) =	sbr.rel .LBB2_76-.Ltmp82, $2  }
0x47c: {  	_ =	sdelay $0x2  }
0x47d: {  	s10 =	simm.s32 $0x4000  }
.LBB2_106:
.Ltmp83:
0x47e: {  	(pc) =	sbr.rel .LBB2_108-.Ltmp83, $2  }
0x47f: {  	_ =	sdelay $0x2  }
0x480: {  	s10 =	simm.s32 $0x4000  }
.LBB2_78:
.Ltmp84:
0x481: {  	(pc) =	sbr.rel .LBB2_80-.Ltmp84, $2  }
0x482: {  	_ =	sdelay $0x2  }
0x483: {  	s10 =	simm.s32 $0x4000  }
.LBB2_88:
.Ltmp85:
0x484: {  	(pc) =	sbr.rel .LBB2_90-.Ltmp85, $2  }
0x485: {  	_ =	sdelay $0x2  }
0x486: {  	s10 =	simm.s32 $0x4000  }
.LBB2_92:
.Ltmp86:
0x487: {  	(pc) =	sbr.rel .LBB2_94-.Ltmp86, $2  }
0x488: {  	_ =	sdelay $0x2  }
0x489: {  	s10 =	simm.s32 $0x4000  }
.LBB2_102:
.Ltmp87:
0x48a: {  	(pc) =	sbr.rel .LBB2_104-.Ltmp87, $2  }
0x48b: {  	_ =	sdelay $0x2  }
0x48c: {  	s10 =	simm.s32 $0x4000  }
.LBB2_70:
.Ltmp88:
0x48d: {  	(pc) =	sbr.rel .LBB2_72-.Ltmp88, $2  }
0x48e: {  	_ =	sdelay $0x2  }
0x48f: {  	s10 =	simm.s32 $0x4000  }
.Lfunc_end2:
_tile_overlayer_lowered:
.L_overlay_start_2:
0x490: {  	(tag) =	ssettag $0x2  }
0x491: {  	s0 =	rddreg [dreg:$0x0];
	s2 =	stileid.u32  }
0x492: {  	s1 =	rddreg [dreg:$0x1];
	p0 =	sne.s32 s2, $0x0  }
0x493: {  	s3 =	rddreg [dreg:$0x2];
	[bflag:$0x3] =	sbarrier.arrive $0xFFFF;
	s2 =	simm.s32 @!p0 $0x1C01  }
0x494: {  	[timem:s3], [sflag:s2] =	dma.local @!p0 [hbm:s0], s1  }
0x495: {  	s0 =	simm.s32 @!p0 $0x1  }
0x496: {  	_ =	swait.ge @!p0 [sflag:s0], s1  }
0x497: {  	s1 =	ssub.s32 @!p0 $0x0, s1;
	[sflag:s0] =	ssyncset.done @!p0 $0x0  }
0x498: {  	[sflag:s0] =	ssyncadd.s32 @!p0 s1  }
0x499: {  	[bflag:$0x3] =	sbarrier.arrive $0xFFFF  }
0x49a: {  	_ =	shalt  }

</sc_bundles>
